<compile_context>
chip_gen: v7x
topology: tpu7x:2x2x1
jax: 0.10.2.dev20260603
libtpu: 0.0.44.dev20260713+nightly
codegen_flags: <defaults>
</compile_context>

<pallas_src>
import functools

import numpy as np
import jax
import jax.numpy as jnp
from jax import lax
from jax.experimental import pallas as pl
from jax.experimental.pallas import tpu as pltpu
import jax.experimental.pallas.tpu_sc as plsc

B, L, N, D, V, P = 1024, 50, 12, 64, 100000, 200

NW = 32
NB_CHUNK = 120
NB_RING = 8
H_CHUNK = 80
H_RING = 4


def _pair_table_body(pb_ref, pa_ref, pio_ref, out_ref):
    comb = (pb_ref[...][:, None, :] + pa_ref[...][None, :, :]
            + pio_ref[1, :][None, None, :])
    out_ref[...] = comb.reshape(8 * P, D)


def _build_pair_table(pb, pa, pio):
    return pl.pallas_call(
        _pair_table_body,
        grid=(P // 8,),
        in_specs=[
            pl.BlockSpec((8, D), lambda i: (i, 0)),
            pl.BlockSpec((P, D), lambda i: (0, 0)),
            pl.BlockSpec((2, D), lambda i: (0, 0)),
        ],
        out_specs=pl.BlockSpec((8 * P, D), lambda i: (i, 0)),
        out_shape=jax.ShapeDtypeStruct((P * P, D), jnp.float32),
    )(pb, pa, pio)


def _sc_gather_body(emb_hbm, pair_hbm, idx_nb_hbm, idx_pr_hbm, idx_h_hbm,
                    feat_hbm, h_hbm,
                    idx_nb_v, idx_pr_v, idx_h_v, bufs, gsem, asem, wsem):
    nb_nchunk = idx_nb_v.shape[0]
    nb_groups = nb_nchunk // NB_RING
    nb_per_w = nb_nchunk * NB_CHUNK
    h_nchunk = idx_h_v.shape[0]
    h_per_w = h_nchunk * H_CHUNK

    wid = lax.axis_index("s") * 2 + lax.axis_index("c")

    pltpu.sync_copy(idx_nb_hbm.at[wid], idx_nb_v)
    pltpu.sync_copy(idx_pr_hbm.at[wid], idx_pr_v)
    pltpu.sync_copy(idx_h_hbm.at[wid], idx_h_v)

    nb_base = wid * nb_per_w
    h_base = wid * h_per_w

    def h_gather(c, b):
        return pltpu.async_copy(
            emb_hbm.at[idx_h_v.at[c]], bufs.at[b, pl.ds(0, H_CHUNK)],
            gsem.at[b])

    def h_write(c, b):
        return pltpu.async_copy(
            bufs.at[b, pl.ds(0, H_CHUNK)],
            h_hbm.at[pl.ds(h_base + c * H_CHUNK, H_CHUNK)],
            wsem.at[b])

    for c in range(H_RING):
        h_gather(c, c)
    for c in range(h_nchunk):
        b = c % H_RING
        pltpu.make_async_copy(emb_hbm.at[idx_h_v.at[c]],
                              bufs.at[b, pl.ds(0, H_CHUNK)], gsem.at[b]).wait()
        h_write(c, b)
        if c + H_RING < h_nchunk:
            pltpu.make_async_copy(bufs.at[b, pl.ds(0, H_CHUNK)],
                                  h_hbm.at[pl.ds(h_base + c * H_CHUNK, H_CHUNK)],
                                  wsem.at[b]).wait()
            h_gather(c + H_RING, b)
    for c in range(h_nchunk - H_RING, h_nchunk):
        b = c % H_RING
        pltpu.make_async_copy(bufs.at[b, pl.ds(0, H_CHUNK)],
                              h_hbm.at[pl.ds(h_base + c * H_CHUNK, H_CHUNK)],
                              wsem.at[b]).wait()

    def nb_gather(c, j):
        return pltpu.async_copy(emb_hbm.at[idx_nb_v.at[c]], bufs.at[j],
                                gsem.at[j])

    for j in range(NB_RING):
        nb_gather(j, j)

    def group(g, _):
        for j in range(NB_RING):
            c = g * NB_RING + j
            pltpu.make_async_copy(emb_hbm.at[idx_nb_v.at[c]], bufs.at[j],
                                  gsem.at[j]).wait()
            pltpu.async_copy(pair_hbm.at[idx_pr_v.at[c]], bufs.at[j],
                             asem.at[j], add=True)
        for j in range(NB_RING):
            c = g * NB_RING + j
            pltpu.make_async_copy(pair_hbm.at[idx_pr_v.at[c]], bufs.at[j],
                                  asem.at[j]).wait()
            pltpu.async_copy(bufs.at[j],
                             feat_hbm.at[pl.ds(nb_base + c * NB_CHUNK,
                                               NB_CHUNK)],
                             wsem.at[j])
        for j in range(NB_RING):
            c = g * NB_RING + j
            pltpu.make_async_copy(bufs.at[j],
                                  feat_hbm.at[pl.ds(nb_base + c * NB_CHUNK,
                                                    NB_CHUNK)],
                                  wsem.at[j]).wait()

            @pl.when(g < nb_groups - 1)
            def _():
                nb_gather(g * NB_RING + NB_RING + j, j)

        return 0

    lax.fori_loop(0, nb_groups, group, 0)


def _sc_gather(emb, pair_tab, idx_nb, idx_pr, idx_h):
    nb_rows = NW * idx_nb.shape[1] * NB_CHUNK
    h_rows = NW * idx_h.shape[1] * H_CHUNK
    mesh = plsc.VectorSubcoreMesh(core_axis_name="c", subcore_axis_name="s")
    fn = pl.kernel(
        _sc_gather_body,
        out_type=(
            jax.ShapeDtypeStruct((nb_rows, D), jnp.float32),
            jax.ShapeDtypeStruct((h_rows, D), jnp.float32),
        ),
        mesh=mesh,
        compiler_params=pltpu.CompilerParams(use_tc_tiling_on_sc=False),
        scratch_types=[
            pltpu.VMEM((idx_nb.shape[1], NB_CHUNK), jnp.int32),
            pltpu.VMEM((idx_pr.shape[1], NB_CHUNK), jnp.int32),
            pltpu.VMEM((idx_h.shape[1], H_CHUNK), jnp.int32),
            pltpu.VMEM((NB_RING, NB_CHUNK, D), jnp.float32),
            pltpu.SemaphoreType.DMA((NB_RING,)),
            pltpu.SemaphoreType.DMA((NB_RING,)),
            pltpu.SemaphoreType.DMA((NB_RING,)),
        ],
    )
    return fn(emb, pair_tab, idx_nb, idx_pr, idx_h)


def _epilogue_body(feat_ref, h_ref, seq_ref, mask_ref, w_ref, out_ref):
    bb = seq_ref.shape[0]
    r = bb * L
    mask = mask_ref[...]
    seq = seq_ref[...]
    denom = jnp.sum(mask, axis=1, keepdims=True) + 1e-8
    s = jnp.sum(seq * mask[..., None], axis=1) / denom
    s_rep = jnp.broadcast_to(s[:, None, :], (bb, L, D)).reshape(r, D)

    def tree(op, xs):
        while len(xs) > 1:
            xs = [op(xs[i], xs[i + 1]) if i + 1 < len(xs) else xs[i]
                  for i in range(0, len(xs), 2)]
        return xs[0]

    feats = [feat_ref[n] for n in range(N)]
    w = w_ref[...]
    g = [jnp.sum(feats[n] * s_rep, axis=-1) * w[:, :, n].reshape(r)
         for n in range(N)]
    m = tree(jnp.maximum, g)
    u = [jnp.exp(g[n] - m) for n in range(N)]
    z = tree(jnp.add, u)
    inv = 1.0 / z
    agg = tree(jnp.add, [(u[n] * inv)[:, None] * feats[n] for n in range(N)])
    out_ref[...] = jax.nn.relu(h_ref[...] + agg)


def _epilogue(featn, h2, seq, mask, wn, bb=8):
    nb = seq.shape[0]
    grid = nb // bb
    r = bb * L
    return pl.pallas_call(
        _epilogue_body,
        grid=(grid,),
        in_specs=[
            pl.BlockSpec((N, r, D), lambda p: (0, p, 0)),
            pl.BlockSpec((r, D), lambda p: (p, 0)),
            pl.BlockSpec((bb, L, D), lambda p: (p, 0, 0)),
            pl.BlockSpec((bb, L), lambda p: (p, 0)),
            pl.BlockSpec((bb, L, N), lambda p: (p, 0, 0)),
        ],
        out_specs=pl.BlockSpec((r, D), lambda p: (p, 0)),
        out_shape=jax.ShapeDtypeStruct((nb * L, D), jnp.float32),
    )(featn, h2, seq, mask, wn)


HALVES = 2
BH = B // HALVES


def kernel(items, neighbors, weight_neighbors, seq_hidden_local, mask_item,
           pos_before_idx, pos_after_idx, embedding_table,
           pos_before_table, pos_after_table, pos_io_table):
    items = items.astype(jnp.int32)
    pair_idx = (pos_before_idx.astype(jnp.int32) * P
                + pos_after_idx.astype(jnp.int32))
    pair_tab = _build_pair_table(pos_before_table, pos_after_table,
                                 pos_io_table)

    nb_nchunk = (BH * L * N) // (NW * NB_CHUNK)
    h_nchunk = (BH * L) // (NW * H_CHUNK)

    outs = []
    for k in range(HALVES):
        sl = slice(k * BH, (k + 1) * BH)
        idx_nb = jnp.transpose(
            neighbors[sl].astype(jnp.int32).reshape(BH * L, N)
        ).reshape(NW, nb_nchunk, NB_CHUNK)
        idx_pr = jnp.transpose(pair_idx[sl].reshape(BH * L, N)).reshape(
            NW, nb_nchunk, NB_CHUNK)
        idx_h = items[sl].reshape(NW, h_nchunk, H_CHUNK)
        feat, h = _sc_gather(embedding_table, pair_tab, idx_nb, idx_pr, idx_h)
        out_k = _epilogue(feat.reshape(N, BH * L, D), h,
                          seq_hidden_local[sl], mask_item[sl],
                          weight_neighbors[sl])
        outs.append(out_k.reshape(BH, L, D))
    return jnp.concatenate(outs, axis=0)

# --- scband reference (transcript-rebuilt; emitter-appended) ---
"""Pipeline reference for scband-globalgarph-d-64029372449491 (READ-ONLY COPY).

The authoritative reference and input builder live on the scoring server;
editing this copy changes nothing except your own understanding.
"""

import jax, jax.numpy as jnp
import numpy as np

B, L, N, D, V, P = 1024, 50, 12, 64, 100000, 200


def setup_inputs(seed: int = 0) -> dict:
    key = jax.random.key(seed)
    ks = jax.random.split(key, 10)
    items = jax.random.randint(ks[0], (B, L), 0, V)
    neighbors = jax.random.randint(ks[1], (B, L, N), 0, V)
    weight_neighbors = jax.random.uniform(ks[2], (B, L, N), dtype=jnp.float32)
    seq_hidden_local = jax.random.normal(ks[3], (B, L, D), dtype=jnp.float32)
    mask_item = jnp.ones((B, L), dtype=jnp.float32)
    pos_before_idx = jax.random.randint(ks[4], (B, L, N), 0, P)
    pos_after_idx = jax.random.randint(ks[5], (B, L, N), 0, P)
    embedding_table = jax.random.normal(ks[6], (V, D), dtype=jnp.float32) * 0.02
    pos_before_table = jax.random.normal(ks[7], (P, D), dtype=jnp.float32) * 0.02
    pos_after_table = jax.random.normal(ks[8], (P, D), dtype=jnp.float32) * 0.02
    pos_io_table = jax.random.normal(ks[9], (2, D), dtype=jnp.float32) * 0.02
    return {
        "items": items,
        "neighbors": neighbors,
        "weight_neighbors": weight_neighbors,
        "seq_hidden_local": seq_hidden_local,
        "mask_item": mask_item,
        "pos_before_idx": pos_before_idx,
        "pos_after_idx": pos_after_idx,
        "embedding_table": embedding_table,
        "pos_before_table": pos_before_table,
        "pos_after_table": pos_after_table,
        "pos_io_table": pos_io_table,
    }


def reference(items, neighbors, weight_neighbors, seq_hidden_local, mask_item,
              pos_before_idx, pos_after_idx, embedding_table,
              pos_before_table, pos_after_table, pos_io_table):
    # h = embedding(item_neighbors[0][0])
    h = jnp.take(embedding_table, items, axis=0)              # [B, L, D]
    # neighbor item embeddings (1-hop global graph)
    nb = jnp.take(embedding_table, neighbors, axis=0)         # [B, L, N, D]
    # pos_neighbors preprocessing: pos_before / pos_after lookups and
    # pos_io(1) broadcast to neighbor shape (as in the torch forward loop)
    pb = jnp.take(pos_before_table, pos_before_idx, axis=0)   # [B, L, N, D]
    pa = jnp.take(pos_after_table, pos_after_idx, axis=0)     # [B, L, N, D]
    pio = pos_io_table[1][None, None, None, :]                # broadcast [1,1,1,D]
    feat = nb + pb + pa + pio                                 # position-aware neighbor features
    # session representation from local hidden states (masked mean)
    denom = jnp.sum(mask_item, axis=1, keepdims=True) + 1e-8
    s = jnp.sum(seq_hidden_local * mask_item[..., None], axis=1) / denom  # [B, D]
    # session-aware attention over sampled neighbors, modulated by edge weights
    e = jnp.einsum('blnd,bd->bln', feat, s) * weight_neighbors
    alpha = jax.nn.softmax(e, axis=-1)
    agg = jnp.einsum('bln,blnd->bld', alpha, feat)            # [B, L, D]
    # Conv combine (dropout is identity in eval mode)
    out = jax.nn.relu(h + agg)
    return out

if __name__ == "__main__":
    import jax
    _d = setup_inputs()
    print(jax.jit(kernel)(*tuple(_d.values())))

</pallas_src>

<mosaic_0001>
#map = affine_map<(d0, d1) -> (0, 0)>
#map1 = affine_map<(d0, d1) -> (0, 0, 0)>
module attributes {stable_mosaic.version = 14 : i64} {
  func.func @_sc_gather_body(%arg0: i32, %arg1: i32, %arg2: memref<100000x64xf32, #tpu.memory_space<hbm>>, %arg3: memref<40000x64xf32, #tpu.memory_space<hbm>>, %arg4: memref<32x80x120xi32, #tpu.memory_space<hbm>>, %arg5: memref<32x80x120xi32, #tpu.memory_space<hbm>>, %arg6: memref<32x10x80xi32, #tpu.memory_space<hbm>>, %arg7: memref<307200x64xf32, #tpu.memory_space<hbm>>, %arg8: memref<25600x64xf32, #tpu.memory_space<hbm>>, %arg9: memref<80x120xi32, #tpu.memory_space<vmem>>, %arg10: memref<80x120xi32, #tpu.memory_space<vmem>>, %arg11: memref<10x80xi32, #tpu.memory_space<vmem>>, %arg12: memref<8x120x64xf32, #tpu.memory_space<vmem>>, %arg13: memref<8x!tpu.dma_semaphore, #tpu.memory_space<semaphore_mem>>, %arg14: memref<8x!tpu.dma_semaphore, #tpu.memory_space<semaphore_mem>>, %arg15: memref<8x!tpu.dma_semaphore, #tpu.memory_space<semaphore_mem>>) attributes {dimension_semantics = [#tpu.dimension_semantics<core_parallel>, #tpu.dimension_semantics<subcore_parallel>], iteration_bounds = array<i64: 2, 16>, scalar_prefetch = 0 : i64, scratch_operands = 7 : i64, tpu.core_type = #tpu.core_type<sc_vector_subcore>, window_params = [{transform_indices = #map}, {transform_indices = #map}, {transform_indices = #map1}, {transform_indices = #map1}, {transform_indices = #map1}, {transform_indices = #map}, {transform_indices = #map}]} {
    %mul3A = arith.constant 2 : i32
    %mul3A_0 = arith.muli %arg1, %mul3A : i32
    %add3A = arith.addi %mul3A_0, %arg0 : i32
    "tpu.region"() ({
      %run_scoped3A = tpu.sem_alloc : memref<!tpu.dma_semaphore, #tpu.memory_space<semaphore_mem>>
      %dma_start3A_789 = arith.constant 0 : i32
      %dma_start3A_790 = arith.constant 0 : i32
      %dma_start3A_791 = tpu.memref_slice %arg4[%add3A, %dma_start3A_789, %dma_start3A_790] : memref<32x80x120xi32, #tpu.memory_space<hbm>> -> memref<1x80x120xi32, #tpu.memory_space<hbm>>
      %dma_start3A_792 = tpu.memref_squeeze %dma_start3A_791 : memref<1x80x120xi32, #tpu.memory_space<hbm>> -> memref<80x120xi32, #tpu.memory_space<hbm>>
      %dma_start3A_793 = arith.constant 0 : i32
      %dma_start3A_794 = arith.constant 0 : i32
      %dma_start3A_795 = tpu.memref_slice %arg4[%add3A, %dma_start3A_793, %dma_start3A_794] : memref<32x80x120xi32, #tpu.memory_space<hbm>> -> memref<1x80x120xi32, #tpu.memory_space<hbm>>
      %dma_start3A_796 = tpu.memref_squeeze %dma_start3A_795 : memref<1x80x120xi32, #tpu.memory_space<hbm>> -> memref<80x120xi32, #tpu.memory_space<hbm>>
      tpu.enqueue_dma source(%dma_start3A_796 : memref<80x120xi32, #tpu.memory_space<hbm>>) target(%arg9 : memref<80x120xi32, #tpu.memory_space<vmem>>) target_semaphore(%run_scoped3A : memref<!tpu.dma_semaphore, #tpu.memory_space<semaphore_mem>>)
      %dma_wait3A_797 = arith.constant 0 : i32
      %dma_wait3A_798 = arith.constant 0 : i32
      %dma_wait3A_799 = tpu.memref_slice %arg4[%add3A, %dma_wait3A_797, %dma_wait3A_798] : memref<32x80x120xi32, #tpu.memory_space<hbm>> -> memref<1x80x120xi32, #tpu.memory_space<hbm>>
      %dma_wait3A_800 = tpu.memref_squeeze %dma_wait3A_799 : memref<1x80x120xi32, #tpu.memory_space<hbm>> -> memref<80x120xi32, #tpu.memory_space<hbm>>
      %dma_wait3A_801 = arith.constant 0 : i32
      %dma_wait3A_802 = arith.constant 0 : i32
      %dma_wait3A_803 = tpu.memref_slice %arg4[%add3A, %dma_wait3A_801, %dma_wait3A_802] : memref<32x80x120xi32, #tpu.memory_space<hbm>> -> memref<1x80x120xi32, #tpu.memory_space<hbm>>
      %dma_wait3A_804 = tpu.memref_squeeze %dma_wait3A_803 : memref<1x80x120xi32, #tpu.memory_space<hbm>> -> memref<80x120xi32, #tpu.memory_space<hbm>>
      tpu.wait_dma2 semaphore(%run_scoped3A : memref<!tpu.dma_semaphore, #tpu.memory_space<semaphore_mem>>) src(%dma_wait3A_804 : memref<80x120xi32, #tpu.memory_space<hbm>>) dst(%arg9 : memref<80x120xi32, #tpu.memory_space<vmem>>)
      tpu.yield
    }) : () -> ()
    "tpu.region"() ({
      %run_scoped3A = tpu.sem_alloc : memref<!tpu.dma_semaphore, #tpu.memory_space<semaphore_mem>>
      %dma_start3A_789 = arith.constant 0 : i32
      %dma_start3A_790 = arith.constant 0 : i32
      %dma_start3A_791 = tpu.memref_slice %arg5[%add3A, %dma_start3A_789, %dma_start3A_790] : memref<32x80x120xi32, #tpu.memory_space<hbm>> -> memref<1x80x120xi32, #tpu.memory_space<hbm>>
      %dma_start3A_792 = tpu.memref_squeeze %dma_start3A_791 : memref<1x80x120xi32, #tpu.memory_space<hbm>> -> memref<80x120xi32, #tpu.memory_space<hbm>>
      %dma_start3A_793 = arith.constant 0 : i32
      %dma_start3A_794 = arith.constant 0 : i32
      %dma_start3A_795 = tpu.memref_slice %arg5[%add3A, %dma_start3A_793, %dma_start3A_794] : memref<32x80x120xi32, #tpu.memory_space<hbm>> -> memref<1x80x120xi32, #tpu.memory_space<hbm>>
      %dma_start3A_796 = tpu.memref_squeeze %dma_start3A_795 : memref<1x80x120xi32, #tpu.memory_space<hbm>> -> memref<80x120xi32, #tpu.memory_space<hbm>>
      tpu.enqueue_dma source(%dma_start3A_796 : memref<80x120xi32, #tpu.memory_space<hbm>>) target(%arg10 : memref<80x120xi32, #tpu.memory_space<vmem>>) target_semaphore(%run_scoped3A : memref<!tpu.dma_semaphore, #tpu.memory_space<semaphore_mem>>)
      %dma_wait3A_797 = arith.constant 0 : i32
      %dma_wait3A_798 = arith.constant 0 : i32
      %dma_wait3A_799 = tpu.memref_slice %arg5[%add3A, %dma_wait3A_797, %dma_wait3A_798] : memref<32x80x120xi32, #tpu.memory_space<hbm>> -> memref<1x80x120xi32, #tpu.memory_space<hbm>>
      %dma_wait3A_800 = tpu.memref_squeeze %dma_wait3A_799 : memref<1x80x120xi32, #tpu.memory_space<hbm>> -> memref<80x120xi32, #tpu.memory_space<hbm>>
      %dma_wait3A_801 = arith.constant 0 : i32
      %dma_wait3A_802 = arith.constant 0 : i32
      %dma_wait3A_803 = tpu.memref_slice %arg5[%add3A, %dma_wait3A_801, %dma_wait3A_802] : memref<32x80x120xi32, #tpu.memory_space<hbm>> -> memref<1x80x120xi32, #tpu.memory_space<hbm>>
      %dma_wait3A_804 = tpu.memref_squeeze %dma_wait3A_803 : memref<1x80x120xi32, #tpu.memory_space<hbm>> -> memref<80x120xi32, #tpu.memory_space<hbm>>
      tpu.wait_dma2 semaphore(%run_scoped3A : memref<!tpu.dma_semaphore, #tpu.memory_space<semaphore_mem>>) src(%dma_wait3A_804 : memref<80x120xi32, #tpu.memory_space<hbm>>) dst(%arg10 : memref<80x120xi32, #tpu.memory_space<vmem>>)
      tpu.yield
    }) : () -> ()
    "tpu.region"() ({
      %run_scoped3A = tpu.sem_alloc : memref<!tpu.dma_semaphore, #tpu.memory_space<semaphore_mem>>
      %dma_start3A_789 = arith.constant 0 : i32
      %dma_start3A_790 = arith.constant 0 : i32
      %dma_start3A_791 = tpu.memref_slice %arg6[%add3A, %dma_start3A_789, %dma_start3A_790] : memref<32x10x80xi32, #tpu.memory_space<hbm>> -> memref<1x10x80xi32, #tpu.memory_space<hbm>>
      %dma_start3A_792 = tpu.memref_squeeze %dma_start3A_791 : memref<1x10x80xi32, #tpu.memory_space<hbm>> -> memref<10x80xi32, #tpu.memory_space<hbm>>
      %dma_start3A_793 = arith.constant 0 : i32
      %dma_start3A_794 = arith.constant 0 : i32
      %dma_start3A_795 = tpu.memref_slice %arg6[%add3A, %dma_start3A_793, %dma_start3A_794] : memref<32x10x80xi32, #tpu.memory_space<hbm>> -> memref<1x10x80xi32, #tpu.memory_space<hbm>>
      %dma_start3A_796 = tpu.memref_squeeze %dma_start3A_795 : memref<1x10x80xi32, #tpu.memory_space<hbm>> -> memref<10x80xi32, #tpu.memory_space<hbm>>
      tpu.enqueue_dma source(%dma_start3A_796 : memref<10x80xi32, #tpu.memory_space<hbm>>) target(%arg11 : memref<10x80xi32, #tpu.memory_space<vmem>>) target_semaphore(%run_scoped3A : memref<!tpu.dma_semaphore, #tpu.memory_space<semaphore_mem>>)
      %dma_wait3A_797 = arith.constant 0 : i32
      %dma_wait3A_798 = arith.constant 0 : i32
      %dma_wait3A_799 = tpu.memref_slice %arg6[%add3A, %dma_wait3A_797, %dma_wait3A_798] : memref<32x10x80xi32, #tpu.memory_space<hbm>> -> memref<1x10x80xi32, #tpu.memory_space<hbm>>
      %dma_wait3A_800 = tpu.memref_squeeze %dma_wait3A_799 : memref<1x10x80xi32, #tpu.memory_space<hbm>> -> memref<10x80xi32, #tpu.memory_space<hbm>>
      %dma_wait3A_801 = arith.constant 0 : i32
      %dma_wait3A_802 = arith.constant 0 : i32
      %dma_wait3A_803 = tpu.memref_slice %arg6[%add3A, %dma_wait3A_801, %dma_wait3A_802] : memref<32x10x80xi32, #tpu.memory_space<hbm>> -> memref<1x10x80xi32, #tpu.memory_space<hbm>>
      %dma_wait3A_804 = tpu.memref_squeeze %dma_wait3A_803 : memref<1x10x80xi32, #tpu.memory_space<hbm>> -> memref<10x80xi32, #tpu.memory_space<hbm>>
      tpu.wait_dma2 semaphore(%run_scoped3A : memref<!tpu.dma_semaphore, #tpu.memory_space<semaphore_mem>>) src(%dma_wait3A_804 : memref<10x80xi32, #tpu.memory_space<hbm>>) dst(%arg11 : memref<10x80xi32, #tpu.memory_space<vmem>>)
      tpu.yield
    }) : () -> ()
    %mul3A_1 = arith.constant 9600 : i32
    %mul3A_2 = arith.muli %add3A, %mul3A_1 : i32
    %mul3A_3 = arith.constant 800 : i32
    %mul3A_4 = arith.muli %add3A, %mul3A_3 : i32
    %dma_start3A = arith.constant 0 : i32
    %dma_start3A_5 = arith.constant 0 : i32
    %dma_start3A_6 = arith.constant 0 : i32
    %dma_start3A_7 = arith.constant 0 : i32
    %dma_start3A_8 = arith.constant 0 : i32
    %dma_start3A_9 = tpu.memref_slice %arg12[%dma_start3A_5, %dma_start3A_7, %dma_start3A_8] : memref<8x120x64xf32, #tpu.memory_space<vmem>> -> memref<1x80x64xf32, #tpu.memory_space<vmem>>
    %dma_start3A_10 = tpu.memref_squeeze %dma_start3A_9 : memref<1x80x64xf32, #tpu.memory_space<vmem>> -> memref<80x64xf32, #tpu.memory_space<vmem>>
    %dma_start3A_11 = arith.constant 0 : i32
    %dma_start3A_12 = tpu.memref_slice %arg11[%dma_start3A, %dma_start3A_11] : memref<10x80xi32, #tpu.memory_space<vmem>> -> memref<1x80xi32, #tpu.memory_space<vmem>>
    %dma_start3A_13 = tpu.memref_squeeze %dma_start3A_12 : memref<1x80xi32, #tpu.memory_space<vmem>> -> memref<80xi32, #tpu.memory_space<vmem>>
    %dma_start3A_14 = arith.constant 0 : i32
    %dma_start3A_15 = arith.constant 0 : i32
    %dma_start3A_16 = tpu.memref_slice %arg2[%dma_start3A_14, %dma_start3A_15] : memref<100000x64xf32, #tpu.memory_space<hbm>> -> memref<100000x64xf32, #tpu.memory_space<hbm>>
    %dma_start3A_17 = tpu.memref_slice %arg13[%dma_start3A_6] : memref<8x!tpu.dma_semaphore, #tpu.memory_space<semaphore_mem>> -> memref<1x!tpu.dma_semaphore, #tpu.memory_space<semaphore_mem>>
    %dma_start3A_18 = tpu.memref_squeeze %dma_start3A_17 : memref<1x!tpu.dma_semaphore, #tpu.memory_space<semaphore_mem>> -> memref<!tpu.dma_semaphore, #tpu.memory_space<semaphore_mem>>
    tpu.enqueue_indirect_dma source(%dma_start3A_16 : memref<100000x64xf32, #tpu.memory_space<hbm>>) target(%dma_start3A_10 : memref<80x64xf32, #tpu.memory_space<vmem>>) offsets(%dma_start3A_13 : memref<80xi32, #tpu.memory_space<vmem>>) semaphore(%dma_start3A_18 : memref<!tpu.dma_semaphore, #tpu.memory_space<semaphore_mem>>)
    %dma_start3A_19 = arith.constant 1 : i32
    %dma_start3A_20 = arith.constant 1 : i32
    %dma_start3A_21 = arith.constant 1 : i32
    %dma_start3A_22 = arith.constant 0 : i32
    %dma_start3A_23 = arith.constant 0 : i32
    %dma_start3A_24 = tpu.memref_slice %arg12[%dma_start3A_20, %dma_start3A_22, %dma_start3A_23] : memref<8x120x64xf32, #tpu.memory_space<vmem>> -> memref<1x80x64xf32, #tpu.memory_space<vmem>>
    %dma_start3A_25 = tpu.memref_squeeze %dma_start3A_24 : memref<1x80x64xf32, #tpu.memory_space<vmem>> -> memref<80x64xf32, #tpu.memory_space<vmem>>
    %dma_start3A_26 = arith.constant 0 : i32
    %dma_start3A_27 = tpu.memref_slice %arg11[%dma_start3A_19, %dma_start3A_26] : memref<10x80xi32, #tpu.memory_space<vmem>> -> memref<1x80xi32, #tpu.memory_space<vmem>>
    %dma_start3A_28 = tpu.memref_squeeze %dma_start3A_27 : memref<1x80xi32, #tpu.memory_space<vmem>> -> memref<80xi32, #tpu.memory_space<vmem>>
    %dma_start3A_29 = arith.constant 0 : i32
    %dma_start3A_30 = arith.constant 0 : i32
    %dma_start3A_31 = tpu.memref_slice %arg2[%dma_start3A_29, %dma_start3A_30] : memref<100000x64xf32, #tpu.memory_space<hbm>> -> memref<100000x64xf32, #tpu.memory_space<hbm>>
    %dma_start3A_32 = tpu.memref_slice %arg13[%dma_start3A_21] : memref<8x!tpu.dma_semaphore, #tpu.memory_space<semaphore_mem>> -> memref<1x!tpu.dma_semaphore, #tpu.memory_space<semaphore_mem>>
    %dma_start3A_33 = tpu.memref_squeeze %dma_start3A_32 : memref<1x!tpu.dma_semaphore, #tpu.memory_space<semaphore_mem>> -> memref<!tpu.dma_semaphore, #tpu.memory_space<semaphore_mem>>
    tpu.enqueue_indirect_dma source(%dma_start3A_31 : memref<100000x64xf32, #tpu.memory_space<hbm>>) target(%dma_start3A_25 : memref<80x64xf32, #tpu.memory_space<vmem>>) offsets(%dma_start3A_28 : memref<80xi32, #tpu.memory_space<vmem>>) semaphore(%dma_start3A_33 : memref<!tpu.dma_semaphore, #tpu.memory_space<semaphore_mem>>)
    %dma_start3A_34 = arith.constant 2 : i32
    %dma_start3A_35 = arith.constant 2 : i32
    %dma_start3A_36 = arith.constant 2 : i32
    %dma_start3A_37 = arith.constant 0 : i32
    %dma_start3A_38 = arith.constant 0 : i32
    %dma_start3A_39 = tpu.memref_slice %arg12[%dma_start3A_35, %dma_start3A_37, %dma_start3A_38] : memref<8x120x64xf32, #tpu.memory_space<vmem>> -> memref<1x80x64xf32, #tpu.memory_space<vmem>>
    %dma_start3A_40 = tpu.memref_squeeze %dma_start3A_39 : memref<1x80x64xf32, #tpu.memory_space<vmem>> -> memref<80x64xf32, #tpu.memory_space<vmem>>
    %dma_start3A_41 = arith.constant 0 : i32
    %dma_start3A_42 = tpu.memref_slice %arg11[%dma_start3A_34, %dma_start3A_41] : memref<10x80xi32, #tpu.memory_space<vmem>> -> memref<1x80xi32, #tpu.memory_space<vmem>>
    %dma_start3A_43 = tpu.memref_squeeze %dma_start3A_42 : memref<1x80xi32, #tpu.memory_space<vmem>> -> memref<80xi32, #tpu.memory_space<vmem>>
    %dma_start3A_44 = arith.constant 0 : i32
    %dma_start3A_45 = arith.constant 0 : i32
    %dma_start3A_46 = tpu.memref_slice %arg2[%dma_start3A_44, %dma_start3A_45] : memref<100000x64xf32, #tpu.memory_space<hbm>> -> memref<100000x64xf32, #tpu.memory_space<hbm>>
    %dma_start3A_47 = tpu.memref_slice %arg13[%dma_start3A_36] : memref<8x!tpu.dma_semaphore, #tpu.memory_space<semaphore_mem>> -> memref<1x!tpu.dma_semaphore, #tpu.memory_space<semaphore_mem>>
    %dma_start3A_48 = tpu.memref_squeeze %dma_start3A_47 : memref<1x!tpu.dma_semaphore, #tpu.memory_space<semaphore_mem>> -> memref<!tpu.dma_semaphore, #tpu.memory_space<semaphore_mem>>
    tpu.enqueue_indirect_dma source(%dma_start3A_46 : memref<100000x64xf32, #tpu.memory_space<hbm>>) target(%dma_start3A_40 : memref<80x64xf32, #tpu.memory_space<vmem>>) offsets(%dma_start3A_43 : memref<80xi32, #tpu.memory_space<vmem>>) semaphore(%dma_start3A_48 : memref<!tpu.dma_semaphore, #tpu.memory_space<semaphore_mem>>)
    %dma_start3A_49 = arith.constant 3 : i32
    %dma_start3A_50 = arith.constant 3 : i32
    %dma_start3A_51 = arith.constant 3 : i32
    %dma_start3A_52 = arith.constant 0 : i32
    %dma_start3A_53 = arith.constant 0 : i32
    %dma_start3A_54 = tpu.memref_slice %arg12[%dma_start3A_50, %dma_start3A_52, %dma_start3A_53] : memref<8x120x64xf32, #tpu.memory_space<vmem>> -> memref<1x80x64xf32, #tpu.memory_space<vmem>>
    %dma_start3A_55 = tpu.memref_squeeze %dma_start3A_54 : memref<1x80x64xf32, #tpu.memory_space<vmem>> -> memref<80x64xf32, #tpu.memory_space<vmem>>
    %dma_start3A_56 = arith.constant 0 : i32
    %dma_start3A_57 = tpu.memref_slice %arg11[%dma_start3A_49, %dma_start3A_56] : memref<10x80xi32, #tpu.memory_space<vmem>> -> memref<1x80xi32, #tpu.memory_space<vmem>>
    %dma_start3A_58 = tpu.memref_squeeze %dma_start3A_57 : memref<1x80xi32, #tpu.memory_space<vmem>> -> memref<80xi32, #tpu.memory_space<vmem>>
    %dma_start3A_59 = arith.constant 0 : i32
    %dma_start3A_60 = arith.constant 0 : i32
    %dma_start3A_61 = tpu.memref_slice %arg2[%dma_start3A_59, %dma_start3A_60] : memref<100000x64xf32, #tpu.memory_space<hbm>> -> memref<100000x64xf32, #tpu.memory_space<hbm>>
    %dma_start3A_62 = tpu.memref_slice %arg13[%dma_start3A_51] : memref<8x!tpu.dma_semaphore, #tpu.memory_space<semaphore_mem>> -> memref<1x!tpu.dma_semaphore, #tpu.memory_space<semaphore_mem>>
    %dma_start3A_63 = tpu.memref_squeeze %dma_start3A_62 : memref<1x!tpu.dma_semaphore, #tpu.memory_space<semaphore_mem>> -> memref<!tpu.dma_semaphore, #tpu.memory_space<semaphore_mem>>
    tpu.enqueue_indirect_dma source(%dma_start3A_61 : memref<100000x64xf32, #tpu.memory_space<hbm>>) target(%dma_start3A_55 : memref<80x64xf32, #tpu.memory_space<vmem>>) offsets(%dma_start3A_58 : memref<80xi32, #tpu.memory_space<vmem>>) semaphore(%dma_start3A_63 : memref<!tpu.dma_semaphore, #tpu.memory_space<semaphore_mem>>)
    %dma_wait3A = arith.constant 0 : i32
    %dma_wait3A_64 = arith.constant 0 : i32
    %dma_wait3A_65 = arith.constant 0 : i32
    %dma_wait3A_66 = arith.constant 0 : i32
    %dma_wait3A_67 = arith.constant 0 : i32
    %dma_wait3A_68 = tpu.memref_slice %arg12[%dma_wait3A_64, %dma_wait3A_66, %dma_wait3A_67] : memref<8x120x64xf32, #tpu.memory_space<vmem>> -> memref<1x80x64xf32, #tpu.memory_space<vmem>>
    %dma_wait3A_69 = tpu.memref_squeeze %dma_wait3A_68 : memref<1x80x64xf32, #tpu.memory_space<vmem>> -> memref<80x64xf32, #tpu.memory_space<vmem>>
    %dma_wait3A_70 = arith.constant 0 : i32
    %dma_wait3A_71 = tpu.memref_slice %arg11[%dma_wait3A, %dma_wait3A_70] : memref<10x80xi32, #tpu.memory_space<vmem>> -> memref<1x80xi32, #tpu.memory_space<vmem>>
    %dma_wait3A_72 = tpu.memref_squeeze %dma_wait3A_71 : memref<1x80xi32, #tpu.memory_space<vmem>> -> memref<80xi32, #tpu.memory_space<vmem>>
    %dma_wait3A_73 = arith.constant 0 : i32
    %dma_wait3A_74 = arith.constant 0 : i32
    %dma_wait3A_75 = tpu.memref_slice %arg2[%dma_wait3A_73, %dma_wait3A_74] : memref<100000x64xf32, #tpu.memory_space<hbm>> -> memref<100000x64xf32, #tpu.memory_space<hbm>>
    %dma_wait3A_76 = tpu.memref_slice %arg13[%dma_wait3A_65] : memref<8x!tpu.dma_semaphore, #tpu.memory_space<semaphore_mem>> -> memref<1x!tpu.dma_semaphore, #tpu.memory_space<semaphore_mem>>
    %dma_wait3A_77 = tpu.memref_squeeze %dma_wait3A_76 : memref<1x!tpu.dma_semaphore, #tpu.memory_space<semaphore_mem>> -> memref<!tpu.dma_semaphore, #tpu.memory_space<semaphore_mem>>
    tpu.wait_indirect_dma semaphore(%dma_wait3A_77 : memref<!tpu.dma_semaphore, #tpu.memory_space<semaphore_mem>>) src(%dma_wait3A_75 : memref<100000x64xf32, #tpu.memory_space<hbm>>) dst(%dma_wait3A_69 : memref<80x64xf32, #tpu.memory_space<vmem>>)
    %add3A_78 = arith.constant 0 : i32
    %add3A_79 = arith.addi %mul3A_4, %add3A_78 : i32
    %dma_start3A_80 = arith.constant 0 : i32
    %dma_start3A_81 = arith.constant 0 : i32
    %dma_start3A_82 = arith.constant 0 : i32
    %dma_start3A_83 = arith.constant 0 : i32
    %dma_start3A_84 = tpu.memref_slice %arg12[%dma_start3A_80, %dma_start3A_82, %dma_start3A_83] : memref<8x120x64xf32, #tpu.memory_space<vmem>> -> memref<1x80x64xf32, #tpu.memory_space<vmem>>
    %dma_start3A_85 = tpu.memref_squeeze %dma_start3A_84 : memref<1x80x64xf32, #tpu.memory_space<vmem>> -> memref<80x64xf32, #tpu.memory_space<vmem>>
    %dma_start3A_86 = arith.constant 0 : i32
    %dma_start3A_87 = tpu.memref_slice %arg8[%add3A_79, %dma_start3A_86] : memref<25600x64xf32, #tpu.memory_space<hbm>> -> memref<80x64xf32, #tpu.memory_space<hbm>>
    %dma_start3A_88 = tpu.memref_slice %arg15[%dma_start3A_81] : memref<8x!tpu.dma_semaphore, #tpu.memory_space<semaphore_mem>> -> memref<1x!tpu.dma_semaphore, #tpu.memory_space<semaphore_mem>>
    %dma_start3A_89 = tpu.memref_squeeze %dma_start3A_88 : memref<1x!tpu.dma_semaphore, #tpu.memory_space<semaphore_mem>> -> memref<!tpu.dma_semaphore, #tpu.memory_space<semaphore_mem>>
    %dma_start3A_90 = arith.constant 0 : i32
    %dma_start3A_91 = tpu.memref_slice %arg8[%add3A_79, %dma_start3A_90] : memref<25600x64xf32, #tpu.memory_space<hbm>> -> memref<80x64xf32, #tpu.memory_space<hbm>>
    %dma_start3A_92 = arith.constant 0 : i32
    %dma_start3A_93 = arith.constant 0 : i32
    %dma_start3A_94 = tpu.memref_slice %arg12[%dma_start3A_80, %dma_start3A_92, %dma_start3A_93] : memref<8x120x64xf32, #tpu.memory_space<vmem>> -> memref<1x80x64xf32, #tpu.memory_space<vmem>>
    %dma_start3A_95 = tpu.memref_squeeze %dma_start3A_94 : memref<1x80x64xf32, #tpu.memory_space<vmem>> -> memref<80x64xf32, #tpu.memory_space<vmem>>
    tpu.enqueue_dma source(%dma_start3A_95 : memref<80x64xf32, #tpu.memory_space<vmem>>) target(%dma_start3A_91 : memref<80x64xf32, #tpu.memory_space<hbm>>) target_semaphore(%dma_start3A_89 : memref<!tpu.dma_semaphore, #tpu.memory_space<semaphore_mem>>)
    %add3A_96 = arith.constant 0 : i32
    %add3A_97 = arith.addi %mul3A_4, %add3A_96 : i32
    %dma_wait3A_98 = arith.constant 0 : i32
    %dma_wait3A_99 = arith.constant 0 : i32
    %dma_wait3A_100 = arith.constant 0 : i32
    %dma_wait3A_101 = arith.constant 0 : i32
    %dma_wait3A_102 = tpu.memref_slice %arg12[%dma_wait3A_98, %dma_wait3A_100, %dma_wait3A_101] : memref<8x120x64xf32, #tpu.memory_space<vmem>> -> memref<1x80x64xf32, #tpu.memory_space<vmem>>
    %dma_wait3A_103 = tpu.memref_squeeze %dma_wait3A_102 : memref<1x80x64xf32, #tpu.memory_space<vmem>> -> memref<80x64xf32, #tpu.memory_space<vmem>>
    %dma_wait3A_104 = arith.constant 0 : i32
    %dma_wait3A_105 = tpu.memref_slice %arg8[%add3A_97, %dma_wait3A_104] : memref<25600x64xf32, #tpu.memory_space<hbm>> -> memref<80x64xf32, #tpu.memory_space<hbm>>
    %dma_wait3A_106 = tpu.memref_slice %arg15[%dma_wait3A_99] : memref<8x!tpu.dma_semaphore, #tpu.memory_space<semaphore_mem>> -> memref<1x!tpu.dma_semaphore, #tpu.memory_space<semaphore_mem>>
    %dma_wait3A_107 = tpu.memref_squeeze %dma_wait3A_106 : memref<1x!tpu.dma_semaphore, #tpu.memory_space<semaphore_mem>> -> memref<!tpu.dma_semaphore, #tpu.memory_space<semaphore_mem>>
    %dma_wait3A_108 = arith.constant 0 : i32
    %dma_wait3A_109 = tpu.memref_slice %arg8[%add3A_97, %dma_wait3A_108] : memref<25600x64xf32, #tpu.memory_space<hbm>> -> memref<80x64xf32, #tpu.memory_space<hbm>>
    %dma_wait3A_110 = arith.constant 0 : i32
    %dma_wait3A_111 = arith.constant 0 : i32
    %dma_wait3A_112 = tpu.memref_slice %arg12[%dma_wait3A_98, %dma_wait3A_110, %dma_wait3A_111] : memref<8x120x64xf32, #tpu.memory_space<vmem>> -> memref<1x80x64xf32, #tpu.memory_space<vmem>>
    %dma_wait3A_113 = tpu.memref_squeeze %dma_wait3A_112 : memref<1x80x64xf32, #tpu.memory_space<vmem>> -> memref<80x64xf32, #tpu.memory_space<vmem>>
    tpu.wait_dma2 semaphore(%dma_wait3A_107 : memref<!tpu.dma_semaphore, #tpu.memory_space<semaphore_mem>>) src(%dma_wait3A_113 : memref<80x64xf32, #tpu.memory_space<vmem>>) dst(%dma_wait3A_109 : memref<80x64xf32, #tpu.memory_space<hbm>>)
    %dma_start3A_114 = arith.constant 4 : i32
    %dma_start3A_115 = arith.constant 0 : i32
    %dma_start3A_116 = arith.constant 0 : i32
    %dma_start3A_117 = arith.constant 0 : i32
    %dma_start3A_118 = arith.constant 0 : i32
    %dma_start3A_119 = tpu.memref_slice %arg12[%dma_start3A_115, %dma_start3A_117, %dma_start3A_118] : memref<8x120x64xf32, #tpu.memory_space<vmem>> -> memref<1x80x64xf32, #tpu.memory_space<vmem>>
    %dma_start3A_120 = tpu.memref_squeeze %dma_start3A_119 : memref<1x80x64xf32, #tpu.memory_space<vmem>> -> memref<80x64xf32, #tpu.memory_space<vmem>>
    %dma_start3A_121 = arith.constant 0 : i32
    %dma_start3A_122 = tpu.memref_slice %arg11[%dma_start3A_114, %dma_start3A_121] : memref<10x80xi32, #tpu.memory_space<vmem>> -> memref<1x80xi32, #tpu.memory_space<vmem>>
    %dma_start3A_123 = tpu.memref_squeeze %dma_start3A_122 : memref<1x80xi32, #tpu.memory_space<vmem>> -> memref<80xi32, #tpu.memory_space<vmem>>
    %dma_start3A_124 = arith.constant 0 : i32
    %dma_start3A_125 = arith.constant 0 : i32
    %dma_start3A_126 = tpu.memref_slice %arg2[%dma_start3A_124, %dma_start3A_125] : memref<100000x64xf32, #tpu.memory_space<hbm>> -> memref<100000x64xf32, #tpu.memory_space<hbm>>
    %dma_start3A_127 = tpu.memref_slice %arg13[%dma_start3A_116] : memref<8x!tpu.dma_semaphore, #tpu.memory_space<semaphore_mem>> -> memref<1x!tpu.dma_semaphore, #tpu.memory_space<semaphore_mem>>
    %dma_start3A_128 = tpu.memref_squeeze %dma_start3A_127 : memref<1x!tpu.dma_semaphore, #tpu.memory_space<semaphore_mem>> -> memref<!tpu.dma_semaphore, #tpu.memory_space<semaphore_mem>>
    tpu.enqueue_indirect_dma source(%dma_start3A_126 : memref<100000x64xf32, #tpu.memory_space<hbm>>) target(%dma_start3A_120 : memref<80x64xf32, #tpu.memory_space<vmem>>) offsets(%dma_start3A_123 : memref<80xi32, #tpu.memory_space<vmem>>) semaphore(%dma_start3A_128 : memref<!tpu.dma_semaphore, #tpu.memory_space<semaphore_mem>>)
    %dma_wait3A_129 = arith.constant 1 : i32
    %dma_wait3A_130 = arith.constant 1 : i32
    %dma_wait3A_131 = arith.constant 1 : i32
    %dma_wait3A_132 = arith.constant 0 : i32
    %dma_wait3A_133 = arith.constant 0 : i32
    %dma_wait3A_134 = tpu.memref_slice %arg12[%dma_wait3A_130, %dma_wait3A_132, %dma_wait3A_133] : memref<8x120x64xf32, #tpu.memory_space<vmem>> -> memref<1x80x64xf32, #tpu.memory_space<vmem>>
    %dma_wait3A_135 = tpu.memref_squeeze %dma_wait3A_134 : memref<1x80x64xf32, #tpu.memory_space<vmem>> -> memref<80x64xf32, #tpu.memory_space<vmem>>
    %dma_wait3A_136 = arith.constant 0 : i32
    %dma_wait3A_137 = tpu.memref_slice %arg11[%dma_wait3A_129, %dma_wait3A_136] : memref<10x80xi32, #tpu.memory_space<vmem>> -> memref<1x80xi32, #tpu.memory_space<vmem>>
    %dma_wait3A_138 = tpu.memref_squeeze %dma_wait3A_137 : memref<1x80xi32, #tpu.memory_space<vmem>> -> memref<80xi32, #tpu.memory_space<vmem>>
    %dma_wait3A_139 = arith.constant 0 : i32
    %dma_wait3A_140 = arith.constant 0 : i32
    %dma_wait3A_141 = tpu.memref_slice %arg2[%dma_wait3A_139, %dma_wait3A_140] : memref<100000x64xf32, #tpu.memory_space<hbm>> -> memref<100000x64xf32, #tpu.memory_space<hbm>>
    %dma_wait3A_142 = tpu.memref_slice %arg13[%dma_wait3A_131] : memref<8x!tpu.dma_semaphore, #tpu.memory_space<semaphore_mem>> -> memref<1x!tpu.dma_semaphore, #tpu.memory_space<semaphore_mem>>
    %dma_wait3A_143 = tpu.memref_squeeze %dma_wait3A_142 : memref<1x!tpu.dma_semaphore, #tpu.memory_space<semaphore_mem>> -> memref<!tpu.dma_semaphore, #tpu.memory_space<semaphore_mem>>
    tpu.wait_indirect_dma semaphore(%dma_wait3A_143 : memref<!tpu.dma_semaphore, #tpu.memory_space<semaphore_mem>>) src(%dma_wait3A_141 : memref<100000x64xf32, #tpu.memory_space<hbm>>) dst(%dma_wait3A_135 : memref<80x64xf32, #tpu.memory_space<vmem>>)
    %add3A_144 = arith.constant 80 : i32
    %add3A_145 = arith.addi %mul3A_4, %add3A_144 : i32
    %dma_start3A_146 = arith.constant 1 : i32
    %dma_start3A_147 = arith.constant 1 : i32
    %dma_start3A_148 = arith.constant 0 : i32
    %dma_start3A_149 = arith.constant 0 : i32
    %dma_start3A_150 = tpu.memref_slice %arg12[%dma_start3A_146, %dma_start3A_148, %dma_start3A_149] : memref<8x120x64xf32, #tpu.memory_space<vmem>> -> memref<1x80x64xf32, #tpu.memory_space<vmem>>
    %dma_start3A_151 = tpu.memref_squeeze %dma_start3A_150 : memref<1x80x64xf32, #tpu.memory_space<vmem>> -> memref<80x64xf32, #tpu.memory_space<vmem>>
    %dma_start3A_152 = arith.constant 0 : i32
    %dma_start3A_153 = tpu.memref_slice %arg8[%add3A_145, %dma_start3A_152] : memref<25600x64xf32, #tpu.memory_space<hbm>> -> memref<80x64xf32, #tpu.memory_space<hbm>>
    %dma_start3A_154 = tpu.memref_slice %arg15[%dma_start3A_147] : memref<8x!tpu.dma_semaphore, #tpu.memory_space<semaphore_mem>> -> memref<1x!tpu.dma_semaphore, #tpu.memory_space<semaphore_mem>>
    %dma_start3A_155 = tpu.memref_squeeze %dma_start3A_154 : memref<1x!tpu.dma_semaphore, #tpu.memory_space<semaphore_mem>> -> memref<!tpu.dma_semaphore, #tpu.memory_space<semaphore_mem>>
    %dma_start3A_156 = arith.constant 0 : i32
    %dma_start3A_157 = tpu.memref_slice %arg8[%add3A_145, %dma_start3A_156] : memref<25600x64xf32, #tpu.memory_space<hbm>> -> memref<80x64xf32, #tpu.memory_space<hbm>>
    %dma_start3A_158 = arith.constant 0 : i32
    %dma_start3A_159 = arith.constant 0 : i32
    %dma_start3A_160 = tpu.memref_slice %arg12[%dma_start3A_146, %dma_start3A_158, %dma_start3A_159] : memref<8x120x64xf32, #tpu.memory_space<vmem>> -> memref<1x80x64xf32, #tpu.memory_space<vmem>>
    %dma_start3A_161 = tpu.memref_squeeze %dma_start3A_160 : memref<1x80x64xf32, #tpu.memory_space<vmem>> -> memref<80x64xf32, #tpu.memory_space<vmem>>
    tpu.enqueue_dma source(%dma_start3A_161 : memref<80x64xf32, #tpu.memory_space<vmem>>) target(%dma_start3A_157 : memref<80x64xf32, #tpu.memory_space<hbm>>) target_semaphore(%dma_start3A_155 : memref<!tpu.dma_semaphore, #tpu.memory_space<semaphore_mem>>)
    %add3A_162 = arith.constant 80 : i32
    %add3A_163 = arith.addi %mul3A_4, %add3A_162 : i32
    %dma_wait3A_164 = arith.constant 1 : i32
    %dma_wait3A_165 = arith.constant 1 : i32
    %dma_wait3A_166 = arith.constant 0 : i32
    %dma_wait3A_167 = arith.constant 0 : i32
    %dma_wait3A_168 = tpu.memref_slice %arg12[%dma_wait3A_164, %dma_wait3A_166, %dma_wait3A_167] : memref<8x120x64xf32, #tpu.memory_space<vmem>> -> memref<1x80x64xf32, #tpu.memory_space<vmem>>
    %dma_wait3A_169 = tpu.memref_squeeze %dma_wait3A_168 : memref<1x80x64xf32, #tpu.memory_space<vmem>> -> memref<80x64xf32, #tpu.memory_space<vmem>>
    %dma_wait3A_170 = arith.constant 0 : i32
    %dma_wait3A_171 = tpu.memref_slice %arg8[%add3A_163, %dma_wait3A_170] : memref<25600x64xf32, #tpu.memory_space<hbm>> -> memref<80x64xf32, #tpu.memory_space<hbm>>
    %dma_wait3A_172 = tpu.memref_slice %arg15[%dma_wait3A_165] : memref<8x!tpu.dma_semaphore, #tpu.memory_space<semaphore_mem>> -> memref<1x!tpu.dma_semaphore, #tpu.memory_space<semaphore_mem>>
    %dma_wait3A_173 = tpu.memref_squeeze %dma_wait3A_172 : memref<1x!tpu.dma_semaphore, #tpu.memory_space<semaphore_mem>> -> memref<!tpu.dma_semaphore, #tpu.memory_space<semaphore_mem>>
    %dma_wait3A_174 = arith.constant 0 : i32
    %dma_wait3A_175 = tpu.memref_slice %arg8[%add3A_163, %dma_wait3A_174] : memref<25600x64xf32, #tpu.memory_space<hbm>> -> memref<80x64xf32, #tpu.memory_space<hbm>>
    %dma_wait3A_176 = arith.constant 0 : i32
    %dma_wait3A_177 = arith.constant 0 : i32
    %dma_wait3A_178 = tpu.memref_slice %arg12[%dma_wait3A_164, %dma_wait3A_176, %dma_wait3A_177] : memref<8x120x64xf32, #tpu.memory_space<vmem>> -> memref<1x80x64xf32, #tpu.memory_space<vmem>>
    %dma_wait3A_179 = tpu.memref_squeeze %dma_wait3A_178 : memref<1x80x64xf32, #tpu.memory_space<vmem>> -> memref<80x64xf32, #tpu.memory_space<vmem>>
    tpu.wait_dma2 semaphore(%dma_wait3A_173 : memref<!tpu.dma_semaphore, #tpu.memory_space<semaphore_mem>>) src(%dma_wait3A_179 : memref<80x64xf32, #tpu.memory_space<vmem>>) dst(%dma_wait3A_175 : memref<80x64xf32, #tpu.memory_space<hbm>>)
    %dma_start3A_180 = arith.constant 5 : i32
    %dma_start3A_181 = arith.constant 1 : i32
    %dma_start3A_182 = arith.constant 1 : i32
    %dma_start3A_183 = arith.constant 0 : i32
    %dma_start3A_184 = arith.constant 0 : i32
    %dma_start3A_185 = tpu.memref_slice %arg12[%dma_start3A_181, %dma_start3A_183, %dma_start3A_184] : memref<8x120x64xf32, #tpu.memory_space<vmem>> -> memref<1x80x64xf32, #tpu.memory_space<vmem>>
    %dma_start3A_186 = tpu.memref_squeeze %dma_start3A_185 : memref<1x80x64xf32, #tpu.memory_space<vmem>> -> memref<80x64xf32, #tpu.memory_space<vmem>>
    %dma_start3A_187 = arith.constant 0 : i32
    %dma_start3A_188 = tpu.memref_slice %arg11[%dma_start3A_180, %dma_start3A_187] : memref<10x80xi32, #tpu.memory_space<vmem>> -> memref<1x80xi32, #tpu.memory_space<vmem>>
    %dma_start3A_189 = tpu.memref_squeeze %dma_start3A_188 : memref<1x80xi32, #tpu.memory_space<vmem>> -> memref<80xi32, #tpu.memory_space<vmem>>
    %dma_start3A_190 = arith.constant 0 : i32
    %dma_start3A_191 = arith.constant 0 : i32
    %dma_start3A_192 = tpu.memref_slice %arg2[%dma_start3A_190, %dma_start3A_191] : memref<100000x64xf32, #tpu.memory_space<hbm>> -> memref<100000x64xf32, #tpu.memory_space<hbm>>
    %dma_start3A_193 = tpu.memref_slice %arg13[%dma_start3A_182] : memref<8x!tpu.dma_semaphore, #tpu.memory_space<semaphore_mem>> -> memref<1x!tpu.dma_semaphore, #tpu.memory_space<semaphore_mem>>
    %dma_start3A_194 = tpu.memref_squeeze %dma_start3A_193 : memref<1x!tpu.dma_semaphore, #tpu.memory_space<semaphore_mem>> -> memref<!tpu.dma_semaphore, #tpu.memory_space<semaphore_mem>>
    tpu.enqueue_indirect_dma source(%dma_start3A_192 : memref<100000x64xf32, #tpu.memory_space<hbm>>) target(%dma_start3A_186 : memref<80x64xf32, #tpu.memory_space<vmem>>) offsets(%dma_start3A_189 : memref<80xi32, #tpu.memory_space<vmem>>) semaphore(%dma_start3A_194 : memref<!tpu.dma_semaphore, #tpu.memory_space<semaphore_mem>>)
    %dma_wait3A_195 = arith.constant 2 : i32
    %dma_wait3A_196 = arith.constant 2 : i32
    %dma_wait3A_197 = arith.constant 2 : i32
    %dma_wait3A_198 = arith.constant 0 : i32
    %dma_wait3A_199 = arith.constant 0 : i32
    %dma_wait3A_200 = tpu.memref_slice %arg12[%dma_wait3A_196, %dma_wait3A_198, %dma_wait3A_199] : memref<8x120x64xf32, #tpu.memory_space<vmem>> -> memref<1x80x64xf32, #tpu.memory_space<vmem>>
    %dma_wait3A_201 = tpu.memref_squeeze %dma_wait3A_200 : memref<1x80x64xf32, #tpu.memory_space<vmem>> -> memref<80x64xf32, #tpu.memory_space<vmem>>
    %dma_wait3A_202 = arith.constant 0 : i32
    %dma_wait3A_203 = tpu.memref_slice %arg11[%dma_wait3A_195, %dma_wait3A_202] : memref<10x80xi32, #tpu.memory_space<vmem>> -> memref<1x80xi32, #tpu.memory_space<vmem>>
    %dma_wait3A_204 = tpu.memref_squeeze %dma_wait3A_203 : memref<1x80xi32, #tpu.memory_space<vmem>> -> memref<80xi32, #tpu.memory_space<vmem>>
    %dma_wait3A_205 = arith.constant 0 : i32
    %dma_wait3A_206 = arith.constant 0 : i32
    %dma_wait3A_207 = tpu.memref_slice %arg2[%dma_wait3A_205, %dma_wait3A_206] : memref<100000x64xf32, #tpu.memory_space<hbm>> -> memref<100000x64xf32, #tpu.memory_space<hbm>>
    %dma_wait3A_208 = tpu.memref_slice %arg13[%dma_wait3A_197] : memref<8x!tpu.dma_semaphore, #tpu.memory_space<semaphore_mem>> -> memref<1x!tpu.dma_semaphore, #tpu.memory_space<semaphore_mem>>
    %dma_wait3A_209 = tpu.memref_squeeze %dma_wait3A_208 : memref<1x!tpu.dma_semaphore, #tpu.memory_space<semaphore_mem>> -> memref<!tpu.dma_semaphore, #tpu.memory_space<semaphore_mem>>
    tpu.wait_indirect_dma semaphore(%dma_wait3A_209 : memref<!tpu.dma_semaphore, #tpu.memory_space<semaphore_mem>>) src(%dma_wait3A_207 : memref<100000x64xf32, #tpu.memory_space<hbm>>) dst(%dma_wait3A_201 : memref<80x64xf32, #tpu.memory_space<vmem>>)
    %add3A_210 = arith.constant 160 : i32
    %add3A_211 = arith.addi %mul3A_4, %add3A_210 : i32
    %dma_start3A_212 = arith.constant 2 : i32
    %dma_start3A_213 = arith.constant 2 : i32
    %dma_start3A_214 = arith.constant 0 : i32
    %dma_start3A_215 = arith.constant 0 : i32
    %dma_start3A_216 = tpu.memref_slice %arg12[%dma_start3A_212, %dma_start3A_214, %dma_start3A_215] : memref<8x120x64xf32, #tpu.memory_space<vmem>> -> memref<1x80x64xf32, #tpu.memory_space<vmem>>
    %dma_start3A_217 = tpu.memref_squeeze %dma_start3A_216 : memref<1x80x64xf32, #tpu.memory_space<vmem>> -> memref<80x64xf32, #tpu.memory_space<vmem>>
    %dma_start3A_218 = arith.constant 0 : i32
    %dma_start3A_219 = tpu.memref_slice %arg8[%add3A_211, %dma_start3A_218] : memref<25600x64xf32, #tpu.memory_space<hbm>> -> memref<80x64xf32, #tpu.memory_space<hbm>>
    %dma_start3A_220 = tpu.memref_slice %arg15[%dma_start3A_213] : memref<8x!tpu.dma_semaphore, #tpu.memory_space<semaphore_mem>> -> memref<1x!tpu.dma_semaphore, #tpu.memory_space<semaphore_mem>>
    %dma_start3A_221 = tpu.memref_squeeze %dma_start3A_220 : memref<1x!tpu.dma_semaphore, #tpu.memory_space<semaphore_mem>> -> memref<!tpu.dma_semaphore, #tpu.memory_space<semaphore_mem>>
    %dma_start3A_222 = arith.constant 0 : i32
    %dma_start3A_223 = tpu.memref_slice %arg8[%add3A_211, %dma_start3A_222] : memref<25600x64xf32, #tpu.memory_space<hbm>> -> memref<80x64xf32, #tpu.memory_space<hbm>>
    %dma_start3A_224 = arith.constant 0 : i32
    %dma_start3A_225 = arith.constant 0 : i32
    %dma_start3A_226 = tpu.memref_slice %arg12[%dma_start3A_212, %dma_start3A_224, %dma_start3A_225] : memref<8x120x64xf32, #tpu.memory_space<vmem>> -> memref<1x80x64xf32, #tpu.memory_space<vmem>>
    %dma_start3A_227 = tpu.memref_squeeze %dma_start3A_226 : memref<1x80x64xf32, #tpu.memory_space<vmem>> -> memref<80x64xf32, #tpu.memory_space<vmem>>
    tpu.enqueue_dma source(%dma_start3A_227 : memref<80x64xf32, #tpu.memory_space<vmem>>) target(%dma_start3A_223 : memref<80x64xf32, #tpu.memory_space<hbm>>) target_semaphore(%dma_start3A_221 : memref<!tpu.dma_semaphore, #tpu.memory_space<semaphore_mem>>)
    %add3A_228 = arith.constant 160 : i32
    %add3A_229 = arith.addi %mul3A_4, %add3A_228 : i32
    %dma_wait3A_230 = arith.constant 2 : i32
    %dma_wait3A_231 = arith.constant 2 : i32
    %dma_wait3A_232 = arith.constant 0 : i32
    %dma_wait3A_233 = arith.constant 0 : i32
    %dma_wait3A_234 = tpu.memref_slice %arg12[%dma_wait3A_230, %dma_wait3A_232, %dma_wait3A_233] : memref<8x120x64xf32, #tpu.memory_space<vmem>> -> memref<1x80x64xf32, #tpu.memory_space<vmem>>
    %dma_wait3A_235 = tpu.memref_squeeze %dma_wait3A_234 : memref<1x80x64xf32, #tpu.memory_space<vmem>> -> memref<80x64xf32, #tpu.memory_space<vmem>>
    %dma_wait3A_236 = arith.constant 0 : i32
    %dma_wait3A_237 = tpu.memref_slice %arg8[%add3A_229, %dma_wait3A_236] : memref<25600x64xf32, #tpu.memory_space<hbm>> -> memref<80x64xf32, #tpu.memory_space<hbm>>
    %dma_wait3A_238 = tpu.memref_slice %arg15[%dma_wait3A_231] : memref<8x!tpu.dma_semaphore, #tpu.memory_space<semaphore_mem>> -> memref<1x!tpu.dma_semaphore, #tpu.memory_space<semaphore_mem>>
    %dma_wait3A_239 = tpu.memref_squeeze %dma_wait3A_238 : memref<1x!tpu.dma_semaphore, #tpu.memory_space<semaphore_mem>> -> memref<!tpu.dma_semaphore, #tpu.memory_space<semaphore_mem>>
    %dma_wait3A_240 = arith.constant 0 : i32
    %dma_wait3A_241 = tpu.memref_slice %arg8[%add3A_229, %dma_wait3A_240] : memref<25600x64xf32, #tpu.memory_space<hbm>> -> memref<80x64xf32, #tpu.memory_space<hbm>>
    %dma_wait3A_242 = arith.constant 0 : i32
    %dma_wait3A_243 = arith.constant 0 : i32
    %dma_wait3A_244 = tpu.memref_slice %arg12[%dma_wait3A_230, %dma_wait3A_242, %dma_wait3A_243] : memref<8x120x64xf32, #tpu.memory_space<vmem>> -> memref<1x80x64xf32, #tpu.memory_space<vmem>>
    %dma_wait3A_245 = tpu.memref_squeeze %dma_wait3A_244 : memref<1x80x64xf32, #tpu.memory_space<vmem>> -> memref<80x64xf32, #tpu.memory_space<vmem>>
    tpu.wait_dma2 semaphore(%dma_wait3A_239 : memref<!tpu.dma_semaphore, #tpu.memory_space<semaphore_mem>>) src(%dma_wait3A_245 : memref<80x64xf32, #tpu.memory_space<vmem>>) dst(%dma_wait3A_241 : memref<80x64xf32, #tpu.memory_space<hbm>>)
    %dma_start3A_246 = arith.constant 6 : i32
    %dma_start3A_247 = arith.constant 2 : i32
    %dma_start3A_248 = arith.constant 2 : i32
    %dma_start3A_249 = arith.constant 0 : i32
    %dma_start3A_250 = arith.constant 0 : i32
    %dma_start3A_251 = tpu.memref_slice %arg12[%dma_start3A_247, %dma_start3A_249, %dma_start3A_250] : memref<8x120x64xf32, #tpu.memory_space<vmem>> -> memref<1x80x64xf32, #tpu.memory_space<vmem>>
    %dma_start3A_252 = tpu.memref_squeeze %dma_start3A_251 : memref<1x80x64xf32, #tpu.memory_space<vmem>> -> memref<80x64xf32, #tpu.memory_space<vmem>>
    %dma_start3A_253 = arith.constant 0 : i32
    %dma_start3A_254 = tpu.memref_slice %arg11[%dma_start3A_246, %dma_start3A_253] : memref<10x80xi32, #tpu.memory_space<vmem>> -> memref<1x80xi32, #tpu.memory_space<vmem>>
    %dma_start3A_255 = tpu.memref_squeeze %dma_start3A_254 : memref<1x80xi32, #tpu.memory_space<vmem>> -> memref<80xi32, #tpu.memory_space<vmem>>
    %dma_start3A_256 = arith.constant 0 : i32
    %dma_start3A_257 = arith.constant 0 : i32
    %dma_start3A_258 = tpu.memref_slice %arg2[%dma_start3A_256, %dma_start3A_257] : memref<100000x64xf32, #tpu.memory_space<hbm>> -> memref<100000x64xf32, #tpu.memory_space<hbm>>
    %dma_start3A_259 = tpu.memref_slice %arg13[%dma_start3A_248] : memref<8x!tpu.dma_semaphore, #tpu.memory_space<semaphore_mem>> -> memref<1x!tpu.dma_semaphore, #tpu.memory_space<semaphore_mem>>
    %dma_start3A_260 = tpu.memref_squeeze %dma_start3A_259 : memref<1x!tpu.dma_semaphore, #tpu.memory_space<semaphore_mem>> -> memref<!tpu.dma_semaphore, #tpu.memory_space<semaphore_mem>>
    tpu.enqueue_indirect_dma source(%dma_start3A_258 : memref<100000x64xf32, #tpu.memory_space<hbm>>) target(%dma_start3A_252 : memref<80x64xf32, #tpu.memory_space<vmem>>) offsets(%dma_start3A_255 : memref<80xi32, #tpu.memory_space<vmem>>) semaphore(%dma_start3A_260 : memref<!tpu.dma_semaphore, #tpu.memory_space<semaphore_mem>>)
    %dma_wait3A_261 = arith.constant 3 : i32
    %dma_wait3A_262 = arith.constant 3 : i32
    %dma_wait3A_263 = arith.constant 3 : i32
    %dma_wait3A_264 = arith.constant 0 : i32
    %dma_wait3A_265 = arith.constant 0 : i32
    %dma_wait3A_266 = tpu.memref_slice %arg12[%dma_wait3A_262, %dma_wait3A_264, %dma_wait3A_265] : memref<8x120x64xf32, #tpu.memory_space<vmem>> -> memref<1x80x64xf32, #tpu.memory_space<vmem>>
    %dma_wait3A_267 = tpu.memref_squeeze %dma_wait3A_266 : memref<1x80x64xf32, #tpu.memory_space<vmem>> -> memref<80x64xf32, #tpu.memory_space<vmem>>
    %dma_wait3A_268 = arith.constant 0 : i32
    %dma_wait3A_269 = tpu.memref_slice %arg11[%dma_wait3A_261, %dma_wait3A_268] : memref<10x80xi32, #tpu.memory_space<vmem>> -> memref<1x80xi32, #tpu.memory_space<vmem>>
    %dma_wait3A_270 = tpu.memref_squeeze %dma_wait3A_269 : memref<1x80xi32, #tpu.memory_space<vmem>> -> memref<80xi32, #tpu.memory_space<vmem>>
    %dma_wait3A_271 = arith.constant 0 : i32
    %dma_wait3A_272 = arith.constant 0 : i32
    %dma_wait3A_273 = tpu.memref_slice %arg2[%dma_wait3A_271, %dma_wait3A_272] : memref<100000x64xf32, #tpu.memory_space<hbm>> -> memref<100000x64xf32, #tpu.memory_space<hbm>>
    %dma_wait3A_274 = tpu.memref_slice %arg13[%dma_wait3A_263] : memref<8x!tpu.dma_semaphore, #tpu.memory_space<semaphore_mem>> -> memref<1x!tpu.dma_semaphore, #tpu.memory_space<semaphore_mem>>
    %dma_wait3A_275 = tpu.memref_squeeze %dma_wait3A_274 : memref<1x!tpu.dma_semaphore, #tpu.memory_space<semaphore_mem>> -> memref<!tpu.dma_semaphore, #tpu.memory_space<semaphore_mem>>
    tpu.wait_indirect_dma semaphore(%dma_wait3A_275 : memref<!tpu.dma_semaphore, #tpu.memory_space<semaphore_mem>>) src(%dma_wait3A_273 : memref<100000x64xf32, #tpu.memory_space<hbm>>) dst(%dma_wait3A_267 : memref<80x64xf32, #tpu.memory_space<vmem>>)
    %add3A_276 = arith.constant 240 : i32
    %add3A_277 = arith.addi %mul3A_4, %add3A_276 : i32
    %dma_start3A_278 = arith.constant 3 : i32
    %dma_start3A_279 = arith.constant 3 : i32
    %dma_start3A_280 = arith.constant 0 : i32
    %dma_start3A_281 = arith.constant 0 : i32
    %dma_start3A_282 = tpu.memref_slice %arg12[%dma_start3A_278, %dma_start3A_280, %dma_start3A_281] : memref<8x120x64xf32, #tpu.memory_space<vmem>> -> memref<1x80x64xf32, #tpu.memory_space<vmem>>
    %dma_start3A_283 = tpu.memref_squeeze %dma_start3A_282 : memref<1x80x64xf32, #tpu.memory_space<vmem>> -> memref<80x64xf32, #tpu.memory_space<vmem>>
    %dma_start3A_284 = arith.constant 0 : i32
    %dma_start3A_285 = tpu.memref_slice %arg8[%add3A_277, %dma_start3A_284] : memref<25600x64xf32, #tpu.memory_space<hbm>> -> memref<80x64xf32, #tpu.memory_space<hbm>>
    %dma_start3A_286 = tpu.memref_slice %arg15[%dma_start3A_279] : memref<8x!tpu.dma_semaphore, #tpu.memory_space<semaphore_mem>> -> memref<1x!tpu.dma_semaphore, #tpu.memory_space<semaphore_mem>>
    %dma_start3A_287 = tpu.memref_squeeze %dma_start3A_286 : memref<1x!tpu.dma_semaphore, #tpu.memory_space<semaphore_mem>> -> memref<!tpu.dma_semaphore, #tpu.memory_space<semaphore_mem>>
    %dma_start3A_288 = arith.constant 0 : i32
    %dma_start3A_289 = tpu.memref_slice %arg8[%add3A_277, %dma_start3A_288] : memref<25600x64xf32, #tpu.memory_space<hbm>> -> memref<80x64xf32, #tpu.memory_space<hbm>>
    %dma_start3A_290 = arith.constant 0 : i32
    %dma_start3A_291 = arith.constant 0 : i32
    %dma_start3A_292 = tpu.memref_slice %arg12[%dma_start3A_278, %dma_start3A_290, %dma_start3A_291] : memref<8x120x64xf32, #tpu.memory_space<vmem>> -> memref<1x80x64xf32, #tpu.memory_space<vmem>>
    %dma_start3A_293 = tpu.memref_squeeze %dma_start3A_292 : memref<1x80x64xf32, #tpu.memory_space<vmem>> -> memref<80x64xf32, #tpu.memory_space<vmem>>
    tpu.enqueue_dma source(%dma_start3A_293 : memref<80x64xf32, #tpu.memory_space<vmem>>) target(%dma_start3A_289 : memref<80x64xf32, #tpu.memory_space<hbm>>) target_semaphore(%dma_start3A_287 : memref<!tpu.dma_semaphore, #tpu.memory_space<semaphore_mem>>)
    %add3A_294 = arith.constant 240 : i32
    %add3A_295 = arith.addi %mul3A_4, %add3A_294 : i32
    %dma_wait3A_296 = arith.constant 3 : i32
    %dma_wait3A_297 = arith.constant 3 : i32
    %dma_wait3A_298 = arith.constant 0 : i32
    %dma_wait3A_299 = arith.constant 0 : i32
    %dma_wait3A_300 = tpu.memref_slice %arg12[%dma_wait3A_296, %dma_wait3A_298, %dma_wait3A_299] : memref<8x120x64xf32, #tpu.memory_space<vmem>> -> memref<1x80x64xf32, #tpu.memory_space<vmem>>
    %dma_wait3A_301 = tpu.memref_squeeze %dma_wait3A_300 : memref<1x80x64xf32, #tpu.memory_space<vmem>> -> memref<80x64xf32, #tpu.memory_space<vmem>>
    %dma_wait3A_302 = arith.constant 0 : i32
    %dma_wait3A_303 = tpu.memref_slice %arg8[%add3A_295, %dma_wait3A_302] : memref<25600x64xf32, #tpu.memory_space<hbm>> -> memref<80x64xf32, #tpu.memory_space<hbm>>
    %dma_wait3A_304 = tpu.memref_slice %arg15[%dma_wait3A_297] : memref<8x!tpu.dma_semaphore, #tpu.memory_space<semaphore_mem>> -> memref<1x!tpu.dma_semaphore, #tpu.memory_space<semaphore_mem>>
    %dma_wait3A_305 = tpu.memref_squeeze %dma_wait3A_304 : memref<1x!tpu.dma_semaphore, #tpu.memory_space<semaphore_mem>> -> memref<!tpu.dma_semaphore, #tpu.memory_space<semaphore_mem>>
    %dma_wait3A_306 = arith.constant 0 : i32
    %dma_wait3A_307 = tpu.memref_slice %arg8[%add3A_295, %dma_wait3A_306] : memref<25600x64xf32, #tpu.memory_space<hbm>> -> memref<80x64xf32, #tpu.memory_space<hbm>>
    %dma_wait3A_308 = arith.constant 0 : i32
    %dma_wait3A_309 = arith.constant 0 : i32
    %dma_wait3A_310 = tpu.memref_slice %arg12[%dma_wait3A_296, %dma_wait3A_308, %dma_wait3A_309] : memref<8x120x64xf32, #tpu.memory_space<vmem>> -> memref<1x80x64xf32, #tpu.memory_space<vmem>>
    %dma_wait3A_311 = tpu.memref_squeeze %dma_wait3A_310 : memref<1x80x64xf32, #tpu.memory_space<vmem>> -> memref<80x64xf32, #tpu.memory_space<vmem>>
    tpu.wait_dma2 semaphore(%dma_wait3A_305 : memref<!tpu.dma_semaphore, #tpu.memory_space<semaphore_mem>>) src(%dma_wait3A_311 : memref<80x64xf32, #tpu.memory_space<vmem>>) dst(%dma_wait3A_307 : memref<80x64xf32, #tpu.memory_space<hbm>>)
    %dma_start3A_312 = arith.constant 7 : i32
    %dma_start3A_313 = arith.constant 3 : i32
    %dma_start3A_314 = arith.constant 3 : i32
    %dma_start3A_315 = arith.constant 0 : i32
    %dma_start3A_316 = arith.constant 0 : i32
    %dma_start3A_317 = tpu.memref_slice %arg12[%dma_start3A_313, %dma_start3A_315, %dma_start3A_316] : memref<8x120x64xf32, #tpu.memory_space<vmem>> -> memref<1x80x64xf32, #tpu.memory_space<vmem>>
    %dma_start3A_318 = tpu.memref_squeeze %dma_start3A_317 : memref<1x80x64xf32, #tpu.memory_space<vmem>> -> memref<80x64xf32, #tpu.memory_space<vmem>>
    %dma_start3A_319 = arith.constant 0 : i32
    %dma_start3A_320 = tpu.memref_slice %arg11[%dma_start3A_312, %dma_start3A_319] : memref<10x80xi32, #tpu.memory_space<vmem>> -> memref<1x80xi32, #tpu.memory_space<vmem>>
    %dma_start3A_321 = tpu.memref_squeeze %dma_start3A_320 : memref<1x80xi32, #tpu.memory_space<vmem>> -> memref<80xi32, #tpu.memory_space<vmem>>
    %dma_start3A_322 = arith.constant 0 : i32
    %dma_start3A_323 = arith.constant 0 : i32
    %dma_start3A_324 = tpu.memref_slice %arg2[%dma_start3A_322, %dma_start3A_323] : memref<100000x64xf32, #tpu.memory_space<hbm>> -> memref<100000x64xf32, #tpu.memory_space<hbm>>
    %dma_start3A_325 = tpu.memref_slice %arg13[%dma_start3A_314] : memref<8x!tpu.dma_semaphore, #tpu.memory_space<semaphore_mem>> -> memref<1x!tpu.dma_semaphore, #tpu.memory_space<semaphore_mem>>
    %dma_start3A_326 = tpu.memref_squeeze %dma_start3A_325 : memref<1x!tpu.dma_semaphore, #tpu.memory_space<semaphore_mem>> -> memref<!tpu.dma_semaphore, #tpu.memory_space<semaphore_mem>>
    tpu.enqueue_indirect_dma source(%dma_start3A_324 : memref<100000x64xf32, #tpu.memory_space<hbm>>) target(%dma_start3A_318 : memref<80x64xf32, #tpu.memory_space<vmem>>) offsets(%dma_start3A_321 : memref<80xi32, #tpu.memory_space<vmem>>) semaphore(%dma_start3A_326 : memref<!tpu.dma_semaphore, #tpu.memory_space<semaphore_mem>>)
    %dma_wait3A_327 = arith.constant 4 : i32
    %dma_wait3A_328 = arith.constant 0 : i32
    %dma_wait3A_329 = arith.constant 0 : i32
    %dma_wait3A_330 = arith.constant 0 : i32
    %dma_wait3A_331 = arith.constant 0 : i32
    %dma_wait3A_332 = tpu.memref_slice %arg12[%dma_wait3A_328, %dma_wait3A_330, %dma_wait3A_331] : memref<8x120x64xf32, #tpu.memory_space<vmem>> -> memref<1x80x64xf32, #tpu.memory_space<vmem>>
    %dma_wait3A_333 = tpu.memref_squeeze %dma_wait3A_332 : memref<1x80x64xf32, #tpu.memory_space<vmem>> -> memref<80x64xf32, #tpu.memory_space<vmem>>
    %dma_wait3A_334 = arith.constant 0 : i32
    %dma_wait3A_335 = tpu.memref_slice %arg11[%dma_wait3A_327, %dma_wait3A_334] : memref<10x80xi32, #tpu.memory_space<vmem>> -> memref<1x80xi32, #tpu.memory_space<vmem>>
    %dma_wait3A_336 = tpu.memref_squeeze %dma_wait3A_335 : memref<1x80xi32, #tpu.memory_space<vmem>> -> memref<80xi32, #tpu.memory_space<vmem>>
    %dma_wait3A_337 = arith.constant 0 : i32
    %dma_wait3A_338 = arith.constant 0 : i32
    %dma_wait3A_339 = tpu.memref_slice %arg2[%dma_wait3A_337, %dma_wait3A_338] : memref<100000x64xf32, #tpu.memory_space<hbm>> -> memref<100000x64xf32, #tpu.memory_space<hbm>>
    %dma_wait3A_340 = tpu.memref_slice %arg13[%dma_wait3A_329] : memref<8x!tpu.dma_semaphore, #tpu.memory_space<semaphore_mem>> -> memref<1x!tpu.dma_semaphore, #tpu.memory_space<semaphore_mem>>
    %dma_wait3A_341 = tpu.memref_squeeze %dma_wait3A_340 : memref<1x!tpu.dma_semaphore, #tpu.memory_space<semaphore_mem>> -> memref<!tpu.dma_semaphore, #tpu.memory_space<semaphore_mem>>
    tpu.wait_indirect_dma semaphore(%dma_wait3A_341 : memref<!tpu.dma_semaphore, #tpu.memory_space<semaphore_mem>>) src(%dma_wait3A_339 : memref<100000x64xf32, #tpu.memory_space<hbm>>) dst(%dma_wait3A_333 : memref<80x64xf32, #tpu.memory_space<vmem>>)
    %add3A_342 = arith.constant 320 : i32
    %add3A_343 = arith.addi %mul3A_4, %add3A_342 : i32
    %dma_start3A_344 = arith.constant 0 : i32
    %dma_start3A_345 = arith.constant 0 : i32
    %dma_start3A_346 = arith.constant 0 : i32
    %dma_start3A_347 = arith.constant 0 : i32
    %dma_start3A_348 = tpu.memref_slice %arg12[%dma_start3A_344, %dma_start3A_346, %dma_start3A_347] : memref<8x120x64xf32, #tpu.memory_space<vmem>> -> memref<1x80x64xf32, #tpu.memory_space<vmem>>
    %dma_start3A_349 = tpu.memref_squeeze %dma_start3A_348 : memref<1x80x64xf32, #tpu.memory_space<vmem>> -> memref<80x64xf32, #tpu.memory_space<vmem>>
    %dma_start3A_350 = arith.constant 0 : i32
    %dma_start3A_351 = tpu.memref_slice %arg8[%add3A_343, %dma_start3A_350] : memref<25600x64xf32, #tpu.memory_space<hbm>> -> memref<80x64xf32, #tpu.memory_space<hbm>>
    %dma_start3A_352 = tpu.memref_slice %arg15[%dma_start3A_345] : memref<8x!tpu.dma_semaphore, #tpu.memory_space<semaphore_mem>> -> memref<1x!tpu.dma_semaphore, #tpu.memory_space<semaphore_mem>>
    %dma_start3A_353 = tpu.memref_squeeze %dma_start3A_352 : memref<1x!tpu.dma_semaphore, #tpu.memory_space<semaphore_mem>> -> memref<!tpu.dma_semaphore, #tpu.memory_space<semaphore_mem>>
    %dma_start3A_354 = arith.constant 0 : i32
    %dma_start3A_355 = tpu.memref_slice %arg8[%add3A_343, %dma_start3A_354] : memref<25600x64xf32, #tpu.memory_space<hbm>> -> memref<80x64xf32, #tpu.memory_space<hbm>>
    %dma_start3A_356 = arith.constant 0 : i32
    %dma_start3A_357 = arith.constant 0 : i32
    %dma_start3A_358 = tpu.memref_slice %arg12[%dma_start3A_344, %dma_start3A_356, %dma_start3A_357] : memref<8x120x64xf32, #tpu.memory_space<vmem>> -> memref<1x80x64xf32, #tpu.memory_space<vmem>>
    %dma_start3A_359 = tpu.memref_squeeze %dma_start3A_358 : memref<1x80x64xf32, #tpu.memory_space<vmem>> -> memref<80x64xf32, #tpu.memory_space<vmem>>
    tpu.enqueue_dma source(%dma_start3A_359 : memref<80x64xf32, #tpu.memory_space<vmem>>) target(%dma_start3A_355 : memref<80x64xf32, #tpu.memory_space<hbm>>) target_semaphore(%dma_start3A_353 : memref<!tpu.dma_semaphore, #tpu.memory_space<semaphore_mem>>)
    %add3A_360 = arith.constant 320 : i32
    %add3A_361 = arith.addi %mul3A_4, %add3A_360 : i32
    %dma_wait3A_362 = arith.constant 0 : i32
    %dma_wait3A_363 = arith.constant 0 : i32
    %dma_wait3A_364 = arith.constant 0 : i32
    %dma_wait3A_365 = arith.constant 0 : i32
    %dma_wait3A_366 = tpu.memref_slice %arg12[%dma_wait3A_362, %dma_wait3A_364, %dma_wait3A_365] : memref<8x120x64xf32, #tpu.memory_space<vmem>> -> memref<1x80x64xf32, #tpu.memory_space<vmem>>
    %dma_wait3A_367 = tpu.memref_squeeze %dma_wait3A_366 : memref<1x80x64xf32, #tpu.memory_space<vmem>> -> memref<80x64xf32, #tpu.memory_space<vmem>>
    %dma_wait3A_368 = arith.constant 0 : i32
    %dma_wait3A_369 = tpu.memref_slice %arg8[%add3A_361, %dma_wait3A_368] : memref<25600x64xf32, #tpu.memory_space<hbm>> -> memref<80x64xf32, #tpu.memory_space<hbm>>
    %dma_wait3A_370 = tpu.memref_slice %arg15[%dma_wait3A_363] : memref<8x!tpu.dma_semaphore, #tpu.memory_space<semaphore_mem>> -> memref<1x!tpu.dma_semaphore, #tpu.memory_space<semaphore_mem>>
    %dma_wait3A_371 = tpu.memref_squeeze %dma_wait3A_370 : memref<1x!tpu.dma_semaphore, #tpu.memory_space<semaphore_mem>> -> memref<!tpu.dma_semaphore, #tpu.memory_space<semaphore_mem>>
    %dma_wait3A_372 = arith.constant 0 : i32
    %dma_wait3A_373 = tpu.memref_slice %arg8[%add3A_361, %dma_wait3A_372] : memref<25600x64xf32, #tpu.memory_space<hbm>> -> memref<80x64xf32, #tpu.memory_space<hbm>>
    %dma_wait3A_374 = arith.constant 0 : i32
    %dma_wait3A_375 = arith.constant 0 : i32
    %dma_wait3A_376 = tpu.memref_slice %arg12[%dma_wait3A_362, %dma_wait3A_374, %dma_wait3A_375] : memref<8x120x64xf32, #tpu.memory_space<vmem>> -> memref<1x80x64xf32, #tpu.memory_space<vmem>>
    %dma_wait3A_377 = tpu.memref_squeeze %dma_wait3A_376 : memref<1x80x64xf32, #tpu.memory_space<vmem>> -> memref<80x64xf32, #tpu.memory_space<vmem>>
    tpu.wait_dma2 semaphore(%dma_wait3A_371 : memref<!tpu.dma_semaphore, #tpu.memory_space<semaphore_mem>>) src(%dma_wait3A_377 : memref<80x64xf32, #tpu.memory_space<vmem>>) dst(%dma_wait3A_373 : memref<80x64xf32, #tpu.memory_space<hbm>>)
    %dma_start3A_378 = arith.constant 8 : i32
    %dma_start3A_379 = arith.constant 0 : i32
    %dma_start3A_380 = arith.constant 0 : i32
    %dma_start3A_381 = arith.constant 0 : i32
    %dma_start3A_382 = arith.constant 0 : i32
    %dma_start3A_383 = tpu.memref_slice %arg12[%dma_start3A_379, %dma_start3A_381, %dma_start3A_382] : memref<8x120x64xf32, #tpu.memory_space<vmem>> -> memref<1x80x64xf32, #tpu.memory_space<vmem>>
    %dma_start3A_384 = tpu.memref_squeeze %dma_start3A_383 : memref<1x80x64xf32, #tpu.memory_space<vmem>> -> memref<80x64xf32, #tpu.memory_space<vmem>>
    %dma_start3A_385 = arith.constant 0 : i32
    %dma_start3A_386 = tpu.memref_slice %arg11[%dma_start3A_378, %dma_start3A_385] : memref<10x80xi32, #tpu.memory_space<vmem>> -> memref<1x80xi32, #tpu.memory_space<vmem>>
    %dma_start3A_387 = tpu.memref_squeeze %dma_start3A_386 : memref<1x80xi32, #tpu.memory_space<vmem>> -> memref<80xi32, #tpu.memory_space<vmem>>
    %dma_start3A_388 = arith.constant 0 : i32
    %dma_start3A_389 = arith.constant 0 : i32
    %dma_start3A_390 = tpu.memref_slice %arg2[%dma_start3A_388, %dma_start3A_389] : memref<100000x64xf32, #tpu.memory_space<hbm>> -> memref<100000x64xf32, #tpu.memory_space<hbm>>
    %dma_start3A_391 = tpu.memref_slice %arg13[%dma_start3A_380] : memref<8x!tpu.dma_semaphore, #tpu.memory_space<semaphore_mem>> -> memref<1x!tpu.dma_semaphore, #tpu.memory_space<semaphore_mem>>
    %dma_start3A_392 = tpu.memref_squeeze %dma_start3A_391 : memref<1x!tpu.dma_semaphore, #tpu.memory_space<semaphore_mem>> -> memref<!tpu.dma_semaphore, #tpu.memory_space<semaphore_mem>>
    tpu.enqueue_indirect_dma source(%dma_start3A_390 : memref<100000x64xf32, #tpu.memory_space<hbm>>) target(%dma_start3A_384 : memref<80x64xf32, #tpu.memory_space<vmem>>) offsets(%dma_start3A_387 : memref<80xi32, #tpu.memory_space<vmem>>) semaphore(%dma_start3A_392 : memref<!tpu.dma_semaphore, #tpu.memory_space<semaphore_mem>>)
    %dma_wait3A_393 = arith.constant 5 : i32
    %dma_wait3A_394 = arith.constant 1 : i32
    %dma_wait3A_395 = arith.constant 1 : i32
    %dma_wait3A_396 = arith.constant 0 : i32
    %dma_wait3A_397 = arith.constant 0 : i32
    %dma_wait3A_398 = tpu.memref_slice %arg12[%dma_wait3A_394, %dma_wait3A_396, %dma_wait3A_397] : memref<8x120x64xf32, #tpu.memory_space<vmem>> -> memref<1x80x64xf32, #tpu.memory_space<vmem>>
    %dma_wait3A_399 = tpu.memref_squeeze %dma_wait3A_398 : memref<1x80x64xf32, #tpu.memory_space<vmem>> -> memref<80x64xf32, #tpu.memory_space<vmem>>
    %dma_wait3A_400 = arith.constant 0 : i32
    %dma_wait3A_401 = tpu.memref_slice %arg11[%dma_wait3A_393, %dma_wait3A_400] : memref<10x80xi32, #tpu.memory_space<vmem>> -> memref<1x80xi32, #tpu.memory_space<vmem>>
    %dma_wait3A_402 = tpu.memref_squeeze %dma_wait3A_401 : memref<1x80xi32, #tpu.memory_space<vmem>> -> memref<80xi32, #tpu.memory_space<vmem>>
    %dma_wait3A_403 = arith.constant 0 : i32
    %dma_wait3A_404 = arith.constant 0 : i32
    %dma_wait3A_405 = tpu.memref_slice %arg2[%dma_wait3A_403, %dma_wait3A_404] : memref<100000x64xf32, #tpu.memory_space<hbm>> -> memref<100000x64xf32, #tpu.memory_space<hbm>>
    %dma_wait3A_406 = tpu.memref_slice %arg13[%dma_wait3A_395] : memref<8x!tpu.dma_semaphore, #tpu.memory_space<semaphore_mem>> -> memref<1x!tpu.dma_semaphore, #tpu.memory_space<semaphore_mem>>
    %dma_wait3A_407 = tpu.memref_squeeze %dma_wait3A_406 : memref<1x!tpu.dma_semaphore, #tpu.memory_space<semaphore_mem>> -> memref<!tpu.dma_semaphore, #tpu.memory_space<semaphore_mem>>
    tpu.wait_indirect_dma semaphore(%dma_wait3A_407 : memref<!tpu.dma_semaphore, #tpu.memory_space<semaphore_mem>>) src(%dma_wait3A_405 : memref<100000x64xf32, #tpu.memory_space<hbm>>) dst(%dma_wait3A_399 : memref<80x64xf32, #tpu.memory_space<vmem>>)
    %add3A_408 = arith.constant 400 : i32
    %add3A_409 = arith.addi %mul3A_4, %add3A_408 : i32
    %dma_start3A_410 = arith.constant 1 : i32
    %dma_start3A_411 = arith.constant 1 : i32
    %dma_start3A_412 = arith.constant 0 : i32
    %dma_start3A_413 = arith.constant 0 : i32
    %dma_start3A_414 = tpu.memref_slice %arg12[%dma_start3A_410, %dma_start3A_412, %dma_start3A_413] : memref<8x120x64xf32, #tpu.memory_space<vmem>> -> memref<1x80x64xf32, #tpu.memory_space<vmem>>
    %dma_start3A_415 = tpu.memref_squeeze %dma_start3A_414 : memref<1x80x64xf32, #tpu.memory_space<vmem>> -> memref<80x64xf32, #tpu.memory_space<vmem>>
    %dma_start3A_416 = arith.constant 0 : i32
    %dma_start3A_417 = tpu.memref_slice %arg8[%add3A_409, %dma_start3A_416] : memref<25600x64xf32, #tpu.memory_space<hbm>> -> memref<80x64xf32, #tpu.memory_space<hbm>>
    %dma_start3A_418 = tpu.memref_slice %arg15[%dma_start3A_411] : memref<8x!tpu.dma_semaphore, #tpu.memory_space<semaphore_mem>> -> memref<1x!tpu.dma_semaphore, #tpu.memory_space<semaphore_mem>>
    %dma_start3A_419 = tpu.memref_squeeze %dma_start3A_418 : memref<1x!tpu.dma_semaphore, #tpu.memory_space<semaphore_mem>> -> memref<!tpu.dma_semaphore, #tpu.memory_space<semaphore_mem>>
    %dma_start3A_420 = arith.constant 0 : i32
    %dma_start3A_421 = tpu.memref_slice %arg8[%add3A_409, %dma_start3A_420] : memref<25600x64xf32, #tpu.memory_space<hbm>> -> memref<80x64xf32, #tpu.memory_space<hbm>>
    %dma_start3A_422 = arith.constant 0 : i32
    %dma_start3A_423 = arith.constant 0 : i32
    %dma_start3A_424 = tpu.memref_slice %arg12[%dma_start3A_410, %dma_start3A_422, %dma_start3A_423] : memref<8x120x64xf32, #tpu.memory_space<vmem>> -> memref<1x80x64xf32, #tpu.memory_space<vmem>>
    %dma_start3A_425 = tpu.memref_squeeze %dma_start3A_424 : memref<1x80x64xf32, #tpu.memory_space<vmem>> -> memref<80x64xf32, #tpu.memory_space<vmem>>
    tpu.enqueue_dma source(%dma_start3A_425 : memref<80x64xf32, #tpu.memory_space<vmem>>) target(%dma_start3A_421 : memref<80x64xf32, #tpu.memory_space<hbm>>) target_semaphore(%dma_start3A_419 : memref<!tpu.dma_semaphore, #tpu.memory_space<semaphore_mem>>)
    %add3A_426 = arith.constant 400 : i32
    %add3A_427 = arith.addi %mul3A_4, %add3A_426 : i32
    %dma_wait3A_428 = arith.constant 1 : i32
    %dma_wait3A_429 = arith.constant 1 : i32
    %dma_wait3A_430 = arith.constant 0 : i32
    %dma_wait3A_431 = arith.constant 0 : i32
    %dma_wait3A_432 = tpu.memref_slice %arg12[%dma_wait3A_428, %dma_wait3A_430, %dma_wait3A_431] : memref<8x120x64xf32, #tpu.memory_space<vmem>> -> memref<1x80x64xf32, #tpu.memory_space<vmem>>
    %dma_wait3A_433 = tpu.memref_squeeze %dma_wait3A_432 : memref<1x80x64xf32, #tpu.memory_space<vmem>> -> memref<80x64xf32, #tpu.memory_space<vmem>>
    %dma_wait3A_434 = arith.constant 0 : i32
    %dma_wait3A_435 = tpu.memref_slice %arg8[%add3A_427, %dma_wait3A_434] : memref<25600x64xf32, #tpu.memory_space<hbm>> -> memref<80x64xf32, #tpu.memory_space<hbm>>
    %dma_wait3A_436 = tpu.memref_slice %arg15[%dma_wait3A_429] : memref<8x!tpu.dma_semaphore, #tpu.memory_space<semaphore_mem>> -> memref<1x!tpu.dma_semaphore, #tpu.memory_space<semaphore_mem>>
    %dma_wait3A_437 = tpu.memref_squeeze %dma_wait3A_436 : memref<1x!tpu.dma_semaphore, #tpu.memory_space<semaphore_mem>> -> memref<!tpu.dma_semaphore, #tpu.memory_space<semaphore_mem>>
    %dma_wait3A_438 = arith.constant 0 : i32
    %dma_wait3A_439 = tpu.memref_slice %arg8[%add3A_427, %dma_wait3A_438] : memref<25600x64xf32, #tpu.memory_space<hbm>> -> memref<80x64xf32, #tpu.memory_space<hbm>>
    %dma_wait3A_440 = arith.constant 0 : i32
    %dma_wait3A_441 = arith.constant 0 : i32
    %dma_wait3A_442 = tpu.memref_slice %arg12[%dma_wait3A_428, %dma_wait3A_440, %dma_wait3A_441] : memref<8x120x64xf32, #tpu.memory_space<vmem>> -> memref<1x80x64xf32, #tpu.memory_space<vmem>>
    %dma_wait3A_443 = tpu.memref_squeeze %dma_wait3A_442 : memref<1x80x64xf32, #tpu.memory_space<vmem>> -> memref<80x64xf32, #tpu.memory_space<vmem>>
    tpu.wait_dma2 semaphore(%dma_wait3A_437 : memref<!tpu.dma_semaphore, #tpu.memory_space<semaphore_mem>>) src(%dma_wait3A_443 : memref<80x64xf32, #tpu.memory_space<vmem>>) dst(%dma_wait3A_439 : memref<80x64xf32, #tpu.memory_space<hbm>>)
    %dma_start3A_444 = arith.constant 9 : i32
    %dma_start3A_445 = arith.constant 1 : i32
    %dma_start3A_446 = arith.constant 1 : i32
    %dma_start3A_447 = arith.constant 0 : i32
    %dma_start3A_448 = arith.constant 0 : i32
    %dma_start3A_449 = tpu.memref_slice %arg12[%dma_start3A_445, %dma_start3A_447, %dma_start3A_448] : memref<8x120x64xf32, #tpu.memory_space<vmem>> -> memref<1x80x64xf32, #tpu.memory_space<vmem>>
    %dma_start3A_450 = tpu.memref_squeeze %dma_start3A_449 : memref<1x80x64xf32, #tpu.memory_space<vmem>> -> memref<80x64xf32, #tpu.memory_space<vmem>>
    %dma_start3A_451 = arith.constant 0 : i32
    %dma_start3A_452 = tpu.memref_slice %arg11[%dma_start3A_444, %dma_start3A_451] : memref<10x80xi32, #tpu.memory_space<vmem>> -> memref<1x80xi32, #tpu.memory_space<vmem>>
    %dma_start3A_453 = tpu.memref_squeeze %dma_start3A_452 : memref<1x80xi32, #tpu.memory_space<vmem>> -> memref<80xi32, #tpu.memory_space<vmem>>
    %dma_start3A_454 = arith.constant 0 : i32
    %dma_start3A_455 = arith.constant 0 : i32
    %dma_start3A_456 = tpu.memref_slice %arg2[%dma_start3A_454, %dma_start3A_455] : memref<100000x64xf32, #tpu.memory_space<hbm>> -> memref<100000x64xf32, #tpu.memory_space<hbm>>
    %dma_start3A_457 = tpu.memref_slice %arg13[%dma_start3A_446] : memref<8x!tpu.dma_semaphore, #tpu.memory_space<semaphore_mem>> -> memref<1x!tpu.dma_semaphore, #tpu.memory_space<semaphore_mem>>
    %dma_start3A_458 = tpu.memref_squeeze %dma_start3A_457 : memref<1x!tpu.dma_semaphore, #tpu.memory_space<semaphore_mem>> -> memref<!tpu.dma_semaphore, #tpu.memory_space<semaphore_mem>>
    tpu.enqueue_indirect_dma source(%dma_start3A_456 : memref<100000x64xf32, #tpu.memory_space<hbm>>) target(%dma_start3A_450 : memref<80x64xf32, #tpu.memory_space<vmem>>) offsets(%dma_start3A_453 : memref<80xi32, #tpu.memory_space<vmem>>) semaphore(%dma_start3A_458 : memref<!tpu.dma_semaphore, #tpu.memory_space<semaphore_mem>>)
    %dma_wait3A_459 = arith.constant 6 : i32
    %dma_wait3A_460 = arith.constant 2 : i32
    %dma_wait3A_461 = arith.constant 2 : i32
    %dma_wait3A_462 = arith.constant 0 : i32
    %dma_wait3A_463 = arith.constant 0 : i32
    %dma_wait3A_464 = tpu.memref_slice %arg12[%dma_wait3A_460, %dma_wait3A_462, %dma_wait3A_463] : memref<8x120x64xf32, #tpu.memory_space<vmem>> -> memref<1x80x64xf32, #tpu.memory_space<vmem>>
    %dma_wait3A_465 = tpu.memref_squeeze %dma_wait3A_464 : memref<1x80x64xf32, #tpu.memory_space<vmem>> -> memref<80x64xf32, #tpu.memory_space<vmem>>
    %dma_wait3A_466 = arith.constant 0 : i32
    %dma_wait3A_467 = tpu.memref_slice %arg11[%dma_wait3A_459, %dma_wait3A_466] : memref<10x80xi32, #tpu.memory_space<vmem>> -> memref<1x80xi32, #tpu.memory_space<vmem>>
    %dma_wait3A_468 = tpu.memref_squeeze %dma_wait3A_467 : memref<1x80xi32, #tpu.memory_space<vmem>> -> memref<80xi32, #tpu.memory_space<vmem>>
    %dma_wait3A_469 = arith.constant 0 : i32
    %dma_wait3A_470 = arith.constant 0 : i32
    %dma_wait3A_471 = tpu.memref_slice %arg2[%dma_wait3A_469, %dma_wait3A_470] : memref<100000x64xf32, #tpu.memory_space<hbm>> -> memref<100000x64xf32, #tpu.memory_space<hbm>>
    %dma_wait3A_472 = tpu.memref_slice %arg13[%dma_wait3A_461] : memref<8x!tpu.dma_semaphore, #tpu.memory_space<semaphore_mem>> -> memref<1x!tpu.dma_semaphore, #tpu.memory_space<semaphore_mem>>
    %dma_wait3A_473 = tpu.memref_squeeze %dma_wait3A_472 : memref<1x!tpu.dma_semaphore, #tpu.memory_space<semaphore_mem>> -> memref<!tpu.dma_semaphore, #tpu.memory_space<semaphore_mem>>
    tpu.wait_indirect_dma semaphore(%dma_wait3A_473 : memref<!tpu.dma_semaphore, #tpu.memory_space<semaphore_mem>>) src(%dma_wait3A_471 : memref<100000x64xf32, #tpu.memory_space<hbm>>) dst(%dma_wait3A_465 : memref<80x64xf32, #tpu.memory_space<vmem>>)
    %add3A_474 = arith.constant 480 : i32
    %add3A_475 = arith.addi %mul3A_4, %add3A_474 : i32
    %dma_start3A_476 = arith.constant 2 : i32
    %dma_start3A_477 = arith.constant 2 : i32
    %dma_start3A_478 = arith.constant 0 : i32
    %dma_start3A_479 = arith.constant 0 : i32
    %dma_start3A_480 = tpu.memref_slice %arg12[%dma_start3A_476, %dma_start3A_478, %dma_start3A_479] : memref<8x120x64xf32, #tpu.memory_space<vmem>> -> memref<1x80x64xf32, #tpu.memory_space<vmem>>
    %dma_start3A_481 = tpu.memref_squeeze %dma_start3A_480 : memref<1x80x64xf32, #tpu.memory_space<vmem>> -> memref<80x64xf32, #tpu.memory_space<vmem>>
    %dma_start3A_482 = arith.constant 0 : i32
    %dma_start3A_483 = tpu.memref_slice %arg8[%add3A_475, %dma_start3A_482] : memref<25600x64xf32, #tpu.memory_space<hbm>> -> memref<80x64xf32, #tpu.memory_space<hbm>>
    %dma_start3A_484 = tpu.memref_slice %arg15[%dma_start3A_477] : memref<8x!tpu.dma_semaphore, #tpu.memory_space<semaphore_mem>> -> memref<1x!tpu.dma_semaphore, #tpu.memory_space<semaphore_mem>>
    %dma_start3A_485 = tpu.memref_squeeze %dma_start3A_484 : memref<1x!tpu.dma_semaphore, #tpu.memory_space<semaphore_mem>> -> memref<!tpu.dma_semaphore, #tpu.memory_space<semaphore_mem>>
    %dma_start3A_486 = arith.constant 0 : i32
    %dma_start3A_487 = tpu.memref_slice %arg8[%add3A_475, %dma_start3A_486] : memref<25600x64xf32, #tpu.memory_space<hbm>> -> memref<80x64xf32, #tpu.memory_space<hbm>>
    %dma_start3A_488 = arith.constant 0 : i32
    %dma_start3A_489 = arith.constant 0 : i32
    %dma_start3A_490 = tpu.memref_slice %arg12[%dma_start3A_476, %dma_start3A_488, %dma_start3A_489] : memref<8x120x64xf32, #tpu.memory_space<vmem>> -> memref<1x80x64xf32, #tpu.memory_space<vmem>>
    %dma_start3A_491 = tpu.memref_squeeze %dma_start3A_490 : memref<1x80x64xf32, #tpu.memory_space<vmem>> -> memref<80x64xf32, #tpu.memory_space<vmem>>
    tpu.enqueue_dma source(%dma_start3A_491 : memref<80x64xf32, #tpu.memory_space<vmem>>) target(%dma_start3A_487 : memref<80x64xf32, #tpu.memory_space<hbm>>) target_semaphore(%dma_start3A_485 : memref<!tpu.dma_semaphore, #tpu.memory_space<semaphore_mem>>)
    %dma_wait3A_492 = arith.constant 7 : i32
    %dma_wait3A_493 = arith.constant 3 : i32
    %dma_wait3A_494 = arith.constant 3 : i32
    %dma_wait3A_495 = arith.constant 0 : i32
    %dma_wait3A_496 = arith.constant 0 : i32
    %dma_wait3A_497 = tpu.memref_slice %arg12[%dma_wait3A_493, %dma_wait3A_495, %dma_wait3A_496] : memref<8x120x64xf32, #tpu.memory_space<vmem>> -> memref<1x80x64xf32, #tpu.memory_space<vmem>>
    %dma_wait3A_498 = tpu.memref_squeeze %dma_wait3A_497 : memref<1x80x64xf32, #tpu.memory_space<vmem>> -> memref<80x64xf32, #tpu.memory_space<vmem>>
    %dma_wait3A_499 = arith.constant 0 : i32
    %dma_wait3A_500 = tpu.memref_slice %arg11[%dma_wait3A_492, %dma_wait3A_499] : memref<10x80xi32, #tpu.memory_space<vmem>> -> memref<1x80xi32, #tpu.memory_space<vmem>>
    %dma_wait3A_501 = tpu.memref_squeeze %dma_wait3A_500 : memref<1x80xi32, #tpu.memory_space<vmem>> -> memref<80xi32, #tpu.memory_space<vmem>>
    %dma_wait3A_502 = arith.constant 0 : i32
    %dma_wait3A_503 = arith.constant 0 : i32
    %dma_wait3A_504 = tpu.memref_slice %arg2[%dma_wait3A_502, %dma_wait3A_503] : memref<100000x64xf32, #tpu.memory_space<hbm>> -> memref<100000x64xf32, #tpu.memory_space<hbm>>
    %dma_wait3A_505 = tpu.memref_slice %arg13[%dma_wait3A_494] : memref<8x!tpu.dma_semaphore, #tpu.memory_space<semaphore_mem>> -> memref<1x!tpu.dma_semaphore, #tpu.memory_space<semaphore_mem>>
    %dma_wait3A_506 = tpu.memref_squeeze %dma_wait3A_505 : memref<1x!tpu.dma_semaphore, #tpu.memory_space<semaphore_mem>> -> memref<!tpu.dma_semaphore, #tpu.memory_space<semaphore_mem>>
    tpu.wait_indirect_dma semaphore(%dma_wait3A_506 : memref<!tpu.dma_semaphore, #tpu.memory_space<semaphore_mem>>) src(%dma_wait3A_504 : memref<100000x64xf32, #tpu.memory_space<hbm>>) dst(%dma_wait3A_498 : memref<80x64xf32, #tpu.memory_space<vmem>>)
    %add3A_507 = arith.constant 560 : i32
    %add3A_508 = arith.addi %mul3A_4, %add3A_507 : i32
    %dma_start3A_509 = arith.constant 3 : i32
    %dma_start3A_510 = arith.constant 3 : i32
    %dma_start3A_511 = arith.constant 0 : i32
    %dma_start3A_512 = arith.constant 0 : i32
    %dma_start3A_513 = tpu.memref_slice %arg12[%dma_start3A_509, %dma_start3A_511, %dma_start3A_512] : memref<8x120x64xf32, #tpu.memory_space<vmem>> -> memref<1x80x64xf32, #tpu.memory_space<vmem>>
    %dma_start3A_514 = tpu.memref_squeeze %dma_start3A_513 : memref<1x80x64xf32, #tpu.memory_space<vmem>> -> memref<80x64xf32, #tpu.memory_space<vmem>>
    %dma_start3A_515 = arith.constant 0 : i32
    %dma_start3A_516 = tpu.memref_slice %arg8[%add3A_508, %dma_start3A_515] : memref<25600x64xf32, #tpu.memory_space<hbm>> -> memref<80x64xf32, #tpu.memory_space<hbm>>
    %dma_start3A_517 = tpu.memref_slice %arg15[%dma_start3A_510] : memref<8x!tpu.dma_semaphore, #tpu.memory_space<semaphore_mem>> -> memref<1x!tpu.dma_semaphore, #tpu.memory_space<semaphore_mem>>
    %dma_start3A_518 = tpu.memref_squeeze %dma_start3A_517 : memref<1x!tpu.dma_semaphore, #tpu.memory_space<semaphore_mem>> -> memref<!tpu.dma_semaphore, #tpu.memory_space<semaphore_mem>>
    %dma_start3A_519 = arith.constant 0 : i32
    %dma_start3A_520 = tpu.memref_slice %arg8[%add3A_508, %dma_start3A_519] : memref<25600x64xf32, #tpu.memory_space<hbm>> -> memref<80x64xf32, #tpu.memory_space<hbm>>
    %dma_start3A_521 = arith.constant 0 : i32
    %dma_start3A_522 = arith.constant 0 : i32
    %dma_start3A_523 = tpu.memref_slice %arg12[%dma_start3A_509, %dma_start3A_521, %dma_start3A_522] : memref<8x120x64xf32, #tpu.memory_space<vmem>> -> memref<1x80x64xf32, #tpu.memory_space<vmem>>
    %dma_start3A_524 = tpu.memref_squeeze %dma_start3A_523 : memref<1x80x64xf32, #tpu.memory_space<vmem>> -> memref<80x64xf32, #tpu.memory_space<vmem>>
    tpu.enqueue_dma source(%dma_start3A_524 : memref<80x64xf32, #tpu.memory_space<vmem>>) target(%dma_start3A_520 : memref<80x64xf32, #tpu.memory_space<hbm>>) target_semaphore(%dma_start3A_518 : memref<!tpu.dma_semaphore, #tpu.memory_space<semaphore_mem>>)
    %dma_wait3A_525 = arith.constant 8 : i32
    %dma_wait3A_526 = arith.constant 0 : i32
    %dma_wait3A_527 = arith.constant 0 : i32
    %dma_wait3A_528 = arith.constant 0 : i32
    %dma_wait3A_529 = arith.constant 0 : i32
    %dma_wait3A_530 = tpu.memref_slice %arg12[%dma_wait3A_526, %dma_wait3A_528, %dma_wait3A_529] : memref<8x120x64xf32, #tpu.memory_space<vmem>> -> memref<1x80x64xf32, #tpu.memory_space<vmem>>
    %dma_wait3A_531 = tpu.memref_squeeze %dma_wait3A_530 : memref<1x80x64xf32, #tpu.memory_space<vmem>> -> memref<80x64xf32, #tpu.memory_space<vmem>>
    %dma_wait3A_532 = arith.constant 0 : i32
    %dma_wait3A_533 = tpu.memref_slice %arg11[%dma_wait3A_525, %dma_wait3A_532] : memref<10x80xi32, #tpu.memory_space<vmem>> -> memref<1x80xi32, #tpu.memory_space<vmem>>
    %dma_wait3A_534 = tpu.memref_squeeze %dma_wait3A_533 : memref<1x80xi32, #tpu.memory_space<vmem>> -> memref<80xi32, #tpu.memory_space<vmem>>
    %dma_wait3A_535 = arith.constant 0 : i32
    %dma_wait3A_536 = arith.constant 0 : i32
    %dma_wait3A_537 = tpu.memref_slice %arg2[%dma_wait3A_535, %dma_wait3A_536] : memref<100000x64xf32, #tpu.memory_space<hbm>> -> memref<100000x64xf32, #tpu.memory_space<hbm>>
    %dma_wait3A_538 = tpu.memref_slice %arg13[%dma_wait3A_527] : memref<8x!tpu.dma_semaphore, #tpu.memory_space<semaphore_mem>> -> memref<1x!tpu.dma_semaphore, #tpu.memory_space<semaphore_mem>>
    %dma_wait3A_539 = tpu.memref_squeeze %dma_wait3A_538 : memref<1x!tpu.dma_semaphore, #tpu.memory_space<semaphore_mem>> -> memref<!tpu.dma_semaphore, #tpu.memory_space<semaphore_mem>>
    tpu.wait_indirect_dma semaphore(%dma_wait3A_539 : memref<!tpu.dma_semaphore, #tpu.memory_space<semaphore_mem>>) src(%dma_wait3A_537 : memref<100000x64xf32, #tpu.memory_space<hbm>>) dst(%dma_wait3A_531 : memref<80x64xf32, #tpu.memory_space<vmem>>)
    %add3A_540 = arith.constant 640 : i32
    %add3A_541 = arith.addi %mul3A_4, %add3A_540 : i32
    %dma_start3A_542 = arith.constant 0 : i32
    %dma_start3A_543 = arith.constant 0 : i32
    %dma_start3A_544 = arith.constant 0 : i32
    %dma_start3A_545 = arith.constant 0 : i32
    %dma_start3A_546 = tpu.memref_slice %arg12[%dma_start3A_542, %dma_start3A_544, %dma_start3A_545] : memref<8x120x64xf32, #tpu.memory_space<vmem>> -> memref<1x80x64xf32, #tpu.memory_space<vmem>>
    %dma_start3A_547 = tpu.memref_squeeze %dma_start3A_546 : memref<1x80x64xf32, #tpu.memory_space<vmem>> -> memref<80x64xf32, #tpu.memory_space<vmem>>
    %dma_start3A_548 = arith.constant 0 : i32
    %dma_start3A_549 = tpu.memref_slice %arg8[%add3A_541, %dma_start3A_548] : memref<25600x64xf32, #tpu.memory_space<hbm>> -> memref<80x64xf32, #tpu.memory_space<hbm>>
    %dma_start3A_550 = tpu.memref_slice %arg15[%dma_start3A_543] : memref<8x!tpu.dma_semaphore, #tpu.memory_space<semaphore_mem>> -> memref<1x!tpu.dma_semaphore, #tpu.memory_space<semaphore_mem>>
    %dma_start3A_551 = tpu.memref_squeeze %dma_start3A_550 : memref<1x!tpu.dma_semaphore, #tpu.memory_space<semaphore_mem>> -> memref<!tpu.dma_semaphore, #tpu.memory_space<semaphore_mem>>
    %dma_start3A_552 = arith.constant 0 : i32
    %dma_start3A_553 = tpu.memref_slice %arg8[%add3A_541, %dma_start3A_552] : memref<25600x64xf32, #tpu.memory_space<hbm>> -> memref<80x64xf32, #tpu.memory_space<hbm>>
    %dma_start3A_554 = arith.constant 0 : i32
    %dma_start3A_555 = arith.constant 0 : i32
    %dma_start3A_556 = tpu.memref_slice %arg12[%dma_start3A_542, %dma_start3A_554, %dma_start3A_555] : memref<8x120x64xf32, #tpu.memory_space<vmem>> -> memref<1x80x64xf32, #tpu.memory_space<vmem>>
    %dma_start3A_557 = tpu.memref_squeeze %dma_start3A_556 : memref<1x80x64xf32, #tpu.memory_space<vmem>> -> memref<80x64xf32, #tpu.memory_space<vmem>>
    tpu.enqueue_dma source(%dma_start3A_557 : memref<80x64xf32, #tpu.memory_space<vmem>>) target(%dma_start3A_553 : memref<80x64xf32, #tpu.memory_space<hbm>>) target_semaphore(%dma_start3A_551 : memref<!tpu.dma_semaphore, #tpu.memory_space<semaphore_mem>>)
    %dma_wait3A_558 = arith.constant 9 : i32
    %dma_wait3A_559 = arith.constant 1 : i32
    %dma_wait3A_560 = arith.constant 1 : i32
    %dma_wait3A_561 = arith.constant 0 : i32
    %dma_wait3A_562 = arith.constant 0 : i32
    %dma_wait3A_563 = tpu.memref_slice %arg12[%dma_wait3A_559, %dma_wait3A_561, %dma_wait3A_562] : memref<8x120x64xf32, #tpu.memory_space<vmem>> -> memref<1x80x64xf32, #tpu.memory_space<vmem>>
    %dma_wait3A_564 = tpu.memref_squeeze %dma_wait3A_563 : memref<1x80x64xf32, #tpu.memory_space<vmem>> -> memref<80x64xf32, #tpu.memory_space<vmem>>
    %dma_wait3A_565 = arith.constant 0 : i32
    %dma_wait3A_566 = tpu.memref_slice %arg11[%dma_wait3A_558, %dma_wait3A_565] : memref<10x80xi32, #tpu.memory_space<vmem>> -> memref<1x80xi32, #tpu.memory_space<vmem>>
    %dma_wait3A_567 = tpu.memref_squeeze %dma_wait3A_566 : memref<1x80xi32, #tpu.memory_space<vmem>> -> memref<80xi32, #tpu.memory_space<vmem>>
    %dma_wait3A_568 = arith.constant 0 : i32
    %dma_wait3A_569 = arith.constant 0 : i32
    %dma_wait3A_570 = tpu.memref_slice %arg2[%dma_wait3A_568, %dma_wait3A_569] : memref<100000x64xf32, #tpu.memory_space<hbm>> -> memref<100000x64xf32, #tpu.memory_space<hbm>>
    %dma_wait3A_571 = tpu.memref_slice %arg13[%dma_wait3A_560] : memref<8x!tpu.dma_semaphore, #tpu.memory_space<semaphore_mem>> -> memref<1x!tpu.dma_semaphore, #tpu.memory_space<semaphore_mem>>
    %dma_wait3A_572 = tpu.memref_squeeze %dma_wait3A_571 : memref<1x!tpu.dma_semaphore, #tpu.memory_space<semaphore_mem>> -> memref<!tpu.dma_semaphore, #tpu.memory_space<semaphore_mem>>
    tpu.wait_indirect_dma semaphore(%dma_wait3A_572 : memref<!tpu.dma_semaphore, #tpu.memory_space<semaphore_mem>>) src(%dma_wait3A_570 : memref<100000x64xf32, #tpu.memory_space<hbm>>) dst(%dma_wait3A_564 : memref<80x64xf32, #tpu.memory_space<vmem>>)
    %add3A_573 = arith.constant 720 : i32
    %add3A_574 = arith.addi %mul3A_4, %add3A_573 : i32
    %dma_start3A_575 = arith.constant 1 : i32
    %dma_start3A_576 = arith.constant 1 : i32
    %dma_start3A_577 = arith.constant 0 : i32
    %dma_start3A_578 = arith.constant 0 : i32
    %dma_start3A_579 = tpu.memref_slice %arg12[%dma_start3A_575, %dma_start3A_577, %dma_start3A_578] : memref<8x120x64xf32, #tpu.memory_space<vmem>> -> memref<1x80x64xf32, #tpu.memory_space<vmem>>
    %dma_start3A_580 = tpu.memref_squeeze %dma_start3A_579 : memref<1x80x64xf32, #tpu.memory_space<vmem>> -> memref<80x64xf32, #tpu.memory_space<vmem>>
    %dma_start3A_581 = arith.constant 0 : i32
    %dma_start3A_582 = tpu.memref_slice %arg8[%add3A_574, %dma_start3A_581] : memref<25600x64xf32, #tpu.memory_space<hbm>> -> memref<80x64xf32, #tpu.memory_space<hbm>>
    %dma_start3A_583 = tpu.memref_slice %arg15[%dma_start3A_576] : memref<8x!tpu.dma_semaphore, #tpu.memory_space<semaphore_mem>> -> memref<1x!tpu.dma_semaphore, #tpu.memory_space<semaphore_mem>>
    %dma_start3A_584 = tpu.memref_squeeze %dma_start3A_583 : memref<1x!tpu.dma_semaphore, #tpu.memory_space<semaphore_mem>> -> memref<!tpu.dma_semaphore, #tpu.memory_space<semaphore_mem>>
    %dma_start3A_585 = arith.constant 0 : i32
    %dma_start3A_586 = tpu.memref_slice %arg8[%add3A_574, %dma_start3A_585] : memref<25600x64xf32, #tpu.memory_space<hbm>> -> memref<80x64xf32, #tpu.memory_space<hbm>>
    %dma_start3A_587 = arith.constant 0 : i32
    %dma_start3A_588 = arith.constant 0 : i32
    %dma_start3A_589 = tpu.memref_slice %arg12[%dma_start3A_575, %dma_start3A_587, %dma_start3A_588] : memref<8x120x64xf32, #tpu.memory_space<vmem>> -> memref<1x80x64xf32, #tpu.memory_space<vmem>>
    %dma_start3A_590 = tpu.memref_squeeze %dma_start3A_589 : memref<1x80x64xf32, #tpu.memory_space<vmem>> -> memref<80x64xf32, #tpu.memory_space<vmem>>
    tpu.enqueue_dma source(%dma_start3A_590 : memref<80x64xf32, #tpu.memory_space<vmem>>) target(%dma_start3A_586 : memref<80x64xf32, #tpu.memory_space<hbm>>) target_semaphore(%dma_start3A_584 : memref<!tpu.dma_semaphore, #tpu.memory_space<semaphore_mem>>)
    %add3A_591 = arith.constant 480 : i32
    %add3A_592 = arith.addi %mul3A_4, %add3A_591 : i32
    %dma_wait3A_593 = arith.constant 2 : i32
    %dma_wait3A_594 = arith.constant 2 : i32
    %dma_wait3A_595 = arith.constant 0 : i32
    %dma_wait3A_596 = arith.constant 0 : i32
    %dma_wait3A_597 = tpu.memref_slice %arg12[%dma_wait3A_593, %dma_wait3A_595, %dma_wait3A_596] : memref<8x120x64xf32, #tpu.memory_space<vmem>> -> memref<1x80x64xf32, #tpu.memory_space<vmem>>
    %dma_wait3A_598 = tpu.memref_squeeze %dma_wait3A_597 : memref<1x80x64xf32, #tpu.memory_space<vmem>> -> memref<80x64xf32, #tpu.memory_space<vmem>>
    %dma_wait3A_599 = arith.constant 0 : i32
    %dma_wait3A_600 = tpu.memref_slice %arg8[%add3A_592, %dma_wait3A_599] : memref<25600x64xf32, #tpu.memory_space<hbm>> -> memref<80x64xf32, #tpu.memory_space<hbm>>
    %dma_wait3A_601 = tpu.memref_slice %arg15[%dma_wait3A_594] : memref<8x!tpu.dma_semaphore, #tpu.memory_space<semaphore_mem>> -> memref<1x!tpu.dma_semaphore, #tpu.memory_space<semaphore_mem>>
    %dma_wait3A_602 = tpu.memref_squeeze %dma_wait3A_601 : memref<1x!tpu.dma_semaphore, #tpu.memory_space<semaphore_mem>> -> memref<!tpu.dma_semaphore, #tpu.memory_space<semaphore_mem>>
    %dma_wait3A_603 = arith.constant 0 : i32
    %dma_wait3A_604 = tpu.memref_slice %arg8[%add3A_592, %dma_wait3A_603] : memref<25600x64xf32, #tpu.memory_space<hbm>> -> memref<80x64xf32, #tpu.memory_space<hbm>>
    %dma_wait3A_605 = arith.constant 0 : i32
    %dma_wait3A_606 = arith.constant 0 : i32
    %dma_wait3A_607 = tpu.memref_slice %arg12[%dma_wait3A_593, %dma_wait3A_605, %dma_wait3A_606] : memref<8x120x64xf32, #tpu.memory_space<vmem>> -> memref<1x80x64xf32, #tpu.memory_space<vmem>>
    %dma_wait3A_608 = tpu.memref_squeeze %dma_wait3A_607 : memref<1x80x64xf32, #tpu.memory_space<vmem>> -> memref<80x64xf32, #tpu.memory_space<vmem>>
    tpu.wait_dma2 semaphore(%dma_wait3A_602 : memref<!tpu.dma_semaphore, #tpu.memory_space<semaphore_mem>>) src(%dma_wait3A_608 : memref<80x64xf32, #tpu.memory_space<vmem>>) dst(%dma_wait3A_604 : memref<80x64xf32, #tpu.memory_space<hbm>>)
    %add3A_609 = arith.constant 560 : i32
    %add3A_610 = arith.addi %mul3A_4, %add3A_609 : i32
    %dma_wait3A_611 = arith.constant 3 : i32
    %dma_wait3A_612 = arith.constant 3 : i32
    %dma_wait3A_613 = arith.constant 0 : i32
    %dma_wait3A_614 = arith.constant 0 : i32
    %dma_wait3A_615 = tpu.memref_slice %arg12[%dma_wait3A_611, %dma_wait3A_613, %dma_wait3A_614] : memref<8x120x64xf32, #tpu.memory_space<vmem>> -> memref<1x80x64xf32, #tpu.memory_space<vmem>>
    %dma_wait3A_616 = tpu.memref_squeeze %dma_wait3A_615 : memref<1x80x64xf32, #tpu.memory_space<vmem>> -> memref<80x64xf32, #tpu.memory_space<vmem>>
    %dma_wait3A_617 = arith.constant 0 : i32
    %dma_wait3A_618 = tpu.memref_slice %arg8[%add3A_610, %dma_wait3A_617] : memref<25600x64xf32, #tpu.memory_space<hbm>> -> memref<80x64xf32, #tpu.memory_space<hbm>>
    %dma_wait3A_619 = tpu.memref_slice %arg15[%dma_wait3A_612] : memref<8x!tpu.dma_semaphore, #tpu.memory_space<semaphore_mem>> -> memref<1x!tpu.dma_semaphore, #tpu.memory_space<semaphore_mem>>
    %dma_wait3A_620 = tpu.memref_squeeze %dma_wait3A_619 : memref<1x!tpu.dma_semaphore, #tpu.memory_space<semaphore_mem>> -> memref<!tpu.dma_semaphore, #tpu.memory_space<semaphore_mem>>
    %dma_wait3A_621 = arith.constant 0 : i32
    %dma_wait3A_622 = tpu.memref_slice %arg8[%add3A_610, %dma_wait3A_621] : memref<25600x64xf32, #tpu.memory_space<hbm>> -> memref<80x64xf32, #tpu.memory_space<hbm>>
    %dma_wait3A_623 = arith.constant 0 : i32
    %dma_wait3A_624 = arith.constant 0 : i32
    %dma_wait3A_625 = tpu.memref_slice %arg12[%dma_wait3A_611, %dma_wait3A_623, %dma_wait3A_624] : memref<8x120x64xf32, #tpu.memory_space<vmem>> -> memref<1x80x64xf32, #tpu.memory_space<vmem>>
    %dma_wait3A_626 = tpu.memref_squeeze %dma_wait3A_625 : memref<1x80x64xf32, #tpu.memory_space<vmem>> -> memref<80x64xf32, #tpu.memory_space<vmem>>
    tpu.wait_dma2 semaphore(%dma_wait3A_620 : memref<!tpu.dma_semaphore, #tpu.memory_space<semaphore_mem>>) src(%dma_wait3A_626 : memref<80x64xf32, #tpu.memory_space<vmem>>) dst(%dma_wait3A_622 : memref<80x64xf32, #tpu.memory_space<hbm>>)
    %add3A_627 = arith.constant 640 : i32
    %add3A_628 = arith.addi %mul3A_4, %add3A_627 : i32
    %dma_wait3A_629 = arith.constant 0 : i32
    %dma_wait3A_630 = arith.constant 0 : i32
    %dma_wait3A_631 = arith.constant 0 : i32
    %dma_wait3A_632 = arith.constant 0 : i32
    %dma_wait3A_633 = tpu.memref_slice %arg12[%dma_wait3A_629, %dma_wait3A_631, %dma_wait3A_632] : memref<8x120x64xf32, #tpu.memory_space<vmem>> -> memref<1x80x64xf32, #tpu.memory_space<vmem>>
    %dma_wait3A_634 = tpu.memref_squeeze %dma_wait3A_633 : memref<1x80x64xf32, #tpu.memory_space<vmem>> -> memref<80x64xf32, #tpu.memory_space<vmem>>
    %dma_wait3A_635 = arith.constant 0 : i32
    %dma_wait3A_636 = tpu.memref_slice %arg8[%add3A_628, %dma_wait3A_635] : memref<25600x64xf32, #tpu.memory_space<hbm>> -> memref<80x64xf32, #tpu.memory_space<hbm>>
    %dma_wait3A_637 = tpu.memref_slice %arg15[%dma_wait3A_630] : memref<8x!tpu.dma_semaphore, #tpu.memory_space<semaphore_mem>> -> memref<1x!tpu.dma_semaphore, #tpu.memory_space<semaphore_mem>>
    %dma_wait3A_638 = tpu.memref_squeeze %dma_wait3A_637 : memref<1x!tpu.dma_semaphore, #tpu.memory_space<semaphore_mem>> -> memref<!tpu.dma_semaphore, #tpu.memory_space<semaphore_mem>>
    %dma_wait3A_639 = arith.constant 0 : i32
    %dma_wait3A_640 = tpu.memref_slice %arg8[%add3A_628, %dma_wait3A_639] : memref<25600x64xf32, #tpu.memory_space<hbm>> -> memref<80x64xf32, #tpu.memory_space<hbm>>
    %dma_wait3A_641 = arith.constant 0 : i32
    %dma_wait3A_642 = arith.constant 0 : i32
    %dma_wait3A_643 = tpu.memref_slice %arg12[%dma_wait3A_629, %dma_wait3A_641, %dma_wait3A_642] : memref<8x120x64xf32, #tpu.memory_space<vmem>> -> memref<1x80x64xf32, #tpu.memory_space<vmem>>
    %dma_wait3A_644 = tpu.memref_squeeze %dma_wait3A_643 : memref<1x80x64xf32, #tpu.memory_space<vmem>> -> memref<80x64xf32, #tpu.memory_space<vmem>>
    tpu.wait_dma2 semaphore(%dma_wait3A_638 : memref<!tpu.dma_semaphore, #tpu.memory_space<semaphore_mem>>) src(%dma_wait3A_644 : memref<80x64xf32, #tpu.memory_space<vmem>>) dst(%dma_wait3A_640 : memref<80x64xf32, #tpu.memory_space<hbm>>)
    %add3A_645 = arith.constant 720 : i32
    %add3A_646 = arith.addi %mul3A_4, %add3A_645 : i32
    %dma_wait3A_647 = arith.constant 1 : i32
    %dma_wait3A_648 = arith.constant 1 : i32
    %dma_wait3A_649 = arith.constant 0 : i32
    %dma_wait3A_650 = arith.constant 0 : i32
    %dma_wait3A_651 = tpu.memref_slice %arg12[%dma_wait3A_647, %dma_wait3A_649, %dma_wait3A_650] : memref<8x120x64xf32, #tpu.memory_space<vmem>> -> memref<1x80x64xf32, #tpu.memory_space<vmem>>
    %dma_wait3A_652 = tpu.memref_squeeze %dma_wait3A_651 : memref<1x80x64xf32, #tpu.memory_space<vmem>> -> memref<80x64xf32, #tpu.memory_space<vmem>>
    %dma_wait3A_653 = arith.constant 0 : i32
    %dma_wait3A_654 = tpu.memref_slice %arg8[%add3A_646, %dma_wait3A_653] : memref<25600x64xf32, #tpu.memory_space<hbm>> -> memref<80x64xf32, #tpu.memory_space<hbm>>
    %dma_wait3A_655 = tpu.memref_slice %arg15[%dma_wait3A_648] : memref<8x!tpu.dma_semaphore, #tpu.memory_space<semaphore_mem>> -> memref<1x!tpu.dma_semaphore, #tpu.memory_space<semaphore_mem>>
    %dma_wait3A_656 = tpu.memref_squeeze %dma_wait3A_655 : memref<1x!tpu.dma_semaphore, #tpu.memory_space<semaphore_mem>> -> memref<!tpu.dma_semaphore, #tpu.memory_space<semaphore_mem>>
    %dma_wait3A_657 = arith.constant 0 : i32
    %dma_wait3A_658 = tpu.memref_slice %arg8[%add3A_646, %dma_wait3A_657] : memref<25600x64xf32, #tpu.memory_space<hbm>> -> memref<80x64xf32, #tpu.memory_space<hbm>>
    %dma_wait3A_659 = arith.constant 0 : i32
    %dma_wait3A_660 = arith.constant 0 : i32
    %dma_wait3A_661 = tpu.memref_slice %arg12[%dma_wait3A_647, %dma_wait3A_659, %dma_wait3A_660] : memref<8x120x64xf32, #tpu.memory_space<vmem>> -> memref<1x80x64xf32, #tpu.memory_space<vmem>>
    %dma_wait3A_662 = tpu.memref_squeeze %dma_wait3A_661 : memref<1x80x64xf32, #tpu.memory_space<vmem>> -> memref<80x64xf32, #tpu.memory_space<vmem>>
    tpu.wait_dma2 semaphore(%dma_wait3A_656 : memref<!tpu.dma_semaphore, #tpu.memory_space<semaphore_mem>>) src(%dma_wait3A_662 : memref<80x64xf32, #tpu.memory_space<vmem>>) dst(%dma_wait3A_658 : memref<80x64xf32, #tpu.memory_space<hbm>>)
    %dma_start3A_663 = arith.constant 0 : i32
    %dma_start3A_664 = arith.constant 0 : i32
    %dma_start3A_665 = arith.constant 0 : i32
    %dma_start3A_666 = arith.constant 0 : i32
    %dma_start3A_667 = arith.constant 0 : i32
    %dma_start3A_668 = tpu.memref_slice %arg12[%dma_start3A_664, %dma_start3A_666, %dma_start3A_667] : memref<8x120x64xf32, #tpu.memory_space<vmem>> -> memref<1x120x64xf32, #tpu.memory_space<vmem>>
    %dma_start3A_669 = tpu.memref_squeeze %dma_start3A_668 : memref<1x120x64xf32, #tpu.memory_space<vmem>> -> memref<120x64xf32, #tpu.memory_space<vmem>>
    %dma_start3A_670 = arith.constant 0 : i32
    %dma_start3A_671 = tpu.memref_slice %arg9[%dma_start3A_663, %dma_start3A_670] : memref<80x120xi32, #tpu.memory_space<vmem>> -> memref<1x120xi32, #tpu.memory_space<vmem>>
    %dma_start3A_672 = tpu.memref_squeeze %dma_start3A_671 : memref<1x120xi32, #tpu.memory_space<vmem>> -> memref<120xi32, #tpu.memory_space<vmem>>
    %dma_start3A_673 = arith.constant 0 : i32
    %dma_start3A_674 = arith.constant 0 : i32
    %dma_start3A_675 = tpu.memref_slice %arg2[%dma_start3A_673, %dma_start3A_674] : memref<100000x64xf32, #tpu.memory_space<hbm>> -> memref<100000x64xf32, #tpu.memory_space<hbm>>
    %dma_start3A_676 = tpu.memref_slice %arg13[%dma_start3A_665] : memref<8x!tpu.dma_semaphore, #tpu.memory_space<semaphore_mem>> -> memref<1x!tpu.dma_semaphore, #tpu.memory_space<semaphore_mem>>
    %dma_start3A_677 = tpu.memref_squeeze %dma_start3A_676 : memref<1x!tpu.dma_semaphore, #tpu.memory_space<semaphore_mem>> -> memref<!tpu.dma_semaphore, #tpu.memory_space<semaphore_mem>>
    tpu.enqueue_indirect_dma source(%dma_start3A_675 : memref<100000x64xf32, #tpu.memory_space<hbm>>) target(%dma_start3A_669 : memref<120x64xf32, #tpu.memory_space<vmem>>) offsets(%dma_start3A_672 : memref<120xi32, #tpu.memory_space<vmem>>) semaphore(%dma_start3A_677 : memref<!tpu.dma_semaphore, #tpu.memory_space<semaphore_mem>>)
    %dma_start3A_678 = arith.constant 1 : i32
    %dma_start3A_679 = arith.constant 1 : i32
    %dma_start3A_680 = arith.constant 1 : i32
    %dma_start3A_681 = arith.constant 0 : i32
    %dma_start3A_682 = arith.constant 0 : i32
    %dma_start3A_683 = tpu.memref_slice %arg12[%dma_start3A_679, %dma_start3A_681, %dma_start3A_682] : memref<8x120x64xf32, #tpu.memory_space<vmem>> -> memref<1x120x64xf32, #tpu.memory_space<vmem>>
    %dma_start3A_684 = tpu.memref_squeeze %dma_start3A_683 : memref<1x120x64xf32, #tpu.memory_space<vmem>> -> memref<120x64xf32, #tpu.memory_space<vmem>>
    %dma_start3A_685 = arith.constant 0 : i32
    %dma_start3A_686 = tpu.memref_slice %arg9[%dma_start3A_678, %dma_start3A_685] : memref<80x120xi32, #tpu.memory_space<vmem>> -> memref<1x120xi32, #tpu.memory_space<vmem>>
    %dma_start3A_687 = tpu.memref_squeeze %dma_start3A_686 : memref<1x120xi32, #tpu.memory_space<vmem>> -> memref<120xi32, #tpu.memory_space<vmem>>
    %dma_start3A_688 = arith.constant 0 : i32
    %dma_start3A_689 = arith.constant 0 : i32
    %dma_start3A_690 = tpu.memref_slice %arg2[%dma_start3A_688, %dma_start3A_689] : memref<100000x64xf32, #tpu.memory_space<hbm>> -> memref<100000x64xf32, #tpu.memory_space<hbm>>
    %dma_start3A_691 = tpu.memref_slice %arg13[%dma_start3A_680] : memref<8x!tpu.dma_semaphore, #tpu.memory_space<semaphore_mem>> -> memref<1x!tpu.dma_semaphore, #tpu.memory_space<semaphore_mem>>
    %dma_start3A_692 = tpu.memref_squeeze %dma_start3A_691 : memref<1x!tpu.dma_semaphore, #tpu.memory_space<semaphore_mem>> -> memref<!tpu.dma_semaphore, #tpu.memory_space<semaphore_mem>>
    tpu.enqueue_indirect_dma source(%dma_start3A_690 : memref<100000x64xf32, #tpu.memory_space<hbm>>) target(%dma_start3A_684 : memref<120x64xf32, #tpu.memory_space<vmem>>) offsets(%dma_start3A_687 : memref<120xi32, #tpu.memory_space<vmem>>) semaphore(%dma_start3A_692 : memref<!tpu.dma_semaphore, #tpu.memory_space<semaphore_mem>>)
    %dma_start3A_693 = arith.constant 2 : i32
    %dma_start3A_694 = arith.constant 2 : i32
    %dma_start3A_695 = arith.constant 2 : i32
    %dma_start3A_696 = arith.constant 0 : i32
    %dma_start3A_697 = arith.constant 0 : i32
    %dma_start3A_698 = tpu.memref_slice %arg12[%dma_start3A_694, %dma_start3A_696, %dma_start3A_697] : memref<8x120x64xf32, #tpu.memory_space<vmem>> -> memref<1x120x64xf32, #tpu.memory_space<vmem>>
    %dma_start3A_699 = tpu.memref_squeeze %dma_start3A_698 : memref<1x120x64xf32, #tpu.memory_space<vmem>> -> memref<120x64xf32, #tpu.memory_space<vmem>>
    %dma_start3A_700 = arith.constant 0 : i32
    %dma_start3A_701 = tpu.memref_slice %arg9[%dma_start3A_693, %dma_start3A_700] : memref<80x120xi32, #tpu.memory_space<vmem>> -> memref<1x120xi32, #tpu.memory_space<vmem>>
    %dma_start3A_702 = tpu.memref_squeeze %dma_start3A_701 : memref<1x120xi32, #tpu.memory_space<vmem>> -> memref<120xi32, #tpu.memory_space<vmem>>
    %dma_start3A_703 = arith.constant 0 : i32
    %dma_start3A_704 = arith.constant 0 : i32
    %dma_start3A_705 = tpu.memref_slice %arg2[%dma_start3A_703, %dma_start3A_704] : memref<100000x64xf32, #tpu.memory_space<hbm>> -> memref<100000x64xf32, #tpu.memory_space<hbm>>
    %dma_start3A_706 = tpu.memref_slice %arg13[%dma_start3A_695] : memref<8x!tpu.dma_semaphore, #tpu.memory_space<semaphore_mem>> -> memref<1x!tpu.dma_semaphore, #tpu.memory_space<semaphore_mem>>
    %dma_start3A_707 = tpu.memref_squeeze %dma_start3A_706 : memref<1x!tpu.dma_semaphore, #tpu.memory_space<semaphore_mem>> -> memref<!tpu.dma_semaphore, #tpu.memory_space<semaphore_mem>>
    tpu.enqueue_indirect_dma source(%dma_start3A_705 : memref<100000x64xf32, #tpu.memory_space<hbm>>) target(%dma_start3A_699 : memref<120x64xf32, #tpu.memory_space<vmem>>) offsets(%dma_start3A_702 : memref<120xi32, #tpu.memory_space<vmem>>) semaphore(%dma_start3A_707 : memref<!tpu.dma_semaphore, #tpu.memory_space<semaphore_mem>>)
    %dma_start3A_708 = arith.constant 3 : i32
    %dma_start3A_709 = arith.constant 3 : i32
    %dma_start3A_710 = arith.constant 3 : i32
    %dma_start3A_711 = arith.constant 0 : i32
    %dma_start3A_712 = arith.constant 0 : i32
    %dma_start3A_713 = tpu.memref_slice %arg12[%dma_start3A_709, %dma_start3A_711, %dma_start3A_712] : memref<8x120x64xf32, #tpu.memory_space<vmem>> -> memref<1x120x64xf32, #tpu.memory_space<vmem>>
    %dma_start3A_714 = tpu.memref_squeeze %dma_start3A_713 : memref<1x120x64xf32, #tpu.memory_space<vmem>> -> memref<120x64xf32, #tpu.memory_space<vmem>>
    %dma_start3A_715 = arith.constant 0 : i32
    %dma_start3A_716 = tpu.memref_slice %arg9[%dma_start3A_708, %dma_start3A_715] : memref<80x120xi32, #tpu.memory_space<vmem>> -> memref<1x120xi32, #tpu.memory_space<vmem>>
    %dma_start3A_717 = tpu.memref_squeeze %dma_start3A_716 : memref<1x120xi32, #tpu.memory_space<vmem>> -> memref<120xi32, #tpu.memory_space<vmem>>
    %dma_start3A_718 = arith.constant 0 : i32
    %dma_start3A_719 = arith.constant 0 : i32
    %dma_start3A_720 = tpu.memref_slice %arg2[%dma_start3A_718, %dma_start3A_719] : memref<100000x64xf32, #tpu.memory_space<hbm>> -> memref<100000x64xf32, #tpu.memory_space<hbm>>
    %dma_start3A_721 = tpu.memref_slice %arg13[%dma_start3A_710] : memref<8x!tpu.dma_semaphore, #tpu.memory_space<semaphore_mem>> -> memref<1x!tpu.dma_semaphore, #tpu.memory_space<semaphore_mem>>
    %dma_start3A_722 = tpu.memref_squeeze %dma_start3A_721 : memref<1x!tpu.dma_semaphore, #tpu.memory_space<semaphore_mem>> -> memref<!tpu.dma_semaphore, #tpu.memory_space<semaphore_mem>>
    tpu.enqueue_indirect_dma source(%dma_start3A_720 : memref<100000x64xf32, #tpu.memory_space<hbm>>) target(%dma_start3A_714 : memref<120x64xf32, #tpu.memory_space<vmem>>) offsets(%dma_start3A_717 : memref<120xi32, #tpu.memory_space<vmem>>) semaphore(%dma_start3A_722 : memref<!tpu.dma_semaphore, #tpu.memory_space<semaphore_mem>>)
    %dma_start3A_723 = arith.constant 4 : i32
    %dma_start3A_724 = arith.constant 4 : i32
    %dma_start3A_725 = arith.constant 4 : i32
    %dma_start3A_726 = arith.constant 0 : i32
    %dma_start3A_727 = arith.constant 0 : i32
    %dma_start3A_728 = tpu.memref_slice %arg12[%dma_start3A_724, %dma_start3A_726, %dma_start3A_727] : memref<8x120x64xf32, #tpu.memory_space<vmem>> -> memref<1x120x64xf32, #tpu.memory_space<vmem>>
    %dma_start3A_729 = tpu.memref_squeeze %dma_start3A_728 : memref<1x120x64xf32, #tpu.memory_space<vmem>> -> memref<120x64xf32, #tpu.memory_space<vmem>>
    %dma_start3A_730 = arith.constant 0 : i32
    %dma_start3A_731 = tpu.memref_slice %arg9[%dma_start3A_723, %dma_start3A_730] : memref<80x120xi32, #tpu.memory_space<vmem>> -> memref<1x120xi32, #tpu.memory_space<vmem>>
    %dma_start3A_732 = tpu.memref_squeeze %dma_start3A_731 : memref<1x120xi32, #tpu.memory_space<vmem>> -> memref<120xi32, #tpu.memory_space<vmem>>
    %dma_start3A_733 = arith.constant 0 : i32
    %dma_start3A_734 = arith.constant 0 : i32
    %dma_start3A_735 = tpu.memref_slice %arg2[%dma_start3A_733, %dma_start3A_734] : memref<100000x64xf32, #tpu.memory_space<hbm>> -> memref<100000x64xf32, #tpu.memory_space<hbm>>
    %dma_start3A_736 = tpu.memref_slice %arg13[%dma_start3A_725] : memref<8x!tpu.dma_semaphore, #tpu.memory_space<semaphore_mem>> -> memref<1x!tpu.dma_semaphore, #tpu.memory_space<semaphore_mem>>
    %dma_start3A_737 = tpu.memref_squeeze %dma_start3A_736 : memref<1x!tpu.dma_semaphore, #tpu.memory_space<semaphore_mem>> -> memref<!tpu.dma_semaphore, #tpu.memory_space<semaphore_mem>>
    tpu.enqueue_indirect_dma source(%dma_start3A_735 : memref<100000x64xf32, #tpu.memory_space<hbm>>) target(%dma_start3A_729 : memref<120x64xf32, #tpu.memory_space<vmem>>) offsets(%dma_start3A_732 : memref<120xi32, #tpu.memory_space<vmem>>) semaphore(%dma_start3A_737 : memref<!tpu.dma_semaphore, #tpu.memory_space<semaphore_mem>>)
    %dma_start3A_738 = arith.constant 5 : i32
    %dma_start3A_739 = arith.constant 5 : i32
    %dma_start3A_740 = arith.constant 5 : i32
    %dma_start3A_741 = arith.constant 0 : i32
    %dma_start3A_742 = arith.constant 0 : i32
    %dma_start3A_743 = tpu.memref_slice %arg12[%dma_start3A_739, %dma_start3A_741, %dma_start3A_742] : memref<8x120x64xf32, #tpu.memory_space<vmem>> -> memref<1x120x64xf32, #tpu.memory_space<vmem>>
    %dma_start3A_744 = tpu.memref_squeeze %dma_start3A_743 : memref<1x120x64xf32, #tpu.memory_space<vmem>> -> memref<120x64xf32, #tpu.memory_space<vmem>>
    %dma_start3A_745 = arith.constant 0 : i32
    %dma_start3A_746 = tpu.memref_slice %arg9[%dma_start3A_738, %dma_start3A_745] : memref<80x120xi32, #tpu.memory_space<vmem>> -> memref<1x120xi32, #tpu.memory_space<vmem>>
    %dma_start3A_747 = tpu.memref_squeeze %dma_start3A_746 : memref<1x120xi32, #tpu.memory_space<vmem>> -> memref<120xi32, #tpu.memory_space<vmem>>
    %dma_start3A_748 = arith.constant 0 : i32
    %dma_start3A_749 = arith.constant 0 : i32
    %dma_start3A_750 = tpu.memref_slice %arg2[%dma_start3A_748, %dma_start3A_749] : memref<100000x64xf32, #tpu.memory_space<hbm>> -> memref<100000x64xf32, #tpu.memory_space<hbm>>
    %dma_start3A_751 = tpu.memref_slice %arg13[%dma_start3A_740] : memref<8x!tpu.dma_semaphore, #tpu.memory_space<semaphore_mem>> -> memref<1x!tpu.dma_semaphore, #tpu.memory_space<semaphore_mem>>
    %dma_start3A_752 = tpu.memref_squeeze %dma_start3A_751 : memref<1x!tpu.dma_semaphore, #tpu.memory_space<semaphore_mem>> -> memref<!tpu.dma_semaphore, #tpu.memory_space<semaphore_mem>>
    tpu.enqueue_indirect_dma source(%dma_start3A_750 : memref<100000x64xf32, #tpu.memory_space<hbm>>) target(%dma_start3A_744 : memref<120x64xf32, #tpu.memory_space<vmem>>) offsets(%dma_start3A_747 : memref<120xi32, #tpu.memory_space<vmem>>) semaphore(%dma_start3A_752 : memref<!tpu.dma_semaphore, #tpu.memory_space<semaphore_mem>>)
    %dma_start3A_753 = arith.constant 6 : i32
    %dma_start3A_754 = arith.constant 6 : i32
    %dma_start3A_755 = arith.constant 6 : i32
    %dma_start3A_756 = arith.constant 0 : i32
    %dma_start3A_757 = arith.constant 0 : i32
    %dma_start3A_758 = tpu.memref_slice %arg12[%dma_start3A_754, %dma_start3A_756, %dma_start3A_757] : memref<8x120x64xf32, #tpu.memory_space<vmem>> -> memref<1x120x64xf32, #tpu.memory_space<vmem>>
    %dma_start3A_759 = tpu.memref_squeeze %dma_start3A_758 : memref<1x120x64xf32, #tpu.memory_space<vmem>> -> memref<120x64xf32, #tpu.memory_space<vmem>>
    %dma_start3A_760 = arith.constant 0 : i32
    %dma_start3A_761 = tpu.memref_slice %arg9[%dma_start3A_753, %dma_start3A_760] : memref<80x120xi32, #tpu.memory_space<vmem>> -> memref<1x120xi32, #tpu.memory_space<vmem>>
    %dma_start3A_762 = tpu.memref_squeeze %dma_start3A_761 : memref<1x120xi32, #tpu.memory_space<vmem>> -> memref<120xi32, #tpu.memory_space<vmem>>
    %dma_start3A_763 = arith.constant 0 : i32
    %dma_start3A_764 = arith.constant 0 : i32
    %dma_start3A_765 = tpu.memref_slice %arg2[%dma_start3A_763, %dma_start3A_764] : memref<100000x64xf32, #tpu.memory_space<hbm>> -> memref<100000x64xf32, #tpu.memory_space<hbm>>
    %dma_start3A_766 = tpu.memref_slice %arg13[%dma_start3A_755] : memref<8x!tpu.dma_semaphore, #tpu.memory_space<semaphore_mem>> -> memref<1x!tpu.dma_semaphore, #tpu.memory_space<semaphore_mem>>
    %dma_start3A_767 = tpu.memref_squeeze %dma_start3A_766 : memref<1x!tpu.dma_semaphore, #tpu.memory_space<semaphore_mem>> -> memref<!tpu.dma_semaphore, #tpu.memory_space<semaphore_mem>>
    tpu.enqueue_indirect_dma source(%dma_start3A_765 : memref<100000x64xf32, #tpu.memory_space<hbm>>) target(%dma_start3A_759 : memref<120x64xf32, #tpu.memory_space<vmem>>) offsets(%dma_start3A_762 : memref<120xi32, #tpu.memory_space<vmem>>) semaphore(%dma_start3A_767 : memref<!tpu.dma_semaphore, #tpu.memory_space<semaphore_mem>>)
    %dma_start3A_768 = arith.constant 7 : i32
    %dma_start3A_769 = arith.constant 7 : i32
    %dma_start3A_770 = arith.constant 7 : i32
    %dma_start3A_771 = arith.constant 0 : i32
    %dma_start3A_772 = arith.constant 0 : i32
    %dma_start3A_773 = tpu.memref_slice %arg12[%dma_start3A_769, %dma_start3A_771, %dma_start3A_772] : memref<8x120x64xf32, #tpu.memory_space<vmem>> -> memref<1x120x64xf32, #tpu.memory_space<vmem>>
    %dma_start3A_774 = tpu.memref_squeeze %dma_start3A_773 : memref<1x120x64xf32, #tpu.memory_space<vmem>> -> memref<120x64xf32, #tpu.memory_space<vmem>>
    %dma_start3A_775 = arith.constant 0 : i32
    %dma_start3A_776 = tpu.memref_slice %arg9[%dma_start3A_768, %dma_start3A_775] : memref<80x120xi32, #tpu.memory_space<vmem>> -> memref<1x120xi32, #tpu.memory_space<vmem>>
    %dma_start3A_777 = tpu.memref_squeeze %dma_start3A_776 : memref<1x120xi32, #tpu.memory_space<vmem>> -> memref<120xi32, #tpu.memory_space<vmem>>
    %dma_start3A_778 = arith.constant 0 : i32
    %dma_start3A_779 = arith.constant 0 : i32
    %dma_start3A_780 = tpu.memref_slice %arg2[%dma_start3A_778, %dma_start3A_779] : memref<100000x64xf32, #tpu.memory_space<hbm>> -> memref<100000x64xf32, #tpu.memory_space<hbm>>
    %dma_start3A_781 = tpu.memref_slice %arg13[%dma_start3A_770] : memref<8x!tpu.dma_semaphore, #tpu.memory_space<semaphore_mem>> -> memref<1x!tpu.dma_semaphore, #tpu.memory_space<semaphore_mem>>
    %dma_start3A_782 = tpu.memref_squeeze %dma_start3A_781 : memref<1x!tpu.dma_semaphore, #tpu.memory_space<semaphore_mem>> -> memref<!tpu.dma_semaphore, #tpu.memory_space<semaphore_mem>>
    tpu.enqueue_indirect_dma source(%dma_start3A_780 : memref<100000x64xf32, #tpu.memory_space<hbm>>) target(%dma_start3A_774 : memref<120x64xf32, #tpu.memory_space<vmem>>) offsets(%dma_start3A_777 : memref<120xi32, #tpu.memory_space<vmem>>) semaphore(%dma_start3A_782 : memref<!tpu.dma_semaphore, #tpu.memory_space<semaphore_mem>>)
    %scan3A = arith.constant 0 : i32
    %scan3A_783 = arith.constant 0 : i32
    %scan3A_784 = arith.constant 10 : i32
    %scan3A_785 = arith.addi %scan3A_783, %scan3A_784 : i32
    %scan3A_786 = arith.constant 1 : i32
    %scan3A_787 = scf.for %scan3A_789 = %scan3A_783 to %scan3A_785 step %scan3A_786 iter_args(%scan3A_790 = %scan3A) -> (i32)  : i32 {
      %mul3A_791 = arith.constant 8 : i32
      %mul3A_792 = arith.muli %scan3A_789, %mul3A_791 : i32
      %add3A_793 = arith.constant 0 : i32
      %add3A_794 = arith.addi %mul3A_792, %add3A_793 : i32
      %dma_wait3A_795 = arith.constant 0 : i32
      %dma_wait3A_796 = arith.constant 0 : i32
      %dma_wait3A_797 = arith.constant 0 : i32
      %dma_wait3A_798 = arith.constant 0 : i32
      %dma_wait3A_799 = tpu.memref_slice %arg12[%dma_wait3A_795, %dma_wait3A_797, %dma_wait3A_798] : memref<8x120x64xf32, #tpu.memory_space<vmem>> -> memref<1x120x64xf32, #tpu.memory_space<vmem>>
      %dma_wait3A_800 = tpu.memref_squeeze %dma_wait3A_799 : memref<1x120x64xf32, #tpu.memory_space<vmem>> -> memref<120x64xf32, #tpu.memory_space<vmem>>
      %dma_wait3A_801 = arith.constant 0 : i32
      %dma_wait3A_802 = tpu.memref_slice %arg9[%add3A_794, %dma_wait3A_801] : memref<80x120xi32, #tpu.memory_space<vmem>> -> memref<1x120xi32, #tpu.memory_space<vmem>>
      %dma_wait3A_803 = tpu.memref_squeeze %dma_wait3A_802 : memref<1x120xi32, #tpu.memory_space<vmem>> -> memref<120xi32, #tpu.memory_space<vmem>>
      %dma_wait3A_804 = arith.constant 0 : i32
      %dma_wait3A_805 = arith.constant 0 : i32
      %dma_wait3A_806 = tpu.memref_slice %arg2[%dma_wait3A_804, %dma_wait3A_805] : memref<100000x64xf32, #tpu.memory_space<hbm>> -> memref<100000x64xf32, #tpu.memory_space<hbm>>
      %dma_wait3A_807 = tpu.memref_slice %arg13[%dma_wait3A_796] : memref<8x!tpu.dma_semaphore, #tpu.memory_space<semaphore_mem>> -> memref<1x!tpu.dma_semaphore, #tpu.memory_space<semaphore_mem>>
      %dma_wait3A_808 = tpu.memref_squeeze %dma_wait3A_807 : memref<1x!tpu.dma_semaphore, #tpu.memory_space<semaphore_mem>> -> memref<!tpu.dma_semaphore, #tpu.memory_space<semaphore_mem>>
      tpu.wait_indirect_dma semaphore(%dma_wait3A_808 : memref<!tpu.dma_semaphore, #tpu.memory_space<semaphore_mem>>) src(%dma_wait3A_806 : memref<100000x64xf32, #tpu.memory_space<hbm>>) dst(%dma_wait3A_800 : memref<120x64xf32, #tpu.memory_space<vmem>>)
      %dma_start3A_809 = arith.constant 0 : i32
      %dma_start3A_810 = arith.constant 0 : i32
      %dma_start3A_811 = arith.constant 0 : i32
      %dma_start3A_812 = arith.constant 0 : i32
      %dma_start3A_813 = tpu.memref_slice %arg12[%dma_start3A_809, %dma_start3A_811, %dma_start3A_812] : memref<8x120x64xf32, #tpu.memory_space<vmem>> -> memref<1x120x64xf32, #tpu.memory_space<vmem>>
      %dma_start3A_814 = tpu.memref_squeeze %dma_start3A_813 : memref<1x120x64xf32, #tpu.memory_space<vmem>> -> memref<120x64xf32, #tpu.memory_space<vmem>>
      %dma_start3A_815 = arith.constant 0 : i32
      %dma_start3A_816 = tpu.memref_slice %arg10[%add3A_794, %dma_start3A_815] : memref<80x120xi32, #tpu.memory_space<vmem>> -> memref<1x120xi32, #tpu.memory_space<vmem>>
      %dma_start3A_817 = tpu.memref_squeeze %dma_start3A_816 : memref<1x120xi32, #tpu.memory_space<vmem>> -> memref<120xi32, #tpu.memory_space<vmem>>
      %dma_start3A_818 = arith.constant 0 : i32
      %dma_start3A_819 = arith.constant 0 : i32
      %dma_start3A_820 = tpu.memref_slice %arg3[%dma_start3A_818, %dma_start3A_819] : memref<40000x64xf32, #tpu.memory_space<hbm>> -> memref<40000x64xf32, #tpu.memory_space<hbm>>
      %dma_start3A_821 = tpu.memref_slice %arg14[%dma_start3A_810] : memref<8x!tpu.dma_semaphore, #tpu.memory_space<semaphore_mem>> -> memref<1x!tpu.dma_semaphore, #tpu.memory_space<semaphore_mem>>
      %dma_start3A_822 = tpu.memref_squeeze %dma_start3A_821 : memref<1x!tpu.dma_semaphore, #tpu.memory_space<semaphore_mem>> -> memref<!tpu.dma_semaphore, #tpu.memory_space<semaphore_mem>>
      tpu.enqueue_indirect_dma source(%dma_start3A_820 : memref<40000x64xf32, #tpu.memory_space<hbm>>) target(%dma_start3A_814 : memref<120x64xf32, #tpu.memory_space<vmem>>) offsets(%dma_start3A_817 : memref<120xi32, #tpu.memory_space<vmem>>) semaphore(%dma_start3A_822 : memref<!tpu.dma_semaphore, #tpu.memory_space<semaphore_mem>>) {add = true}
      %mul3A_823 = arith.constant 8 : i32
      %mul3A_824 = arith.muli %scan3A_789, %mul3A_823 : i32
      %add3A_825 = arith.constant 1 : i32
      %add3A_826 = arith.addi %mul3A_824, %add3A_825 : i32
      %dma_wait3A_827 = arith.constant 1 : i32
      %dma_wait3A_828 = arith.constant 1 : i32
      %dma_wait3A_829 = arith.constant 0 : i32
      %dma_wait3A_830 = arith.constant 0 : i32
      %dma_wait3A_831 = tpu.memref_slice %arg12[%dma_wait3A_827, %dma_wait3A_829, %dma_wait3A_830] : memref<8x120x64xf32, #tpu.memory_space<vmem>> -> memref<1x120x64xf32, #tpu.memory_space<vmem>>
      %dma_wait3A_832 = tpu.memref_squeeze %dma_wait3A_831 : memref<1x120x64xf32, #tpu.memory_space<vmem>> -> memref<120x64xf32, #tpu.memory_space<vmem>>
      %dma_wait3A_833 = arith.constant 0 : i32
      %dma_wait3A_834 = tpu.memref_slice %arg9[%add3A_826, %dma_wait3A_833] : memref<80x120xi32, #tpu.memory_space<vmem>> -> memref<1x120xi32, #tpu.memory_space<vmem>>
      %dma_wait3A_835 = tpu.memref_squeeze %dma_wait3A_834 : memref<1x120xi32, #tpu.memory_space<vmem>> -> memref<120xi32, #tpu.memory_space<vmem>>
      %dma_wait3A_836 = arith.constant 0 : i32
      %dma_wait3A_837 = arith.constant 0 : i32
      %dma_wait3A_838 = tpu.memref_slice %arg2[%dma_wait3A_836, %dma_wait3A_837] : memref<100000x64xf32, #tpu.memory_space<hbm>> -> memref<100000x64xf32, #tpu.memory_space<hbm>>
      %dma_wait3A_839 = tpu.memref_slice %arg13[%dma_wait3A_828] : memref<8x!tpu.dma_semaphore, #tpu.memory_space<semaphore_mem>> -> memref<1x!tpu.dma_semaphore, #tpu.memory_space<semaphore_mem>>
      %dma_wait3A_840 = tpu.memref_squeeze %dma_wait3A_839 : memref<1x!tpu.dma_semaphore, #tpu.memory_space<semaphore_mem>> -> memref<!tpu.dma_semaphore, #tpu.memory_space<semaphore_mem>>
      tpu.wait_indirect_dma semaphore(%dma_wait3A_840 : memref<!tpu.dma_semaphore, #tpu.memory_space<semaphore_mem>>) src(%dma_wait3A_838 : memref<100000x64xf32, #tpu.memory_space<hbm>>) dst(%dma_wait3A_832 : memref<120x64xf32, #tpu.memory_space<vmem>>)
      %dma_start3A_841 = arith.constant 1 : i32
      %dma_start3A_842 = arith.constant 1 : i32
      %dma_start3A_843 = arith.constant 0 : i32
      %dma_start3A_844 = arith.constant 0 : i32
      %dma_start3A_845 = tpu.memref_slice %arg12[%dma_start3A_841, %dma_start3A_843, %dma_start3A_844] : memref<8x120x64xf32, #tpu.memory_space<vmem>> -> memref<1x120x64xf32, #tpu.memory_space<vmem>>
      %dma_start3A_846 = tpu.memref_squeeze %dma_start3A_845 : memref<1x120x64xf32, #tpu.memory_space<vmem>> -> memref<120x64xf32, #tpu.memory_space<vmem>>
      %dma_start3A_847 = arith.constant 0 : i32
      %dma_start3A_848 = tpu.memref_slice %arg10[%add3A_826, %dma_start3A_847] : memref<80x120xi32, #tpu.memory_space<vmem>> -> memref<1x120xi32, #tpu.memory_space<vmem>>
      %dma_start3A_849 = tpu.memref_squeeze %dma_start3A_848 : memref<1x120xi32, #tpu.memory_space<vmem>> -> memref<120xi32, #tpu.memory_space<vmem>>
      %dma_start3A_850 = arith.constant 0 : i32
      %dma_start3A_851 = arith.constant 0 : i32
      %dma_start3A_852 = tpu.memref_slice %arg3[%dma_start3A_850, %dma_start3A_851] : memref<40000x64xf32, #tpu.memory_space<hbm>> -> memref<40000x64xf32, #tpu.memory_space<hbm>>
      %dma_start3A_853 = tpu.memref_slice %arg14[%dma_start3A_842] : memref<8x!tpu.dma_semaphore, #tpu.memory_space<semaphore_mem>> -> memref<1x!tpu.dma_semaphore, #tpu.memory_space<semaphore_mem>>
      %dma_start3A_854 = tpu.memref_squeeze %dma_start3A_853 : memref<1x!tpu.dma_semaphore, #tpu.memory_space<semaphore_mem>> -> memref<!tpu.dma_semaphore, #tpu.memory_space<semaphore_mem>>
      tpu.enqueue_indirect_dma source(%dma_start3A_852 : memref<40000x64xf32, #tpu.memory_space<hbm>>) target(%dma_start3A_846 : memref<120x64xf32, #tpu.memory_space<vmem>>) offsets(%dma_start3A_849 : memref<120xi32, #tpu.memory_space<vmem>>) semaphore(%dma_start3A_854 : memref<!tpu.dma_semaphore, #tpu.memory_space<semaphore_mem>>) {add = true}
      %mul3A_855 = arith.constant 8 : i32
      %mul3A_856 = arith.muli %scan3A_789, %mul3A_855 : i32
      %add3A_857 = arith.constant 2 : i32
      %add3A_858 = arith.addi %mul3A_856, %add3A_857 : i32
      %dma_wait3A_859 = arith.constant 2 : i32
      %dma_wait3A_860 = arith.constant 2 : i32
      %dma_wait3A_861 = arith.constant 0 : i32
      %dma_wait3A_862 = arith.constant 0 : i32
      %dma_wait3A_863 = tpu.memref_slice %arg12[%dma_wait3A_859, %dma_wait3A_861, %dma_wait3A_862] : memref<8x120x64xf32, #tpu.memory_space<vmem>> -> memref<1x120x64xf32, #tpu.memory_space<vmem>>
      %dma_wait3A_864 = tpu.memref_squeeze %dma_wait3A_863 : memref<1x120x64xf32, #tpu.memory_space<vmem>> -> memref<120x64xf32, #tpu.memory_space<vmem>>
      %dma_wait3A_865 = arith.constant 0 : i32
      %dma_wait3A_866 = tpu.memref_slice %arg9[%add3A_858, %dma_wait3A_865] : memref<80x120xi32, #tpu.memory_space<vmem>> -> memref<1x120xi32, #tpu.memory_space<vmem>>
      %dma_wait3A_867 = tpu.memref_squeeze %dma_wait3A_866 : memref<1x120xi32, #tpu.memory_space<vmem>> -> memref<120xi32, #tpu.memory_space<vmem>>
      %dma_wait3A_868 = arith.constant 0 : i32
      %dma_wait3A_869 = arith.constant 0 : i32
      %dma_wait3A_870 = tpu.memref_slice %arg2[%dma_wait3A_868, %dma_wait3A_869] : memref<100000x64xf32, #tpu.memory_space<hbm>> -> memref<100000x64xf32, #tpu.memory_space<hbm>>
      %dma_wait3A_871 = tpu.memref_slice %arg13[%dma_wait3A_860] : memref<8x!tpu.dma_semaphore, #tpu.memory_space<semaphore_mem>> -> memref<1x!tpu.dma_semaphore, #tpu.memory_space<semaphore_mem>>
      %dma_wait3A_872 = tpu.memref_squeeze %dma_wait3A_871 : memref<1x!tpu.dma_semaphore, #tpu.memory_space<semaphore_mem>> -> memref<!tpu.dma_semaphore, #tpu.memory_space<semaphore_mem>>
      tpu.wait_indirect_dma semaphore(%dma_wait3A_872 : memref<!tpu.dma_semaphore, #tpu.memory_space<semaphore_mem>>) src(%dma_wait3A_870 : memref<100000x64xf32, #tpu.memory_space<hbm>>) dst(%dma_wait3A_864 : memref<120x64xf32, #tpu.memory_space<vmem>>)
      %dma_start3A_873 = arith.constant 2 : i32
      %dma_start3A_874 = arith.constant 2 : i32
      %dma_start3A_875 = arith.constant 0 : i32
      %dma_start3A_876 = arith.constant 0 : i32
      %dma_start3A_877 = tpu.memref_slice %arg12[%dma_start3A_873, %dma_start3A_875, %dma_start3A_876] : memref<8x120x64xf32, #tpu.memory_space<vmem>> -> memref<1x120x64xf32, #tpu.memory_space<vmem>>
      %dma_start3A_878 = tpu.memref_squeeze %dma_start3A_877 : memref<1x120x64xf32, #tpu.memory_space<vmem>> -> memref<120x64xf32, #tpu.memory_space<vmem>>
      %dma_start3A_879 = arith.constant 0 : i32
      %dma_start3A_880 = tpu.memref_slice %arg10[%add3A_858, %dma_start3A_879] : memref<80x120xi32, #tpu.memory_space<vmem>> -> memref<1x120xi32, #tpu.memory_space<vmem>>
      %dma_start3A_881 = tpu.memref_squeeze %dma_start3A_880 : memref<1x120xi32, #tpu.memory_space<vmem>> -> memref<120xi32, #tpu.memory_space<vmem>>
      %dma_start3A_882 = arith.constant 0 : i32
      %dma_start3A_883 = arith.constant 0 : i32
      %dma_start3A_884 = tpu.memref_slice %arg3[%dma_start3A_882, %dma_start3A_883] : memref<40000x64xf32, #tpu.memory_space<hbm>> -> memref<40000x64xf32, #tpu.memory_space<hbm>>
      %dma_start3A_885 = tpu.memref_slice %arg14[%dma_start3A_874] : memref<8x!tpu.dma_semaphore, #tpu.memory_space<semaphore_mem>> -> memref<1x!tpu.dma_semaphore, #tpu.memory_space<semaphore_mem>>
      %dma_start3A_886 = tpu.memref_squeeze %dma_start3A_885 : memref<1x!tpu.dma_semaphore, #tpu.memory_space<semaphore_mem>> -> memref<!tpu.dma_semaphore, #tpu.memory_space<semaphore_mem>>
      tpu.enqueue_indirect_dma source(%dma_start3A_884 : memref<40000x64xf32, #tpu.memory_space<hbm>>) target(%dma_start3A_878 : memref<120x64xf32, #tpu.memory_space<vmem>>) offsets(%dma_start3A_881 : memref<120xi32, #tpu.memory_space<vmem>>) semaphore(%dma_start3A_886 : memref<!tpu.dma_semaphore, #tpu.memory_space<semaphore_mem>>) {add = true}
      %mul3A_887 = arith.constant 8 : i32
      %mul3A_888 = arith.muli %scan3A_789, %mul3A_887 : i32
      %add3A_889 = arith.constant 3 : i32
      %add3A_890 = arith.addi %mul3A_888, %add3A_889 : i32
      %dma_wait3A_891 = arith.constant 3 : i32
      %dma_wait3A_892 = arith.constant 3 : i32
      %dma_wait3A_893 = arith.constant 0 : i32
      %dma_wait3A_894 = arith.constant 0 : i32
      %dma_wait3A_895 = tpu.memref_slice %arg12[%dma_wait3A_891, %dma_wait3A_893, %dma_wait3A_894] : memref<8x120x64xf32, #tpu.memory_space<vmem>> -> memref<1x120x64xf32, #tpu.memory_space<vmem>>
      %dma_wait3A_896 = tpu.memref_squeeze %dma_wait3A_895 : memref<1x120x64xf32, #tpu.memory_space<vmem>> -> memref<120x64xf32, #tpu.memory_space<vmem>>
      %dma_wait3A_897 = arith.constant 0 : i32
      %dma_wait3A_898 = tpu.memref_slice %arg9[%add3A_890, %dma_wait3A_897] : memref<80x120xi32, #tpu.memory_space<vmem>> -> memref<1x120xi32, #tpu.memory_space<vmem>>
      %dma_wait3A_899 = tpu.memref_squeeze %dma_wait3A_898 : memref<1x120xi32, #tpu.memory_space<vmem>> -> memref<120xi32, #tpu.memory_space<vmem>>
      %dma_wait3A_900 = arith.constant 0 : i32
      %dma_wait3A_901 = arith.constant 0 : i32
      %dma_wait3A_902 = tpu.memref_slice %arg2[%dma_wait3A_900, %dma_wait3A_901] : memref<100000x64xf32, #tpu.memory_space<hbm>> -> memref<100000x64xf32, #tpu.memory_space<hbm>>
      %dma_wait3A_903 = tpu.memref_slice %arg13[%dma_wait3A_892] : memref<8x!tpu.dma_semaphore, #tpu.memory_space<semaphore_mem>> -> memref<1x!tpu.dma_semaphore, #tpu.memory_space<semaphore_mem>>
      %dma_wait3A_904 = tpu.memref_squeeze %dma_wait3A_903 : memref<1x!tpu.dma_semaphore, #tpu.memory_space<semaphore_mem>> -> memref<!tpu.dma_semaphore, #tpu.memory_space<semaphore_mem>>
      tpu.wait_indirect_dma semaphore(%dma_wait3A_904 : memref<!tpu.dma_semaphore, #tpu.memory_space<semaphore_mem>>) src(%dma_wait3A_902 : memref<100000x64xf32, #tpu.memory_space<hbm>>) dst(%dma_wait3A_896 : memref<120x64xf32, #tpu.memory_space<vmem>>)
      %dma_start3A_905 = arith.constant 3 : i32
      %dma_start3A_906 = arith.constant 3 : i32
      %dma_start3A_907 = arith.constant 0 : i32
      %dma_start3A_908 = arith.constant 0 : i32
      %dma_start3A_909 = tpu.memref_slice %arg12[%dma_start3A_905, %dma_start3A_907, %dma_start3A_908] : memref<8x120x64xf32, #tpu.memory_space<vmem>> -> memref<1x120x64xf32, #tpu.memory_space<vmem>>
      %dma_start3A_910 = tpu.memref_squeeze %dma_start3A_909 : memref<1x120x64xf32, #tpu.memory_space<vmem>> -> memref<120x64xf32, #tpu.memory_space<vmem>>
      %dma_start3A_911 = arith.constant 0 : i32
      %dma_start3A_912 = tpu.memref_slice %arg10[%add3A_890, %dma_start3A_911] : memref<80x120xi32, #tpu.memory_space<vmem>> -> memref<1x120xi32, #tpu.memory_space<vmem>>
      %dma_start3A_913 = tpu.memref_squeeze %dma_start3A_912 : memref<1x120xi32, #tpu.memory_space<vmem>> -> memref<120xi32, #tpu.memory_space<vmem>>
      %dma_start3A_914 = arith.constant 0 : i32
      %dma_start3A_915 = arith.constant 0 : i32
      %dma_start3A_916 = tpu.memref_slice %arg3[%dma_start3A_914, %dma_start3A_915] : memref<40000x64xf32, #tpu.memory_space<hbm>> -> memref<40000x64xf32, #tpu.memory_space<hbm>>
      %dma_start3A_917 = tpu.memref_slice %arg14[%dma_start3A_906] : memref<8x!tpu.dma_semaphore, #tpu.memory_space<semaphore_mem>> -> memref<1x!tpu.dma_semaphore, #tpu.memory_space<semaphore_mem>>
      %dma_start3A_918 = tpu.memref_squeeze %dma_start3A_917 : memref<1x!tpu.dma_semaphore, #tpu.memory_space<semaphore_mem>> -> memref<!tpu.dma_semaphore, #tpu.memory_space<semaphore_mem>>
      tpu.enqueue_indirect_dma source(%dma_start3A_916 : memref<40000x64xf32, #tpu.memory_space<hbm>>) target(%dma_start3A_910 : memref<120x64xf32, #tpu.memory_space<vmem>>) offsets(%dma_start3A_913 : memref<120xi32, #tpu.memory_space<vmem>>) semaphore(%dma_start3A_918 : memref<!tpu.dma_semaphore, #tpu.memory_space<semaphore_mem>>) {add = true}
      %mul3A_919 = arith.constant 8 : i32
      %mul3A_920 = arith.muli %scan3A_789, %mul3A_919 : i32
      %add3A_921 = arith.constant 4 : i32
      %add3A_922 = arith.addi %mul3A_920, %add3A_921 : i32
      %dma_wait3A_923 = arith.constant 4 : i32
      %dma_wait3A_924 = arith.constant 4 : i32
      %dma_wait3A_925 = arith.constant 0 : i32
      %dma_wait3A_926 = arith.constant 0 : i32
      %dma_wait3A_927 = tpu.memref_slice %arg12[%dma_wait3A_923, %dma_wait3A_925, %dma_wait3A_926] : memref<8x120x64xf32, #tpu.memory_space<vmem>> -> memref<1x120x64xf32, #tpu.memory_space<vmem>>
      %dma_wait3A_928 = tpu.memref_squeeze %dma_wait3A_927 : memref<1x120x64xf32, #tpu.memory_space<vmem>> -> memref<120x64xf32, #tpu.memory_space<vmem>>
      %dma_wait3A_929 = arith.constant 0 : i32
      %dma_wait3A_930 = tpu.memref_slice %arg9[%add3A_922, %dma_wait3A_929] : memref<80x120xi32, #tpu.memory_space<vmem>> -> memref<1x120xi32, #tpu.memory_space<vmem>>
      %dma_wait3A_931 = tpu.memref_squeeze %dma_wait3A_930 : memref<1x120xi32, #tpu.memory_space<vmem>> -> memref<120xi32, #tpu.memory_space<vmem>>
      %dma_wait3A_932 = arith.constant 0 : i32
      %dma_wait3A_933 = arith.constant 0 : i32
      %dma_wait3A_934 = tpu.memref_slice %arg2[%dma_wait3A_932, %dma_wait3A_933] : memref<100000x64xf32, #tpu.memory_space<hbm>> -> memref<100000x64xf32, #tpu.memory_space<hbm>>
      %dma_wait3A_935 = tpu.memref_slice %arg13[%dma_wait3A_924] : memref<8x!tpu.dma_semaphore, #tpu.memory_space<semaphore_mem>> -> memref<1x!tpu.dma_semaphore, #tpu.memory_space<semaphore_mem>>
      %dma_wait3A_936 = tpu.memref_squeeze %dma_wait3A_935 : memref<1x!tpu.dma_semaphore, #tpu.memory_space<semaphore_mem>> -> memref<!tpu.dma_semaphore, #tpu.memory_space<semaphore_mem>>
      tpu.wait_indirect_dma semaphore(%dma_wait3A_936 : memref<!tpu.dma_semaphore, #tpu.memory_space<semaphore_mem>>) src(%dma_wait3A_934 : memref<100000x64xf32, #tpu.memory_space<hbm>>) dst(%dma_wait3A_928 : memref<120x64xf32, #tpu.memory_space<vmem>>)
      %dma_start3A_937 = arith.constant 4 : i32
      %dma_start3A_938 = arith.constant 4 : i32
      %dma_start3A_939 = arith.constant 0 : i32
      %dma_start3A_940 = arith.constant 0 : i32
      %dma_start3A_941 = tpu.memref_slice %arg12[%dma_start3A_937, %dma_start3A_939, %dma_start3A_940] : memref<8x120x64xf32, #tpu.memory_space<vmem>> -> memref<1x120x64xf32, #tpu.memory_space<vmem>>
      %dma_start3A_942 = tpu.memref_squeeze %dma_start3A_941 : memref<1x120x64xf32, #tpu.memory_space<vmem>> -> memref<120x64xf32, #tpu.memory_space<vmem>>
      %dma_start3A_943 = arith.constant 0 : i32
      %dma_start3A_944 = tpu.memref_slice %arg10[%add3A_922, %dma_start3A_943] : memref<80x120xi32, #tpu.memory_space<vmem>> -> memref<1x120xi32, #tpu.memory_space<vmem>>
      %dma_start3A_945 = tpu.memref_squeeze %dma_start3A_944 : memref<1x120xi32, #tpu.memory_space<vmem>> -> memref<120xi32, #tpu.memory_space<vmem>>
      %dma_start3A_946 = arith.constant 0 : i32
      %dma_start3A_947 = arith.constant 0 : i32
      %dma_start3A_948 = tpu.memref_slice %arg3[%dma_start3A_946, %dma_start3A_947] : memref<40000x64xf32, #tpu.memory_space<hbm>> -> memref<40000x64xf32, #tpu.memory_space<hbm>>
      %dma_start3A_949 = tpu.memref_slice %arg14[%dma_start3A_938] : memref<8x!tpu.dma_semaphore, #tpu.memory_space<semaphore_mem>> -> memref<1x!tpu.dma_semaphore, #tpu.memory_space<semaphore_mem>>
      %dma_start3A_950 = tpu.memref_squeeze %dma_start3A_949 : memref<1x!tpu.dma_semaphore, #tpu.memory_space<semaphore_mem>> -> memref<!tpu.dma_semaphore, #tpu.memory_space<semaphore_mem>>
      tpu.enqueue_indirect_dma source(%dma_start3A_948 : memref<40000x64xf32, #tpu.memory_space<hbm>>) target(%dma_start3A_942 : memref<120x64xf32, #tpu.memory_space<vmem>>) offsets(%dma_start3A_945 : memref<120xi32, #tpu.memory_space<vmem>>) semaphore(%dma_start3A_950 : memref<!tpu.dma_semaphore, #tpu.memory_space<semaphore_mem>>) {add = true}
      %mul3A_951 = arith.constant 8 : i32
      %mul3A_952 = arith.muli %scan3A_789, %mul3A_951 : i32
      %add3A_953 = arith.constant 5 : i32
      %add3A_954 = arith.addi %mul3A_952, %add3A_953 : i32
      %dma_wait3A_955 = arith.constant 5 : i32
      %dma_wait3A_956 = arith.constant 5 : i32
      %dma_wait3A_957 = arith.constant 0 : i32
      %dma_wait3A_958 = arith.constant 0 : i32
      %dma_wait3A_959 = tpu.memref_slice %arg12[%dma_wait3A_955, %dma_wait3A_957, %dma_wait3A_958] : memref<8x120x64xf32, #tpu.memory_space<vmem>> -> memref<1x120x64xf32, #tpu.memory_space<vmem>>
      %dma_wait3A_960 = tpu.memref_squeeze %dma_wait3A_959 : memref<1x120x64xf32, #tpu.memory_space<vmem>> -> memref<120x64xf32, #tpu.memory_space<vmem>>
      %dma_wait3A_961 = arith.constant 0 : i32
      %dma_wait3A_962 = tpu.memref_slice %arg9[%add3A_954, %dma_wait3A_961] : memref<80x120xi32, #tpu.memory_space<vmem>> -> memref<1x120xi32, #tpu.memory_space<vmem>>
      %dma_wait3A_963 = tpu.memref_squeeze %dma_wait3A_962 : memref<1x120xi32, #tpu.memory_space<vmem>> -> memref<120xi32, #tpu.memory_space<vmem>>
      %dma_wait3A_964 = arith.constant 0 : i32
      %dma_wait3A_965 = arith.constant 0 : i32
      %dma_wait3A_966 = tpu.memref_slice %arg2[%dma_wait3A_964, %dma_wait3A_965] : memref<100000x64xf32, #tpu.memory_space<hbm>> -> memref<100000x64xf32, #tpu.memory_space<hbm>>
      %dma_wait3A_967 = tpu.memref_slice %arg13[%dma_wait3A_956] : memref<8x!tpu.dma_semaphore, #tpu.memory_space<semaphore_mem>> -> memref<1x!tpu.dma_semaphore, #tpu.memory_space<semaphore_mem>>
      %dma_wait3A_968 = tpu.memref_squeeze %dma_wait3A_967 : memref<1x!tpu.dma_semaphore, #tpu.memory_space<semaphore_mem>> -> memref<!tpu.dma_semaphore, #tpu.memory_space<semaphore_mem>>
      tpu.wait_indirect_dma semaphore(%dma_wait3A_968 : memref<!tpu.dma_semaphore, #tpu.memory_space<semaphore_mem>>) src(%dma_wait3A_966 : memref<100000x64xf32, #tpu.memory_space<hbm>>) dst(%dma_wait3A_960 : memref<120x64xf32, #tpu.memory_space<vmem>>)
      %dma_start3A_969 = arith.constant 5 : i32
      %dma_start3A_970 = arith.constant 5 : i32
      %dma_start3A_971 = arith.constant 0 : i32
      %dma_start3A_972 = arith.constant 0 : i32
      %dma_start3A_973 = tpu.memref_slice %arg12[%dma_start3A_969, %dma_start3A_971, %dma_start3A_972] : memref<8x120x64xf32, #tpu.memory_space<vmem>> -> memref<1x120x64xf32, #tpu.memory_space<vmem>>
      %dma_start3A_974 = tpu.memref_squeeze %dma_start3A_973 : memref<1x120x64xf32, #tpu.memory_space<vmem>> -> memref<120x64xf32, #tpu.memory_space<vmem>>
      %dma_start3A_975 = arith.constant 0 : i32
      %dma_start3A_976 = tpu.memref_slice %arg10[%add3A_954, %dma_start3A_975] : memref<80x120xi32, #tpu.memory_space<vmem>> -> memref<1x120xi32, #tpu.memory_space<vmem>>
      %dma_start3A_977 = tpu.memref_squeeze %dma_start3A_976 : memref<1x120xi32, #tpu.memory_space<vmem>> -> memref<120xi32, #tpu.memory_space<vmem>>
      %dma_start3A_978 = arith.constant 0 : i32
      %dma_start3A_979 = arith.constant 0 : i32
      %dma_start3A_980 = tpu.memref_slice %arg3[%dma_start3A_978, %dma_start3A_979] : memref<40000x64xf32, #tpu.memory_space<hbm>> -> memref<40000x64xf32, #tpu.memory_space<hbm>>
      %dma_start3A_981 = tpu.memref_slice %arg14[%dma_start3A_970] : memref<8x!tpu.dma_semaphore, #tpu.memory_space<semaphore_mem>> -> memref<1x!tpu.dma_semaphore, #tpu.memory_space<semaphore_mem>>
      %dma_start3A_982 = tpu.memref_squeeze %dma_start3A_981 : memref<1x!tpu.dma_semaphore, #tpu.memory_space<semaphore_mem>> -> memref<!tpu.dma_semaphore, #tpu.memory_space<semaphore_mem>>
      tpu.enqueue_indirect_dma source(%dma_start3A_980 : memref<40000x64xf32, #tpu.memory_space<hbm>>) target(%dma_start3A_974 : memref<120x64xf32, #tpu.memory_space<vmem>>) offsets(%dma_start3A_977 : memref<120xi32, #tpu.memory_space<vmem>>) semaphore(%dma_start3A_982 : memref<!tpu.dma_semaphore, #tpu.memory_space<semaphore_mem>>) {add = true}
      %mul3A_983 = arith.constant 8 : i32
      %mul3A_984 = arith.muli %scan3A_789, %mul3A_983 : i32
      %add3A_985 = arith.constant 6 : i32
      %add3A_986 = arith.addi %mul3A_984, %add3A_985 : i32
      %dma_wait3A_987 = arith.constant 6 : i32
      %dma_wait3A_988 = arith.constant 6 : i32
      %dma_wait3A_989 = arith.constant 0 : i32
      %dma_wait3A_990 = arith.constant 0 : i32
      %dma_wait3A_991 = tpu.memref_slice %arg12[%dma_wait3A_987, %dma_wait3A_989, %dma_wait3A_990] : memref<8x120x64xf32, #tpu.memory_space<vmem>> -> memref<1x120x64xf32, #tpu.memory_space<vmem>>
      %dma_wait3A_992 = tpu.memref_squeeze %dma_wait3A_991 : memref<1x120x64xf32, #tpu.memory_space<vmem>> -> memref<120x64xf32, #tpu.memory_space<vmem>>
      %dma_wait3A_993 = arith.constant 0 : i32
      %dma_wait3A_994 = tpu.memref_slice %arg9[%add3A_986, %dma_wait3A_993] : memref<80x120xi32, #tpu.memory_space<vmem>> -> memref<1x120xi32, #tpu.memory_space<vmem>>
      %dma_wait3A_995 = tpu.memref_squeeze %dma_wait3A_994 : memref<1x120xi32, #tpu.memory_space<vmem>> -> memref<120xi32, #tpu.memory_space<vmem>>
      %dma_wait3A_996 = arith.constant 0 : i32
      %dma_wait3A_997 = arith.constant 0 : i32
      %dma_wait3A_998 = tpu.memref_slice %arg2[%dma_wait3A_996, %dma_wait3A_997] : memref<100000x64xf32, #tpu.memory_space<hbm>> -> memref<100000x64xf32, #tpu.memory_space<hbm>>
      %dma_wait3A_999 = tpu.memref_slice %arg13[%dma_wait3A_988] : memref<8x!tpu.dma_semaphore, #tpu.memory_space<semaphore_mem>> -> memref<1x!tpu.dma_semaphore, #tpu.memory_space<semaphore_mem>>
      %dma_wait3A_1000 = tpu.memref_squeeze %dma_wait3A_999 : memref<1x!tpu.dma_semaphore, #tpu.memory_space<semaphore_mem>> -> memref<!tpu.dma_semaphore, #tpu.memory_space<semaphore_mem>>
      tpu.wait_indirect_dma semaphore(%dma_wait3A_1000 : memref<!tpu.dma_semaphore, #tpu.memory_space<semaphore_mem>>) src(%dma_wait3A_998 : memref<100000x64xf32, #tpu.memory_space<hbm>>) dst(%dma_wait3A_992 : memref<120x64xf32, #tpu.memory_space<vmem>>)
      %dma_start3A_1001 = arith.constant 6 : i32
      %dma_start3A_1002 = arith.constant 6 : i32
      %dma_start3A_1003 = arith.constant 0 : i32
      %dma_start3A_1004 = arith.constant 0 : i32
      %dma_start3A_1005 = tpu.memref_slice %arg12[%dma_start3A_1001, %dma_start3A_1003, %dma_start3A_1004] : memref<8x120x64xf32, #tpu.memory_space<vmem>> -> memref<1x120x64xf32, #tpu.memory_space<vmem>>
      %dma_start3A_1006 = tpu.memref_squeeze %dma_start3A_1005 : memref<1x120x64xf32, #tpu.memory_space<vmem>> -> memref<120x64xf32, #tpu.memory_space<vmem>>
      %dma_start3A_1007 = arith.constant 0 : i32
      %dma_start3A_1008 = tpu.memref_slice %arg10[%add3A_986, %dma_start3A_1007] : memref<80x120xi32, #tpu.memory_space<vmem>> -> memref<1x120xi32, #tpu.memory_space<vmem>>
      %dma_start3A_1009 = tpu.memref_squeeze %dma_start3A_1008 : memref<1x120xi32, #tpu.memory_space<vmem>> -> memref<120xi32, #tpu.memory_space<vmem>>
      %dma_start3A_1010 = arith.constant 0 : i32
      %dma_start3A_1011 = arith.constant 0 : i32
      %dma_start3A_1012 = tpu.memref_slice %arg3[%dma_start3A_1010, %dma_start3A_1011] : memref<40000x64xf32, #tpu.memory_space<hbm>> -> memref<40000x64xf32, #tpu.memory_space<hbm>>
      %dma_start3A_1013 = tpu.memref_slice %arg14[%dma_start3A_1002] : memref<8x!tpu.dma_semaphore, #tpu.memory_space<semaphore_mem>> -> memref<1x!tpu.dma_semaphore, #tpu.memory_space<semaphore_mem>>
      %dma_start3A_1014 = tpu.memref_squeeze %dma_start3A_1013 : memref<1x!tpu.dma_semaphore, #tpu.memory_space<semaphore_mem>> -> memref<!tpu.dma_semaphore, #tpu.memory_space<semaphore_mem>>
      tpu.enqueue_indirect_dma source(%dma_start3A_1012 : memref<40000x64xf32, #tpu.memory_space<hbm>>) target(%dma_start3A_1006 : memref<120x64xf32, #tpu.memory_space<vmem>>) offsets(%dma_start3A_1009 : memref<120xi32, #tpu.memory_space<vmem>>) semaphore(%dma_start3A_1014 : memref<!tpu.dma_semaphore, #tpu.memory_space<semaphore_mem>>) {add = true}
      %mul3A_1015 = arith.constant 8 : i32
      %mul3A_1016 = arith.muli %scan3A_789, %mul3A_1015 : i32
      %add3A_1017 = arith.constant 7 : i32
      %add3A_1018 = arith.addi %mul3A_1016, %add3A_1017 : i32
      %dma_wait3A_1019 = arith.constant 7 : i32
      %dma_wait3A_1020 = arith.constant 7 : i32
      %dma_wait3A_1021 = arith.constant 0 : i32
      %dma_wait3A_1022 = arith.constant 0 : i32
      %dma_wait3A_1023 = tpu.memref_slice %arg12[%dma_wait3A_1019, %dma_wait3A_1021, %dma_wait3A_1022] : memref<8x120x64xf32, #tpu.memory_space<vmem>> -> memref<1x120x64xf32, #tpu.memory_space<vmem>>
      %dma_wait3A_1024 = tpu.memref_squeeze %dma_wait3A_1023 : memref<1x120x64xf32, #tpu.memory_space<vmem>> -> memref<120x64xf32, #tpu.memory_space<vmem>>
      %dma_wait3A_1025 = arith.constant 0 : i32
      %dma_wait3A_1026 = tpu.memref_slice %arg9[%add3A_1018, %dma_wait3A_1025] : memref<80x120xi32, #tpu.memory_space<vmem>> -> memref<1x120xi32, #tpu.memory_space<vmem>>
      %dma_wait3A_1027 = tpu.memref_squeeze %dma_wait3A_1026 : memref<1x120xi32, #tpu.memory_space<vmem>> -> memref<120xi32, #tpu.memory_space<vmem>>
      %dma_wait3A_1028 = arith.constant 0 : i32
      %dma_wait3A_1029 = arith.constant 0 : i32
      %dma_wait3A_1030 = tpu.memref_slice %arg2[%dma_wait3A_1028, %dma_wait3A_1029] : memref<100000x64xf32, #tpu.memory_space<hbm>> -> memref<100000x64xf32, #tpu.memory_space<hbm>>
      %dma_wait3A_1031 = tpu.memref_slice %arg13[%dma_wait3A_1020] : memref<8x!tpu.dma_semaphore, #tpu.memory_space<semaphore_mem>> -> memref<1x!tpu.dma_semaphore, #tpu.memory_space<semaphore_mem>>
      %dma_wait3A_1032 = tpu.memref_squeeze %dma_wait3A_1031 : memref<1x!tpu.dma_semaphore, #tpu.memory_space<semaphore_mem>> -> memref<!tpu.dma_semaphore, #tpu.memory_space<semaphore_mem>>
      tpu.wait_indirect_dma semaphore(%dma_wait3A_1032 : memref<!tpu.dma_semaphore, #tpu.memory_space<semaphore_mem>>) src(%dma_wait3A_1030 : memref<100000x64xf32, #tpu.memory_space<hbm>>) dst(%dma_wait3A_1024 : memref<120x64xf32, #tpu.memory_space<vmem>>)
      %dma_start3A_1033 = arith.constant 7 : i32
      %dma_start3A_1034 = arith.constant 7 : i32
      %dma_start3A_1035 = arith.constant 0 : i32
      %dma_start3A_1036 = arith.constant 0 : i32
      %dma_start3A_1037 = tpu.memref_slice %arg12[%dma_start3A_1033, %dma_start3A_1035, %dma_start3A_1036] : memref<8x120x64xf32, #tpu.memory_space<vmem>> -> memref<1x120x64xf32, #tpu.memory_space<vmem>>
      %dma_start3A_1038 = tpu.memref_squeeze %dma_start3A_1037 : memref<1x120x64xf32, #tpu.memory_space<vmem>> -> memref<120x64xf32, #tpu.memory_space<vmem>>
      %dma_start3A_1039 = arith.constant 0 : i32
      %dma_start3A_1040 = tpu.memref_slice %arg10[%add3A_1018, %dma_start3A_1039] : memref<80x120xi32, #tpu.memory_space<vmem>> -> memref<1x120xi32, #tpu.memory_space<vmem>>
      %dma_start3A_1041 = tpu.memref_squeeze %dma_start3A_1040 : memref<1x120xi32, #tpu.memory_space<vmem>> -> memref<120xi32, #tpu.memory_space<vmem>>
      %dma_start3A_1042 = arith.constant 0 : i32
      %dma_start3A_1043 = arith.constant 0 : i32
      %dma_start3A_1044 = tpu.memref_slice %arg3[%dma_start3A_1042, %dma_start3A_1043] : memref<40000x64xf32, #tpu.memory_space<hbm>> -> memref<40000x64xf32, #tpu.memory_space<hbm>>
      %dma_start3A_1045 = tpu.memref_slice %arg14[%dma_start3A_1034] : memref<8x!tpu.dma_semaphore, #tpu.memory_space<semaphore_mem>> -> memref<1x!tpu.dma_semaphore, #tpu.memory_space<semaphore_mem>>
      %dma_start3A_1046 = tpu.memref_squeeze %dma_start3A_1045 : memref<1x!tpu.dma_semaphore, #tpu.memory_space<semaphore_mem>> -> memref<!tpu.dma_semaphore, #tpu.memory_space<semaphore_mem>>
      tpu.enqueue_indirect_dma source(%dma_start3A_1044 : memref<40000x64xf32, #tpu.memory_space<hbm>>) target(%dma_start3A_1038 : memref<120x64xf32, #tpu.memory_space<vmem>>) offsets(%dma_start3A_1041 : memref<120xi32, #tpu.memory_space<vmem>>) semaphore(%dma_start3A_1046 : memref<!tpu.dma_semaphore, #tpu.memory_space<semaphore_mem>>) {add = true}
      %mul3A_1047 = arith.constant 8 : i32
      %mul3A_1048 = arith.muli %scan3A_789, %mul3A_1047 : i32
      %add3A_1049 = arith.constant 0 : i32
      %add3A_1050 = arith.addi %mul3A_1048, %add3A_1049 : i32
      %dma_wait3A_1051 = arith.constant 0 : i32
      %dma_wait3A_1052 = arith.constant 0 : i32
      %dma_wait3A_1053 = arith.constant 0 : i32
      %dma_wait3A_1054 = arith.constant 0 : i32
      %dma_wait3A_1055 = tpu.memref_slice %arg12[%dma_wait3A_1051, %dma_wait3A_1053, %dma_wait3A_1054] : memref<8x120x64xf32, #tpu.memory_space<vmem>> -> memref<1x120x64xf32, #tpu.memory_space<vmem>>
      %dma_wait3A_1056 = tpu.memref_squeeze %dma_wait3A_1055 : memref<1x120x64xf32, #tpu.memory_space<vmem>> -> memref<120x64xf32, #tpu.memory_space<vmem>>
      %dma_wait3A_1057 = arith.constant 0 : i32
      %dma_wait3A_1058 = tpu.memref_slice %arg10[%add3A_1050, %dma_wait3A_1057] : memref<80x120xi32, #tpu.memory_space<vmem>> -> memref<1x120xi32, #tpu.memory_space<vmem>>
      %dma_wait3A_1059 = tpu.memref_squeeze %dma_wait3A_1058 : memref<1x120xi32, #tpu.memory_space<vmem>> -> memref<120xi32, #tpu.memory_space<vmem>>
      %dma_wait3A_1060 = arith.constant 0 : i32
      %dma_wait3A_1061 = arith.constant 0 : i32
      %dma_wait3A_1062 = tpu.memref_slice %arg3[%dma_wait3A_1060, %dma_wait3A_1061] : memref<40000x64xf32, #tpu.memory_space<hbm>> -> memref<40000x64xf32, #tpu.memory_space<hbm>>
      %dma_wait3A_1063 = tpu.memref_slice %arg14[%dma_wait3A_1052] : memref<8x!tpu.dma_semaphore, #tpu.memory_space<semaphore_mem>> -> memref<1x!tpu.dma_semaphore, #tpu.memory_space<semaphore_mem>>
      %dma_wait3A_1064 = tpu.memref_squeeze %dma_wait3A_1063 : memref<1x!tpu.dma_semaphore, #tpu.memory_space<semaphore_mem>> -> memref<!tpu.dma_semaphore, #tpu.memory_space<semaphore_mem>>
      tpu.wait_indirect_dma semaphore(%dma_wait3A_1064 : memref<!tpu.dma_semaphore, #tpu.memory_space<semaphore_mem>>) src(%dma_wait3A_1062 : memref<40000x64xf32, #tpu.memory_space<hbm>>) dst(%dma_wait3A_1056 : memref<120x64xf32, #tpu.memory_space<vmem>>)
      %mul3A_1065 = arith.constant 120 : i32
      %mul3A_1066 = arith.muli %add3A_1050, %mul3A_1065 : i32
      %add3A_1067 = arith.addi %mul3A_2, %mul3A_1066 : i32
      %dma_start3A_1068 = arith.constant 0 : i32
      %dma_start3A_1069 = arith.constant 0 : i32
      %dma_start3A_1070 = arith.constant 0 : i32
      %dma_start3A_1071 = arith.constant 0 : i32
      %dma_start3A_1072 = tpu.memref_slice %arg12[%dma_start3A_1068, %dma_start3A_1070, %dma_start3A_1071] : memref<8x120x64xf32, #tpu.memory_space<vmem>> -> memref<1x120x64xf32, #tpu.memory_space<vmem>>
      %dma_start3A_1073 = tpu.memref_squeeze %dma_start3A_1072 : memref<1x120x64xf32, #tpu.memory_space<vmem>> -> memref<120x64xf32, #tpu.memory_space<vmem>>
      %dma_start3A_1074 = arith.constant 0 : i32
      %dma_start3A_1075 = tpu.memref_slice %arg7[%add3A_1067, %dma_start3A_1074] : memref<307200x64xf32, #tpu.memory_space<hbm>> -> memref<120x64xf32, #tpu.memory_space<hbm>>
      %dma_start3A_1076 = tpu.memref_slice %arg15[%dma_start3A_1069] : memref<8x!tpu.dma_semaphore, #tpu.memory_space<semaphore_mem>> -> memref<1x!tpu.dma_semaphore, #tpu.memory_space<semaphore_mem>>
      %dma_start3A_1077 = tpu.memref_squeeze %dma_start3A_1076 : memref<1x!tpu.dma_semaphore, #tpu.memory_space<semaphore_mem>> -> memref<!tpu.dma_semaphore, #tpu.memory_space<semaphore_mem>>
      %dma_start3A_1078 = arith.constant 0 : i32
      %dma_start3A_1079 = tpu.memref_slice %arg7[%add3A_1067, %dma_start3A_1078] : memref<307200x64xf32, #tpu.memory_space<hbm>> -> memref<120x64xf32, #tpu.memory_space<hbm>>
      %dma_start3A_1080 = arith.constant 0 : i32
      %dma_start3A_1081 = arith.constant 0 : i32
      %dma_start3A_1082 = tpu.memref_slice %arg12[%dma_start3A_1068, %dma_start3A_1080, %dma_start3A_1081] : memref<8x120x64xf32, #tpu.memory_space<vmem>> -> memref<1x120x64xf32, #tpu.memory_space<vmem>>
      %dma_start3A_1083 = tpu.memref_squeeze %dma_start3A_1082 : memref<1x120x64xf32, #tpu.memory_space<vmem>> -> memref<120x64xf32, #tpu.memory_space<vmem>>
      tpu.enqueue_dma source(%dma_start3A_1083 : memref<120x64xf32, #tpu.memory_space<vmem>>) target(%dma_start3A_1079 : memref<120x64xf32, #tpu.memory_space<hbm>>) target_semaphore(%dma_start3A_1077 : memref<!tpu.dma_semaphore, #tpu.memory_space<semaphore_mem>>)
      %mul3A_1084 = arith.constant 8 : i32
      %mul3A_1085 = arith.muli %scan3A_789, %mul3A_1084 : i32
      %add3A_1086 = arith.constant 1 : i32
      %add3A_1087 = arith.addi %mul3A_1085, %add3A_1086 : i32
      %dma_wait3A_1088 = arith.constant 1 : i32
      %dma_wait3A_1089 = arith.constant 1 : i32
      %dma_wait3A_1090 = arith.constant 0 : i32
      %dma_wait3A_1091 = arith.constant 0 : i32
      %dma_wait3A_1092 = tpu.memref_slice %arg12[%dma_wait3A_1088, %dma_wait3A_1090, %dma_wait3A_1091] : memref<8x120x64xf32, #tpu.memory_space<vmem>> -> memref<1x120x64xf32, #tpu.memory_space<vmem>>
      %dma_wait3A_1093 = tpu.memref_squeeze %dma_wait3A_1092 : memref<1x120x64xf32, #tpu.memory_space<vmem>> -> memref<120x64xf32, #tpu.memory_space<vmem>>
      %dma_wait3A_1094 = arith.constant 0 : i32
      %dma_wait3A_1095 = tpu.memref_slice %arg10[%add3A_1087, %dma_wait3A_1094] : memref<80x120xi32, #tpu.memory_space<vmem>> -> memref<1x120xi32, #tpu.memory_space<vmem>>
      %dma_wait3A_1096 = tpu.memref_squeeze %dma_wait3A_1095 : memref<1x120xi32, #tpu.memory_space<vmem>> -> memref<120xi32, #tpu.memory_space<vmem>>
      %dma_wait3A_1097 = arith.constant 0 : i32
      %dma_wait3A_1098 = arith.constant 0 : i32
      %dma_wait3A_1099 = tpu.memref_slice %arg3[%dma_wait3A_1097, %dma_wait3A_1098] : memref<40000x64xf32, #tpu.memory_space<hbm>> -> memref<40000x64xf32, #tpu.memory_space<hbm>>
      %dma_wait3A_1100 = tpu.memref_slice %arg14[%dma_wait3A_1089] : memref<8x!tpu.dma_semaphore, #tpu.memory_space<semaphore_mem>> -> memref<1x!tpu.dma_semaphore, #tpu.memory_space<semaphore_mem>>
      %dma_wait3A_1101 = tpu.memref_squeeze %dma_wait3A_1100 : memref<1x!tpu.dma_semaphore, #tpu.memory_space<semaphore_mem>> -> memref<!tpu.dma_semaphore, #tpu.memory_space<semaphore_mem>>
      tpu.wait_indirect_dma semaphore(%dma_wait3A_1101 : memref<!tpu.dma_semaphore, #tpu.memory_space<semaphore_mem>>) src(%dma_wait3A_1099 : memref<40000x64xf32, #tpu.memory_space<hbm>>) dst(%dma_wait3A_1093 : memref<120x64xf32, #tpu.memory_space<vmem>>)
      %mul3A_1102 = arith.constant 120 : i32
      %mul3A_1103 = arith.muli %add3A_1087, %mul3A_1102 : i32
      %add3A_1104 = arith.addi %mul3A_2, %mul3A_1103 : i32
      %dma_start3A_1105 = arith.constant 1 : i32
      %dma_start3A_1106 = arith.constant 1 : i32
      %dma_start3A_1107 = arith.constant 0 : i32
      %dma_start3A_1108 = arith.constant 0 : i32
      %dma_start3A_1109 = tpu.memref_slice %arg12[%dma_start3A_1105, %dma_start3A_1107, %dma_start3A_1108] : memref<8x120x64xf32, #tpu.memory_space<vmem>> -> memref<1x120x64xf32, #tpu.memory_space<vmem>>
      %dma_start3A_1110 = tpu.memref_squeeze %dma_start3A_1109 : memref<1x120x64xf32, #tpu.memory_space<vmem>> -> memref<120x64xf32, #tpu.memory_space<vmem>>
      %dma_start3A_1111 = arith.constant 0 : i32
      %dma_start3A_1112 = tpu.memref_slice %arg7[%add3A_1104, %dma_start3A_1111] : memref<307200x64xf32, #tpu.memory_space<hbm>> -> memref<120x64xf32, #tpu.memory_space<hbm>>
      %dma_start3A_1113 = tpu.memref_slice %arg15[%dma_start3A_1106] : memref<8x!tpu.dma_semaphore, #tpu.memory_space<semaphore_mem>> -> memref<1x!tpu.dma_semaphore, #tpu.memory_space<semaphore_mem>>
      %dma_start3A_1114 = tpu.memref_squeeze %dma_start3A_1113 : memref<1x!tpu.dma_semaphore, #tpu.memory_space<semaphore_mem>> -> memref<!tpu.dma_semaphore, #tpu.memory_space<semaphore_mem>>
      %dma_start3A_1115 = arith.constant 0 : i32
      %dma_start3A_1116 = tpu.memref_slice %arg7[%add3A_1104, %dma_start3A_1115] : memref<307200x64xf32, #tpu.memory_space<hbm>> -> memref<120x64xf32, #tpu.memory_space<hbm>>
      %dma_start3A_1117 = arith.constant 0 : i32
      %dma_start3A_1118 = arith.constant 0 : i32
      %dma_start3A_1119 = tpu.memref_slice %arg12[%dma_start3A_1105, %dma_start3A_1117, %dma_start3A_1118] : memref<8x120x64xf32, #tpu.memory_space<vmem>> -> memref<1x120x64xf32, #tpu.memory_space<vmem>>
      %dma_start3A_1120 = tpu.memref_squeeze %dma_start3A_1119 : memref<1x120x64xf32, #tpu.memory_space<vmem>> -> memref<120x64xf32, #tpu.memory_space<vmem>>
      tpu.enqueue_dma source(%dma_start3A_1120 : memref<120x64xf32, #tpu.memory_space<vmem>>) target(%dma_start3A_1116 : memref<120x64xf32, #tpu.memory_space<hbm>>) target_semaphore(%dma_start3A_1114 : memref<!tpu.dma_semaphore, #tpu.memory_space<semaphore_mem>>)
      %mul3A_1121 = arith.constant 8 : i32
      %mul3A_1122 = arith.muli %scan3A_789, %mul3A_1121 : i32
      %add3A_1123 = arith.constant 2 : i32
      %add3A_1124 = arith.addi %mul3A_1122, %add3A_1123 : i32
      %dma_wait3A_1125 = arith.constant 2 : i32
      %dma_wait3A_1126 = arith.constant 2 : i32
      %dma_wait3A_1127 = arith.constant 0 : i32
      %dma_wait3A_1128 = arith.constant 0 : i32
      %dma_wait3A_1129 = tpu.memref_slice %arg12[%dma_wait3A_1125, %dma_wait3A_1127, %dma_wait3A_1128] : memref<8x120x64xf32, #tpu.memory_space<vmem>> -> memref<1x120x64xf32, #tpu.memory_space<vmem>>
      %dma_wait3A_1130 = tpu.memref_squeeze %dma_wait3A_1129 : memref<1x120x64xf32, #tpu.memory_space<vmem>> -> memref<120x64xf32, #tpu.memory_space<vmem>>
      %dma_wait3A_1131 = arith.constant 0 : i32
      %dma_wait3A_1132 = tpu.memref_slice %arg10[%add3A_1124, %dma_wait3A_1131] : memref<80x120xi32, #tpu.memory_space<vmem>> -> memref<1x120xi32, #tpu.memory_space<vmem>>
      %dma_wait3A_1133 = tpu.memref_squeeze %dma_wait3A_1132 : memref<1x120xi32, #tpu.memory_space<vmem>> -> memref<120xi32, #tpu.memory_space<vmem>>
      %dma_wait3A_1134 = arith.constant 0 : i32
      %dma_wait3A_1135 = arith.constant 0 : i32
      %dma_wait3A_1136 = tpu.memref_slice %arg3[%dma_wait3A_1134, %dma_wait3A_1135] : memref<40000x64xf32, #tpu.memory_space<hbm>> -> memref<40000x64xf32, #tpu.memory_space<hbm>>
      %dma_wait3A_1137 = tpu.memref_slice %arg14[%dma_wait3A_1126] : memref<8x!tpu.dma_semaphore, #tpu.memory_space<semaphore_mem>> -> memref<1x!tpu.dma_semaphore, #tpu.memory_space<semaphore_mem>>
      %dma_wait3A_1138 = tpu.memref_squeeze %dma_wait3A_1137 : memref<1x!tpu.dma_semaphore, #tpu.memory_space<semaphore_mem>> -> memref<!tpu.dma_semaphore, #tpu.memory_space<semaphore_mem>>
      tpu.wait_indirect_dma semaphore(%dma_wait3A_1138 : memref<!tpu.dma_semaphore, #tpu.memory_space<semaphore_mem>>) src(%dma_wait3A_1136 : memref<40000x64xf32, #tpu.memory_space<hbm>>) dst(%dma_wait3A_1130 : memref<120x64xf32, #tpu.memory_space<vmem>>)
      %mul3A_1139 = arith.constant 120 : i32
      %mul3A_1140 = arith.muli %add3A_1124, %mul3A_1139 : i32
      %add3A_1141 = arith.addi %mul3A_2, %mul3A_1140 : i32
      %dma_start3A_1142 = arith.constant 2 : i32
      %dma_start3A_1143 = arith.constant 2 : i32
      %dma_start3A_1144 = arith.constant 0 : i32
      %dma_start3A_1145 = arith.constant 0 : i32
      %dma_start3A_1146 = tpu.memref_slice %arg12[%dma_start3A_1142, %dma_start3A_1144, %dma_start3A_1145] : memref<8x120x64xf32, #tpu.memory_space<vmem>> -> memref<1x120x64xf32, #tpu.memory_space<vmem>>
      %dma_start3A_1147 = tpu.memref_squeeze %dma_start3A_1146 : memref<1x120x64xf32, #tpu.memory_space<vmem>> -> memref<120x64xf32, #tpu.memory_space<vmem>>
      %dma_start3A_1148 = arith.constant 0 : i32
      %dma_start3A_1149 = tpu.memref_slice %arg7[%add3A_1141, %dma_start3A_1148] : memref<307200x64xf32, #tpu.memory_space<hbm>> -> memref<120x64xf32, #tpu.memory_space<hbm>>
      %dma_start3A_1150 = tpu.memref_slice %arg15[%dma_start3A_1143] : memref<8x!tpu.dma_semaphore, #tpu.memory_space<semaphore_mem>> -> memref<1x!tpu.dma_semaphore, #tpu.memory_space<semaphore_mem>>
      %dma_start3A_1151 = tpu.memref_squeeze %dma_start3A_1150 : memref<1x!tpu.dma_semaphore, #tpu.memory_space<semaphore_mem>> -> memref<!tpu.dma_semaphore, #tpu.memory_space<semaphore_mem>>
      %dma_start3A_1152 = arith.constant 0 : i32
      %dma_start3A_1153 = tpu.memref_slice %arg7[%add3A_1141, %dma_start3A_1152] : memref<307200x64xf32, #tpu.memory_space<hbm>> -> memref<120x64xf32, #tpu.memory_space<hbm>>
      %dma_start3A_1154 = arith.constant 0 : i32
      %dma_start3A_1155 = arith.constant 0 : i32
      %dma_start3A_1156 = tpu.memref_slice %arg12[%dma_start3A_1142, %dma_start3A_1154, %dma_start3A_1155] : memref<8x120x64xf32, #tpu.memory_space<vmem>> -> memref<1x120x64xf32, #tpu.memory_space<vmem>>
      %dma_start3A_1157 = tpu.memref_squeeze %dma_start3A_1156 : memref<1x120x64xf32, #tpu.memory_space<vmem>> -> memref<120x64xf32, #tpu.memory_space<vmem>>
      tpu.enqueue_dma source(%dma_start3A_1157 : memref<120x64xf32, #tpu.memory_space<vmem>>) target(%dma_start3A_1153 : memref<120x64xf32, #tpu.memory_space<hbm>>) target_semaphore(%dma_start3A_1151 : memref<!tpu.dma_semaphore, #tpu.memory_space<semaphore_mem>>)
      %mul3A_1158 = arith.constant 8 : i32
      %mul3A_1159 = arith.muli %scan3A_789, %mul3A_1158 : i32
      %add3A_1160 = arith.constant 3 : i32
      %add3A_1161 = arith.addi %mul3A_1159, %add3A_1160 : i32
      %dma_wait3A_1162 = arith.constant 3 : i32
      %dma_wait3A_1163 = arith.constant 3 : i32
      %dma_wait3A_1164 = arith.constant 0 : i32
      %dma_wait3A_1165 = arith.constant 0 : i32
      %dma_wait3A_1166 = tpu.memref_slice %arg12[%dma_wait3A_1162, %dma_wait3A_1164, %dma_wait3A_1165] : memref<8x120x64xf32, #tpu.memory_space<vmem>> -> memref<1x120x64xf32, #tpu.memory_space<vmem>>
      %dma_wait3A_1167 = tpu.memref_squeeze %dma_wait3A_1166 : memref<1x120x64xf32, #tpu.memory_space<vmem>> -> memref<120x64xf32, #tpu.memory_space<vmem>>
      %dma_wait3A_1168 = arith.constant 0 : i32
      %dma_wait3A_1169 = tpu.memref_slice %arg10[%add3A_1161, %dma_wait3A_1168] : memref<80x120xi32, #tpu.memory_space<vmem>> -> memref<1x120xi32, #tpu.memory_space<vmem>>
      %dma_wait3A_1170 = tpu.memref_squeeze %dma_wait3A_1169 : memref<1x120xi32, #tpu.memory_space<vmem>> -> memref<120xi32, #tpu.memory_space<vmem>>
      %dma_wait3A_1171 = arith.constant 0 : i32
      %dma_wait3A_1172 = arith.constant 0 : i32
      %dma_wait3A_1173 = tpu.memref_slice %arg3[%dma_wait3A_1171, %dma_wait3A_1172] : memref<40000x64xf32, #tpu.memory_space<hbm>> -> memref<40000x64xf32, #tpu.memory_space<hbm>>
      %dma_wait3A_1174 = tpu.memref_slice %arg14[%dma_wait3A_1163] : memref<8x!tpu.dma_semaphore, #tpu.memory_space<semaphore_mem>> -> memref<1x!tpu.dma_semaphore, #tpu.memory_space<semaphore_mem>>
      %dma_wait3A_1175 = tpu.memref_squeeze %dma_wait3A_1174 : memref<1x!tpu.dma_semaphore, #tpu.memory_space<semaphore_mem>> -> memref<!tpu.dma_semaphore, #tpu.memory_space<semaphore_mem>>
      tpu.wait_indirect_dma semaphore(%dma_wait3A_1175 : memref<!tpu.dma_semaphore, #tpu.memory_space<semaphore_mem>>) src(%dma_wait3A_1173 : memref<40000x64xf32, #tpu.memory_space<hbm>>) dst(%dma_wait3A_1167 : memref<120x64xf32, #tpu.memory_space<vmem>>)
      %mul3A_1176 = arith.constant 120 : i32
      %mul3A_1177 = arith.muli %add3A_1161, %mul3A_1176 : i32
      %add3A_1178 = arith.addi %mul3A_2, %mul3A_1177 : i32
      %dma_start3A_1179 = arith.constant 3 : i32
      %dma_start3A_1180 = arith.constant 3 : i32
      %dma_start3A_1181 = arith.constant 0 : i32
      %dma_start3A_1182 = arith.constant 0 : i32
      %dma_start3A_1183 = tpu.memref_slice %arg12[%dma_start3A_1179, %dma_start3A_1181, %dma_start3A_1182] : memref<8x120x64xf32, #tpu.memory_space<vmem>> -> memref<1x120x64xf32, #tpu.memory_space<vmem>>
      %dma_start3A_1184 = tpu.memref_squeeze %dma_start3A_1183 : memref<1x120x64xf32, #tpu.memory_space<vmem>> -> memref<120x64xf32, #tpu.memory_space<vmem>>
      %dma_start3A_1185 = arith.constant 0 : i32
      %dma_start3A_1186 = tpu.memref_slice %arg7[%add3A_1178, %dma_start3A_1185] : memref<307200x64xf32, #tpu.memory_space<hbm>> -> memref<120x64xf32, #tpu.memory_space<hbm>>
      %dma_start3A_1187 = tpu.memref_slice %arg15[%dma_start3A_1180] : memref<8x!tpu.dma_semaphore, #tpu.memory_space<semaphore_mem>> -> memref<1x!tpu.dma_semaphore, #tpu.memory_space<semaphore_mem>>
      %dma_start3A_1188 = tpu.memref_squeeze %dma_start3A_1187 : memref<1x!tpu.dma_semaphore, #tpu.memory_space<semaphore_mem>> -> memref<!tpu.dma_semaphore, #tpu.memory_space<semaphore_mem>>
      %dma_start3A_1189 = arith.constant 0 : i32
      %dma_start3A_1190 = tpu.memref_slice %arg7[%add3A_1178, %dma_start3A_1189] : memref<307200x64xf32, #tpu.memory_space<hbm>> -> memref<120x64xf32, #tpu.memory_space<hbm>>
      %dma_start3A_1191 = arith.constant 0 : i32
      %dma_start3A_1192 = arith.constant 0 : i32
      %dma_start3A_1193 = tpu.memref_slice %arg12[%dma_start3A_1179, %dma_start3A_1191, %dma_start3A_1192] : memref<8x120x64xf32, #tpu.memory_space<vmem>> -> memref<1x120x64xf32, #tpu.memory_space<vmem>>
      %dma_start3A_1194 = tpu.memref_squeeze %dma_start3A_1193 : memref<1x120x64xf32, #tpu.memory_space<vmem>> -> memref<120x64xf32, #tpu.memory_space<vmem>>
      tpu.enqueue_dma source(%dma_start3A_1194 : memref<120x64xf32, #tpu.memory_space<vmem>>) target(%dma_start3A_1190 : memref<120x64xf32, #tpu.memory_space<hbm>>) target_semaphore(%dma_start3A_1188 : memref<!tpu.dma_semaphore, #tpu.memory_space<semaphore_mem>>)
      %mul3A_1195 = arith.constant 8 : i32
      %mul3A_1196 = arith.muli %scan3A_789, %mul3A_1195 : i32
      %add3A_1197 = arith.constant 4 : i32
      %add3A_1198 = arith.addi %mul3A_1196, %add3A_1197 : i32
      %dma_wait3A_1199 = arith.constant 4 : i32
      %dma_wait3A_1200 = arith.constant 4 : i32
      %dma_wait3A_1201 = arith.constant 0 : i32
      %dma_wait3A_1202 = arith.constant 0 : i32
      %dma_wait3A_1203 = tpu.memref_slice %arg12[%dma_wait3A_1199, %dma_wait3A_1201, %dma_wait3A_1202] : memref<8x120x64xf32, #tpu.memory_space<vmem>> -> memref<1x120x64xf32, #tpu.memory_space<vmem>>
      %dma_wait3A_1204 = tpu.memref_squeeze %dma_wait3A_1203 : memref<1x120x64xf32, #tpu.memory_space<vmem>> -> memref<120x64xf32, #tpu.memory_space<vmem>>
      %dma_wait3A_1205 = arith.constant 0 : i32
      %dma_wait3A_1206 = tpu.memref_slice %arg10[%add3A_1198, %dma_wait3A_1205] : memref<80x120xi32, #tpu.memory_space<vmem>> -> memref<1x120xi32, #tpu.memory_space<vmem>>
      %dma_wait3A_1207 = tpu.memref_squeeze %dma_wait3A_1206 : memref<1x120xi32, #tpu.memory_space<vmem>> -> memref<120xi32, #tpu.memory_space<vmem>>
      %dma_wait3A_1208 = arith.constant 0 : i32
      %dma_wait3A_1209 = arith.constant 0 : i32
      %dma_wait3A_1210 = tpu.memref_slice %arg3[%dma_wait3A_1208, %dma_wait3A_1209] : memref<40000x64xf32, #tpu.memory_space<hbm>> -> memref<40000x64xf32, #tpu.memory_space<hbm>>
      %dma_wait3A_1211 = tpu.memref_slice %arg14[%dma_wait3A_1200] : memref<8x!tpu.dma_semaphore, #tpu.memory_space<semaphore_mem>> -> memref<1x!tpu.dma_semaphore, #tpu.memory_space<semaphore_mem>>
      %dma_wait3A_1212 = tpu.memref_squeeze %dma_wait3A_1211 : memref<1x!tpu.dma_semaphore, #tpu.memory_space<semaphore_mem>> -> memref<!tpu.dma_semaphore, #tpu.memory_space<semaphore_mem>>
      tpu.wait_indirect_dma semaphore(%dma_wait3A_1212 : memref<!tpu.dma_semaphore, #tpu.memory_space<semaphore_mem>>) src(%dma_wait3A_1210 : memref<40000x64xf32, #tpu.memory_space<hbm>>) dst(%dma_wait3A_1204 : memref<120x64xf32, #tpu.memory_space<vmem>>)
      %mul3A_1213 = arith.constant 120 : i32
      %mul3A_1214 = arith.muli %add3A_1198, %mul3A_1213 : i32
      %add3A_1215 = arith.addi %mul3A_2, %mul3A_1214 : i32
      %dma_start3A_1216 = arith.constant 4 : i32
      %dma_start3A_1217 = arith.constant 4 : i32
      %dma_start3A_1218 = arith.constant 0 : i32
      %dma_start3A_1219 = arith.constant 0 : i32
      %dma_start3A_1220 = tpu.memref_slice %arg12[%dma_start3A_1216, %dma_start3A_1218, %dma_start3A_1219] : memref<8x120x64xf32, #tpu.memory_space<vmem>> -> memref<1x120x64xf32, #tpu.memory_space<vmem>>
      %dma_start3A_1221 = tpu.memref_squeeze %dma_start3A_1220 : memref<1x120x64xf32, #tpu.memory_space<vmem>> -> memref<120x64xf32, #tpu.memory_space<vmem>>
      %dma_start3A_1222 = arith.constant 0 : i32
      %dma_start3A_1223 = tpu.memref_slice %arg7[%add3A_1215, %dma_start3A_1222] : memref<307200x64xf32, #tpu.memory_space<hbm>> -> memref<120x64xf32, #tpu.memory_space<hbm>>
      %dma_start3A_1224 = tpu.memref_slice %arg15[%dma_start3A_1217] : memref<8x!tpu.dma_semaphore, #tpu.memory_space<semaphore_mem>> -> memref<1x!tpu.dma_semaphore, #tpu.memory_space<semaphore_mem>>
      %dma_start3A_1225 = tpu.memref_squeeze %dma_start3A_1224 : memref<1x!tpu.dma_semaphore, #tpu.memory_space<semaphore_mem>> -> memref<!tpu.dma_semaphore, #tpu.memory_space<semaphore_mem>>
      %dma_start3A_1226 = arith.constant 0 : i32
      %dma_start3A_1227 = tpu.memref_slice %arg7[%add3A_1215, %dma_start3A_1226] : memref<307200x64xf32, #tpu.memory_space<hbm>> -> memref<120x64xf32, #tpu.memory_space<hbm>>
      %dma_start3A_1228 = arith.constant 0 : i32
      %dma_start3A_1229 = arith.constant 0 : i32
      %dma_start3A_1230 = tpu.memref_slice %arg12[%dma_start3A_1216, %dma_start3A_1228, %dma_start3A_1229] : memref<8x120x64xf32, #tpu.memory_space<vmem>> -> memref<1x120x64xf32, #tpu.memory_space<vmem>>
      %dma_start3A_1231 = tpu.memref_squeeze %dma_start3A_1230 : memref<1x120x64xf32, #tpu.memory_space<vmem>> -> memref<120x64xf32, #tpu.memory_space<vmem>>
      tpu.enqueue_dma source(%dma_start3A_1231 : memref<120x64xf32, #tpu.memory_space<vmem>>) target(%dma_start3A_1227 : memref<120x64xf32, #tpu.memory_space<hbm>>) target_semaphore(%dma_start3A_1225 : memref<!tpu.dma_semaphore, #tpu.memory_space<semaphore_mem>>)
      %mul3A_1232 = arith.constant 8 : i32
      %mul3A_1233 = arith.muli %scan3A_789, %mul3A_1232 : i32
      %add3A_1234 = arith.constant 5 : i32
      %add3A_1235 = arith.addi %mul3A_1233, %add3A_1234 : i32
      %dma_wait3A_1236 = arith.constant 5 : i32
      %dma_wait3A_1237 = arith.constant 5 : i32
      %dma_wait3A_1238 = arith.constant 0 : i32
      %dma_wait3A_1239 = arith.constant 0 : i32
      %dma_wait3A_1240 = tpu.memref_slice %arg12[%dma_wait3A_1236, %dma_wait3A_1238, %dma_wait3A_1239] : memref<8x120x64xf32, #tpu.memory_space<vmem>> -> memref<1x120x64xf32, #tpu.memory_space<vmem>>
      %dma_wait3A_1241 = tpu.memref_squeeze %dma_wait3A_1240 : memref<1x120x64xf32, #tpu.memory_space<vmem>> -> memref<120x64xf32, #tpu.memory_space<vmem>>
      %dma_wait3A_1242 = arith.constant 0 : i32
      %dma_wait3A_1243 = tpu.memref_slice %arg10[%add3A_1235, %dma_wait3A_1242] : memref<80x120xi32, #tpu.memory_space<vmem>> -> memref<1x120xi32, #tpu.memory_space<vmem>>
      %dma_wait3A_1244 = tpu.memref_squeeze %dma_wait3A_1243 : memref<1x120xi32, #tpu.memory_space<vmem>> -> memref<120xi32, #tpu.memory_space<vmem>>
      %dma_wait3A_1245 = arith.constant 0 : i32
      %dma_wait3A_1246 = arith.constant 0 : i32
      %dma_wait3A_1247 = tpu.memref_slice %arg3[%dma_wait3A_1245, %dma_wait3A_1246] : memref<40000x64xf32, #tpu.memory_space<hbm>> -> memref<40000x64xf32, #tpu.memory_space<hbm>>
      %dma_wait3A_1248 = tpu.memref_slice %arg14[%dma_wait3A_1237] : memref<8x!tpu.dma_semaphore, #tpu.memory_space<semaphore_mem>> -> memref<1x!tpu.dma_semaphore, #tpu.memory_space<semaphore_mem>>
      %dma_wait3A_1249 = tpu.memref_squeeze %dma_wait3A_1248 : memref<1x!tpu.dma_semaphore, #tpu.memory_space<semaphore_mem>> -> memref<!tpu.dma_semaphore, #tpu.memory_space<semaphore_mem>>
      tpu.wait_indirect_dma semaphore(%dma_wait3A_1249 : memref<!tpu.dma_semaphore, #tpu.memory_space<semaphore_mem>>) src(%dma_wait3A_1247 : memref<40000x64xf32, #tpu.memory_space<hbm>>) dst(%dma_wait3A_1241 : memref<120x64xf32, #tpu.memory_space<vmem>>)
      %mul3A_1250 = arith.constant 120 : i32
      %mul3A_1251 = arith.muli %add3A_1235, %mul3A_1250 : i32
      %add3A_1252 = arith.addi %mul3A_2, %mul3A_1251 : i32
      %dma_start3A_1253 = arith.constant 5 : i32
      %dma_start3A_1254 = arith.constant 5 : i32
      %dma_start3A_1255 = arith.constant 0 : i32
      %dma_start3A_1256 = arith.constant 0 : i32
      %dma_start3A_1257 = tpu.memref_slice %arg12[%dma_start3A_1253, %dma_start3A_1255, %dma_start3A_1256] : memref<8x120x64xf32, #tpu.memory_space<vmem>> -> memref<1x120x64xf32, #tpu.memory_space<vmem>>
      %dma_start3A_1258 = tpu.memref_squeeze %dma_start3A_1257 : memref<1x120x64xf32, #tpu.memory_space<vmem>> -> memref<120x64xf32, #tpu.memory_space<vmem>>
      %dma_start3A_1259 = arith.constant 0 : i32
      %dma_start3A_1260 = tpu.memref_slice %arg7[%add3A_1252, %dma_start3A_1259] : memref<307200x64xf32, #tpu.memory_space<hbm>> -> memref<120x64xf32, #tpu.memory_space<hbm>>
      %dma_start3A_1261 = tpu.memref_slice %arg15[%dma_start3A_1254] : memref<8x!tpu.dma_semaphore, #tpu.memory_space<semaphore_mem>> -> memref<1x!tpu.dma_semaphore, #tpu.memory_space<semaphore_mem>>
      %dma_start3A_1262 = tpu.memref_squeeze %dma_start3A_1261 : memref<1x!tpu.dma_semaphore, #tpu.memory_space<semaphore_mem>> -> memref<!tpu.dma_semaphore, #tpu.memory_space<semaphore_mem>>
      %dma_start3A_1263 = arith.constant 0 : i32
      %dma_start3A_1264 = tpu.memref_slice %arg7[%add3A_1252, %dma_start3A_1263] : memref<307200x64xf32, #tpu.memory_space<hbm>> -> memref<120x64xf32, #tpu.memory_space<hbm>>
      %dma_start3A_1265 = arith.constant 0 : i32
      %dma_start3A_1266 = arith.constant 0 : i32
      %dma_start3A_1267 = tpu.memref_slice %arg12[%dma_start3A_1253, %dma_start3A_1265, %dma_start3A_1266] : memref<8x120x64xf32, #tpu.memory_space<vmem>> -> memref<1x120x64xf32, #tpu.memory_space<vmem>>
      %dma_start3A_1268 = tpu.memref_squeeze %dma_start3A_1267 : memref<1x120x64xf32, #tpu.memory_space<vmem>> -> memref<120x64xf32, #tpu.memory_space<vmem>>
      tpu.enqueue_dma source(%dma_start3A_1268 : memref<120x64xf32, #tpu.memory_space<vmem>>) target(%dma_start3A_1264 : memref<120x64xf32, #tpu.memory_space<hbm>>) target_semaphore(%dma_start3A_1262 : memref<!tpu.dma_semaphore, #tpu.memory_space<semaphore_mem>>)
      %mul3A_1269 = arith.constant 8 : i32
      %mul3A_1270 = arith.muli %scan3A_789, %mul3A_1269 : i32
      %add3A_1271 = arith.constant 6 : i32
      %add3A_1272 = arith.addi %mul3A_1270, %add3A_1271 : i32
      %dma_wait3A_1273 = arith.constant 6 : i32
      %dma_wait3A_1274 = arith.constant 6 : i32
      %dma_wait3A_1275 = arith.constant 0 : i32
      %dma_wait3A_1276 = arith.constant 0 : i32
      %dma_wait3A_1277 = tpu.memref_slice %arg12[%dma_wait3A_1273, %dma_wait3A_1275, %dma_wait3A_1276] : memref<8x120x64xf32, #tpu.memory_space<vmem>> -> memref<1x120x64xf32, #tpu.memory_space<vmem>>
      %dma_wait3A_1278 = tpu.memref_squeeze %dma_wait3A_1277 : memref<1x120x64xf32, #tpu.memory_space<vmem>> -> memref<120x64xf32, #tpu.memory_space<vmem>>
      %dma_wait3A_1279 = arith.constant 0 : i32
      %dma_wait3A_1280 = tpu.memref_slice %arg10[%add3A_1272, %dma_wait3A_1279] : memref<80x120xi32, #tpu.memory_space<vmem>> -> memref<1x120xi32, #tpu.memory_space<vmem>>
      %dma_wait3A_1281 = tpu.memref_squeeze %dma_wait3A_1280 : memref<1x120xi32, #tpu.memory_space<vmem>> -> memref<120xi32, #tpu.memory_space<vmem>>
      %dma_wait3A_1282 = arith.constant 0 : i32
      %dma_wait3A_1283 = arith.constant 0 : i32
      %dma_wait3A_1284 = tpu.memref_slice %arg3[%dma_wait3A_1282, %dma_wait3A_1283] : memref<40000x64xf32, #tpu.memory_space<hbm>> -> memref<40000x64xf32, #tpu.memory_space<hbm>>
      %dma_wait3A_1285 = tpu.memref_slice %arg14[%dma_wait3A_1274] : memref<8x!tpu.dma_semaphore, #tpu.memory_space<semaphore_mem>> -> memref<1x!tpu.dma_semaphore, #tpu.memory_space<semaphore_mem>>
      %dma_wait3A_1286 = tpu.memref_squeeze %dma_wait3A_1285 : memref<1x!tpu.dma_semaphore, #tpu.memory_space<semaphore_mem>> -> memref<!tpu.dma_semaphore, #tpu.memory_space<semaphore_mem>>
      tpu.wait_indirect_dma semaphore(%dma_wait3A_1286 : memref<!tpu.dma_semaphore, #tpu.memory_space<semaphore_mem>>) src(%dma_wait3A_1284 : memref<40000x64xf32, #tpu.memory_space<hbm>>) dst(%dma_wait3A_1278 : memref<120x64xf32, #tpu.memory_space<vmem>>)
      %mul3A_1287 = arith.constant 120 : i32
      %mul3A_1288 = arith.muli %add3A_1272, %mul3A_1287 : i32
      %add3A_1289 = arith.addi %mul3A_2, %mul3A_1288 : i32
      %dma_start3A_1290 = arith.constant 6 : i32
      %dma_start3A_1291 = arith.constant 6 : i32
      %dma_start3A_1292 = arith.constant 0 : i32
      %dma_start3A_1293 = arith.constant 0 : i32
      %dma_start3A_1294 = tpu.memref_slice %arg12[%dma_start3A_1290, %dma_start3A_1292, %dma_start3A_1293] : memref<8x120x64xf32, #tpu.memory_space<vmem>> -> memref<1x120x64xf32, #tpu.memory_space<vmem>>
      %dma_start3A_1295 = tpu.memref_squeeze %dma_start3A_1294 : memref<1x120x64xf32, #tpu.memory_space<vmem>> -> memref<120x64xf32, #tpu.memory_space<vmem>>
      %dma_start3A_1296 = arith.constant 0 : i32
      %dma_start3A_1297 = tpu.memref_slice %arg7[%add3A_1289, %dma_start3A_1296] : memref<307200x64xf32, #tpu.memory_space<hbm>> -> memref<120x64xf32, #tpu.memory_space<hbm>>
      %dma_start3A_1298 = tpu.memref_slice %arg15[%dma_start3A_1291] : memref<8x!tpu.dma_semaphore, #tpu.memory_space<semaphore_mem>> -> memref<1x!tpu.dma_semaphore, #tpu.memory_space<semaphore_mem>>
      %dma_start3A_1299 = tpu.memref_squeeze %dma_start3A_1298 : memref<1x!tpu.dma_semaphore, #tpu.memory_space<semaphore_mem>> -> memref<!tpu.dma_semaphore, #tpu.memory_space<semaphore_mem>>
      %dma_start3A_1300 = arith.constant 0 : i32
      %dma_start3A_1301 = tpu.memref_slice %arg7[%add3A_1289, %dma_start3A_1300] : memref<307200x64xf32, #tpu.memory_space<hbm>> -> memref<120x64xf32, #tpu.memory_space<hbm>>
      %dma_start3A_1302 = arith.constant 0 : i32
      %dma_start3A_1303 = arith.constant 0 : i32
      %dma_start3A_1304 = tpu.memref_slice %arg12[%dma_start3A_1290, %dma_start3A_1302, %dma_start3A_1303] : memref<8x120x64xf32, #tpu.memory_space<vmem>> -> memref<1x120x64xf32, #tpu.memory_space<vmem>>
      %dma_start3A_1305 = tpu.memref_squeeze %dma_start3A_1304 : memref<1x120x64xf32, #tpu.memory_space<vmem>> -> memref<120x64xf32, #tpu.memory_space<vmem>>
      tpu.enqueue_dma source(%dma_start3A_1305 : memref<120x64xf32, #tpu.memory_space<vmem>>) target(%dma_start3A_1301 : memref<120x64xf32, #tpu.memory_space<hbm>>) target_semaphore(%dma_start3A_1299 : memref<!tpu.dma_semaphore, #tpu.memory_space<semaphore_mem>>)
      %mul3A_1306 = arith.constant 8 : i32
      %mul3A_1307 = arith.muli %scan3A_789, %mul3A_1306 : i32
      %add3A_1308 = arith.constant 7 : i32
      %add3A_1309 = arith.addi %mul3A_1307, %add3A_1308 : i32
      %dma_wait3A_1310 = arith.constant 7 : i32
      %dma_wait3A_1311 = arith.constant 7 : i32
      %dma_wait3A_1312 = arith.constant 0 : i32
      %dma_wait3A_1313 = arith.constant 0 : i32
      %dma_wait3A_1314 = tpu.memref_slice %arg12[%dma_wait3A_1310, %dma_wait3A_1312, %dma_wait3A_1313] : memref<8x120x64xf32, #tpu.memory_space<vmem>> -> memref<1x120x64xf32, #tpu.memory_space<vmem>>
      %dma_wait3A_1315 = tpu.memref_squeeze %dma_wait3A_1314 : memref<1x120x64xf32, #tpu.memory_space<vmem>> -> memref<120x64xf32, #tpu.memory_space<vmem>>
      %dma_wait3A_1316 = arith.constant 0 : i32
      %dma_wait3A_1317 = tpu.memref_slice %arg10[%add3A_1309, %dma_wait3A_1316] : memref<80x120xi32, #tpu.memory_space<vmem>> -> memref<1x120xi32, #tpu.memory_space<vmem>>
      %dma_wait3A_1318 = tpu.memref_squeeze %dma_wait3A_1317 : memref<1x120xi32, #tpu.memory_space<vmem>> -> memref<120xi32, #tpu.memory_space<vmem>>
      %dma_wait3A_1319 = arith.constant 0 : i32
      %dma_wait3A_1320 = arith.constant 0 : i32
      %dma_wait3A_1321 = tpu.memref_slice %arg3[%dma_wait3A_1319, %dma_wait3A_1320] : memref<40000x64xf32, #tpu.memory_space<hbm>> -> memref<40000x64xf32, #tpu.memory_space<hbm>>
      %dma_wait3A_1322 = tpu.memref_slice %arg14[%dma_wait3A_1311] : memref<8x!tpu.dma_semaphore, #tpu.memory_space<semaphore_mem>> -> memref<1x!tpu.dma_semaphore, #tpu.memory_space<semaphore_mem>>
      %dma_wait3A_1323 = tpu.memref_squeeze %dma_wait3A_1322 : memref<1x!tpu.dma_semaphore, #tpu.memory_space<semaphore_mem>> -> memref<!tpu.dma_semaphore, #tpu.memory_space<semaphore_mem>>
      tpu.wait_indirect_dma semaphore(%dma_wait3A_1323 : memref<!tpu.dma_semaphore, #tpu.memory_space<semaphore_mem>>) src(%dma_wait3A_1321 : memref<40000x64xf32, #tpu.memory_space<hbm>>) dst(%dma_wait3A_1315 : memref<120x64xf32, #tpu.memory_space<vmem>>)
      %mul3A_1324 = arith.constant 120 : i32
      %mul3A_1325 = arith.muli %add3A_1309, %mul3A_1324 : i32
      %add3A_1326 = arith.addi %mul3A_2, %mul3A_1325 : i32
      %dma_start3A_1327 = arith.constant 7 : i32
      %dma_start3A_1328 = arith.constant 7 : i32
      %dma_start3A_1329 = arith.constant 0 : i32
      %dma_start3A_1330 = arith.constant 0 : i32
      %dma_start3A_1331 = tpu.memref_slice %arg12[%dma_start3A_1327, %dma_start3A_1329, %dma_start3A_1330] : memref<8x120x64xf32, #tpu.memory_space<vmem>> -> memref<1x120x64xf32, #tpu.memory_space<vmem>>
      %dma_start3A_1332 = tpu.memref_squeeze %dma_start3A_1331 : memref<1x120x64xf32, #tpu.memory_space<vmem>> -> memref<120x64xf32, #tpu.memory_space<vmem>>
      %dma_start3A_1333 = arith.constant 0 : i32
      %dma_start3A_1334 = tpu.memref_slice %arg7[%add3A_1326, %dma_start3A_1333] : memref<307200x64xf32, #tpu.memory_space<hbm>> -> memref<120x64xf32, #tpu.memory_space<hbm>>
      %dma_start3A_1335 = tpu.memref_slice %arg15[%dma_start3A_1328] : memref<8x!tpu.dma_semaphore, #tpu.memory_space<semaphore_mem>> -> memref<1x!tpu.dma_semaphore, #tpu.memory_space<semaphore_mem>>
      %dma_start3A_1336 = tpu.memref_squeeze %dma_start3A_1335 : memref<1x!tpu.dma_semaphore, #tpu.memory_space<semaphore_mem>> -> memref<!tpu.dma_semaphore, #tpu.memory_space<semaphore_mem>>
      %dma_start3A_1337 = arith.constant 0 : i32
      %dma_start3A_1338 = tpu.memref_slice %arg7[%add3A_1326, %dma_start3A_1337] : memref<307200x64xf32, #tpu.memory_space<hbm>> -> memref<120x64xf32, #tpu.memory_space<hbm>>
      %dma_start3A_1339 = arith.constant 0 : i32
      %dma_start3A_1340 = arith.constant 0 : i32
      %dma_start3A_1341 = tpu.memref_slice %arg12[%dma_start3A_1327, %dma_start3A_1339, %dma_start3A_1340] : memref<8x120x64xf32, #tpu.memory_space<vmem>> -> memref<1x120x64xf32, #tpu.memory_space<vmem>>
      %dma_start3A_1342 = tpu.memref_squeeze %dma_start3A_1341 : memref<1x120x64xf32, #tpu.memory_space<vmem>> -> memref<120x64xf32, #tpu.memory_space<vmem>>
      tpu.enqueue_dma source(%dma_start3A_1342 : memref<120x64xf32, #tpu.memory_space<vmem>>) target(%dma_start3A_1338 : memref<120x64xf32, #tpu.memory_space<hbm>>) target_semaphore(%dma_start3A_1336 : memref<!tpu.dma_semaphore, #tpu.memory_space<semaphore_mem>>)
      %mul3A_1343 = arith.constant 8 : i32
      %mul3A_1344 = arith.muli %scan3A_789, %mul3A_1343 : i32
      %add3A_1345 = arith.constant 0 : i32
      %add3A_1346 = arith.addi %mul3A_1344, %add3A_1345 : i32
      %mul3A_1347 = arith.constant 120 : i32
      %mul3A_1348 = arith.muli %add3A_1346, %mul3A_1347 : i32
      %add3A_1349 = arith.addi %mul3A_2, %mul3A_1348 : i32
      %dma_wait3A_1350 = arith.constant 0 : i32
      %dma_wait3A_1351 = arith.constant 0 : i32
      %dma_wait3A_1352 = arith.constant 0 : i32
      %dma_wait3A_1353 = arith.constant 0 : i32
      %dma_wait3A_1354 = tpu.memref_slice %arg12[%dma_wait3A_1350, %dma_wait3A_1352, %dma_wait3A_1353] : memref<8x120x64xf32, #tpu.memory_space<vmem>> -> memref<1x120x64xf32, #tpu.memory_space<vmem>>
      %dma_wait3A_1355 = tpu.memref_squeeze %dma_wait3A_1354 : memref<1x120x64xf32, #tpu.memory_space<vmem>> -> memref<120x64xf32, #tpu.memory_space<vmem>>
      %dma_wait3A_1356 = arith.constant 0 : i32
      %dma_wait3A_1357 = tpu.memref_slice %arg7[%add3A_1349, %dma_wait3A_1356] : memref<307200x64xf32, #tpu.memory_space<hbm>> -> memref<120x64xf32, #tpu.memory_space<hbm>>
      %dma_wait3A_1358 = tpu.memref_slice %arg15[%dma_wait3A_1351] : memref<8x!tpu.dma_semaphore, #tpu.memory_space<semaphore_mem>> -> memref<1x!tpu.dma_semaphore, #tpu.memory_space<semaphore_mem>>
      %dma_wait3A_1359 = tpu.memref_squeeze %dma_wait3A_1358 : memref<1x!tpu.dma_semaphore, #tpu.memory_space<semaphore_mem>> -> memref<!tpu.dma_semaphore, #tpu.memory_space<semaphore_mem>>
      %dma_wait3A_1360 = arith.constant 0 : i32
      %dma_wait3A_1361 = tpu.memref_slice %arg7[%add3A_1349, %dma_wait3A_1360] : memref<307200x64xf32, #tpu.memory_space<hbm>> -> memref<120x64xf32, #tpu.memory_space<hbm>>
      %dma_wait3A_1362 = arith.constant 0 : i32
      %dma_wait3A_1363 = arith.constant 0 : i32
      %dma_wait3A_1364 = tpu.memref_slice %arg12[%dma_wait3A_1350, %dma_wait3A_1362, %dma_wait3A_1363] : memref<8x120x64xf32, #tpu.memory_space<vmem>> -> memref<1x120x64xf32, #tpu.memory_space<vmem>>
      %dma_wait3A_1365 = tpu.memref_squeeze %dma_wait3A_1364 : memref<1x120x64xf32, #tpu.memory_space<vmem>> -> memref<120x64xf32, #tpu.memory_space<vmem>>
      tpu.wait_dma2 semaphore(%dma_wait3A_1359 : memref<!tpu.dma_semaphore, #tpu.memory_space<semaphore_mem>>) src(%dma_wait3A_1365 : memref<120x64xf32, #tpu.memory_space<vmem>>) dst(%dma_wait3A_1361 : memref<120x64xf32, #tpu.memory_space<hbm>>)
      %lt3A = arith.constant 9 : i32
      %lt3A_1366 = arith.cmpi slt, %scan3A_789, %lt3A : i32
      %convert_element_type3A = arith.extui %lt3A_1366 : i1 to i32
      %cond3A = arith.constant 0 : i32
      %cond3A_1367 = arith.cmpi ne, %convert_element_type3A, %cond3A : i32
      scf.if %cond3A_1367 {
        %mul3A_1565 = arith.constant 8 : i32
        %mul3A_1566 = arith.muli %scan3A_789, %mul3A_1565 : i32
        %add3A_1567 = arith.constant 8 : i32
        %add3A_1568 = arith.addi %mul3A_1566, %add3A_1567 : i32
        %add3A_1569 = arith.constant 0 : i32
        %add3A_1570 = arith.addi %add3A_1568, %add3A_1569 : i32
        %dma_start3A_1571 = arith.constant 0 : i32
        %dma_start3A_1572 = arith.constant 0 : i32
        %dma_start3A_1573 = arith.constant 0 : i32
        %dma_start3A_1574 = arith.constant 0 : i32
        %dma_start3A_1575 = tpu.memref_slice %arg12[%dma_start3A_1571, %dma_start3A_1573, %dma_start3A_1574] : memref<8x120x64xf32, #tpu.memory_space<vmem>> -> memref<1x120x64xf32, #tpu.memory_space<vmem>>
        %dma_start3A_1576 = tpu.memref_squeeze %dma_start3A_1575 : memref<1x120x64xf32, #tpu.memory_space<vmem>> -> memref<120x64xf32, #tpu.memory_space<vmem>>
        %dma_start3A_1577 = arith.constant 0 : i32
        %dma_start3A_1578 = tpu.memref_slice %arg9[%add3A_1570, %dma_start3A_1577] : memref<80x120xi32, #tpu.memory_space<vmem>> -> memref<1x120xi32, #tpu.memory_space<vmem>>
        %dma_start3A_1579 = tpu.memref_squeeze %dma_start3A_1578 : memref<1x120xi32, #tpu.memory_space<vmem>> -> memref<120xi32, #tpu.memory_space<vmem>>
        %dma_start3A_1580 = arith.constant 0 : i32
        %dma_start3A_1581 = arith.constant 0 : i32
        %dma_start3A_1582 = tpu.memref_slice %arg2[%dma_start3A_1580, %dma_start3A_1581] : memref<100000x64xf32, #tpu.memory_space<hbm>> -> memref<100000x64xf32, #tpu.memory_space<hbm>>
        %dma_start3A_1583 = tpu.memref_slice %arg13[%dma_start3A_1572] : memref<8x!tpu.dma_semaphore, #tpu.memory_space<semaphore_mem>> -> memref<1x!tpu.dma_semaphore, #tpu.memory_space<semaphore_mem>>
        %dma_start3A_1584 = tpu.memref_squeeze %dma_start3A_1583 : memref<1x!tpu.dma_semaphore, #tpu.memory_space<semaphore_mem>> -> memref<!tpu.dma_semaphore, #tpu.memory_space<semaphore_mem>>
        tpu.enqueue_indirect_dma source(%dma_start3A_1582 : memref<100000x64xf32, #tpu.memory_space<hbm>>) target(%dma_start3A_1576 : memref<120x64xf32, #tpu.memory_space<vmem>>) offsets(%dma_start3A_1579 : memref<120xi32, #tpu.memory_space<vmem>>) semaphore(%dma_start3A_1584 : memref<!tpu.dma_semaphore, #tpu.memory_space<semaphore_mem>>)
      } else {
      }
      %mul3A_1368 = arith.constant 8 : i32
      %mul3A_1369 = arith.muli %scan3A_789, %mul3A_1368 : i32
      %add3A_1370 = arith.constant 1 : i32
      %add3A_1371 = arith.addi %mul3A_1369, %add3A_1370 : i32
      %mul3A_1372 = arith.constant 120 : i32
      %mul3A_1373 = arith.muli %add3A_1371, %mul3A_1372 : i32
      %add3A_1374 = arith.addi %mul3A_2, %mul3A_1373 : i32
      %dma_wait3A_1375 = arith.constant 1 : i32
      %dma_wait3A_1376 = arith.constant 1 : i32
      %dma_wait3A_1377 = arith.constant 0 : i32
      %dma_wait3A_1378 = arith.constant 0 : i32
      %dma_wait3A_1379 = tpu.memref_slice %arg12[%dma_wait3A_1375, %dma_wait3A_1377, %dma_wait3A_1378] : memref<8x120x64xf32, #tpu.memory_space<vmem>> -> memref<1x120x64xf32, #tpu.memory_space<vmem>>
      %dma_wait3A_1380 = tpu.memref_squeeze %dma_wait3A_1379 : memref<1x120x64xf32, #tpu.memory_space<vmem>> -> memref<120x64xf32, #tpu.memory_space<vmem>>
      %dma_wait3A_1381 = arith.constant 0 : i32
      %dma_wait3A_1382 = tpu.memref_slice %arg7[%add3A_1374, %dma_wait3A_1381] : memref<307200x64xf32, #tpu.memory_space<hbm>> -> memref<120x64xf32, #tpu.memory_space<hbm>>
      %dma_wait3A_1383 = tpu.memref_slice %arg15[%dma_wait3A_1376] : memref<8x!tpu.dma_semaphore, #tpu.memory_space<semaphore_mem>> -> memref<1x!tpu.dma_semaphore, #tpu.memory_space<semaphore_mem>>
      %dma_wait3A_1384 = tpu.memref_squeeze %dma_wait3A_1383 : memref<1x!tpu.dma_semaphore, #tpu.memory_space<semaphore_mem>> -> memref<!tpu.dma_semaphore, #tpu.memory_space<semaphore_mem>>
      %dma_wait3A_1385 = arith.constant 0 : i32
      %dma_wait3A_1386 = tpu.memref_slice %arg7[%add3A_1374, %dma_wait3A_1385] : memref<307200x64xf32, #tpu.memory_space<hbm>> -> memref<120x64xf32, #tpu.memory_space<hbm>>
      %dma_wait3A_1387 = arith.constant 0 : i32
      %dma_wait3A_1388 = arith.constant 0 : i32
      %dma_wait3A_1389 = tpu.memref_slice %arg12[%dma_wait3A_1375, %dma_wait3A_1387, %dma_wait3A_1388] : memref<8x120x64xf32, #tpu.memory_space<vmem>> -> memref<1x120x64xf32, #tpu.memory_space<vmem>>
      %dma_wait3A_1390 = tpu.memref_squeeze %dma_wait3A_1389 : memref<1x120x64xf32, #tpu.memory_space<vmem>> -> memref<120x64xf32, #tpu.memory_space<vmem>>
      tpu.wait_dma2 semaphore(%dma_wait3A_1384 : memref<!tpu.dma_semaphore, #tpu.memory_space<semaphore_mem>>) src(%dma_wait3A_1390 : memref<120x64xf32, #tpu.memory_space<vmem>>) dst(%dma_wait3A_1386 : memref<120x64xf32, #tpu.memory_space<hbm>>)
      %lt3A_1391 = arith.constant 9 : i32
      %lt3A_1392 = arith.cmpi slt, %scan3A_789, %lt3A_1391 : i32
      %convert_element_type3A_1393 = arith.extui %lt3A_1392 : i1 to i32
      %cond3A_1394 = arith.constant 0 : i32
      %cond3A_1395 = arith.cmpi ne, %convert_element_type3A_1393, %cond3A_1394 : i32
      scf.if %cond3A_1395 {
        %mul3A_1565 = arith.constant 8 : i32
        %mul3A_1566 = arith.muli %scan3A_789, %mul3A_1565 : i32
        %add3A_1567 = arith.constant 8 : i32
        %add3A_1568 = arith.addi %mul3A_1566, %add3A_1567 : i32
        %add3A_1569 = arith.constant 1 : i32
        %add3A_1570 = arith.addi %add3A_1568, %add3A_1569 : i32
        %dma_start3A_1571 = arith.constant 1 : i32
        %dma_start3A_1572 = arith.constant 1 : i32
        %dma_start3A_1573 = arith.constant 0 : i32
        %dma_start3A_1574 = arith.constant 0 : i32
        %dma_start3A_1575 = tpu.memref_slice %arg12[%dma_start3A_1571, %dma_start3A_1573, %dma_start3A_1574] : memref<8x120x64xf32, #tpu.memory_space<vmem>> -> memref<1x120x64xf32, #tpu.memory_space<vmem>>
        %dma_start3A_1576 = tpu.memref_squeeze %dma_start3A_1575 : memref<1x120x64xf32, #tpu.memory_space<vmem>> -> memref<120x64xf32, #tpu.memory_space<vmem>>
        %dma_start3A_1577 = arith.constant 0 : i32
        %dma_start3A_1578 = tpu.memref_slice %arg9[%add3A_1570, %dma_start3A_1577] : memref<80x120xi32, #tpu.memory_space<vmem>> -> memref<1x120xi32, #tpu.memory_space<vmem>>
        %dma_start3A_1579 = tpu.memref_squeeze %dma_start3A_1578 : memref<1x120xi32, #tpu.memory_space<vmem>> -> memref<120xi32, #tpu.memory_space<vmem>>
        %dma_start3A_1580 = arith.constant 0 : i32
        %dma_start3A_1581 = arith.constant 0 : i32
        %dma_start3A_1582 = tpu.memref_slice %arg2[%dma_start3A_1580, %dma_start3A_1581] : memref<100000x64xf32, #tpu.memory_space<hbm>> -> memref<100000x64xf32, #tpu.memory_space<hbm>>
        %dma_start3A_1583 = tpu.memref_slice %arg13[%dma_start3A_1572] : memref<8x!tpu.dma_semaphore, #tpu.memory_space<semaphore_mem>> -> memref<1x!tpu.dma_semaphore, #tpu.memory_space<semaphore_mem>>
        %dma_start3A_1584 = tpu.memref_squeeze %dma_start3A_1583 : memref<1x!tpu.dma_semaphore, #tpu.memory_space<semaphore_mem>> -> memref<!tpu.dma_semaphore, #tpu.memory_space<semaphore_mem>>
        tpu.enqueue_indirect_dma source(%dma_start3A_1582 : memref<100000x64xf32, #tpu.memory_space<hbm>>) target(%dma_start3A_1576 : memref<120x64xf32, #tpu.memory_space<vmem>>) offsets(%dma_start3A_1579 : memref<120xi32, #tpu.memory_space<vmem>>) semaphore(%dma_start3A_1584 : memref<!tpu.dma_semaphore, #tpu.memory_space<semaphore_mem>>)
      } else {
      }
      %mul3A_1396 = arith.constant 8 : i32
      %mul3A_1397 = arith.muli %scan3A_789, %mul3A_1396 : i32
      %add3A_1398 = arith.constant 2 : i32
      %add3A_1399 = arith.addi %mul3A_1397, %add3A_1398 : i32
      %mul3A_1400 = arith.constant 120 : i32
      %mul3A_1401 = arith.muli %add3A_1399, %mul3A_1400 : i32
      %add3A_1402 = arith.addi %mul3A_2, %mul3A_1401 : i32
      %dma_wait3A_1403 = arith.constant 2 : i32
      %dma_wait3A_1404 = arith.constant 2 : i32
      %dma_wait3A_1405 = arith.constant 0 : i32
      %dma_wait3A_1406 = arith.constant 0 : i32
      %dma_wait3A_1407 = tpu.memref_slice %arg12[%dma_wait3A_1403, %dma_wait3A_1405, %dma_wait3A_1406] : memref<8x120x64xf32, #tpu.memory_space<vmem>> -> memref<1x120x64xf32, #tpu.memory_space<vmem>>
      %dma_wait3A_1408 = tpu.memref_squeeze %dma_wait3A_1407 : memref<1x120x64xf32, #tpu.memory_space<vmem>> -> memref<120x64xf32, #tpu.memory_space<vmem>>
      %dma_wait3A_1409 = arith.constant 0 : i32
      %dma_wait3A_1410 = tpu.memref_slice %arg7[%add3A_1402, %dma_wait3A_1409] : memref<307200x64xf32, #tpu.memory_space<hbm>> -> memref<120x64xf32, #tpu.memory_space<hbm>>
      %dma_wait3A_1411 = tpu.memref_slice %arg15[%dma_wait3A_1404] : memref<8x!tpu.dma_semaphore, #tpu.memory_space<semaphore_mem>> -> memref<1x!tpu.dma_semaphore, #tpu.memory_space<semaphore_mem>>
      %dma_wait3A_1412 = tpu.memref_squeeze %dma_wait3A_1411 : memref<1x!tpu.dma_semaphore, #tpu.memory_space<semaphore_mem>> -> memref<!tpu.dma_semaphore, #tpu.memory_space<semaphore_mem>>
      %dma_wait3A_1413 = arith.constant 0 : i32
      %dma_wait3A_1414 = tpu.memref_slice %arg7[%add3A_1402, %dma_wait3A_1413] : memref<307200x64xf32, #tpu.memory_space<hbm>> -> memref<120x64xf32, #tpu.memory_space<hbm>>
      %dma_wait3A_1415 = arith.constant 0 : i32
      %dma_wait3A_1416 = arith.constant 0 : i32
      %dma_wait3A_1417 = tpu.memref_slice %arg12[%dma_wait3A_1403, %dma_wait3A_1415, %dma_wait3A_1416] : memref<8x120x64xf32, #tpu.memory_space<vmem>> -> memref<1x120x64xf32, #tpu.memory_space<vmem>>
      %dma_wait3A_1418 = tpu.memref_squeeze %dma_wait3A_1417 : memref<1x120x64xf32, #tpu.memory_space<vmem>> -> memref<120x64xf32, #tpu.memory_space<vmem>>
      tpu.wait_dma2 semaphore(%dma_wait3A_1412 : memref<!tpu.dma_semaphore, #tpu.memory_space<semaphore_mem>>) src(%dma_wait3A_1418 : memref<120x64xf32, #tpu.memory_space<vmem>>) dst(%dma_wait3A_1414 : memref<120x64xf32, #tpu.memory_space<hbm>>)
      %lt3A_1419 = arith.constant 9 : i32
      %lt3A_1420 = arith.cmpi slt, %scan3A_789, %lt3A_1419 : i32
      %convert_element_type3A_1421 = arith.extui %lt3A_1420 : i1 to i32
      %cond3A_1422 = arith.constant 0 : i32
      %cond3A_1423 = arith.cmpi ne, %convert_element_type3A_1421, %cond3A_1422 : i32
      scf.if %cond3A_1423 {
        %mul3A_1565 = arith.constant 8 : i32
        %mul3A_1566 = arith.muli %scan3A_789, %mul3A_1565 : i32
        %add3A_1567 = arith.constant 8 : i32
        %add3A_1568 = arith.addi %mul3A_1566, %add3A_1567 : i32
        %add3A_1569 = arith.constant 2 : i32
        %add3A_1570 = arith.addi %add3A_1568, %add3A_1569 : i32
        %dma_start3A_1571 = arith.constant 2 : i32
        %dma_start3A_1572 = arith.constant 2 : i32
        %dma_start3A_1573 = arith.constant 0 : i32
        %dma_start3A_1574 = arith.constant 0 : i32
        %dma_start3A_1575 = tpu.memref_slice %arg12[%dma_start3A_1571, %dma_start3A_1573, %dma_start3A_1574] : memref<8x120x64xf32, #tpu.memory_space<vmem>> -> memref<1x120x64xf32, #tpu.memory_space<vmem>>
        %dma_start3A_1576 = tpu.memref_squeeze %dma_start3A_1575 : memref<1x120x64xf32, #tpu.memory_space<vmem>> -> memref<120x64xf32, #tpu.memory_space<vmem>>
        %dma_start3A_1577 = arith.constant 0 : i32
        %dma_start3A_1578 = tpu.memref_slice %arg9[%add3A_1570, %dma_start3A_1577] : memref<80x120xi32, #tpu.memory_space<vmem>> -> memref<1x120xi32, #tpu.memory_space<vmem>>
        %dma_start3A_1579 = tpu.memref_squeeze %dma_start3A_1578 : memref<1x120xi32, #tpu.memory_space<vmem>> -> memref<120xi32, #tpu.memory_space<vmem>>
        %dma_start3A_1580 = arith.constant 0 : i32
        %dma_start3A_1581 = arith.constant 0 : i32
        %dma_start3A_1582 = tpu.memref_slice %arg2[%dma_start3A_1580, %dma_start3A_1581] : memref<100000x64xf32, #tpu.memory_space<hbm>> -> memref<100000x64xf32, #tpu.memory_space<hbm>>
        %dma_start3A_1583 = tpu.memref_slice %arg13[%dma_start3A_1572] : memref<8x!tpu.dma_semaphore, #tpu.memory_space<semaphore_mem>> -> memref<1x!tpu.dma_semaphore, #tpu.memory_space<semaphore_mem>>
        %dma_start3A_1584 = tpu.memref_squeeze %dma_start3A_1583 : memref<1x!tpu.dma_semaphore, #tpu.memory_space<semaphore_mem>> -> memref<!tpu.dma_semaphore, #tpu.memory_space<semaphore_mem>>
        tpu.enqueue_indirect_dma source(%dma_start3A_1582 : memref<100000x64xf32, #tpu.memory_space<hbm>>) target(%dma_start3A_1576 : memref<120x64xf32, #tpu.memory_space<vmem>>) offsets(%dma_start3A_1579 : memref<120xi32, #tpu.memory_space<vmem>>) semaphore(%dma_start3A_1584 : memref<!tpu.dma_semaphore, #tpu.memory_space<semaphore_mem>>)
      } else {
      }
      %mul3A_1424 = arith.constant 8 : i32
      %mul3A_1425 = arith.muli %scan3A_789, %mul3A_1424 : i32
      %add3A_1426 = arith.constant 3 : i32
      %add3A_1427 = arith.addi %mul3A_1425, %add3A_1426 : i32
      %mul3A_1428 = arith.constant 120 : i32
      %mul3A_1429 = arith.muli %add3A_1427, %mul3A_1428 : i32
      %add3A_1430 = arith.addi %mul3A_2, %mul3A_1429 : i32
      %dma_wait3A_1431 = arith.constant 3 : i32
      %dma_wait3A_1432 = arith.constant 3 : i32
      %dma_wait3A_1433 = arith.constant 0 : i32
      %dma_wait3A_1434 = arith.constant 0 : i32
      %dma_wait3A_1435 = tpu.memref_slice %arg12[%dma_wait3A_1431, %dma_wait3A_1433, %dma_wait3A_1434] : memref<8x120x64xf32, #tpu.memory_space<vmem>> -> memref<1x120x64xf32, #tpu.memory_space<vmem>>
      %dma_wait3A_1436 = tpu.memref_squeeze %dma_wait3A_1435 : memref<1x120x64xf32, #tpu.memory_space<vmem>> -> memref<120x64xf32, #tpu.memory_space<vmem>>
      %dma_wait3A_1437 = arith.constant 0 : i32
      %dma_wait3A_1438 = tpu.memref_slice %arg7[%add3A_1430, %dma_wait3A_1437] : memref<307200x64xf32, #tpu.memory_space<hbm>> -> memref<120x64xf32, #tpu.memory_space<hbm>>
      %dma_wait3A_1439 = tpu.memref_slice %arg15[%dma_wait3A_1432] : memref<8x!tpu.dma_semaphore, #tpu.memory_space<semaphore_mem>> -> memref<1x!tpu.dma_semaphore, #tpu.memory_space<semaphore_mem>>
      %dma_wait3A_1440 = tpu.memref_squeeze %dma_wait3A_1439 : memref<1x!tpu.dma_semaphore, #tpu.memory_space<semaphore_mem>> -> memref<!tpu.dma_semaphore, #tpu.memory_space<semaphore_mem>>
      %dma_wait3A_1441 = arith.constant 0 : i32
      %dma_wait3A_1442 = tpu.memref_slice %arg7[%add3A_1430, %dma_wait3A_1441] : memref<307200x64xf32, #tpu.memory_space<hbm>> -> memref<120x64xf32, #tpu.memory_space<hbm>>
      %dma_wait3A_1443 = arith.constant 0 : i32
      %dma_wait3A_1444 = arith.constant 0 : i32
      %dma_wait3A_1445 = tpu.memref_slice %arg12[%dma_wait3A_1431, %dma_wait3A_1443, %dma_wait3A_1444] : memref<8x120x64xf32, #tpu.memory_space<vmem>> -> memref<1x120x64xf32, #tpu.memory_space<vmem>>
      %dma_wait3A_1446 = tpu.memref_squeeze %dma_wait3A_1445 : memref<1x120x64xf32, #tpu.memory_space<vmem>> -> memref<120x64xf32, #tpu.memory_space<vmem>>
      tpu.wait_dma2 semaphore(%dma_wait3A_1440 : memref<!tpu.dma_semaphore, #tpu.memory_space<semaphore_mem>>) src(%dma_wait3A_1446 : memref<120x64xf32, #tpu.memory_space<vmem>>) dst(%dma_wait3A_1442 : memref<120x64xf32, #tpu.memory_space<hbm>>)
      %lt3A_1447 = arith.constant 9 : i32
      %lt3A_1448 = arith.cmpi slt, %scan3A_789, %lt3A_1447 : i32
      %convert_element_type3A_1449 = arith.extui %lt3A_1448 : i1 to i32
      %cond3A_1450 = arith.constant 0 : i32
      %cond3A_1451 = arith.cmpi ne, %convert_element_type3A_1449, %cond3A_1450 : i32
      scf.if %cond3A_1451 {
        %mul3A_1565 = arith.constant 8 : i32
        %mul3A_1566 = arith.muli %scan3A_789, %mul3A_1565 : i32
        %add3A_1567 = arith.constant 8 : i32
        %add3A_1568 = arith.addi %mul3A_1566, %add3A_1567 : i32
        %add3A_1569 = arith.constant 3 : i32
        %add3A_1570 = arith.addi %add3A_1568, %add3A_1569 : i32
        %dma_start3A_1571 = arith.constant 3 : i32
        %dma_start3A_1572 = arith.constant 3 : i32
        %dma_start3A_1573 = arith.constant 0 : i32
        %dma_start3A_1574 = arith.constant 0 : i32
        %dma_start3A_1575 = tpu.memref_slice %arg12[%dma_start3A_1571, %dma_start3A_1573, %dma_start3A_1574] : memref<8x120x64xf32, #tpu.memory_space<vmem>> -> memref<1x120x64xf32, #tpu.memory_space<vmem>>
        %dma_start3A_1576 = tpu.memref_squeeze %dma_start3A_1575 : memref<1x120x64xf32, #tpu.memory_space<vmem>> -> memref<120x64xf32, #tpu.memory_space<vmem>>
        %dma_start3A_1577 = arith.constant 0 : i32
        %dma_start3A_1578 = tpu.memref_slice %arg9[%add3A_1570, %dma_start3A_1577] : memref<80x120xi32, #tpu.memory_space<vmem>> -> memref<1x120xi32, #tpu.memory_space<vmem>>
        %dma_start3A_1579 = tpu.memref_squeeze %dma_start3A_1578 : memref<1x120xi32, #tpu.memory_space<vmem>> -> memref<120xi32, #tpu.memory_space<vmem>>
        %dma_start3A_1580 = arith.constant 0 : i32
        %dma_start3A_1581 = arith.constant 0 : i32
        %dma_start3A_1582 = tpu.memref_slice %arg2[%dma_start3A_1580, %dma_start3A_1581] : memref<100000x64xf32, #tpu.memory_space<hbm>> -> memref<100000x64xf32, #tpu.memory_space<hbm>>
        %dma_start3A_1583 = tpu.memref_slice %arg13[%dma_start3A_1572] : memref<8x!tpu.dma_semaphore, #tpu.memory_space<semaphore_mem>> -> memref<1x!tpu.dma_semaphore, #tpu.memory_space<semaphore_mem>>
        %dma_start3A_1584 = tpu.memref_squeeze %dma_start3A_1583 : memref<1x!tpu.dma_semaphore, #tpu.memory_space<semaphore_mem>> -> memref<!tpu.dma_semaphore, #tpu.memory_space<semaphore_mem>>
        tpu.enqueue_indirect_dma source(%dma_start3A_1582 : memref<100000x64xf32, #tpu.memory_space<hbm>>) target(%dma_start3A_1576 : memref<120x64xf32, #tpu.memory_space<vmem>>) offsets(%dma_start3A_1579 : memref<120xi32, #tpu.memory_space<vmem>>) semaphore(%dma_start3A_1584 : memref<!tpu.dma_semaphore, #tpu.memory_space<semaphore_mem>>)
      } else {
      }
      %mul3A_1452 = arith.constant 8 : i32
      %mul3A_1453 = arith.muli %scan3A_789, %mul3A_1452 : i32
      %add3A_1454 = arith.constant 4 : i32
      %add3A_1455 = arith.addi %mul3A_1453, %add3A_1454 : i32
      %mul3A_1456 = arith.constant 120 : i32
      %mul3A_1457 = arith.muli %add3A_1455, %mul3A_1456 : i32
      %add3A_1458 = arith.addi %mul3A_2, %mul3A_1457 : i32
      %dma_wait3A_1459 = arith.constant 4 : i32
      %dma_wait3A_1460 = arith.constant 4 : i32
      %dma_wait3A_1461 = arith.constant 0 : i32
      %dma_wait3A_1462 = arith.constant 0 : i32
      %dma_wait3A_1463 = tpu.memref_slice %arg12[%dma_wait3A_1459, %dma_wait3A_1461, %dma_wait3A_1462] : memref<8x120x64xf32, #tpu.memory_space<vmem>> -> memref<1x120x64xf32, #tpu.memory_space<vmem>>
      %dma_wait3A_1464 = tpu.memref_squeeze %dma_wait3A_1463 : memref<1x120x64xf32, #tpu.memory_space<vmem>> -> memref<120x64xf32, #tpu.memory_space<vmem>>
      %dma_wait3A_1465 = arith.constant 0 : i32
      %dma_wait3A_1466 = tpu.memref_slice %arg7[%add3A_1458, %dma_wait3A_1465] : memref<307200x64xf32, #tpu.memory_space<hbm>> -> memref<120x64xf32, #tpu.memory_space<hbm>>
      %dma_wait3A_1467 = tpu.memref_slice %arg15[%dma_wait3A_1460] : memref<8x!tpu.dma_semaphore, #tpu.memory_space<semaphore_mem>> -> memref<1x!tpu.dma_semaphore, #tpu.memory_space<semaphore_mem>>
      %dma_wait3A_1468 = tpu.memref_squeeze %dma_wait3A_1467 : memref<1x!tpu.dma_semaphore, #tpu.memory_space<semaphore_mem>> -> memref<!tpu.dma_semaphore, #tpu.memory_space<semaphore_mem>>
      %dma_wait3A_1469 = arith.constant 0 : i32
      %dma_wait3A_1470 = tpu.memref_slice %arg7[%add3A_1458, %dma_wait3A_1469] : memref<307200x64xf32, #tpu.memory_space<hbm>> -> memref<120x64xf32, #tpu.memory_space<hbm>>
      %dma_wait3A_1471 = arith.constant 0 : i32
      %dma_wait3A_1472 = arith.constant 0 : i32
      %dma_wait3A_1473 = tpu.memref_slice %arg12[%dma_wait3A_1459, %dma_wait3A_1471, %dma_wait3A_1472] : memref<8x120x64xf32, #tpu.memory_space<vmem>> -> memref<1x120x64xf32, #tpu.memory_space<vmem>>
      %dma_wait3A_1474 = tpu.memref_squeeze %dma_wait3A_1473 : memref<1x120x64xf32, #tpu.memory_space<vmem>> -> memref<120x64xf32, #tpu.memory_space<vmem>>
      tpu.wait_dma2 semaphore(%dma_wait3A_1468 : memref<!tpu.dma_semaphore, #tpu.memory_space<semaphore_mem>>) src(%dma_wait3A_1474 : memref<120x64xf32, #tpu.memory_space<vmem>>) dst(%dma_wait3A_1470 : memref<120x64xf32, #tpu.memory_space<hbm>>)
      %lt3A_1475 = arith.constant 9 : i32
      %lt3A_1476 = arith.cmpi slt, %scan3A_789, %lt3A_1475 : i32
      %convert_element_type3A_1477 = arith.extui %lt3A_1476 : i1 to i32
      %cond3A_1478 = arith.constant 0 : i32
      %cond3A_1479 = arith.cmpi ne, %convert_element_type3A_1477, %cond3A_1478 : i32
      scf.if %cond3A_1479 {
        %mul3A_1565 = arith.constant 8 : i32
        %mul3A_1566 = arith.muli %scan3A_789, %mul3A_1565 : i32
        %add3A_1567 = arith.constant 8 : i32
        %add3A_1568 = arith.addi %mul3A_1566, %add3A_1567 : i32
        %add3A_1569 = arith.constant 4 : i32
        %add3A_1570 = arith.addi %add3A_1568, %add3A_1569 : i32
        %dma_start3A_1571 = arith.constant 4 : i32
        %dma_start3A_1572 = arith.constant 4 : i32
        %dma_start3A_1573 = arith.constant 0 : i32
        %dma_start3A_1574 = arith.constant 0 : i32
        %dma_start3A_1575 = tpu.memref_slice %arg12[%dma_start3A_1571, %dma_start3A_1573, %dma_start3A_1574] : memref<8x120x64xf32, #tpu.memory_space<vmem>> -> memref<1x120x64xf32, #tpu.memory_space<vmem>>
        %dma_start3A_1576 = tpu.memref_squeeze %dma_start3A_1575 : memref<1x120x64xf32, #tpu.memory_space<vmem>> -> memref<120x64xf32, #tpu.memory_space<vmem>>
        %dma_start3A_1577 = arith.constant 0 : i32
        %dma_start3A_1578 = tpu.memref_slice %arg9[%add3A_1570, %dma_start3A_1577] : memref<80x120xi32, #tpu.memory_space<vmem>> -> memref<1x120xi32, #tpu.memory_space<vmem>>
        %dma_start3A_1579 = tpu.memref_squeeze %dma_start3A_1578 : memref<1x120xi32, #tpu.memory_space<vmem>> -> memref<120xi32, #tpu.memory_space<vmem>>
        %dma_start3A_1580 = arith.constant 0 : i32
        %dma_start3A_1581 = arith.constant 0 : i32
        %dma_start3A_1582 = tpu.memref_slice %arg2[%dma_start3A_1580, %dma_start3A_1581] : memref<100000x64xf32, #tpu.memory_space<hbm>> -> memref<100000x64xf32, #tpu.memory_space<hbm>>
        %dma_start3A_1583 = tpu.memref_slice %arg13[%dma_start3A_1572] : memref<8x!tpu.dma_semaphore, #tpu.memory_space<semaphore_mem>> -> memref<1x!tpu.dma_semaphore, #tpu.memory_space<semaphore_mem>>
        %dma_start3A_1584 = tpu.memref_squeeze %dma_start3A_1583 : memref<1x!tpu.dma_semaphore, #tpu.memory_space<semaphore_mem>> -> memref<!tpu.dma_semaphore, #tpu.memory_space<semaphore_mem>>
        tpu.enqueue_indirect_dma source(%dma_start3A_1582 : memref<100000x64xf32, #tpu.memory_space<hbm>>) target(%dma_start3A_1576 : memref<120x64xf32, #tpu.memory_space<vmem>>) offsets(%dma_start3A_1579 : memref<120xi32, #tpu.memory_space<vmem>>) semaphore(%dma_start3A_1584 : memref<!tpu.dma_semaphore, #tpu.memory_space<semaphore_mem>>)
      } else {
      }
      %mul3A_1480 = arith.constant 8 : i32
      %mul3A_1481 = arith.muli %scan3A_789, %mul3A_1480 : i32
      %add3A_1482 = arith.constant 5 : i32
      %add3A_1483 = arith.addi %mul3A_1481, %add3A_1482 : i32
      %mul3A_1484 = arith.constant 120 : i32
      %mul3A_1485 = arith.muli %add3A_1483, %mul3A_1484 : i32
      %add3A_1486 = arith.addi %mul3A_2, %mul3A_1485 : i32
      %dma_wait3A_1487 = arith.constant 5 : i32
      %dma_wait3A_1488 = arith.constant 5 : i32
      %dma_wait3A_1489 = arith.constant 0 : i32
      %dma_wait3A_1490 = arith.constant 0 : i32
      %dma_wait3A_1491 = tpu.memref_slice %arg12[%dma_wait3A_1487, %dma_wait3A_1489, %dma_wait3A_1490] : memref<8x120x64xf32, #tpu.memory_space<vmem>> -> memref<1x120x64xf32, #tpu.memory_space<vmem>>
      %dma_wait3A_1492 = tpu.memref_squeeze %dma_wait3A_1491 : memref<1x120x64xf32, #tpu.memory_space<vmem>> -> memref<120x64xf32, #tpu.memory_space<vmem>>
      %dma_wait3A_1493 = arith.constant 0 : i32
      %dma_wait3A_1494 = tpu.memref_slice %arg7[%add3A_1486, %dma_wait3A_1493] : memref<307200x64xf32, #tpu.memory_space<hbm>> -> memref<120x64xf32, #tpu.memory_space<hbm>>
      %dma_wait3A_1495 = tpu.memref_slice %arg15[%dma_wait3A_1488] : memref<8x!tpu.dma_semaphore, #tpu.memory_space<semaphore_mem>> -> memref<1x!tpu.dma_semaphore, #tpu.memory_space<semaphore_mem>>
      %dma_wait3A_1496 = tpu.memref_squeeze %dma_wait3A_1495 : memref<1x!tpu.dma_semaphore, #tpu.memory_space<semaphore_mem>> -> memref<!tpu.dma_semaphore, #tpu.memory_space<semaphore_mem>>
      %dma_wait3A_1497 = arith.constant 0 : i32
      %dma_wait3A_1498 = tpu.memref_slice %arg7[%add3A_1486, %dma_wait3A_1497] : memref<307200x64xf32, #tpu.memory_space<hbm>> -> memref<120x64xf32, #tpu.memory_space<hbm>>
      %dma_wait3A_1499 = arith.constant 0 : i32
      %dma_wait3A_1500 = arith.constant 0 : i32
      %dma_wait3A_1501 = tpu.memref_slice %arg12[%dma_wait3A_1487, %dma_wait3A_1499, %dma_wait3A_1500] : memref<8x120x64xf32, #tpu.memory_space<vmem>> -> memref<1x120x64xf32, #tpu.memory_space<vmem>>
      %dma_wait3A_1502 = tpu.memref_squeeze %dma_wait3A_1501 : memref<1x120x64xf32, #tpu.memory_space<vmem>> -> memref<120x64xf32, #tpu.memory_space<vmem>>
      tpu.wait_dma2 semaphore(%dma_wait3A_1496 : memref<!tpu.dma_semaphore, #tpu.memory_space<semaphore_mem>>) src(%dma_wait3A_1502 : memref<120x64xf32, #tpu.memory_space<vmem>>) dst(%dma_wait3A_1498 : memref<120x64xf32, #tpu.memory_space<hbm>>)
      %lt3A_1503 = arith.constant 9 : i32
      %lt3A_1504 = arith.cmpi slt, %scan3A_789, %lt3A_1503 : i32
      %convert_element_type3A_1505 = arith.extui %lt3A_1504 : i1 to i32
      %cond3A_1506 = arith.constant 0 : i32
      %cond3A_1507 = arith.cmpi ne, %convert_element_type3A_1505, %cond3A_1506 : i32
      scf.if %cond3A_1507 {
        %mul3A_1565 = arith.constant 8 : i32
        %mul3A_1566 = arith.muli %scan3A_789, %mul3A_1565 : i32
        %add3A_1567 = arith.constant 8 : i32
        %add3A_1568 = arith.addi %mul3A_1566, %add3A_1567 : i32
        %add3A_1569 = arith.constant 5 : i32
        %add3A_1570 = arith.addi %add3A_1568, %add3A_1569 : i32
        %dma_start3A_1571 = arith.constant 5 : i32
        %dma_start3A_1572 = arith.constant 5 : i32
        %dma_start3A_1573 = arith.constant 0 : i32
        %dma_start3A_1574 = arith.constant 0 : i32
        %dma_start3A_1575 = tpu.memref_slice %arg12[%dma_start3A_1571, %dma_start3A_1573, %dma_start3A_1574] : memref<8x120x64xf32, #tpu.memory_space<vmem>> -> memref<1x120x64xf32, #tpu.memory_space<vmem>>
        %dma_start3A_1576 = tpu.memref_squeeze %dma_start3A_1575 : memref<1x120x64xf32, #tpu.memory_space<vmem>> -> memref<120x64xf32, #tpu.memory_space<vmem>>
        %dma_start3A_1577 = arith.constant 0 : i32
        %dma_start3A_1578 = tpu.memref_slice %arg9[%add3A_1570, %dma_start3A_1577] : memref<80x120xi32, #tpu.memory_space<vmem>> -> memref<1x120xi32, #tpu.memory_space<vmem>>
        %dma_start3A_1579 = tpu.memref_squeeze %dma_start3A_1578 : memref<1x120xi32, #tpu.memory_space<vmem>> -> memref<120xi32, #tpu.memory_space<vmem>>
        %dma_start3A_1580 = arith.constant 0 : i32
        %dma_start3A_1581 = arith.constant 0 : i32
        %dma_start3A_1582 = tpu.memref_slice %arg2[%dma_start3A_1580, %dma_start3A_1581] : memref<100000x64xf32, #tpu.memory_space<hbm>> -> memref<100000x64xf32, #tpu.memory_space<hbm>>
        %dma_start3A_1583 = tpu.memref_slice %arg13[%dma_start3A_1572] : memref<8x!tpu.dma_semaphore, #tpu.memory_space<semaphore_mem>> -> memref<1x!tpu.dma_semaphore, #tpu.memory_space<semaphore_mem>>
        %dma_start3A_1584 = tpu.memref_squeeze %dma_start3A_1583 : memref<1x!tpu.dma_semaphore, #tpu.memory_space<semaphore_mem>> -> memref<!tpu.dma_semaphore, #tpu.memory_space<semaphore_mem>>
        tpu.enqueue_indirect_dma source(%dma_start3A_1582 : memref<100000x64xf32, #tpu.memory_space<hbm>>) target(%dma_start3A_1576 : memref<120x64xf32, #tpu.memory_space<vmem>>) offsets(%dma_start3A_1579 : memref<120xi32, #tpu.memory_space<vmem>>) semaphore(%dma_start3A_1584 : memref<!tpu.dma_semaphore, #tpu.memory_space<semaphore_mem>>)
      } else {
      }
      %mul3A_1508 = arith.constant 8 : i32
      %mul3A_1509 = arith.muli %scan3A_789, %mul3A_1508 : i32
      %add3A_1510 = arith.constant 6 : i32
      %add3A_1511 = arith.addi %mul3A_1509, %add3A_1510 : i32
      %mul3A_1512 = arith.constant 120 : i32
      %mul3A_1513 = arith.muli %add3A_1511, %mul3A_1512 : i32
      %add3A_1514 = arith.addi %mul3A_2, %mul3A_1513 : i32
      %dma_wait3A_1515 = arith.constant 6 : i32
      %dma_wait3A_1516 = arith.constant 6 : i32
      %dma_wait3A_1517 = arith.constant 0 : i32
      %dma_wait3A_1518 = arith.constant 0 : i32
      %dma_wait3A_1519 = tpu.memref_slice %arg12[%dma_wait3A_1515, %dma_wait3A_1517, %dma_wait3A_1518] : memref<8x120x64xf32, #tpu.memory_space<vmem>> -> memref<1x120x64xf32, #tpu.memory_space<vmem>>
      %dma_wait3A_1520 = tpu.memref_squeeze %dma_wait3A_1519 : memref<1x120x64xf32, #tpu.memory_space<vmem>> -> memref<120x64xf32, #tpu.memory_space<vmem>>
      %dma_wait3A_1521 = arith.constant 0 : i32
      %dma_wait3A_1522 = tpu.memref_slice %arg7[%add3A_1514, %dma_wait3A_1521] : memref<307200x64xf32, #tpu.memory_space<hbm>> -> memref<120x64xf32, #tpu.memory_space<hbm>>
      %dma_wait3A_1523 = tpu.memref_slice %arg15[%dma_wait3A_1516] : memref<8x!tpu.dma_semaphore, #tpu.memory_space<semaphore_mem>> -> memref<1x!tpu.dma_semaphore, #tpu.memory_space<semaphore_mem>>
      %dma_wait3A_1524 = tpu.memref_squeeze %dma_wait3A_1523 : memref<1x!tpu.dma_semaphore, #tpu.memory_space<semaphore_mem>> -> memref<!tpu.dma_semaphore, #tpu.memory_space<semaphore_mem>>
      %dma_wait3A_1525 = arith.constant 0 : i32
      %dma_wait3A_1526 = tpu.memref_slice %arg7[%add3A_1514, %dma_wait3A_1525] : memref<307200x64xf32, #tpu.memory_space<hbm>> -> memref<120x64xf32, #tpu.memory_space<hbm>>
      %dma_wait3A_1527 = arith.constant 0 : i32
      %dma_wait3A_1528 = arith.constant 0 : i32
      %dma_wait3A_1529 = tpu.memref_slice %arg12[%dma_wait3A_1515, %dma_wait3A_1527, %dma_wait3A_1528] : memref<8x120x64xf32, #tpu.memory_space<vmem>> -> memref<1x120x64xf32, #tpu.memory_space<vmem>>
      %dma_wait3A_1530 = tpu.memref_squeeze %dma_wait3A_1529 : memref<1x120x64xf32, #tpu.memory_space<vmem>> -> memref<120x64xf32, #tpu.memory_space<vmem>>
      tpu.wait_dma2 semaphore(%dma_wait3A_1524 : memref<!tpu.dma_semaphore, #tpu.memory_space<semaphore_mem>>) src(%dma_wait3A_1530 : memref<120x64xf32, #tpu.memory_space<vmem>>) dst(%dma_wait3A_1526 : memref<120x64xf32, #tpu.memory_space<hbm>>)
      %lt3A_1531 = arith.constant 9 : i32
      %lt3A_1532 = arith.cmpi slt, %scan3A_789, %lt3A_1531 : i32
      %convert_element_type3A_1533 = arith.extui %lt3A_1532 : i1 to i32
      %cond3A_1534 = arith.constant 0 : i32
      %cond3A_1535 = arith.cmpi ne, %convert_element_type3A_1533, %cond3A_1534 : i32
      scf.if %cond3A_1535 {
        %mul3A_1565 = arith.constant 8 : i32
        %mul3A_1566 = arith.muli %scan3A_789, %mul3A_1565 : i32
        %add3A_1567 = arith.constant 8 : i32
        %add3A_1568 = arith.addi %mul3A_1566, %add3A_1567 : i32
        %add3A_1569 = arith.constant 6 : i32
        %add3A_1570 = arith.addi %add3A_1568, %add3A_1569 : i32
        %dma_start3A_1571 = arith.constant 6 : i32
        %dma_start3A_1572 = arith.constant 6 : i32
        %dma_start3A_1573 = arith.constant 0 : i32
        %dma_start3A_1574 = arith.constant 0 : i32
        %dma_start3A_1575 = tpu.memref_slice %arg12[%dma_start3A_1571, %dma_start3A_1573, %dma_start3A_1574] : memref<8x120x64xf32, #tpu.memory_space<vmem>> -> memref<1x120x64xf32, #tpu.memory_space<vmem>>
        %dma_start3A_1576 = tpu.memref_squeeze %dma_start3A_1575 : memref<1x120x64xf32, #tpu.memory_space<vmem>> -> memref<120x64xf32, #tpu.memory_space<vmem>>
        %dma_start3A_1577 = arith.constant 0 : i32
        %dma_start3A_1578 = tpu.memref_slice %arg9[%add3A_1570, %dma_start3A_1577] : memref<80x120xi32, #tpu.memory_space<vmem>> -> memref<1x120xi32, #tpu.memory_space<vmem>>
        %dma_start3A_1579 = tpu.memref_squeeze %dma_start3A_1578 : memref<1x120xi32, #tpu.memory_space<vmem>> -> memref<120xi32, #tpu.memory_space<vmem>>
        %dma_start3A_1580 = arith.constant 0 : i32
        %dma_start3A_1581 = arith.constant 0 : i32
        %dma_start3A_1582 = tpu.memref_slice %arg2[%dma_start3A_1580, %dma_start3A_1581] : memref<100000x64xf32, #tpu.memory_space<hbm>> -> memref<100000x64xf32, #tpu.memory_space<hbm>>
        %dma_start3A_1583 = tpu.memref_slice %arg13[%dma_start3A_1572] : memref<8x!tpu.dma_semaphore, #tpu.memory_space<semaphore_mem>> -> memref<1x!tpu.dma_semaphore, #tpu.memory_space<semaphore_mem>>
        %dma_start3A_1584 = tpu.memref_squeeze %dma_start3A_1583 : memref<1x!tpu.dma_semaphore, #tpu.memory_space<semaphore_mem>> -> memref<!tpu.dma_semaphore, #tpu.memory_space<semaphore_mem>>
        tpu.enqueue_indirect_dma source(%dma_start3A_1582 : memref<100000x64xf32, #tpu.memory_space<hbm>>) target(%dma_start3A_1576 : memref<120x64xf32, #tpu.memory_space<vmem>>) offsets(%dma_start3A_1579 : memref<120xi32, #tpu.memory_space<vmem>>) semaphore(%dma_start3A_1584 : memref<!tpu.dma_semaphore, #tpu.memory_space<semaphore_mem>>)
      } else {
      }
      %mul3A_1536 = arith.constant 8 : i32
      %mul3A_1537 = arith.muli %scan3A_789, %mul3A_1536 : i32
      %add3A_1538 = arith.constant 7 : i32
      %add3A_1539 = arith.addi %mul3A_1537, %add3A_1538 : i32
      %mul3A_1540 = arith.constant 120 : i32
      %mul3A_1541 = arith.muli %add3A_1539, %mul3A_1540 : i32
      %add3A_1542 = arith.addi %mul3A_2, %mul3A_1541 : i32
      %dma_wait3A_1543 = arith.constant 7 : i32
      %dma_wait3A_1544 = arith.constant 7 : i32
      %dma_wait3A_1545 = arith.constant 0 : i32
      %dma_wait3A_1546 = arith.constant 0 : i32
      %dma_wait3A_1547 = tpu.memref_slice %arg12[%dma_wait3A_1543, %dma_wait3A_1545, %dma_wait3A_1546] : memref<8x120x64xf32, #tpu.memory_space<vmem>> -> memref<1x120x64xf32, #tpu.memory_space<vmem>>
      %dma_wait3A_1548 = tpu.memref_squeeze %dma_wait3A_1547 : memref<1x120x64xf32, #tpu.memory_space<vmem>> -> memref<120x64xf32, #tpu.memory_space<vmem>>
      %dma_wait3A_1549 = arith.constant 0 : i32
      %dma_wait3A_1550 = tpu.memref_slice %arg7[%add3A_1542, %dma_wait3A_1549] : memref<307200x64xf32, #tpu.memory_space<hbm>> -> memref<120x64xf32, #tpu.memory_space<hbm>>
      %dma_wait3A_1551 = tpu.memref_slice %arg15[%dma_wait3A_1544] : memref<8x!tpu.dma_semaphore, #tpu.memory_space<semaphore_mem>> -> memref<1x!tpu.dma_semaphore, #tpu.memory_space<semaphore_mem>>
      %dma_wait3A_1552 = tpu.memref_squeeze %dma_wait3A_1551 : memref<1x!tpu.dma_semaphore, #tpu.memory_space<semaphore_mem>> -> memref<!tpu.dma_semaphore, #tpu.memory_space<semaphore_mem>>
      %dma_wait3A_1553 = arith.constant 0 : i32
      %dma_wait3A_1554 = tpu.memref_slice %arg7[%add3A_1542, %dma_wait3A_1553] : memref<307200x64xf32, #tpu.memory_space<hbm>> -> memref<120x64xf32, #tpu.memory_space<hbm>>
      %dma_wait3A_1555 = arith.constant 0 : i32
      %dma_wait3A_1556 = arith.constant 0 : i32
      %dma_wait3A_1557 = tpu.memref_slice %arg12[%dma_wait3A_1543, %dma_wait3A_1555, %dma_wait3A_1556] : memref<8x120x64xf32, #tpu.memory_space<vmem>> -> memref<1x120x64xf32, #tpu.memory_space<vmem>>
      %dma_wait3A_1558 = tpu.memref_squeeze %dma_wait3A_1557 : memref<1x120x64xf32, #tpu.memory_space<vmem>> -> memref<120x64xf32, #tpu.memory_space<vmem>>
      tpu.wait_dma2 semaphore(%dma_wait3A_1552 : memref<!tpu.dma_semaphore, #tpu.memory_space<semaphore_mem>>) src(%dma_wait3A_1558 : memref<120x64xf32, #tpu.memory_space<vmem>>) dst(%dma_wait3A_1554 : memref<120x64xf32, #tpu.memory_space<hbm>>)
      %lt3A_1559 = arith.constant 9 : i32
      %lt3A_1560 = arith.cmpi slt, %scan3A_789, %lt3A_1559 : i32
      %convert_element_type3A_1561 = arith.extui %lt3A_1560 : i1 to i32
      %cond3A_1562 = arith.constant 0 : i32
      %cond3A_1563 = arith.cmpi ne, %convert_element_type3A_1561, %cond3A_1562 : i32
      scf.if %cond3A_1563 {
        %mul3A_1565 = arith.constant 8 : i32
        %mul3A_1566 = arith.muli %scan3A_789, %mul3A_1565 : i32
        %add3A_1567 = arith.constant 8 : i32
        %add3A_1568 = arith.addi %mul3A_1566, %add3A_1567 : i32
        %add3A_1569 = arith.constant 7 : i32
        %add3A_1570 = arith.addi %add3A_1568, %add3A_1569 : i32
        %dma_start3A_1571 = arith.constant 7 : i32
        %dma_start3A_1572 = arith.constant 7 : i32
        %dma_start3A_1573 = arith.constant 0 : i32
        %dma_start3A_1574 = arith.constant 0 : i32
        %dma_start3A_1575 = tpu.memref_slice %arg12[%dma_start3A_1571, %dma_start3A_1573, %dma_start3A_1574] : memref<8x120x64xf32, #tpu.memory_space<vmem>> -> memref<1x120x64xf32, #tpu.memory_space<vmem>>
        %dma_start3A_1576 = tpu.memref_squeeze %dma_start3A_1575 : memref<1x120x64xf32, #tpu.memory_space<vmem>> -> memref<120x64xf32, #tpu.memory_space<vmem>>
        %dma_start3A_1577 = arith.constant 0 : i32
        %dma_start3A_1578 = tpu.memref_slice %arg9[%add3A_1570, %dma_start3A_1577] : memref<80x120xi32, #tpu.memory_space<vmem>> -> memref<1x120xi32, #tpu.memory_space<vmem>>
        %dma_start3A_1579 = tpu.memref_squeeze %dma_start3A_1578 : memref<1x120xi32, #tpu.memory_space<vmem>> -> memref<120xi32, #tpu.memory_space<vmem>>
        %dma_start3A_1580 = arith.constant 0 : i32
        %dma_start3A_1581 = arith.constant 0 : i32
        %dma_start3A_1582 = tpu.memref_slice %arg2[%dma_start3A_1580, %dma_start3A_1581] : memref<100000x64xf32, #tpu.memory_space<hbm>> -> memref<100000x64xf32, #tpu.memory_space<hbm>>
        %dma_start3A_1583 = tpu.memref_slice %arg13[%dma_start3A_1572] : memref<8x!tpu.dma_semaphore, #tpu.memory_space<semaphore_mem>> -> memref<1x!tpu.dma_semaphore, #tpu.memory_space<semaphore_mem>>
        %dma_start3A_1584 = tpu.memref_squeeze %dma_start3A_1583 : memref<1x!tpu.dma_semaphore, #tpu.memory_space<semaphore_mem>> -> memref<!tpu.dma_semaphore, #tpu.memory_space<semaphore_mem>>
        tpu.enqueue_indirect_dma source(%dma_start3A_1582 : memref<100000x64xf32, #tpu.memory_space<hbm>>) target(%dma_start3A_1576 : memref<120x64xf32, #tpu.memory_space<vmem>>) offsets(%dma_start3A_1579 : memref<120xi32, #tpu.memory_space<vmem>>) semaphore(%dma_start3A_1584 : memref<!tpu.dma_semaphore, #tpu.memory_space<semaphore_mem>>)
      } else {
      }
      %scan3A_1564 = arith.constant 0 : i32
      scf.yield %scan3A_1564 : i32
    }
    %scan3A_788 = arith.constant 10 : i32
    return
  }
}

#map = affine_map<(d0, d1) -> (0, 0)>
#map1 = affine_map<(d0, d1) -> (0, 0, 0)>
module attributes {stable_mosaic.version = 14 : i64} {
  func.func @_sc_gather_body(%arg0: i32, %arg1: i32, %arg2: memref<100000x64xf32, #tpu.memory_space<hbm>>, %arg3: memref<40000x64xf32, #tpu.memory_space<hbm>>, %arg4: memref<32x80x120xi32, #tpu.memory_space<hbm>>, %arg5: memref<32x80x120xi32, #tpu.memory_space<hbm>>, %arg6: memref<32x10x80xi32, #tpu.memory_space<hbm>>, %arg7: memref<307200x64xf32, #tpu.memory_space<hbm>>, %arg8: memref<25600x64xf32, #tpu.memory_space<hbm>>, %arg9: memref<80x120xi32, #tpu.memory_space<vmem>>, %arg10: memref<80x120xi32, #tpu.memory_space<vmem>>, %arg11: memref<10x80xi32, #tpu.memory_space<vmem>>, %arg12: memref<8x120x64xf32, #tpu.memory_space<vmem>>, %arg13: memref<8x!tpu.dma_semaphore, #tpu.memory_space<semaphore_mem>>, %arg14: memref<8x!tpu.dma_semaphore, #tpu.memory_space<semaphore_mem>>, %arg15: memref<8x!tpu.dma_semaphore, #tpu.memory_space<semaphore_mem>>) attributes {dimension_semantics = [#tpu.dimension_semantics<core_parallel>, #tpu.dimension_semantics<subcore_parallel>], iteration_bounds = array<i64: 2, 16>, scalar_prefetch = 0 : i64, scratch_operands = 7 : i64, tpu.core_type = #tpu.core_type<sc_vector_subcore>, window_params = [{transform_indices = #map}, {transform_indices = #map}, {transform_indices = #map1}, {transform_indices = #map1}, {transform_indices = #map1}, {transform_indices = #map}, {transform_indices = #map}]} {
    %mul3A = arith.constant 2 : i32
    %mul3A_0 = arith.muli %arg1, %mul3A : i32
    %add3A = arith.addi %mul3A_0, %arg0 : i32
    "tpu.region"() ({
      %run_scoped3A = tpu.sem_alloc : memref<!tpu.dma_semaphore, #tpu.memory_space<semaphore_mem>>
      %dma_start3A_789 = arith.constant 0 : i32
      %dma_start3A_790 = arith.constant 0 : i32
      %dma_start3A_791 = tpu.memref_slice %arg4[%add3A, %dma_start3A_789, %dma_start3A_790] : memref<32x80x120xi32, #tpu.memory_space<hbm>> -> memref<1x80x120xi32, #tpu.memory_space<hbm>>
      %dma_start3A_792 = tpu.memref_squeeze %dma_start3A_791 : memref<1x80x120xi32, #tpu.memory_space<hbm>> -> memref<80x120xi32, #tpu.memory_space<hbm>>
      %dma_start3A_793 = arith.constant 0 : i32
      %dma_start3A_794 = arith.constant 0 : i32
      %dma_start3A_795 = tpu.memref_slice %arg4[%add3A, %dma_start3A_793, %dma_start3A_794] : memref<32x80x120xi32, #tpu.memory_space<hbm>> -> memref<1x80x120xi32, #tpu.memory_space<hbm>>
      %dma_start3A_796 = tpu.memref_squeeze %dma_start3A_795 : memref<1x80x120xi32, #tpu.memory_space<hbm>> -> memref<80x120xi32, #tpu.memory_space<hbm>>
      tpu.enqueue_dma source(%dma_start3A_796 : memref<80x120xi32, #tpu.memory_space<hbm>>) target(%arg9 : memref<80x120xi32, #tpu.memory_space<vmem>>) target_semaphore(%run_scoped3A : memref<!tpu.dma_semaphore, #tpu.memory_space<semaphore_mem>>)
      %dma_wait3A_797 = arith.constant 0 : i32
      %dma_wait3A_798 = arith.constant 0 : i32
      %dma_wait3A_799 = tpu.memref_slice %arg4[%add3A, %dma_wait3A_797, %dma_wait3A_798] : memref<32x80x120xi32, #tpu.memory_space<hbm>> -> memref<1x80x120xi32, #tpu.memory_space<hbm>>
      %dma_wait3A_800 = tpu.memref_squeeze %dma_wait3A_799 : memref<1x80x120xi32, #tpu.memory_space<hbm>> -> memref<80x120xi32, #tpu.memory_space<hbm>>
      %dma_wait3A_801 = arith.constant 0 : i32
      %dma_wait3A_802 = arith.constant 0 : i32
      %dma_wait3A_803 = tpu.memref_slice %arg4[%add3A, %dma_wait3A_801, %dma_wait3A_802] : memref<32x80x120xi32, #tpu.memory_space<hbm>> -> memref<1x80x120xi32, #tpu.memory_space<hbm>>
      %dma_wait3A_804 = tpu.memref_squeeze %dma_wait3A_803 : memref<1x80x120xi32, #tpu.memory_space<hbm>> -> memref<80x120xi32, #tpu.memory_space<hbm>>
      tpu.wait_dma2 semaphore(%run_scoped3A : memref<!tpu.dma_semaphore, #tpu.memory_space<semaphore_mem>>) src(%dma_wait3A_804 : memref<80x120xi32, #tpu.memory_space<hbm>>) dst(%arg9 : memref<80x120xi32, #tpu.memory_space<vmem>>)
      tpu.yield
    }) : () -> ()
    "tpu.region"() ({
      %run_scoped3A = tpu.sem_alloc : memref<!tpu.dma_semaphore, #tpu.memory_space<semaphore_mem>>
      %dma_start3A_789 = arith.constant 0 : i32
      %dma_start3A_790 = arith.constant 0 : i32
      %dma_start3A_791 = tpu.memref_slice %arg5[%add3A, %dma_start3A_789, %dma_start3A_790] : memref<32x80x120xi32, #tpu.memory_space<hbm>> -> memref<1x80x120xi32, #tpu.memory_space<hbm>>
      %dma_start3A_792 = tpu.memref_squeeze %dma_start3A_791 : memref<1x80x120xi32, #tpu.memory_space<hbm>> -> memref<80x120xi32, #tpu.memory_space<hbm>>
      %dma_start3A_793 = arith.constant 0 : i32
      %dma_start3A_794 = arith.constant 0 : i32
      %dma_start3A_795 = tpu.memref_slice %arg5[%add3A, %dma_start3A_793, %dma_start3A_794] : memref<32x80x120xi32, #tpu.memory_space<hbm>> -> memref<1x80x120xi32, #tpu.memory_space<hbm>>
      %dma_start3A_796 = tpu.memref_squeeze %dma_start3A_795 : memref<1x80x120xi32, #tpu.memory_space<hbm>> -> memref<80x120xi32, #tpu.memory_space<hbm>>
      tpu.enqueue_dma source(%dma_start3A_796 : memref<80x120xi32, #tpu.memory_space<hbm>>) target(%arg10 : memref<80x120xi32, #tpu.memory_space<vmem>>) target_semaphore(%run_scoped3A : memref<!tpu.dma_semaphore, #tpu.memory_space<semaphore_mem>>)
      %dma_wait3A_797 = arith.constant 0 : i32
      %dma_wait3A_798 = arith.constant 0 : i32
      %dma_wait3A_799 = tpu.memref_slice %arg5[%add3A, %dma_wait3A_797, %dma_wait3A_798] : memref<32x80x120xi32, #tpu.memory_space<hbm>> -> memref<1x80x120xi32, #tpu.memory_space<hbm>>
      %dma_wait3A_800 = tpu.memref_squeeze %dma_wait3A_799 : memref<1x80x120xi32, #tpu.memory_space<hbm>> -> memref<80x120xi32, #tpu.memory_space<hbm>>
      %dma_wait3A_801 = arith.constant 0 : i32
      %dma_wait3A_802 = arith.constant 0 : i32
      %dma_wait3A_803 = tpu.memref_slice %arg5[%add3A, %dma_wait3A_801, %dma_wait3A_802] : memref<32x80x120xi32, #tpu.memory_space<hbm>> -> memref<1x80x120xi32, #tpu.memory_space<hbm>>
      %dma_wait3A_804 = tpu.memref_squeeze %dma_wait3A_803 : memref<1x80x120xi32, #tpu.memory_space<hbm>> -> memref<80x120xi32, #tpu.memory_space<hbm>>
      tpu.wait_dma2 semaphore(%run_scoped3A : memref<!tpu.dma_semaphore, #tpu.memory_space<semaphore_mem>>) src(%dma_wait3A_804 : memref<80x120xi32, #tpu.memory_space<hbm>>) dst(%arg10 : memref<80x120xi32, #tpu.memory_space<vmem>>)
      tpu.yield
    }) : () -> ()
    "tpu.region"() ({
      %run_scoped3A = tpu.sem_alloc : memref<!tpu.dma_semaphore, #tpu.memory_space<semaphore_mem>>
      %dma_start3A_789 = arith.constant 0 : i32
      %dma_start3A_790 = arith.constant 0 : i32
      %dma_start3A_791 = tpu.memref_slice %arg6[%add3A, %dma_start3A_789, %dma_start3A_790] : memref<32x10x80xi32, #tpu.memory_space<hbm>> -> memref<1x10x80xi32, #tpu.memory_space<hbm>>
      %dma_start3A_792 = tpu.memref_squeeze %dma_start3A_791 : memref<1x10x80xi32, #tpu.memory_space<hbm>> -> memref<10x80xi32, #tpu.memory_space<hbm>>
      %dma_start3A_793 = arith.constant 0 : i32
      %dma_start3A_794 = arith.constant 0 : i32
      %dma_start3A_795 = tpu.memref_slice %arg6[%add3A, %dma_start3A_793, %dma_start3A_794] : memref<32x10x80xi32, #tpu.memory_space<hbm>> -> memref<1x10x80xi32, #tpu.memory_space<hbm>>
      %dma_start3A_796 = tpu.memref_squeeze %dma_start3A_795 : memref<1x10x80xi32, #tpu.memory_space<hbm>> -> memref<10x80xi32, #tpu.memory_space<hbm>>
      tpu.enqueue_dma source(%dma_start3A_796 : memref<10x80xi32, #tpu.memory_space<hbm>>) target(%arg11 : memref<10x80xi32, #tpu.memory_space<vmem>>) target_semaphore(%run_scoped3A : memref<!tpu.dma_semaphore, #tpu.memory_space<semaphore_mem>>)
      %dma_wait3A_797 = arith.constant 0 : i32
      %dma_wait3A_798 = arith.constant 0 : i32
      %dma_wait3A_799 = tpu.memref_slice %arg6[%add3A, %dma_wait3A_797, %dma_wait3A_798] : memref<32x10x80xi32, #tpu.memory_space<hbm>> -> memref<1x10x80xi32, #tpu.memory_space<hbm>>
      %dma_wait3A_800 = tpu.memref_squeeze %dma_wait3A_799 : memref<1x10x80xi32, #tpu.memory_space<hbm>> -> memref<10x80xi32, #tpu.memory_space<hbm>>
      %dma_wait3A_801 = arith.constant 0 : i32
      %dma_wait3A_802 = arith.constant 0 : i32
      %dma_wait3A_803 = tpu.memref_slice %arg6[%add3A, %dma_wait3A_801, %dma_wait3A_802] : memref<32x10x80xi32, #tpu.memory_space<hbm>> -> memref<1x10x80xi32, #tpu.memory_space<hbm>>
      %dma_wait3A_804 = tpu.memref_squeeze %dma_wait3A_803 : memref<1x10x80xi32, #tpu.memory_space<hbm>> -> memref<10x80xi32, #tpu.memory_space<hbm>>
      tpu.wait_dma2 semaphore(%run_scoped3A : memref<!tpu.dma_semaphore, #tpu.memory_space<semaphore_mem>>) src(%dma_wait3A_804 : memref<10x80xi32, #tpu.memory_space<hbm>>) dst(%arg11 : memref<10x80xi32, #tpu.memory_space<vmem>>)
      tpu.yield
    }) : () -> ()
    %mul3A_1 = arith.constant 9600 : i32
    %mul3A_2 = arith.muli %add3A, %mul3A_1 : i32
    %mul3A_3 = arith.constant 800 : i32
    %mul3A_4 = arith.muli %add3A, %mul3A_3 : i32
    %dma_start3A = arith.constant 0 : i32
    %dma_start3A_5 = arith.constant 0 : i32
    %dma_start3A_6 = arith.constant 0 : i32
    %dma_start3A_7 = arith.constant 0 : i32
    %dma_start3A_8 = arith.constant 0 : i32
    %dma_start3A_9 = tpu.memref_slice %arg12[%dma_start3A_5, %dma_start3A_7, %dma_start3A_8] : memref<8x120x64xf32, #tpu.memory_space<vmem>> -> memref<1x80x64xf32, #tpu.memory_space<vmem>>
    %dma_start3A_10 = tpu.memref_squeeze %dma_start3A_9 : memref<1x80x64xf32, #tpu.memory_space<vmem>> -> memref<80x64xf32, #tpu.memory_space<vmem>>
    %dma_start3A_11 = arith.constant 0 : i32
    %dma_start3A_12 = tpu.memref_slice %arg11[%dma_start3A, %dma_start3A_11] : memref<10x80xi32, #tpu.memory_space<vmem>> -> memref<1x80xi32, #tpu.memory_space<vmem>>
    %dma_start3A_13 = tpu.memref_squeeze %dma_start3A_12 : memref<1x80xi32, #tpu.memory_space<vmem>> -> memref<80xi32, #tpu.memory_space<vmem>>
    %dma_start3A_14 = arith.constant 0 : i32
    %dma_start3A_15 = arith.constant 0 : i32
    %dma_start3A_16 = tpu.memref_slice %arg2[%dma_start3A_14, %dma_start3A_15] : memref<100000x64xf32, #tpu.memory_space<hbm>> -> memref<100000x64xf32, #tpu.memory_space<hbm>>
    %dma_start3A_17 = tpu.memref_slice %arg13[%dma_start3A_6] : memref<8x!tpu.dma_semaphore, #tpu.memory_space<semaphore_mem>> -> memref<1x!tpu.dma_semaphore, #tpu.memory_space<semaphore_mem>>
    %dma_start3A_18 = tpu.memref_squeeze %dma_start3A_17 : memref<1x!tpu.dma_semaphore, #tpu.memory_space<semaphore_mem>> -> memref<!tpu.dma_semaphore, #tpu.memory_space<semaphore_mem>>
    tpu.enqueue_indirect_dma source(%dma_start3A_16 : memref<100000x64xf32, #tpu.memory_space<hbm>>) target(%dma_start3A_10 : memref<80x64xf32, #tpu.memory_space<vmem>>) offsets(%dma_start3A_13 : memref<80xi32, #tpu.memory_space<vmem>>) semaphore(%dma_start3A_18 : memref<!tpu.dma_semaphore, #tpu.memory_space<semaphore_mem>>)
    %dma_start3A_19 = arith.constant 1 : i32
    %dma_start3A_20 = arith.constant 1 : i32
    %dma_start3A_21 = arith.constant 1 : i32
    %dma_start3A_22 = arith.constant 0 : i32
    %dma_start3A_23 = arith.constant 0 : i32
    %dma_start3A_24 = tpu.memref_slice %arg12[%dma_start3A_20, %dma_start3A_22, %dma_start3A_23] : memref<8x120x64xf32, #tpu.memory_space<vmem>> -> memref<1x80x64xf32, #tpu.memory_space<vmem>>
    %dma_start3A_25 = tpu.memref_squeeze %dma_start3A_24 : memref<1x80x64xf32, #tpu.memory_space<vmem>> -> memref<80x64xf32, #tpu.memory_space<vmem>>
    %dma_start3A_26 = arith.constant 0 : i32
    %dma_start3A_27 = tpu.memref_slice %arg11[%dma_start3A_19, %dma_start3A_26] : memref<10x80xi32, #tpu.memory_space<vmem>> -> memref<1x80xi32, #tpu.memory_space<vmem>>
    %dma_start3A_28 = tpu.memref_squeeze %dma_start3A_27 : memref<1x80xi32, #tpu.memory_space<vmem>> -> memref<80xi32, #tpu.memory_space<vmem>>
    %dma_start3A_29 = arith.constant 0 : i32
    %dma_start3A_30 = arith.constant 0 : i32
    %dma_start3A_31 = tpu.memref_slice %arg2[%dma_start3A_29, %dma_start3A_30] : memref<100000x64xf32, #tpu.memory_space<hbm>> -> memref<100000x64xf32, #tpu.memory_space<hbm>>
    %dma_start3A_32 = tpu.memref_slice %arg13[%dma_start3A_21] : memref<8x!tpu.dma_semaphore, #tpu.memory_space<semaphore_mem>> -> memref<1x!tpu.dma_semaphore, #tpu.memory_space<semaphore_mem>>
    %dma_start3A_33 = tpu.memref_squeeze %dma_start3A_32 : memref<1x!tpu.dma_semaphore, #tpu.memory_space<semaphore_mem>> -> memref<!tpu.dma_semaphore, #tpu.memory_space<semaphore_mem>>
    tpu.enqueue_indirect_dma source(%dma_start3A_31 : memref<100000x64xf32, #tpu.memory_space<hbm>>) target(%dma_start3A_25 : memref<80x64xf32, #tpu.memory_space<vmem>>) offsets(%dma_start3A_28 : memref<80xi32, #tpu.memory_space<vmem>>) semaphore(%dma_start3A_33 : memref<!tpu.dma_semaphore, #tpu.memory_space<semaphore_mem>>)
    %dma_start3A_34 = arith.constant 2 : i32
    %dma_start3A_35 = arith.constant 2 : i32
    %dma_start3A_36 = arith.constant 2 : i32
    %dma_start3A_37 = arith.constant 0 : i32
    %dma_start3A_38 = arith.constant 0 : i32
    %dma_start3A_39 = tpu.memref_slice %arg12[%dma_start3A_35, %dma_start3A_37, %dma_start3A_38] : memref<8x120x64xf32, #tpu.memory_space<vmem>> -> memref<1x80x64xf32, #tpu.memory_space<vmem>>
    %dma_start3A_40 = tpu.memref_squeeze %dma_start3A_39 : memref<1x80x64xf32, #tpu.memory_space<vmem>> -> memref<80x64xf32, #tpu.memory_space<vmem>>
    %dma_start3A_41 = arith.constant 0 : i32
    %dma_start3A_42 = tpu.memref_slice %arg11[%dma_start3A_34, %dma_start3A_41] : memref<10x80xi32, #tpu.memory_space<vmem>> -> memref<1x80xi32, #tpu.memory_space<vmem>>
    %dma_start3A_43 = tpu.memref_squeeze %dma_start3A_42 : memref<1x80xi32, #tpu.memory_space<vmem>> -> memref<80xi32, #tpu.memory_space<vmem>>
    %dma_start3A_44 = arith.constant 0 : i32
    %dma_start3A_45 = arith.constant 0 : i32
    %dma_start3A_46 = tpu.memref_slice %arg2[%dma_start3A_44, %dma_start3A_45] : memref<100000x64xf32, #tpu.memory_space<hbm>> -> memref<100000x64xf32, #tpu.memory_space<hbm>>
    %dma_start3A_47 = tpu.memref_slice %arg13[%dma_start3A_36] : memref<8x!tpu.dma_semaphore, #tpu.memory_space<semaphore_mem>> -> memref<1x!tpu.dma_semaphore, #tpu.memory_space<semaphore_mem>>
    %dma_start3A_48 = tpu.memref_squeeze %dma_start3A_47 : memref<1x!tpu.dma_semaphore, #tpu.memory_space<semaphore_mem>> -> memref<!tpu.dma_semaphore, #tpu.memory_space<semaphore_mem>>
    tpu.enqueue_indirect_dma source(%dma_start3A_46 : memref<100000x64xf32, #tpu.memory_space<hbm>>) target(%dma_start3A_40 : memref<80x64xf32, #tpu.memory_space<vmem>>) offsets(%dma_start3A_43 : memref<80xi32, #tpu.memory_space<vmem>>) semaphore(%dma_start3A_48 : memref<!tpu.dma_semaphore, #tpu.memory_space<semaphore_mem>>)
    %dma_start3A_49 = arith.constant 3 : i32
    %dma_start3A_50 = arith.constant 3 : i32
    %dma_start3A_51 = arith.constant 3 : i32
    %dma_start3A_52 = arith.constant 0 : i32
    %dma_start3A_53 = arith.constant 0 : i32
    %dma_start3A_54 = tpu.memref_slice %arg12[%dma_start3A_50, %dma_start3A_52, %dma_start3A_53] : memref<8x120x64xf32, #tpu.memory_space<vmem>> -> memref<1x80x64xf32, #tpu.memory_space<vmem>>
    %dma_start3A_55 = tpu.memref_squeeze %dma_start3A_54 : memref<1x80x64xf32, #tpu.memory_space<vmem>> -> memref<80x64xf32, #tpu.memory_space<vmem>>
    %dma_start3A_56 = arith.constant 0 : i32
    %dma_start3A_57 = tpu.memref_slice %arg11[%dma_start3A_49, %dma_start3A_56] : memref<10x80xi32, #tpu.memory_space<vmem>> -> memref<1x80xi32, #tpu.memory_space<vmem>>
    %dma_start3A_58 = tpu.memref_squeeze %dma_start3A_57 : memref<1x80xi32, #tpu.memory_space<vmem>> -> memref<80xi32, #tpu.memory_space<vmem>>
    %dma_start3A_59 = arith.constant 0 : i32
    %dma_start3A_60 = arith.constant 0 : i32
    %dma_start3A_61 = tpu.memref_slice %arg2[%dma_start3A_59, %dma_start3A_60] : memref<100000x64xf32, #tpu.memory_space<hbm>> -> memref<100000x64xf32, #tpu.memory_space<hbm>>
    %dma_start3A_62 = tpu.memref_slice %arg13[%dma_start3A_51] : memref<8x!tpu.dma_semaphore, #tpu.memory_space<semaphore_mem>> -> memref<1x!tpu.dma_semaphore, #tpu.memory_space<semaphore_mem>>
    %dma_start3A_63 = tpu.memref_squeeze %dma_start3A_62 : memref<1x!tpu.dma_semaphore, #tpu.memory_space<semaphore_mem>> -> memref<!tpu.dma_semaphore, #tpu.memory_space<semaphore_mem>>
    tpu.enqueue_indirect_dma source(%dma_start3A_61 : memref<100000x64xf32, #tpu.memory_space<hbm>>) target(%dma_start3A_55 : memref<80x64xf32, #tpu.memory_space<vmem>>) offsets(%dma_start3A_58 : memref<80xi32, #tpu.memory_space<vmem>>) semaphore(%dma_start3A_63 : memref<!tpu.dma_semaphore, #tpu.memory_space<semaphore_mem>>)
    %dma_wait3A = arith.constant 0 : i32
    %dma_wait3A_64 = arith.constant 0 : i32
    %dma_wait3A_65 = arith.constant 0 : i32
    %dma_wait3A_66 = arith.constant 0 : i32
    %dma_wait3A_67 = arith.constant 0 : i32
    %dma_wait3A_68 = tpu.memref_slice %arg12[%dma_wait3A_64, %dma_wait3A_66, %dma_wait3A_67] : memref<8x120x64xf32, #tpu.memory_space<vmem>> -> memref<1x80x64xf32, #tpu.memory_space<vmem>>
    %dma_wait3A_69 = tpu.memref_squeeze %dma_wait3A_68 : memref<1x80x64xf32, #tpu.memory_space<vmem>> -> memref<80x64xf32, #tpu.memory_space<vmem>>
    %dma_wait3A_70 = arith.constant 0 : i32
    %dma_wait3A_71 = tpu.memref_slice %arg11[%dma_wait3A, %dma_wait3A_70] : memref<10x80xi32, #tpu.memory_space<vmem>> -> memref<1x80xi32, #tpu.memory_space<vmem>>
    %dma_wait3A_72 = tpu.memref_squeeze %dma_wait3A_71 : memref<1x80xi32, #tpu.memory_space<vmem>> -> memref<80xi32, #tpu.memory_space<vmem>>
    %dma_wait3A_73 = arith.constant 0 : i32
    %dma_wait3A_74 = arith.constant 0 : i32
    %dma_wait3A_75 = tpu.memref_slice %arg2[%dma_wait3A_73, %dma_wait3A_74] : memref<100000x64xf32, #tpu.memory_space<hbm>> -> memref<100000x64xf32, #tpu.memory_space<hbm>>
    %dma_wait3A_76 = tpu.memref_slice %arg13[%dma_wait3A_65] : memref<8x!tpu.dma_semaphore, #tpu.memory_space<semaphore_mem>> -> memref<1x!tpu.dma_semaphore, #tpu.memory_space<semaphore_mem>>
    %dma_wait3A_77 = tpu.memref_squeeze %dma_wait3A_76 : memref<1x!tpu.dma_semaphore, #tpu.memory_space<semaphore_mem>> -> memref<!tpu.dma_semaphore, #tpu.memory_space<semaphore_mem>>
    tpu.wait_indirect_dma semaphore(%dma_wait3A_77 : memref<!tpu.dma_semaphore, #tpu.memory_space<semaphore_mem>>) src(%dma_wait3A_75 : memref<100000x64xf32, #tpu.memory_space<hbm>>) dst(%dma_wait3A_69 : memref<80x64xf32, #tpu.memory_space<vmem>>)
    %add3A_78 = arith.constant 0 : i32
    %add3A_79 = arith.addi %mul3A_4, %add3A_78 : i32
    %dma_start3A_80 = arith.constant 0 : i32
    %dma_start3A_81 = arith.constant 0 : i32
    %dma_start3A_82 = arith.constant 0 : i32
    %dma_start3A_83 = arith.constant 0 : i32
    %dma_start3A_84 = tpu.memref_slice %arg12[%dma_start3A_80, %dma_start3A_82, %dma_start3A_83] : memref<8x120x64xf32, #tpu.memory_space<vmem>> -> memref<1x80x64xf32, #tpu.memory_space<vmem>>
    %dma_start3A_85 = tpu.memref_squeeze %dma_start3A_84 : memref<1x80x64xf32, #tpu.memory_space<vmem>> -> memref<80x64xf32, #tpu.memory_space<vmem>>
    %dma_start3A_86 = arith.constant 0 : i32
    %dma_start3A_87 = tpu.memref_slice %arg8[%add3A_79, %dma_start3A_86] : memref<25600x64xf32, #tpu.memory_space<hbm>> -> memref<80x64xf32, #tpu.memory_space<hbm>>
    %dma_start3A_88 = tpu.memref_slice %arg15[%dma_start3A_81] : memref<8x!tpu.dma_semaphore, #tpu.memory_space<semaphore_mem>> -> memref<1x!tpu.dma_semaphore, #tpu.memory_space<semaphore_mem>>
    %dma_start3A_89 = tpu.memref_squeeze %dma_start3A_88 : memref<1x!tpu.dma_semaphore, #tpu.memory_space<semaphore_mem>> -> memref<!tpu.dma_semaphore, #tpu.memory_space<semaphore_mem>>
    %dma_start3A_90 = arith.constant 0 : i32
    %dma_start3A_91 = tpu.memref_slice %arg8[%add3A_79, %dma_start3A_90] : memref<25600x64xf32, #tpu.memory_space<hbm>> -> memref<80x64xf32, #tpu.memory_space<hbm>>
    %dma_start3A_92 = arith.constant 0 : i32
    %dma_start3A_93 = arith.constant 0 : i32
    %dma_start3A_94 = tpu.memref_slice %arg12[%dma_start3A_80, %dma_start3A_92, %dma_start3A_93] : memref<8x120x64xf32, #tpu.memory_space<vmem>> -> memref<1x80x64xf32, #tpu.memory_space<vmem>>
    %dma_start3A_95 = tpu.memref_squeeze %dma_start3A_94 : memref<1x80x64xf32, #tpu.memory_space<vmem>> -> memref<80x64xf32, #tpu.memory_space<vmem>>
    tpu.enqueue_dma source(%dma_start3A_95 : memref<80x64xf32, #tpu.memory_space<vmem>>) target(%dma_start3A_91 : memref<80x64xf32, #tpu.memory_space<hbm>>) target_semaphore(%dma_start3A_89 : memref<!tpu.dma_semaphore, #tpu.memory_space<semaphore_mem>>)
    %add3A_96 = arith.constant 0 : i32
    %add3A_97 = arith.addi %mul3A_4, %add3A_96 : i32
    %dma_wait3A_98 = arith.constant 0 : i32
    %dma_wait3A_99 = arith.constant 0 : i32
    %dma_wait3A_100 = arith.constant 0 : i32
    %dma_wait3A_101 = arith.constant 0 : i32
    %dma_wait3A_102 = tpu.memref_slice %arg12[%dma_wait3A_98, %dma_wait3A_100, %dma_wait3A_101] : memref<8x120x64xf32, #tpu.memory_space<vmem>> -> memref<1x80x64xf32, #tpu.memory_space<vmem>>
    %dma_wait3A_103 = tpu.memref_squeeze %dma_wait3A_102 : memref<1x80x64xf32, #tpu.memory_space<vmem>> -> memref<80x64xf32, #tpu.memory_space<vmem>>
    %dma_wait3A_104 = arith.constant 0 : i32
    %dma_wait3A_105 = tpu.memref_slice %arg8[%add3A_97, %dma_wait3A_104] : memref<25600x64xf32, #tpu.memory_space<hbm>> -> memref<80x64xf32, #tpu.memory_space<hbm>>
    %dma_wait3A_106 = tpu.memref_slice %arg15[%dma_wait3A_99] : memref<8x!tpu.dma_semaphore, #tpu.memory_space<semaphore_mem>> -> memref<1x!tpu.dma_semaphore, #tpu.memory_space<semaphore_mem>>
    %dma_wait3A_107 = tpu.memref_squeeze %dma_wait3A_106 : memref<1x!tpu.dma_semaphore, #tpu.memory_space<semaphore_mem>> -> memref<!tpu.dma_semaphore, #tpu.memory_space<semaphore_mem>>
    %dma_wait3A_108 = arith.constant 0 : i32
    %dma_wait3A_109 = tpu.memref_slice %arg8[%add3A_97, %dma_wait3A_108] : memref<25600x64xf32, #tpu.memory_space<hbm>> -> memref<80x64xf32, #tpu.memory_space<hbm>>
    %dma_wait3A_110 = arith.constant 0 : i32
    %dma_wait3A_111 = arith.constant 0 : i32
    %dma_wait3A_112 = tpu.memref_slice %arg12[%dma_wait3A_98, %dma_wait3A_110, %dma_wait3A_111] : memref<8x120x64xf32, #tpu.memory_space<vmem>> -> memref<1x80x64xf32, #tpu.memory_space<vmem>>
    %dma_wait3A_113 = tpu.memref_squeeze %dma_wait3A_112 : memref<1x80x64xf32, #tpu.memory_space<vmem>> -> memref<80x64xf32, #tpu.memory_space<vmem>>
    tpu.wait_dma2 semaphore(%dma_wait3A_107 : memref<!tpu.dma_semaphore, #tpu.memory_space<semaphore_mem>>) src(%dma_wait3A_113 : memref<80x64xf32, #tpu.memory_space<vmem>>) dst(%dma_wait3A_109 : memref<80x64xf32, #tpu.memory_space<hbm>>)
    %dma_start3A_114 = arith.constant 4 : i32
    %dma_start3A_115 = arith.constant 0 : i32
    %dma_start3A_116 = arith.constant 0 : i32
    %dma_start3A_117 = arith.constant 0 : i32
    %dma_start3A_118 = arith.constant 0 : i32
    %dma_start3A_119 = tpu.memref_slice %arg12[%dma_start3A_115, %dma_start3A_117, %dma_start3A_118] : memref<8x120x64xf32, #tpu.memory_space<vmem>> -> memref<1x80x64xf32, #tpu.memory_space<vmem>>
    %dma_start3A_120 = tpu.memref_squeeze %dma_start3A_119 : memref<1x80x64xf32, #tpu.memory_space<vmem>> -> memref<80x64xf32, #tpu.memory_space<vmem>>
    %dma_start3A_121 = arith.constant 0 : i32
    %dma_start3A_122 = tpu.memref_slice %arg11[%dma_start3A_114, %dma_start3A_121] : memref<10x80xi32, #tpu.memory_space<vmem>> -> memref<1x80xi32, #tpu.memory_space<vmem>>
    %dma_start3A_123 = tpu.memref_squeeze %dma_start3A_122 : memref<1x80xi32, #tpu.memory_space<vmem>> -> memref<80xi32, #tpu.memory_space<vmem>>
    %dma_start3A_124 = arith.constant 0 : i32
    %dma_start3A_125 = arith.constant 0 : i32
    %dma_start3A_126 = tpu.memref_slice %arg2[%dma_start3A_124, %dma_start3A_125] : memref<100000x64xf32, #tpu.memory_space<hbm>> -> memref<100000x64xf32, #tpu.memory_space<hbm>>
    %dma_start3A_127 = tpu.memref_slice %arg13[%dma_start3A_116] : memref<8x!tpu.dma_semaphore, #tpu.memory_space<semaphore_mem>> -> memref<1x!tpu.dma_semaphore, #tpu.memory_space<semaphore_mem>>
    %dma_start3A_128 = tpu.memref_squeeze %dma_start3A_127 : memref<1x!tpu.dma_semaphore, #tpu.memory_space<semaphore_mem>> -> memref<!tpu.dma_semaphore, #tpu.memory_space<semaphore_mem>>
    tpu.enqueue_indirect_dma source(%dma_start3A_126 : memref<100000x64xf32, #tpu.memory_space<hbm>>) target(%dma_start3A_120 : memref<80x64xf32, #tpu.memory_space<vmem>>) offsets(%dma_start3A_123 : memref<80xi32, #tpu.memory_space<vmem>>) semaphore(%dma_start3A_128 : memref<!tpu.dma_semaphore, #tpu.memory_space<semaphore_mem>>)
    %dma_wait3A_129 = arith.constant 1 : i32
    %dma_wait3A_130 = arith.constant 1 : i32
    %dma_wait3A_131 = arith.constant 1 : i32
    %dma_wait3A_132 = arith.constant 0 : i32
    %dma_wait3A_133 = arith.constant 0 : i32
    %dma_wait3A_134 = tpu.memref_slice %arg12[%dma_wait3A_130, %dma_wait3A_132, %dma_wait3A_133] : memref<8x120x64xf32, #tpu.memory_space<vmem>> -> memref<1x80x64xf32, #tpu.memory_space<vmem>>
    %dma_wait3A_135 = tpu.memref_squeeze %dma_wait3A_134 : memref<1x80x64xf32, #tpu.memory_space<vmem>> -> memref<80x64xf32, #tpu.memory_space<vmem>>
    %dma_wait3A_136 = arith.constant 0 : i32
    %dma_wait3A_137 = tpu.memref_slice %arg11[%dma_wait3A_129, %dma_wait3A_136] : memref<10x80xi32, #tpu.memory_space<vmem>> -> memref<1x80xi32, #tpu.memory_space<vmem>>
    %dma_wait3A_138 = tpu.memref_squeeze %dma_wait3A_137 : memref<1x80xi32, #tpu.memory_space<vmem>> -> memref<80xi32, #tpu.memory_space<vmem>>
    %dma_wait3A_139 = arith.constant 0 : i32
    %dma_wait3A_140 = arith.constant 0 : i32
    %dma_wait3A_141 = tpu.memref_slice %arg2[%dma_wait3A_139, %dma_wait3A_140] : memref<100000x64xf32, #tpu.memory_space<hbm>> -> memref<100000x64xf32, #tpu.memory_space<hbm>>
    %dma_wait3A_142 = tpu.memref_slice %arg13[%dma_wait3A_131] : memref<8x!tpu.dma_semaphore, #tpu.memory_space<semaphore_mem>> -> memref<1x!tpu.dma_semaphore, #tpu.memory_space<semaphore_mem>>
    %dma_wait3A_143 = tpu.memref_squeeze %dma_wait3A_142 : memref<1x!tpu.dma_semaphore, #tpu.memory_space<semaphore_mem>> -> memref<!tpu.dma_semaphore, #tpu.memory_space<semaphore_mem>>
    tpu.wait_indirect_dma semaphore(%dma_wait3A_143 : memref<!tpu.dma_semaphore, #tpu.memory_space<semaphore_mem>>) src(%dma_wait3A_141 : memref<100000x64xf32, #tpu.memory_space<hbm>>) dst(%dma_wait3A_135 : memref<80x64xf32, #tpu.memory_space<vmem>>)
    %add3A_144 = arith.constant 80 : i32
    %add3A_145 = arith.addi %mul3A_4, %add3A_144 : i32
    %dma_start3A_146 = arith.constant 1 : i32
    %dma_start3A_147 = arith.constant 1 : i32
    %dma_start3A_148 = arith.constant 0 : i32
    %dma_start3A_149 = arith.constant 0 : i32
    %dma_start3A_150 = tpu.memref_slice %arg12[%dma_start3A_146, %dma_start3A_148, %dma_start3A_149] : memref<8x120x64xf32, #tpu.memory_space<vmem>> -> memref<1x80x64xf32, #tpu.memory_space<vmem>>
    %dma_start3A_151 = tpu.memref_squeeze %dma_start3A_150 : memref<1x80x64xf32, #tpu.memory_space<vmem>> -> memref<80x64xf32, #tpu.memory_space<vmem>>
    %dma_start3A_152 = arith.constant 0 : i32
    %dma_start3A_153 = tpu.memref_slice %arg8[%add3A_145, %dma_start3A_152] : memref<25600x64xf32, #tpu.memory_space<hbm>> -> memref<80x64xf32, #tpu.memory_space<hbm>>
    %dma_start3A_154 = tpu.memref_slice %arg15[%dma_start3A_147] : memref<8x!tpu.dma_semaphore, #tpu.memory_space<semaphore_mem>> -> memref<1x!tpu.dma_semaphore, #tpu.memory_space<semaphore_mem>>
    %dma_start3A_155 = tpu.memref_squeeze %dma_start3A_154 : memref<1x!tpu.dma_semaphore, #tpu.memory_space<semaphore_mem>> -> memref<!tpu.dma_semaphore, #tpu.memory_space<semaphore_mem>>
    %dma_start3A_156 = arith.constant 0 : i32
    %dma_start3A_157 = tpu.memref_slice %arg8[%add3A_145, %dma_start3A_156] : memref<25600x64xf32, #tpu.memory_space<hbm>> -> memref<80x64xf32, #tpu.memory_space<hbm>>
    %dma_start3A_158 = arith.constant 0 : i32
    %dma_start3A_159 = arith.constant 0 : i32
    %dma_start3A_160 = tpu.memref_slice %arg12[%dma_start3A_146, %dma_start3A_158, %dma_start3A_159] : memref<8x120x64xf32, #tpu.memory_space<vmem>> -> memref<1x80x64xf32, #tpu.memory_space<vmem>>
    %dma_start3A_161 = tpu.memref_squeeze %dma_start3A_160 : memref<1x80x64xf32, #tpu.memory_space<vmem>> -> memref<80x64xf32, #tpu.memory_space<vmem>>
    tpu.enqueue_dma source(%dma_start3A_161 : memref<80x64xf32, #tpu.memory_space<vmem>>) target(%dma_start3A_157 : memref<80x64xf32, #tpu.memory_space<hbm>>) target_semaphore(%dma_start3A_155 : memref<!tpu.dma_semaphore, #tpu.memory_space<semaphore_mem>>)
    %add3A_162 = arith.constant 80 : i32
    %add3A_163 = arith.addi %mul3A_4, %add3A_162 : i32
    %dma_wait3A_164 = arith.constant 1 : i32
    %dma_wait3A_165 = arith.constant 1 : i32
    %dma_wait3A_166 = arith.constant 0 : i32
    %dma_wait3A_167 = arith.constant 0 : i32
    %dma_wait3A_168 = tpu.memref_slice %arg12[%dma_wait3A_164, %dma_wait3A_166, %dma_wait3A_167] : memref<8x120x64xf32, #tpu.memory_space<vmem>> -> memref<1x80x64xf32, #tpu.memory_space<vmem>>
    %dma_wait3A_169 = tpu.memref_squeeze %dma_wait3A_168 : memref<1x80x64xf32, #tpu.memory_space<vmem>> -> memref<80x64xf32, #tpu.memory_space<vmem>>
    %dma_wait3A_170 = arith.constant 0 : i32
    %dma_wait3A_171 = tpu.memref_slice %arg8[%add3A_163, %dma_wait3A_170] : memref<25600x64xf32, #tpu.memory_space<hbm>> -> memref<80x64xf32, #tpu.memory_space<hbm>>
    %dma_wait3A_172 = tpu.memref_slice %arg15[%dma_wait3A_165] : memref<8x!tpu.dma_semaphore, #tpu.memory_space<semaphore_mem>> -> memref<1x!tpu.dma_semaphore, #tpu.memory_space<semaphore_mem>>
    %dma_wait3A_173 = tpu.memref_squeeze %dma_wait3A_172 : memref<1x!tpu.dma_semaphore, #tpu.memory_space<semaphore_mem>> -> memref<!tpu.dma_semaphore, #tpu.memory_space<semaphore_mem>>
    %dma_wait3A_174 = arith.constant 0 : i32
    %dma_wait3A_175 = tpu.memref_slice %arg8[%add3A_163, %dma_wait3A_174] : memref<25600x64xf32, #tpu.memory_space<hbm>> -> memref<80x64xf32, #tpu.memory_space<hbm>>
    %dma_wait3A_176 = arith.constant 0 : i32
    %dma_wait3A_177 = arith.constant 0 : i32
    %dma_wait3A_178 = tpu.memref_slice %arg12[%dma_wait3A_164, %dma_wait3A_176, %dma_wait3A_177] : memref<8x120x64xf32, #tpu.memory_space<vmem>> -> memref<1x80x64xf32, #tpu.memory_space<vmem>>
    %dma_wait3A_179 = tpu.memref_squeeze %dma_wait3A_178 : memref<1x80x64xf32, #tpu.memory_space<vmem>> -> memref<80x64xf32, #tpu.memory_space<vmem>>
    tpu.wait_dma2 semaphore(%dma_wait3A_173 : memref<!tpu.dma_semaphore, #tpu.memory_space<semaphore_mem>>) src(%dma_wait3A_179 : memref<80x64xf32, #tpu.memory_space<vmem>>) dst(%dma_wait3A_175 : memref<80x64xf32, #tpu.memory_space<hbm>>)
    %dma_start3A_180 = arith.constant 5 : i32
    %dma_start3A_181 = arith.constant 1 : i32
    %dma_start3A_182 = arith.constant 1 : i32
    %dma_start3A_183 = arith.constant 0 : i32
    %dma_start3A_184 = arith.constant 0 : i32
    %dma_start3A_185 = tpu.memref_slice %arg12[%dma_start3A_181, %dma_start3A_183, %dma_start3A_184] : memref<8x120x64xf32, #tpu.memory_space<vmem>> -> memref<1x80x64xf32, #tpu.memory_space<vmem>>
    %dma_start3A_186 = tpu.memref_squeeze %dma_start3A_185 : memref<1x80x64xf32, #tpu.memory_space<vmem>> -> memref<80x64xf32, #tpu.memory_space<vmem>>
    %dma_start3A_187 = arith.constant 0 : i32
    %dma_start3A_188 = tpu.memref_slice %arg11[%dma_start3A_180, %dma_start3A_187] : memref<10x80xi32, #tpu.memory_space<vmem>> -> memref<1x80xi32, #tpu.memory_space<vmem>>
    %dma_start3A_189 = tpu.memref_squeeze %dma_start3A_188 : memref<1x80xi32, #tpu.memory_space<vmem>> -> memref<80xi32, #tpu.memory_space<vmem>>
    %dma_start3A_190 = arith.constant 0 : i32
    %dma_start3A_191 = arith.constant 0 : i32
    %dma_start3A_192 = tpu.memref_slice %arg2[%dma_start3A_190, %dma_start3A_191] : memref<100000x64xf32, #tpu.memory_space<hbm>> -> memref<100000x64xf32, #tpu.memory_space<hbm>>
    %dma_start3A_193 = tpu.memref_slice %arg13[%dma_start3A_182] : memref<8x!tpu.dma_semaphore, #tpu.memory_space<semaphore_mem>> -> memref<1x!tpu.dma_semaphore, #tpu.memory_space<semaphore_mem>>
    %dma_start3A_194 = tpu.memref_squeeze %dma_start3A_193 : memref<1x!tpu.dma_semaphore, #tpu.memory_space<semaphore_mem>> -> memref<!tpu.dma_semaphore, #tpu.memory_space<semaphore_mem>>
    tpu.enqueue_indirect_dma source(%dma_start3A_192 : memref<100000x64xf32, #tpu.memory_space<hbm>>) target(%dma_start3A_186 : memref<80x64xf32, #tpu.memory_space<vmem>>) offsets(%dma_start3A_189 : memref<80xi32, #tpu.memory_space<vmem>>) semaphore(%dma_start3A_194 : memref<!tpu.dma_semaphore, #tpu.memory_space<semaphore_mem>>)
    %dma_wait3A_195 = arith.constant 2 : i32
    %dma_wait3A_196 = arith.constant 2 : i32
    %dma_wait3A_197 = arith.constant 2 : i32
    %dma_wait3A_198 = arith.constant 0 : i32
    %dma_wait3A_199 = arith.constant 0 : i32
    %dma_wait3A_200 = tpu.memref_slice %arg12[%dma_wait3A_196, %dma_wait3A_198, %dma_wait3A_199] : memref<8x120x64xf32, #tpu.memory_space<vmem>> -> memref<1x80x64xf32, #tpu.memory_space<vmem>>
    %dma_wait3A_201 = tpu.memref_squeeze %dma_wait3A_200 : memref<1x80x64xf32, #tpu.memory_space<vmem>> -> memref<80x64xf32, #tpu.memory_space<vmem>>
    %dma_wait3A_202 = arith.constant 0 : i32
    %dma_wait3A_203 = tpu.memref_slice %arg11[%dma_wait3A_195, %dma_wait3A_202] : memref<10x80xi32, #tpu.memory_space<vmem>> -> memref<1x80xi32, #tpu.memory_space<vmem>>
    %dma_wait3A_204 = tpu.memref_squeeze %dma_wait3A_203 : memref<1x80xi32, #tpu.memory_space<vmem>> -> memref<80xi32, #tpu.memory_space<vmem>>
    %dma_wait3A_205 = arith.constant 0 : i32
    %dma_wait3A_206 = arith.constant 0 : i32
    %dma_wait3A_207 = tpu.memref_slice %arg2[%dma_wait3A_205, %dma_wait3A_206] : memref<100000x64xf32, #tpu.memory_space<hbm>> -> memref<100000x64xf32, #tpu.memory_space<hbm>>
    %dma_wait3A_208 = tpu.memref_slice %arg13[%dma_wait3A_197] : memref<8x!tpu.dma_semaphore, #tpu.memory_space<semaphore_mem>> -> memref<1x!tpu.dma_semaphore, #tpu.memory_space<semaphore_mem>>
    %dma_wait3A_209 = tpu.memref_squeeze %dma_wait3A_208 : memref<1x!tpu.dma_semaphore, #tpu.memory_space<semaphore_mem>> -> memref<!tpu.dma_semaphore, #tpu.memory_space<semaphore_mem>>
    tpu.wait_indirect_dma semaphore(%dma_wait3A_209 : memref<!tpu.dma_semaphore, #tpu.memory_space<semaphore_mem>>) src(%dma_wait3A_207 : memref<100000x64xf32, #tpu.memory_space<hbm>>) dst(%dma_wait3A_201 : memref<80x64xf32, #tpu.memory_space<vmem>>)
    %add3A_210 = arith.constant 160 : i32
    %add3A_211 = arith.addi %mul3A_4, %add3A_210 : i32
    %dma_start3A_212 = arith.constant 2 : i32
    %dma_start3A_213 = arith.constant 2 : i32
    %dma_start3A_214 = arith.constant 0 : i32
    %dma_start3A_215 = arith.constant 0 : i32
    %dma_start3A_216 = tpu.memref_slice %arg12[%dma_start3A_212, %dma_start3A_214, %dma_start3A_215] : memref<8x120x64xf32, #tpu.memory_space<vmem>> -> memref<1x80x64xf32, #tpu.memory_space<vmem>>
    %dma_start3A_217 = tpu.memref_squeeze %dma_start3A_216 : memref<1x80x64xf32, #tpu.memory_space<vmem>> -> memref<80x64xf32, #tpu.memory_space<vmem>>
    %dma_start3A_218 = arith.constant 0 : i32
    %dma_start3A_219 = tpu.memref_slice %arg8[%add3A_211, %dma_start3A_218] : memref<25600x64xf32, #tpu.memory_space<hbm>> -> memref<80x64xf32, #tpu.memory_space<hbm>>
    %dma_start3A_220 = tpu.memref_slice %arg15[%dma_start3A_213] : memref<8x!tpu.dma_semaphore, #tpu.memory_space<semaphore_mem>> -> memref<1x!tpu.dma_semaphore, #tpu.memory_space<semaphore_mem>>
    %dma_start3A_221 = tpu.memref_squeeze %dma_start3A_220 : memref<1x!tpu.dma_semaphore, #tpu.memory_space<semaphore_mem>> -> memref<!tpu.dma_semaphore, #tpu.memory_space<semaphore_mem>>
    %dma_start3A_222 = arith.constant 0 : i32
    %dma_start3A_223 = tpu.memref_slice %arg8[%add3A_211, %dma_start3A_222] : memref<25600x64xf32, #tpu.memory_space<hbm>> -> memref<80x64xf32, #tpu.memory_space<hbm>>
    %dma_start3A_224 = arith.constant 0 : i32
    %dma_start3A_225 = arith.constant 0 : i32
    %dma_start3A_226 = tpu.memref_slice %arg12[%dma_start3A_212, %dma_start3A_224, %dma_start3A_225] : memref<8x120x64xf32, #tpu.memory_space<vmem>> -> memref<1x80x64xf32, #tpu.memory_space<vmem>>
    %dma_start3A_227 = tpu.memref_squeeze %dma_start3A_226 : memref<1x80x64xf32, #tpu.memory_space<vmem>> -> memref<80x64xf32, #tpu.memory_space<vmem>>
    tpu.enqueue_dma source(%dma_start3A_227 : memref<80x64xf32, #tpu.memory_space<vmem>>) target(%dma_start3A_223 : memref<80x64xf32, #tpu.memory_space<hbm>>) target_semaphore(%dma_start3A_221 : memref<!tpu.dma_semaphore, #tpu.memory_space<semaphore_mem>>)
    %add3A_228 = arith.constant 160 : i32
    %add3A_229 = arith.addi %mul3A_4, %add3A_228 : i32
    %dma_wait3A_230 = arith.constant 2 : i32
    %dma_wait3A_231 = arith.constant 2 : i32
    %dma_wait3A_232 = arith.constant 0 : i32
    %dma_wait3A_233 = arith.constant 0 : i32
    %dma_wait3A_234 = tpu.memref_slice %arg12[%dma_wait3A_230, %dma_wait3A_232, %dma_wait3A_233] : memref<8x120x64xf32, #tpu.memory_space<vmem>> -> memref<1x80x64xf32, #tpu.memory_space<vmem>>
    %dma_wait3A_235 = tpu.memref_squeeze %dma_wait3A_234 : memref<1x80x64xf32, #tpu.memory_space<vmem>> -> memref<80x64xf32, #tpu.memory_space<vmem>>
    %dma_wait3A_236 = arith.constant 0 : i32
    %dma_wait3A_237 = tpu.memref_slice %arg8[%add3A_229, %dma_wait3A_236] : memref<25600x64xf32, #tpu.memory_space<hbm>> -> memref<80x64xf32, #tpu.memory_space<hbm>>
    %dma_wait3A_238 = tpu.memref_slice %arg15[%dma_wait3A_231] : memref<8x!tpu.dma_semaphore, #tpu.memory_space<semaphore_mem>> -> memref<1x!tpu.dma_semaphore, #tpu.memory_space<semaphore_mem>>
    %dma_wait3A_239 = tpu.memref_squeeze %dma_wait3A_238 : memref<1x!tpu.dma_semaphore, #tpu.memory_space<semaphore_mem>> -> memref<!tpu.dma_semaphore, #tpu.memory_space<semaphore_mem>>
    %dma_wait3A_240 = arith.constant 0 : i32
    %dma_wait3A_241 = tpu.memref_slice %arg8[%add3A_229, %dma_wait3A_240] : memref<25600x64xf32, #tpu.memory_space<hbm>> -> memref<80x64xf32, #tpu.memory_space<hbm>>
    %dma_wait3A_242 = arith.constant 0 : i32
    %dma_wait3A_243 = arith.constant 0 : i32
    %dma_wait3A_244 = tpu.memref_slice %arg12[%dma_wait3A_230, %dma_wait3A_242, %dma_wait3A_243] : memref<8x120x64xf32, #tpu.memory_space<vmem>> -> memref<1x80x64xf32, #tpu.memory_space<vmem>>
    %dma_wait3A_245 = tpu.memref_squeeze %dma_wait3A_244 : memref<1x80x64xf32, #tpu.memory_space<vmem>> -> memref<80x64xf32, #tpu.memory_space<vmem>>
    tpu.wait_dma2 semaphore(%dma_wait3A_239 : memref<!tpu.dma_semaphore, #tpu.memory_space<semaphore_mem>>) src(%dma_wait3A_245 : memref<80x64xf32, #tpu.memory_space<vmem>>) dst(%dma_wait3A_241 : memref<80x64xf32, #tpu.memory_space<hbm>>)
    %dma_start3A_246 = arith.constant 6 : i32
    %dma_start3A_247 = arith.constant 2 : i32
    %dma_start3A_248 = arith.constant 2 : i32
    %dma_start3A_249 = arith.constant 0 : i32
    %dma_start3A_250 = arith.constant 0 : i32
    %dma_start3A_251 = tpu.memref_slice %arg12[%dma_start3A_247, %dma_start3A_249, %dma_start3A_250] : memref<8x120x64xf32, #tpu.memory_space<vmem>> -> memref<1x80x64xf32, #tpu.memory_space<vmem>>
    %dma_start3A_252 = tpu.memref_squeeze %dma_start3A_251 : memref<1x80x64xf32, #tpu.memory_space<vmem>> -> memref<80x64xf32, #tpu.memory_space<vmem>>
    %dma_start3A_253 = arith.constant 0 : i32
    %dma_start3A_254 = tpu.memref_slice %arg11[%dma_start3A_246, %dma_start3A_253] : memref<10x80xi32, #tpu.memory_space<vmem>> -> memref<1x80xi32, #tpu.memory_space<vmem>>
    %dma_start3A_255 = tpu.memref_squeeze %dma_start3A_254 : memref<1x80xi32, #tpu.memory_space<vmem>> -> memref<80xi32, #tpu.memory_space<vmem>>
    %dma_start3A_256 = arith.constant 0 : i32
    %dma_start3A_257 = arith.constant 0 : i32
    %dma_start3A_258 = tpu.memref_slice %arg2[%dma_start3A_256, %dma_start3A_257] : memref<100000x64xf32, #tpu.memory_space<hbm>> -> memref<100000x64xf32, #tpu.memory_space<hbm>>
    %dma_start3A_259 = tpu.memref_slice %arg13[%dma_start3A_248] : memref<8x!tpu.dma_semaphore, #tpu.memory_space<semaphore_mem>> -> memref<1x!tpu.dma_semaphore, #tpu.memory_space<semaphore_mem>>
    %dma_start3A_260 = tpu.memref_squeeze %dma_start3A_259 : memref<1x!tpu.dma_semaphore, #tpu.memory_space<semaphore_mem>> -> memref<!tpu.dma_semaphore, #tpu.memory_space<semaphore_mem>>
    tpu.enqueue_indirect_dma source(%dma_start3A_258 : memref<100000x64xf32, #tpu.memory_space<hbm>>) target(%dma_start3A_252 : memref<80x64xf32, #tpu.memory_space<vmem>>) offsets(%dma_start3A_255 : memref<80xi32, #tpu.memory_space<vmem>>) semaphore(%dma_start3A_260 : memref<!tpu.dma_semaphore, #tpu.memory_space<semaphore_mem>>)
    %dma_wait3A_261 = arith.constant 3 : i32
    %dma_wait3A_262 = arith.constant 3 : i32
    %dma_wait3A_263 = arith.constant 3 : i32
    %dma_wait3A_264 = arith.constant 0 : i32
    %dma_wait3A_265 = arith.constant 0 : i32
    %dma_wait3A_266 = tpu.memref_slice %arg12[%dma_wait3A_262, %dma_wait3A_264, %dma_wait3A_265] : memref<8x120x64xf32, #tpu.memory_space<vmem>> -> memref<1x80x64xf32, #tpu.memory_space<vmem>>
    %dma_wait3A_267 = tpu.memref_squeeze %dma_wait3A_266 : memref<1x80x64xf32, #tpu.memory_space<vmem>> -> memref<80x64xf32, #tpu.memory_space<vmem>>
    %dma_wait3A_268 = arith.constant 0 : i32
    %dma_wait3A_269 = tpu.memref_slice %arg11[%dma_wait3A_261, %dma_wait3A_268] : memref<10x80xi32, #tpu.memory_space<vmem>> -> memref<1x80xi32, #tpu.memory_space<vmem>>
    %dma_wait3A_270 = tpu.memref_squeeze %dma_wait3A_269 : memref<1x80xi32, #tpu.memory_space<vmem>> -> memref<80xi32, #tpu.memory_space<vmem>>
    %dma_wait3A_271 = arith.constant 0 : i32
    %dma_wait3A_272 = arith.constant 0 : i32
    %dma_wait3A_273 = tpu.memref_slice %arg2[%dma_wait3A_271, %dma_wait3A_272] : memref<100000x64xf32, #tpu.memory_space<hbm>> -> memref<100000x64xf32, #tpu.memory_space<hbm>>
    %dma_wait3A_274 = tpu.memref_slice %arg13[%dma_wait3A_263] : memref<8x!tpu.dma_semaphore, #tpu.memory_space<semaphore_mem>> -> memref<1x!tpu.dma_semaphore, #tpu.memory_space<semaphore_mem>>
    %dma_wait3A_275 = tpu.memref_squeeze %dma_wait3A_274 : memref<1x!tpu.dma_semaphore, #tpu.memory_space<semaphore_mem>> -> memref<!tpu.dma_semaphore, #tpu.memory_space<semaphore_mem>>
    tpu.wait_indirect_dma semaphore(%dma_wait3A_275 : memref<!tpu.dma_semaphore, #tpu.memory_space<semaphore_mem>>) src(%dma_wait3A_273 : memref<100000x64xf32, #tpu.memory_space<hbm>>) dst(%dma_wait3A_267 : memref<80x64xf32, #tpu.memory_space<vmem>>)
    %add3A_276 = arith.constant 240 : i32
    %add3A_277 = arith.addi %mul3A_4, %add3A_276 : i32
    %dma_start3A_278 = arith.constant 3 : i32
    %dma_start3A_279 = arith.constant 3 : i32
    %dma_start3A_280 = arith.constant 0 : i32
    %dma_start3A_281 = arith.constant 0 : i32
    %dma_start3A_282 = tpu.memref_slice %arg12[%dma_start3A_278, %dma_start3A_280, %dma_start3A_281] : memref<8x120x64xf32, #tpu.memory_space<vmem>> -> memref<1x80x64xf32, #tpu.memory_space<vmem>>
    %dma_start3A_283 = tpu.memref_squeeze %dma_start3A_282 : memref<1x80x64xf32, #tpu.memory_space<vmem>> -> memref<80x64xf32, #tpu.memory_space<vmem>>
    %dma_start3A_284 = arith.constant 0 : i32
    %dma_start3A_285 = tpu.memref_slice %arg8[%add3A_277, %dma_start3A_284] : memref<25600x64xf32, #tpu.memory_space<hbm>> -> memref<80x64xf32, #tpu.memory_space<hbm>>
    %dma_start3A_286 = tpu.memref_slice %arg15[%dma_start3A_279] : memref<8x!tpu.dma_semaphore, #tpu.memory_space<semaphore_mem>> -> memref<1x!tpu.dma_semaphore, #tpu.memory_space<semaphore_mem>>
    %dma_start3A_287 = tpu.memref_squeeze %dma_start3A_286 : memref<1x!tpu.dma_semaphore, #tpu.memory_space<semaphore_mem>> -> memref<!tpu.dma_semaphore, #tpu.memory_space<semaphore_mem>>
    %dma_start3A_288 = arith.constant 0 : i32
    %dma_start3A_289 = tpu.memref_slice %arg8[%add3A_277, %dma_start3A_288] : memref<25600x64xf32, #tpu.memory_space<hbm>> -> memref<80x64xf32, #tpu.memory_space<hbm>>
    %dma_start3A_290 = arith.constant 0 : i32
    %dma_start3A_291 = arith.constant 0 : i32
    %dma_start3A_292 = tpu.memref_slice %arg12[%dma_start3A_278, %dma_start3A_290, %dma_start3A_291] : memref<8x120x64xf32, #tpu.memory_space<vmem>> -> memref<1x80x64xf32, #tpu.memory_space<vmem>>
    %dma_start3A_293 = tpu.memref_squeeze %dma_start3A_292 : memref<1x80x64xf32, #tpu.memory_space<vmem>> -> memref<80x64xf32, #tpu.memory_space<vmem>>
    tpu.enqueue_dma source(%dma_start3A_293 : memref<80x64xf32, #tpu.memory_space<vmem>>) target(%dma_start3A_289 : memref<80x64xf32, #tpu.memory_space<hbm>>) target_semaphore(%dma_start3A_287 : memref<!tpu.dma_semaphore, #tpu.memory_space<semaphore_mem>>)
    %add3A_294 = arith.constant 240 : i32
    %add3A_295 = arith.addi %mul3A_4, %add3A_294 : i32
    %dma_wait3A_296 = arith.constant 3 : i32
    %dma_wait3A_297 = arith.constant 3 : i32
    %dma_wait3A_298 = arith.constant 0 : i32
    %dma_wait3A_299 = arith.constant 0 : i32
    %dma_wait3A_300 = tpu.memref_slice %arg12[%dma_wait3A_296, %dma_wait3A_298, %dma_wait3A_299] : memref<8x120x64xf32, #tpu.memory_space<vmem>> -> memref<1x80x64xf32, #tpu.memory_space<vmem>>
    %dma_wait3A_301 = tpu.memref_squeeze %dma_wait3A_300 : memref<1x80x64xf32, #tpu.memory_space<vmem>> -> memref<80x64xf32, #tpu.memory_space<vmem>>
    %dma_wait3A_302 = arith.constant 0 : i32
    %dma_wait3A_303 = tpu.memref_slice %arg8[%add3A_295, %dma_wait3A_302] : memref<25600x64xf32, #tpu.memory_space<hbm>> -> memref<80x64xf32, #tpu.memory_space<hbm>>
    %dma_wait3A_304 = tpu.memref_slice %arg15[%dma_wait3A_297] : memref<8x!tpu.dma_semaphore, #tpu.memory_space<semaphore_mem>> -> memref<1x!tpu.dma_semaphore, #tpu.memory_space<semaphore_mem>>
    %dma_wait3A_305 = tpu.memref_squeeze %dma_wait3A_304 : memref<1x!tpu.dma_semaphore, #tpu.memory_space<semaphore_mem>> -> memref<!tpu.dma_semaphore, #tpu.memory_space<semaphore_mem>>
    %dma_wait3A_306 = arith.constant 0 : i32
    %dma_wait3A_307 = tpu.memref_slice %arg8[%add3A_295, %dma_wait3A_306] : memref<25600x64xf32, #tpu.memory_space<hbm>> -> memref<80x64xf32, #tpu.memory_space<hbm>>
    %dma_wait3A_308 = arith.constant 0 : i32
    %dma_wait3A_309 = arith.constant 0 : i32
    %dma_wait3A_310 = tpu.memref_slice %arg12[%dma_wait3A_296, %dma_wait3A_308, %dma_wait3A_309] : memref<8x120x64xf32, #tpu.memory_space<vmem>> -> memref<1x80x64xf32, #tpu.memory_space<vmem>>
    %dma_wait3A_311 = tpu.memref_squeeze %dma_wait3A_310 : memref<1x80x64xf32, #tpu.memory_space<vmem>> -> memref<80x64xf32, #tpu.memory_space<vmem>>
    tpu.wait_dma2 semaphore(%dma_wait3A_305 : memref<!tpu.dma_semaphore, #tpu.memory_space<semaphore_mem>>) src(%dma_wait3A_311 : memref<80x64xf32, #tpu.memory_space<vmem>>) dst(%dma_wait3A_307 : memref<80x64xf32, #tpu.memory_space<hbm>>)
    %dma_start3A_312 = arith.constant 7 : i32
    %dma_start3A_313 = arith.constant 3 : i32
    %dma_start3A_314 = arith.constant 3 : i32
    %dma_start3A_315 = arith.constant 0 : i32
    %dma_start3A_316 = arith.constant 0 : i32
    %dma_start3A_317 = tpu.memref_slice %arg12[%dma_start3A_313, %dma_start3A_315, %dma_start3A_316] : memref<8x120x64xf32, #tpu.memory_space<vmem>> -> memref<1x80x64xf32, #tpu.memory_space<vmem>>
    %dma_start3A_318 = tpu.memref_squeeze %dma_start3A_317 : memref<1x80x64xf32, #tpu.memory_space<vmem>> -> memref<80x64xf32, #tpu.memory_space<vmem>>
    %dma_start3A_319 = arith.constant 0 : i32
    %dma_start3A_320 = tpu.memref_slice %arg11[%dma_start3A_312, %dma_start3A_319] : memref<10x80xi32, #tpu.memory_space<vmem>> -> memref<1x80xi32, #tpu.memory_space<vmem>>
    %dma_start3A_321 = tpu.memref_squeeze %dma_start3A_320 : memref<1x80xi32, #tpu.memory_space<vmem>> -> memref<80xi32, #tpu.memory_space<vmem>>
    %dma_start3A_322 = arith.constant 0 : i32
    %dma_start3A_323 = arith.constant 0 : i32
    %dma_start3A_324 = tpu.memref_slice %arg2[%dma_start3A_322, %dma_start3A_323] : memref<100000x64xf32, #tpu.memory_space<hbm>> -> memref<100000x64xf32, #tpu.memory_space<hbm>>
    %dma_start3A_325 = tpu.memref_slice %arg13[%dma_start3A_314] : memref<8x!tpu.dma_semaphore, #tpu.memory_space<semaphore_mem>> -> memref<1x!tpu.dma_semaphore, #tpu.memory_space<semaphore_mem>>
    %dma_start3A_326 = tpu.memref_squeeze %dma_start3A_325 : memref<1x!tpu.dma_semaphore, #tpu.memory_space<semaphore_mem>> -> memref<!tpu.dma_semaphore, #tpu.memory_space<semaphore_mem>>
    tpu.enqueue_indirect_dma source(%dma_start3A_324 : memref<100000x64xf32, #tpu.memory_space<hbm>>) target(%dma_start3A_318 : memref<80x64xf32, #tpu.memory_space<vmem>>) offsets(%dma_start3A_321 : memref<80xi32, #tpu.memory_space<vmem>>) semaphore(%dma_start3A_326 : memref<!tpu.dma_semaphore, #tpu.memory_space<semaphore_mem>>)
    %dma_wait3A_327 = arith.constant 4 : i32
    %dma_wait3A_328 = arith.constant 0 : i32
    %dma_wait3A_329 = arith.constant 0 : i32
    %dma_wait3A_330 = arith.constant 0 : i32
    %dma_wait3A_331 = arith.constant 0 : i32
    %dma_wait3A_332 = tpu.memref_slice %arg12[%dma_wait3A_328, %dma_wait3A_330, %dma_wait3A_331] : memref<8x120x64xf32, #tpu.memory_space<vmem>> -> memref<1x80x64xf32, #tpu.memory_space<vmem>>
    %dma_wait3A_333 = tpu.memref_squeeze %dma_wait3A_332 : memref<1x80x64xf32, #tpu.memory_space<vmem>> -> memref<80x64xf32, #tpu.memory_space<vmem>>
    %dma_wait3A_334 = arith.constant 0 : i32
    %dma_wait3A_335 = tpu.memref_slice %arg11[%dma_wait3A_327, %dma_wait3A_334] : memref<10x80xi32, #tpu.memory_space<vmem>> -> memref<1x80xi32, #tpu.memory_space<vmem>>
    %dma_wait3A_336 = tpu.memref_squeeze %dma_wait3A_335 : memref<1x80xi32, #tpu.memory_space<vmem>> -> memref<80xi32, #tpu.memory_space<vmem>>
    %dma_wait3A_337 = arith.constant 0 : i32
    %dma_wait3A_338 = arith.constant 0 : i32
    %dma_wait3A_339 = tpu.memref_slice %arg2[%dma_wait3A_337, %dma_wait3A_338] : memref<100000x64xf32, #tpu.memory_space<hbm>> -> memref<100000x64xf32, #tpu.memory_space<hbm>>
    %dma_wait3A_340 = tpu.memref_slice %arg13[%dma_wait3A_329] : memref<8x!tpu.dma_semaphore, #tpu.memory_space<semaphore_mem>> -> memref<1x!tpu.dma_semaphore, #tpu.memory_space<semaphore_mem>>
    %dma_wait3A_341 = tpu.memref_squeeze %dma_wait3A_340 : memref<1x!tpu.dma_semaphore, #tpu.memory_space<semaphore_mem>> -> memref<!tpu.dma_semaphore, #tpu.memory_space<semaphore_mem>>
    tpu.wait_indirect_dma semaphore(%dma_wait3A_341 : memref<!tpu.dma_semaphore, #tpu.memory_space<semaphore_mem>>) src(%dma_wait3A_339 : memref<100000x64xf32, #tpu.memory_space<hbm>>) dst(%dma_wait3A_333 : memref<80x64xf32, #tpu.memory_space<vmem>>)
    %add3A_342 = arith.constant 320 : i32
    %add3A_343 = arith.addi %mul3A_4, %add3A_342 : i32
    %dma_start3A_344 = arith.constant 0 : i32
    %dma_start3A_345 = arith.constant 0 : i32
    %dma_start3A_346 = arith.constant 0 : i32
    %dma_start3A_347 = arith.constant 0 : i32
    %dma_start3A_348 = tpu.memref_slice %arg12[%dma_start3A_344, %dma_start3A_346, %dma_start3A_347] : memref<8x120x64xf32, #tpu.memory_space<vmem>> -> memref<1x80x64xf32, #tpu.memory_space<vmem>>
    %dma_start3A_349 = tpu.memref_squeeze %dma_start3A_348 : memref<1x80x64xf32, #tpu.memory_space<vmem>> -> memref<80x64xf32, #tpu.memory_space<vmem>>
    %dma_start3A_350 = arith.constant 0 : i32
    %dma_start3A_351 = tpu.memref_slice %arg8[%add3A_343, %dma_start3A_350] : memref<25600x64xf32, #tpu.memory_space<hbm>> -> memref<80x64xf32, #tpu.memory_space<hbm>>
    %dma_start3A_352 = tpu.memref_slice %arg15[%dma_start3A_345] : memref<8x!tpu.dma_semaphore, #tpu.memory_space<semaphore_mem>> -> memref<1x!tpu.dma_semaphore, #tpu.memory_space<semaphore_mem>>
    %dma_start3A_353 = tpu.memref_squeeze %dma_start3A_352 : memref<1x!tpu.dma_semaphore, #tpu.memory_space<semaphore_mem>> -> memref<!tpu.dma_semaphore, #tpu.memory_space<semaphore_mem>>
    %dma_start3A_354 = arith.constant 0 : i32
    %dma_start3A_355 = tpu.memref_slice %arg8[%add3A_343, %dma_start3A_354] : memref<25600x64xf32, #tpu.memory_space<hbm>> -> memref<80x64xf32, #tpu.memory_space<hbm>>
    %dma_start3A_356 = arith.constant 0 : i32
    %dma_start3A_357 = arith.constant 0 : i32
    %dma_start3A_358 = tpu.memref_slice %arg12[%dma_start3A_344, %dma_start3A_356, %dma_start3A_357] : memref<8x120x64xf32, #tpu.memory_space<vmem>> -> memref<1x80x64xf32, #tpu.memory_space<vmem>>
    %dma_start3A_359 = tpu.memref_squeeze %dma_start3A_358 : memref<1x80x64xf32, #tpu.memory_space<vmem>> -> memref<80x64xf32, #tpu.memory_space<vmem>>
    tpu.enqueue_dma source(%dma_start3A_359 : memref<80x64xf32, #tpu.memory_space<vmem>>) target(%dma_start3A_355 : memref<80x64xf32, #tpu.memory_space<hbm>>) target_semaphore(%dma_start3A_353 : memref<!tpu.dma_semaphore, #tpu.memory_space<semaphore_mem>>)
    %add3A_360 = arith.constant 320 : i32
    %add3A_361 = arith.addi %mul3A_4, %add3A_360 : i32
    %dma_wait3A_362 = arith.constant 0 : i32
    %dma_wait3A_363 = arith.constant 0 : i32
    %dma_wait3A_364 = arith.constant 0 : i32
    %dma_wait3A_365 = arith.constant 0 : i32
    %dma_wait3A_366 = tpu.memref_slice %arg12[%dma_wait3A_362, %dma_wait3A_364, %dma_wait3A_365] : memref<8x120x64xf32, #tpu.memory_space<vmem>> -> memref<1x80x64xf32, #tpu.memory_space<vmem>>
    %dma_wait3A_367 = tpu.memref_squeeze %dma_wait3A_366 : memref<1x80x64xf32, #tpu.memory_space<vmem>> -> memref<80x64xf32, #tpu.memory_space<vmem>>
    %dma_wait3A_368 = arith.constant 0 : i32
    %dma_wait3A_369 = tpu.memref_slice %arg8[%add3A_361, %dma_wait3A_368] : memref<25600x64xf32, #tpu.memory_space<hbm>> -> memref<80x64xf32, #tpu.memory_space<hbm>>
    %dma_wait3A_370 = tpu.memref_slice %arg15[%dma_wait3A_363] : memref<8x!tpu.dma_semaphore, #tpu.memory_space<semaphore_mem>> -> memref<1x!tpu.dma_semaphore, #tpu.memory_space<semaphore_mem>>
    %dma_wait3A_371 = tpu.memref_squeeze %dma_wait3A_370 : memref<1x!tpu.dma_semaphore, #tpu.memory_space<semaphore_mem>> -> memref<!tpu.dma_semaphore, #tpu.memory_space<semaphore_mem>>
    %dma_wait3A_372 = arith.constant 0 : i32
    %dma_wait3A_373 = tpu.memref_slice %arg8[%add3A_361, %dma_wait3A_372] : memref<25600x64xf32, #tpu.memory_space<hbm>> -> memref<80x64xf32, #tpu.memory_space<hbm>>
    %dma_wait3A_374 = arith.constant 0 : i32
    %dma_wait3A_375 = arith.constant 0 : i32
    %dma_wait3A_376 = tpu.memref_slice %arg12[%dma_wait3A_362, %dma_wait3A_374, %dma_wait3A_375] : memref<8x120x64xf32, #tpu.memory_space<vmem>> -> memref<1x80x64xf32, #tpu.memory_space<vmem>>
    %dma_wait3A_377 = tpu.memref_squeeze %dma_wait3A_376 : memref<1x80x64xf32, #tpu.memory_space<vmem>> -> memref<80x64xf32, #tpu.memory_space<vmem>>
    tpu.wait_dma2 semaphore(%dma_wait3A_371 : memref<!tpu.dma_semaphore, #tpu.memory_space<semaphore_mem>>) src(%dma_wait3A_377 : memref<80x64xf32, #tpu.memory_space<vmem>>) dst(%dma_wait3A_373 : memref<80x64xf32, #tpu.memory_space<hbm>>)
    %dma_start3A_378 = arith.constant 8 : i32
    %dma_start3A_379 = arith.constant 0 : i32
    %dma_start3A_380 = arith.constant 0 : i32
    %dma_start3A_381 = arith.constant 0 : i32
    %dma_start3A_382 = arith.constant 0 : i32
    %dma_start3A_383 = tpu.memref_slice %arg12[%dma_start3A_379, %dma_start3A_381, %dma_start3A_382] : memref<8x120x64xf32, #tpu.memory_space<vmem>> -> memref<1x80x64xf32, #tpu.memory_space<vmem>>
    %dma_start3A_384 = tpu.memref_squeeze %dma_start3A_383 : memref<1x80x64xf32, #tpu.memory_space<vmem>> -> memref<80x64xf32, #tpu.memory_space<vmem>>
    %dma_start3A_385 = arith.constant 0 : i32
    %dma_start3A_386 = tpu.memref_slice %arg11[%dma_start3A_378, %dma_start3A_385] : memref<10x80xi32, #tpu.memory_space<vmem>> -> memref<1x80xi32, #tpu.memory_space<vmem>>
    %dma_start3A_387 = tpu.memref_squeeze %dma_start3A_386 : memref<1x80xi32, #tpu.memory_space<vmem>> -> memref<80xi32, #tpu.memory_space<vmem>>
    %dma_start3A_388 = arith.constant 0 : i32
    %dma_start3A_389 = arith.constant 0 : i32
    %dma_start3A_390 = tpu.memref_slice %arg2[%dma_start3A_388, %dma_start3A_389] : memref<100000x64xf32, #tpu.memory_space<hbm>> -> memref<100000x64xf32, #tpu.memory_space<hbm>>
    %dma_start3A_391 = tpu.memref_slice %arg13[%dma_start3A_380] : memref<8x!tpu.dma_semaphore, #tpu.memory_space<semaphore_mem>> -> memref<1x!tpu.dma_semaphore, #tpu.memory_space<semaphore_mem>>
    %dma_start3A_392 = tpu.memref_squeeze %dma_start3A_391 : memref<1x!tpu.dma_semaphore, #tpu.memory_space<semaphore_mem>> -> memref<!tpu.dma_semaphore, #tpu.memory_space<semaphore_mem>>
    tpu.enqueue_indirect_dma source(%dma_start3A_390 : memref<100000x64xf32, #tpu.memory_space<hbm>>) target(%dma_start3A_384 : memref<80x64xf32, #tpu.memory_space<vmem>>) offsets(%dma_start3A_387 : memref<80xi32, #tpu.memory_space<vmem>>) semaphore(%dma_start3A_392 : memref<!tpu.dma_semaphore, #tpu.memory_space<semaphore_mem>>)
    %dma_wait3A_393 = arith.constant 5 : i32
    %dma_wait3A_394 = arith.constant 1 : i32
    %dma_wait3A_395 = arith.constant 1 : i32
    %dma_wait3A_396 = arith.constant 0 : i32
    %dma_wait3A_397 = arith.constant 0 : i32
    %dma_wait3A_398 = tpu.memref_slice %arg12[%dma_wait3A_394, %dma_wait3A_396, %dma_wait3A_397] : memref<8x120x64xf32, #tpu.memory_space<vmem>> -> memref<1x80x64xf32, #tpu.memory_space<vmem>>
    %dma_wait3A_399 = tpu.memref_squeeze %dma_wait3A_398 : memref<1x80x64xf32, #tpu.memory_space<vmem>> -> memref<80x64xf32, #tpu.memory_space<vmem>>
    %dma_wait3A_400 = arith.constant 0 : i32
    %dma_wait3A_401 = tpu.memref_slice %arg11[%dma_wait3A_393, %dma_wait3A_400] : memref<10x80xi32, #tpu.memory_space<vmem>> -> memref<1x80xi32, #tpu.memory_space<vmem>>
    %dma_wait3A_402 = tpu.memref_squeeze %dma_wait3A_401 : memref<1x80xi32, #tpu.memory_space<vmem>> -> memref<80xi32, #tpu.memory_space<vmem>>
    %dma_wait3A_403 = arith.constant 0 : i32
    %dma_wait3A_404 = arith.constant 0 : i32
    %dma_wait3A_405 = tpu.memref_slice %arg2[%dma_wait3A_403, %dma_wait3A_404] : memref<100000x64xf32, #tpu.memory_space<hbm>> -> memref<100000x64xf32, #tpu.memory_space<hbm>>
    %dma_wait3A_406 = tpu.memref_slice %arg13[%dma_wait3A_395] : memref<8x!tpu.dma_semaphore, #tpu.memory_space<semaphore_mem>> -> memref<1x!tpu.dma_semaphore, #tpu.memory_space<semaphore_mem>>
    %dma_wait3A_407 = tpu.memref_squeeze %dma_wait3A_406 : memref<1x!tpu.dma_semaphore, #tpu.memory_space<semaphore_mem>> -> memref<!tpu.dma_semaphore, #tpu.memory_space<semaphore_mem>>
    tpu.wait_indirect_dma semaphore(%dma_wait3A_407 : memref<!tpu.dma_semaphore, #tpu.memory_space<semaphore_mem>>) src(%dma_wait3A_405 : memref<100000x64xf32, #tpu.memory_space<hbm>>) dst(%dma_wait3A_399 : memref<80x64xf32, #tpu.memory_space<vmem>>)
    %add3A_408 = arith.constant 400 : i32
    %add3A_409 = arith.addi %mul3A_4, %add3A_408 : i32
    %dma_start3A_410 = arith.constant 1 : i32
    %dma_start3A_411 = arith.constant 1 : i32
    %dma_start3A_412 = arith.constant 0 : i32
    %dma_start3A_413 = arith.constant 0 : i32
    %dma_start3A_414 = tpu.memref_slice %arg12[%dma_start3A_410, %dma_start3A_412, %dma_start3A_413] : memref<8x120x64xf32, #tpu.memory_space<vmem>> -> memref<1x80x64xf32, #tpu.memory_space<vmem>>
    %dma_start3A_415 = tpu.memref_squeeze %dma_start3A_414 : memref<1x80x64xf32, #tpu.memory_space<vmem>> -> memref<80x64xf32, #tpu.memory_space<vmem>>
    %dma_start3A_416 = arith.constant 0 : i32
    %dma_start3A_417 = tpu.memref_slice %arg8[%add3A_409, %dma_start3A_416] : memref<25600x64xf32, #tpu.memory_space<hbm>> -> memref<80x64xf32, #tpu.memory_space<hbm>>
    %dma_start3A_418 = tpu.memref_slice %arg15[%dma_start3A_411] : memref<8x!tpu.dma_semaphore, #tpu.memory_space<semaphore_mem>> -> memref<1x!tpu.dma_semaphore, #tpu.memory_space<semaphore_mem>>
    %dma_start3A_419 = tpu.memref_squeeze %dma_start3A_418 : memref<1x!tpu.dma_semaphore, #tpu.memory_space<semaphore_mem>> -> memref<!tpu.dma_semaphore, #tpu.memory_space<semaphore_mem>>
    %dma_start3A_420 = arith.constant 0 : i32
    %dma_start3A_421 = tpu.memref_slice %arg8[%add3A_409, %dma_start3A_420] : memref<25600x64xf32, #tpu.memory_space<hbm>> -> memref<80x64xf32, #tpu.memory_space<hbm>>
    %dma_start3A_422 = arith.constant 0 : i32
    %dma_start3A_423 = arith.constant 0 : i32
    %dma_start3A_424 = tpu.memref_slice %arg12[%dma_start3A_410, %dma_start3A_422, %dma_start3A_423] : memref<8x120x64xf32, #tpu.memory_space<vmem>> -> memref<1x80x64xf32, #tpu.memory_space<vmem>>
    %dma_start3A_425 = tpu.memref_squeeze %dma_start3A_424 : memref<1x80x64xf32, #tpu.memory_space<vmem>> -> memref<80x64xf32, #tpu.memory_space<vmem>>
    tpu.enqueue_dma source(%dma_start3A_425 : memref<80x64xf32, #tpu.memory_space<vmem>>) target(%dma_start3A_421 : memref<80x64xf32, #tpu.memory_space<hbm>>) target_semaphore(%dma_start3A_419 : memref<!tpu.dma_semaphore, #tpu.memory_space<semaphore_mem>>)
    %add3A_426 = arith.constant 400 : i32
    %add3A_427 = arith.addi %mul3A_4, %add3A_426 : i32
    %dma_wait3A_428 = arith.constant 1 : i32
    %dma_wait3A_429 = arith.constant 1 : i32
    %dma_wait3A_430 = arith.constant 0 : i32
    %dma_wait3A_431 = arith.constant 0 : i32
    %dma_wait3A_432 = tpu.memref_slice %arg12[%dma_wait3A_428, %dma_wait3A_430, %dma_wait3A_431] : memref<8x120x64xf32, #tpu.memory_space<vmem>> -> memref<1x80x64xf32, #tpu.memory_space<vmem>>
    %dma_wait3A_433 = tpu.memref_squeeze %dma_wait3A_432 : memref<1x80x64xf32, #tpu.memory_space<vmem>> -> memref<80x64xf32, #tpu.memory_space<vmem>>
    %dma_wait3A_434 = arith.constant 0 : i32
    %dma_wait3A_435 = tpu.memref_slice %arg8[%add3A_427, %dma_wait3A_434] : memref<25600x64xf32, #tpu.memory_space<hbm>> -> memref<80x64xf32, #tpu.memory_space<hbm>>
    %dma_wait3A_436 = tpu.memref_slice %arg15[%dma_wait3A_429] : memref<8x!tpu.dma_semaphore, #tpu.memory_space<semaphore_mem>> -> memref<1x!tpu.dma_semaphore, #tpu.memory_space<semaphore_mem>>
    %dma_wait3A_437 = tpu.memref_squeeze %dma_wait3A_436 : memref<1x!tpu.dma_semaphore, #tpu.memory_space<semaphore_mem>> -> memref<!tpu.dma_semaphore, #tpu.memory_space<semaphore_mem>>
    %dma_wait3A_438 = arith.constant 0 : i32
    %dma_wait3A_439 = tpu.memref_slice %arg8[%add3A_427, %dma_wait3A_438] : memref<25600x64xf32, #tpu.memory_space<hbm>> -> memref<80x64xf32, #tpu.memory_space<hbm>>
    %dma_wait3A_440 = arith.constant 0 : i32
    %dma_wait3A_441 = arith.constant 0 : i32
    %dma_wait3A_442 = tpu.memref_slice %arg12[%dma_wait3A_428, %dma_wait3A_440, %dma_wait3A_441] : memref<8x120x64xf32, #tpu.memory_space<vmem>> -> memref<1x80x64xf32, #tpu.memory_space<vmem>>
    %dma_wait3A_443 = tpu.memref_squeeze %dma_wait3A_442 : memref<1x80x64xf32, #tpu.memory_space<vmem>> -> memref<80x64xf32, #tpu.memory_space<vmem>>
    tpu.wait_dma2 semaphore(%dma_wait3A_437 : memref<!tpu.dma_semaphore, #tpu.memory_space<semaphore_mem>>) src(%dma_wait3A_443 : memref<80x64xf32, #tpu.memory_space<vmem>>) dst(%dma_wait3A_439 : memref<80x64xf32, #tpu.memory_space<hbm>>)
    %dma_start3A_444 = arith.constant 9 : i32
    %dma_start3A_445 = arith.constant 1 : i32
    %dma_start3A_446 = arith.constant 1 : i32
    %dma_start3A_447 = arith.constant 0 : i32
    %dma_start3A_448 = arith.constant 0 : i32
    %dma_start3A_449 = tpu.memref_slice %arg12[%dma_start3A_445, %dma_start3A_447, %dma_start3A_448] : memref<8x120x64xf32, #tpu.memory_space<vmem>> -> memref<1x80x64xf32, #tpu.memory_space<vmem>>
    %dma_start3A_450 = tpu.memref_squeeze %dma_start3A_449 : memref<1x80x64xf32, #tpu.memory_space<vmem>> -> memref<80x64xf32, #tpu.memory_space<vmem>>
    %dma_start3A_451 = arith.constant 0 : i32
    %dma_start3A_452 = tpu.memref_slice %arg11[%dma_start3A_444, %dma_start3A_451] : memref<10x80xi32, #tpu.memory_space<vmem>> -> memref<1x80xi32, #tpu.memory_space<vmem>>
    %dma_start3A_453 = tpu.memref_squeeze %dma_start3A_452 : memref<1x80xi32, #tpu.memory_space<vmem>> -> memref<80xi32, #tpu.memory_space<vmem>>
    %dma_start3A_454 = arith.constant 0 : i32
    %dma_start3A_455 = arith.constant 0 : i32
    %dma_start3A_456 = tpu.memref_slice %arg2[%dma_start3A_454, %dma_start3A_455] : memref<100000x64xf32, #tpu.memory_space<hbm>> -> memref<100000x64xf32, #tpu.memory_space<hbm>>
    %dma_start3A_457 = tpu.memref_slice %arg13[%dma_start3A_446] : memref<8x!tpu.dma_semaphore, #tpu.memory_space<semaphore_mem>> -> memref<1x!tpu.dma_semaphore, #tpu.memory_space<semaphore_mem>>
    %dma_start3A_458 = tpu.memref_squeeze %dma_start3A_457 : memref<1x!tpu.dma_semaphore, #tpu.memory_space<semaphore_mem>> -> memref<!tpu.dma_semaphore, #tpu.memory_space<semaphore_mem>>
    tpu.enqueue_indirect_dma source(%dma_start3A_456 : memref<100000x64xf32, #tpu.memory_space<hbm>>) target(%dma_start3A_450 : memref<80x64xf32, #tpu.memory_space<vmem>>) offsets(%dma_start3A_453 : memref<80xi32, #tpu.memory_space<vmem>>) semaphore(%dma_start3A_458 : memref<!tpu.dma_semaphore, #tpu.memory_space<semaphore_mem>>)
    %dma_wait3A_459 = arith.constant 6 : i32
    %dma_wait3A_460 = arith.constant 2 : i32
    %dma_wait3A_461 = arith.constant 2 : i32
    %dma_wait3A_462 = arith.constant 0 : i32
    %dma_wait3A_463 = arith.constant 0 : i32
    %dma_wait3A_464 = tpu.memref_slice %arg12[%dma_wait3A_460, %dma_wait3A_462, %dma_wait3A_463] : memref<8x120x64xf32, #tpu.memory_space<vmem>> -> memref<1x80x64xf32, #tpu.memory_space<vmem>>
    %dma_wait3A_465 = tpu.memref_squeeze %dma_wait3A_464 : memref<1x80x64xf32, #tpu.memory_space<vmem>> -> memref<80x64xf32, #tpu.memory_space<vmem>>
    %dma_wait3A_466 = arith.constant 0 : i32
    %dma_wait3A_467 = tpu.memref_slice %arg11[%dma_wait3A_459, %dma_wait3A_466] : memref<10x80xi32, #tpu.memory_space<vmem>> -> memref<1x80xi32, #tpu.memory_space<vmem>>
    %dma_wait3A_468 = tpu.memref_squeeze %dma_wait3A_467 : memref<1x80xi32, #tpu.memory_space<vmem>> -> memref<80xi32, #tpu.memory_space<vmem>>
    %dma_wait3A_469 = arith.constant 0 : i32
    %dma_wait3A_470 = arith.constant 0 : i32
    %dma_wait3A_471 = tpu.memref_slice %arg2[%dma_wait3A_469, %dma_wait3A_470] : memref<100000x64xf32, #tpu.memory_space<hbm>> -> memref<100000x64xf32, #tpu.memory_space<hbm>>
    %dma_wait3A_472 = tpu.memref_slice %arg13[%dma_wait3A_461] : memref<8x!tpu.dma_semaphore, #tpu.memory_space<semaphore_mem>> -> memref<1x!tpu.dma_semaphore, #tpu.memory_space<semaphore_mem>>
    %dma_wait3A_473 = tpu.memref_squeeze %dma_wait3A_472 : memref<1x!tpu.dma_semaphore, #tpu.memory_space<semaphore_mem>> -> memref<!tpu.dma_semaphore, #tpu.memory_space<semaphore_mem>>
    tpu.wait_indirect_dma semaphore(%dma_wait3A_473 : memref<!tpu.dma_semaphore, #tpu.memory_space<semaphore_mem>>) src(%dma_wait3A_471 : memref<100000x64xf32, #tpu.memory_space<hbm>>) dst(%dma_wait3A_465 : memref<80x64xf32, #tpu.memory_space<vmem>>)
    %add3A_474 = arith.constant 480 : i32
    %add3A_475 = arith.addi %mul3A_4, %add3A_474 : i32
    %dma_start3A_476 = arith.constant 2 : i32
    %dma_start3A_477 = arith.constant 2 : i32
    %dma_start3A_478 = arith.constant 0 : i32
    %dma_start3A_479 = arith.constant 0 : i32
    %dma_start3A_480 = tpu.memref_slice %arg12[%dma_start3A_476, %dma_start3A_478, %dma_start3A_479] : memref<8x120x64xf32, #tpu.memory_space<vmem>> -> memref<1x80x64xf32, #tpu.memory_space<vmem>>
    %dma_start3A_481 = tpu.memref_squeeze %dma_start3A_480 : memref<1x80x64xf32, #tpu.memory_space<vmem>> -> memref<80x64xf32, #tpu.memory_space<vmem>>
    %dma_start3A_482 = arith.constant 0 : i32
    %dma_start3A_483 = tpu.memref_slice %arg8[%add3A_475, %dma_start3A_482] : memref<25600x64xf32, #tpu.memory_space<hbm>> -> memref<80x64xf32, #tpu.memory_space<hbm>>
    %dma_start3A_484 = tpu.memref_slice %arg15[%dma_start3A_477] : memref<8x!tpu.dma_semaphore, #tpu.memory_space<semaphore_mem>> -> memref<1x!tpu.dma_semaphore, #tpu.memory_space<semaphore_mem>>
    %dma_start3A_485 = tpu.memref_squeeze %dma_start3A_484 : memref<1x!tpu.dma_semaphore, #tpu.memory_space<semaphore_mem>> -> memref<!tpu.dma_semaphore, #tpu.memory_space<semaphore_mem>>
    %dma_start3A_486 = arith.constant 0 : i32
    %dma_start3A_487 = tpu.memref_slice %arg8[%add3A_475, %dma_start3A_486] : memref<25600x64xf32, #tpu.memory_space<hbm>> -> memref<80x64xf32, #tpu.memory_space<hbm>>
    %dma_start3A_488 = arith.constant 0 : i32
    %dma_start3A_489 = arith.constant 0 : i32
    %dma_start3A_490 = tpu.memref_slice %arg12[%dma_start3A_476, %dma_start3A_488, %dma_start3A_489] : memref<8x120x64xf32, #tpu.memory_space<vmem>> -> memref<1x80x64xf32, #tpu.memory_space<vmem>>
    %dma_start3A_491 = tpu.memref_squeeze %dma_start3A_490 : memref<1x80x64xf32, #tpu.memory_space<vmem>> -> memref<80x64xf32, #tpu.memory_space<vmem>>
    tpu.enqueue_dma source(%dma_start3A_491 : memref<80x64xf32, #tpu.memory_space<vmem>>) target(%dma_start3A_487 : memref<80x64xf32, #tpu.memory_space<hbm>>) target_semaphore(%dma_start3A_485 : memref<!tpu.dma_semaphore, #tpu.memory_space<semaphore_mem>>)
    %dma_wait3A_492 = arith.constant 7 : i32
    %dma_wait3A_493 = arith.constant 3 : i32
    %dma_wait3A_494 = arith.constant 3 : i32
    %dma_wait3A_495 = arith.constant 0 : i32
    %dma_wait3A_496 = arith.constant 0 : i32
    %dma_wait3A_497 = tpu.memref_slice %arg12[%dma_wait3A_493, %dma_wait3A_495, %dma_wait3A_496] : memref<8x120x64xf32, #tpu.memory_space<vmem>> -> memref<1x80x64xf32, #tpu.memory_space<vmem>>
    %dma_wait3A_498 = tpu.memref_squeeze %dma_wait3A_497 : memref<1x80x64xf32, #tpu.memory_space<vmem>> -> memref<80x64xf32, #tpu.memory_space<vmem>>
    %dma_wait3A_499 = arith.constant 0 : i32
    %dma_wait3A_500 = tpu.memref_slice %arg11[%dma_wait3A_492, %dma_wait3A_499] : memref<10x80xi32, #tpu.memory_space<vmem>> -> memref<1x80xi32, #tpu.memory_space<vmem>>
    %dma_wait3A_501 = tpu.memref_squeeze %dma_wait3A_500 : memref<1x80xi32, #tpu.memory_space<vmem>> -> memref<80xi32, #tpu.memory_space<vmem>>
    %dma_wait3A_502 = arith.constant 0 : i32
    %dma_wait3A_503 = arith.constant 0 : i32
    %dma_wait3A_504 = tpu.memref_slice %arg2[%dma_wait3A_502, %dma_wait3A_503] : memref<100000x64xf32, #tpu.memory_space<hbm>> -> memref<100000x64xf32, #tpu.memory_space<hbm>>
    %dma_wait3A_505 = tpu.memref_slice %arg13[%dma_wait3A_494] : memref<8x!tpu.dma_semaphore, #tpu.memory_space<semaphore_mem>> -> memref<1x!tpu.dma_semaphore, #tpu.memory_space<semaphore_mem>>
    %dma_wait3A_506 = tpu.memref_squeeze %dma_wait3A_505 : memref<1x!tpu.dma_semaphore, #tpu.memory_space<semaphore_mem>> -> memref<!tpu.dma_semaphore, #tpu.memory_space<semaphore_mem>>
    tpu.wait_indirect_dma semaphore(%dma_wait3A_506 : memref<!tpu.dma_semaphore, #tpu.memory_space<semaphore_mem>>) src(%dma_wait3A_504 : memref<100000x64xf32, #tpu.memory_space<hbm>>) dst(%dma_wait3A_498 : memref<80x64xf32, #tpu.memory_space<vmem>>)
    %add3A_507 = arith.constant 560 : i32
    %add3A_508 = arith.addi %mul3A_4, %add3A_507 : i32
    %dma_start3A_509 = arith.constant 3 : i32
    %dma_start3A_510 = arith.constant 3 : i32
    %dma_start3A_511 = arith.constant 0 : i32
    %dma_start3A_512 = arith.constant 0 : i32
    %dma_start3A_513 = tpu.memref_slice %arg12[%dma_start3A_509, %dma_start3A_511, %dma_start3A_512] : memref<8x120x64xf32, #tpu.memory_space<vmem>> -> memref<1x80x64xf32, #tpu.memory_space<vmem>>
    %dma_start3A_514 = tpu.memref_squeeze %dma_start3A_513 : memref<1x80x64xf32, #tpu.memory_space<vmem>> -> memref<80x64xf32, #tpu.memory_space<vmem>>
    %dma_start3A_515 = arith.constant 0 : i32
    %dma_start3A_516 = tpu.memref_slice %arg8[%add3A_508, %dma_start3A_515] : memref<25600x64xf32, #tpu.memory_space<hbm>> -> memref<80x64xf32, #tpu.memory_space<hbm>>
    %dma_start3A_517 = tpu.memref_slice %arg15[%dma_start3A_510] : memref<8x!tpu.dma_semaphore, #tpu.memory_space<semaphore_mem>> -> memref<1x!tpu.dma_semaphore, #tpu.memory_space<semaphore_mem>>
    %dma_start3A_518 = tpu.memref_squeeze %dma_start3A_517 : memref<1x!tpu.dma_semaphore, #tpu.memory_space<semaphore_mem>> -> memref<!tpu.dma_semaphore, #tpu.memory_space<semaphore_mem>>
    %dma_start3A_519 = arith.constant 0 : i32
    %dma_start3A_520 = tpu.memref_slice %arg8[%add3A_508, %dma_start3A_519] : memref<25600x64xf32, #tpu.memory_space<hbm>> -> memref<80x64xf32, #tpu.memory_space<hbm>>
    %dma_start3A_521 = arith.constant 0 : i32
    %dma_start3A_522 = arith.constant 0 : i32
    %dma_start3A_523 = tpu.memref_slice %arg12[%dma_start3A_509, %dma_start3A_521, %dma_start3A_522] : memref<8x120x64xf32, #tpu.memory_space<vmem>> -> memref<1x80x64xf32, #tpu.memory_space<vmem>>
    %dma_start3A_524 = tpu.memref_squeeze %dma_start3A_523 : memref<1x80x64xf32, #tpu.memory_space<vmem>> -> memref<80x64xf32, #tpu.memory_space<vmem>>
    tpu.enqueue_dma source(%dma_start3A_524 : memref<80x64xf32, #tpu.memory_space<vmem>>) target(%dma_start3A_520 : memref<80x64xf32, #tpu.memory_space<hbm>>) target_semaphore(%dma_start3A_518 : memref<!tpu.dma_semaphore, #tpu.memory_space<semaphore_mem>>)
    %dma_wait3A_525 = arith.constant 8 : i32
    %dma_wait3A_526 = arith.constant 0 : i32
    %dma_wait3A_527 = arith.constant 0 : i32
    %dma_wait3A_528 = arith.constant 0 : i32
    %dma_wait3A_529 = arith.constant 0 : i32
    %dma_wait3A_530 = tpu.memref_slice %arg12[%dma_wait3A_526, %dma_wait3A_528, %dma_wait3A_529] : memref<8x120x64xf32, #tpu.memory_space<vmem>> -> memref<1x80x64xf32, #tpu.memory_space<vmem>>
    %dma_wait3A_531 = tpu.memref_squeeze %dma_wait3A_530 : memref<1x80x64xf32, #tpu.memory_space<vmem>> -> memref<80x64xf32, #tpu.memory_space<vmem>>
    %dma_wait3A_532 = arith.constant 0 : i32
    %dma_wait3A_533 = tpu.memref_slice %arg11[%dma_wait3A_525, %dma_wait3A_532] : memref<10x80xi32, #tpu.memory_space<vmem>> -> memref<1x80xi32, #tpu.memory_space<vmem>>
    %dma_wait3A_534 = tpu.memref_squeeze %dma_wait3A_533 : memref<1x80xi32, #tpu.memory_space<vmem>> -> memref<80xi32, #tpu.memory_space<vmem>>
    %dma_wait3A_535 = arith.constant 0 : i32
    %dma_wait3A_536 = arith.constant 0 : i32
    %dma_wait3A_537 = tpu.memref_slice %arg2[%dma_wait3A_535, %dma_wait3A_536] : memref<100000x64xf32, #tpu.memory_space<hbm>> -> memref<100000x64xf32, #tpu.memory_space<hbm>>
    %dma_wait3A_538 = tpu.memref_slice %arg13[%dma_wait3A_527] : memref<8x!tpu.dma_semaphore, #tpu.memory_space<semaphore_mem>> -> memref<1x!tpu.dma_semaphore, #tpu.memory_space<semaphore_mem>>
    %dma_wait3A_539 = tpu.memref_squeeze %dma_wait3A_538 : memref<1x!tpu.dma_semaphore, #tpu.memory_space<semaphore_mem>> -> memref<!tpu.dma_semaphore, #tpu.memory_space<semaphore_mem>>
    tpu.wait_indirect_dma semaphore(%dma_wait3A_539 : memref<!tpu.dma_semaphore, #tpu.memory_space<semaphore_mem>>) src(%dma_wait3A_537 : memref<100000x64xf32, #tpu.memory_space<hbm>>) dst(%dma_wait3A_531 : memref<80x64xf32, #tpu.memory_space<vmem>>)
    %add3A_540 = arith.constant 640 : i32
    %add3A_541 = arith.addi %mul3A_4, %add3A_540 : i32
    %dma_start3A_542 = arith.constant 0 : i32
    %dma_start3A_543 = arith.constant 0 : i32
    %dma_start3A_544 = arith.constant 0 : i32
    %dma_start3A_545 = arith.constant 0 : i32
    %dma_start3A_546 = tpu.memref_slice %arg12[%dma_start3A_542, %dma_start3A_544, %dma_start3A_545] : memref<8x120x64xf32, #tpu.memory_space<vmem>> -> memref<1x80x64xf32, #tpu.memory_space<vmem>>
    %dma_start3A_547 = tpu.memref_squeeze %dma_start3A_546 : memref<1x80x64xf32, #tpu.memory_space<vmem>> -> memref<80x64xf32, #tpu.memory_space<vmem>>
    %dma_start3A_548 = arith.constant 0 : i32
    %dma_start3A_549 = tpu.memref_slice %arg8[%add3A_541, %dma_start3A_548] : memref<25600x64xf32, #tpu.memory_space<hbm>> -> memref<80x64xf32, #tpu.memory_space<hbm>>
    %dma_start3A_550 = tpu.memref_slice %arg15[%dma_start3A_543] : memref<8x!tpu.dma_semaphore, #tpu.memory_space<semaphore_mem>> -> memref<1x!tpu.dma_semaphore, #tpu.memory_space<semaphore_mem>>
    %dma_start3A_551 = tpu.memref_squeeze %dma_start3A_550 : memref<1x!tpu.dma_semaphore, #tpu.memory_space<semaphore_mem>> -> memref<!tpu.dma_semaphore, #tpu.memory_space<semaphore_mem>>
    %dma_start3A_552 = arith.constant 0 : i32
    %dma_start3A_553 = tpu.memref_slice %arg8[%add3A_541, %dma_start3A_552] : memref<25600x64xf32, #tpu.memory_space<hbm>> -> memref<80x64xf32, #tpu.memory_space<hbm>>
    %dma_start3A_554 = arith.constant 0 : i32
    %dma_start3A_555 = arith.constant 0 : i32
    %dma_start3A_556 = tpu.memref_slice %arg12[%dma_start3A_542, %dma_start3A_554, %dma_start3A_555] : memref<8x120x64xf32, #tpu.memory_space<vmem>> -> memref<1x80x64xf32, #tpu.memory_space<vmem>>
    %dma_start3A_557 = tpu.memref_squeeze %dma_start3A_556 : memref<1x80x64xf32, #tpu.memory_space<vmem>> -> memref<80x64xf32, #tpu.memory_space<vmem>>
    tpu.enqueue_dma source(%dma_start3A_557 : memref<80x64xf32, #tpu.memory_space<vmem>>) target(%dma_start3A_553 : memref<80x64xf32, #tpu.memory_space<hbm>>) target_semaphore(%dma_start3A_551 : memref<!tpu.dma_semaphore, #tpu.memory_space<semaphore_mem>>)
    %dma_wait3A_558 = arith.constant 9 : i32
    %dma_wait3A_559 = arith.constant 1 : i32
    %dma_wait3A_560 = arith.constant 1 : i32
    %dma_wait3A_561 = arith.constant 0 : i32
    %dma_wait3A_562 = arith.constant 0 : i32
    %dma_wait3A_563 = tpu.memref_slice %arg12[%dma_wait3A_559, %dma_wait3A_561, %dma_wait3A_562] : memref<8x120x64xf32, #tpu.memory_space<vmem>> -> memref<1x80x64xf32, #tpu.memory_space<vmem>>
    %dma_wait3A_564 = tpu.memref_squeeze %dma_wait3A_563 : memref<1x80x64xf32, #tpu.memory_space<vmem>> -> memref<80x64xf32, #tpu.memory_space<vmem>>
    %dma_wait3A_565 = arith.constant 0 : i32
    %dma_wait3A_566 = tpu.memref_slice %arg11[%dma_wait3A_558, %dma_wait3A_565] : memref<10x80xi32, #tpu.memory_space<vmem>> -> memref<1x80xi32, #tpu.memory_space<vmem>>
    %dma_wait3A_567 = tpu.memref_squeeze %dma_wait3A_566 : memref<1x80xi32, #tpu.memory_space<vmem>> -> memref<80xi32, #tpu.memory_space<vmem>>
    %dma_wait3A_568 = arith.constant 0 : i32
    %dma_wait3A_569 = arith.constant 0 : i32
    %dma_wait3A_570 = tpu.memref_slice %arg2[%dma_wait3A_568, %dma_wait3A_569] : memref<100000x64xf32, #tpu.memory_space<hbm>> -> memref<100000x64xf32, #tpu.memory_space<hbm>>
    %dma_wait3A_571 = tpu.memref_slice %arg13[%dma_wait3A_560] : memref<8x!tpu.dma_semaphore, #tpu.memory_space<semaphore_mem>> -> memref<1x!tpu.dma_semaphore, #tpu.memory_space<semaphore_mem>>
    %dma_wait3A_572 = tpu.memref_squeeze %dma_wait3A_571 : memref<1x!tpu.dma_semaphore, #tpu.memory_space<semaphore_mem>> -> memref<!tpu.dma_semaphore, #tpu.memory_space<semaphore_mem>>
    tpu.wait_indirect_dma semaphore(%dma_wait3A_572 : memref<!tpu.dma_semaphore, #tpu.memory_space<semaphore_mem>>) src(%dma_wait3A_570 : memref<100000x64xf32, #tpu.memory_space<hbm>>) dst(%dma_wait3A_564 : memref<80x64xf32, #tpu.memory_space<vmem>>)
    %add3A_573 = arith.constant 720 : i32
    %add3A_574 = arith.addi %mul3A_4, %add3A_573 : i32
    %dma_start3A_575 = arith.constant 1 : i32
    %dma_start3A_576 = arith.constant 1 : i32
    %dma_start3A_577 = arith.constant 0 : i32
    %dma_start3A_578 = arith.constant 0 : i32
    %dma_start3A_579 = tpu.memref_slice %arg12[%dma_start3A_575, %dma_start3A_577, %dma_start3A_578] : memref<8x120x64xf32, #tpu.memory_space<vmem>> -> memref<1x80x64xf32, #tpu.memory_space<vmem>>
    %dma_start3A_580 = tpu.memref_squeeze %dma_start3A_579 : memref<1x80x64xf32, #tpu.memory_space<vmem>> -> memref<80x64xf32, #tpu.memory_space<vmem>>
    %dma_start3A_581 = arith.constant 0 : i32
    %dma_start3A_582 = tpu.memref_slice %arg8[%add3A_574, %dma_start3A_581] : memref<25600x64xf32, #tpu.memory_space<hbm>> -> memref<80x64xf32, #tpu.memory_space<hbm>>
    %dma_start3A_583 = tpu.memref_slice %arg15[%dma_start3A_576] : memref<8x!tpu.dma_semaphore, #tpu.memory_space<semaphore_mem>> -> memref<1x!tpu.dma_semaphore, #tpu.memory_space<semaphore_mem>>
    %dma_start3A_584 = tpu.memref_squeeze %dma_start3A_583 : memref<1x!tpu.dma_semaphore, #tpu.memory_space<semaphore_mem>> -> memref<!tpu.dma_semaphore, #tpu.memory_space<semaphore_mem>>
    %dma_start3A_585 = arith.constant 0 : i32
    %dma_start3A_586 = tpu.memref_slice %arg8[%add3A_574, %dma_start3A_585] : memref<25600x64xf32, #tpu.memory_space<hbm>> -> memref<80x64xf32, #tpu.memory_space<hbm>>
    %dma_start3A_587 = arith.constant 0 : i32
    %dma_start3A_588 = arith.constant 0 : i32
    %dma_start3A_589 = tpu.memref_slice %arg12[%dma_start3A_575, %dma_start3A_587, %dma_start3A_588] : memref<8x120x64xf32, #tpu.memory_space<vmem>> -> memref<1x80x64xf32, #tpu.memory_space<vmem>>
    %dma_start3A_590 = tpu.memref_squeeze %dma_start3A_589 : memref<1x80x64xf32, #tpu.memory_space<vmem>> -> memref<80x64xf32, #tpu.memory_space<vmem>>
    tpu.enqueue_dma source(%dma_start3A_590 : memref<80x64xf32, #tpu.memory_space<vmem>>) target(%dma_start3A_586 : memref<80x64xf32, #tpu.memory_space<hbm>>) target_semaphore(%dma_start3A_584 : memref<!tpu.dma_semaphore, #tpu.memory_space<semaphore_mem>>)
    %add3A_591 = arith.constant 480 : i32
    %add3A_592 = arith.addi %mul3A_4, %add3A_591 : i32
    %dma_wait3A_593 = arith.constant 2 : i32
    %dma_wait3A_594 = arith.constant 2 : i32
    %dma_wait3A_595 = arith.constant 0 : i32
    %dma_wait3A_596 = arith.constant 0 : i32
    %dma_wait3A_597 = tpu.memref_slice %arg12[%dma_wait3A_593, %dma_wait3A_595, %dma_wait3A_596] : memref<8x120x64xf32, #tpu.memory_space<vmem>> -> memref<1x80x64xf32, #tpu.memory_space<vmem>>
    %dma_wait3A_598 = tpu.memref_squeeze %dma_wait3A_597 : memref<1x80x64xf32, #tpu.memory_space<vmem>> -> memref<80x64xf32, #tpu.memory_space<vmem>>
    %dma_wait3A_599 = arith.constant 0 : i32
    %dma_wait3A_600 = tpu.memref_slice %arg8[%add3A_592, %dma_wait3A_599] : memref<25600x64xf32, #tpu.memory_space<hbm>> -> memref<80x64xf32, #tpu.memory_space<hbm>>
    %dma_wait3A_601 = tpu.memref_slice %arg15[%dma_wait3A_594] : memref<8x!tpu.dma_semaphore, #tpu.memory_space<semaphore_mem>> -> memref<1x!tpu.dma_semaphore, #tpu.memory_space<semaphore_mem>>
    %dma_wait3A_602 = tpu.memref_squeeze %dma_wait3A_601 : memref<1x!tpu.dma_semaphore, #tpu.memory_space<semaphore_mem>> -> memref<!tpu.dma_semaphore, #tpu.memory_space<semaphore_mem>>
    %dma_wait3A_603 = arith.constant 0 : i32
    %dma_wait3A_604 = tpu.memref_slice %arg8[%add3A_592, %dma_wait3A_603] : memref<25600x64xf32, #tpu.memory_space<hbm>> -> memref<80x64xf32, #tpu.memory_space<hbm>>
    %dma_wait3A_605 = arith.constant 0 : i32
    %dma_wait3A_606 = arith.constant 0 : i32
    %dma_wait3A_607 = tpu.memref_slice %arg12[%dma_wait3A_593, %dma_wait3A_605, %dma_wait3A_606] : memref<8x120x64xf32, #tpu.memory_space<vmem>> -> memref<1x80x64xf32, #tpu.memory_space<vmem>>
    %dma_wait3A_608 = tpu.memref_squeeze %dma_wait3A_607 : memref<1x80x64xf32, #tpu.memory_space<vmem>> -> memref<80x64xf32, #tpu.memory_space<vmem>>
    tpu.wait_dma2 semaphore(%dma_wait3A_602 : memref<!tpu.dma_semaphore, #tpu.memory_space<semaphore_mem>>) src(%dma_wait3A_608 : memref<80x64xf32, #tpu.memory_space<vmem>>) dst(%dma_wait3A_604 : memref<80x64xf32, #tpu.memory_space<hbm>>)
    %add3A_609 = arith.constant 560 : i32
    %add3A_610 = arith.addi %mul3A_4, %add3A_609 : i32
    %dma_wait3A_611 = arith.constant 3 : i32
    %dma_wait3A_612 = arith.constant 3 : i32
    %dma_wait3A_613 = arith.constant 0 : i32
    %dma_wait3A_614 = arith.constant 0 : i32
    %dma_wait3A_615 = tpu.memref_slice %arg12[%dma_wait3A_611, %dma_wait3A_613, %dma_wait3A_614] : memref<8x120x64xf32, #tpu.memory_space<vmem>> -> memref<1x80x64xf32, #tpu.memory_space<vmem>>
    %dma_wait3A_616 = tpu.memref_squeeze %dma_wait3A_615 : memref<1x80x64xf32, #tpu.memory_space<vmem>> -> memref<80x64xf32, #tpu.memory_space<vmem>>
    %dma_wait3A_617 = arith.constant 0 : i32
    %dma_wait3A_618 = tpu.memref_slice %arg8[%add3A_610, %dma_wait3A_617] : memref<25600x64xf32, #tpu.memory_space<hbm>> -> memref<80x64xf32, #tpu.memory_space<hbm>>
    %dma_wait3A_619 = tpu.memref_slice %arg15[%dma_wait3A_612] : memref<8x!tpu.dma_semaphore, #tpu.memory_space<semaphore_mem>> -> memref<1x!tpu.dma_semaphore, #tpu.memory_space<semaphore_mem>>
    %dma_wait3A_620 = tpu.memref_squeeze %dma_wait3A_619 : memref<1x!tpu.dma_semaphore, #tpu.memory_space<semaphore_mem>> -> memref<!tpu.dma_semaphore, #tpu.memory_space<semaphore_mem>>
    %dma_wait3A_621 = arith.constant 0 : i32
    %dma_wait3A_622 = tpu.memref_slice %arg8[%add3A_610, %dma_wait3A_621] : memref<25600x64xf32, #tpu.memory_space<hbm>> -> memref<80x64xf32, #tpu.memory_space<hbm>>
    %dma_wait3A_623 = arith.constant 0 : i32
    %dma_wait3A_624 = arith.constant 0 : i32
    %dma_wait3A_625 = tpu.memref_slice %arg12[%dma_wait3A_611, %dma_wait3A_623, %dma_wait3A_624] : memref<8x120x64xf32, #tpu.memory_space<vmem>> -> memref<1x80x64xf32, #tpu.memory_space<vmem>>
    %dma_wait3A_626 = tpu.memref_squeeze %dma_wait3A_625 : memref<1x80x64xf32, #tpu.memory_space<vmem>> -> memref<80x64xf32, #tpu.memory_space<vmem>>
    tpu.wait_dma2 semaphore(%dma_wait3A_620 : memref<!tpu.dma_semaphore, #tpu.memory_space<semaphore_mem>>) src(%dma_wait3A_626 : memref<80x64xf32, #tpu.memory_space<vmem>>) dst(%dma_wait3A_622 : memref<80x64xf32, #tpu.memory_space<hbm>>)
    %add3A_627 = arith.constant 640 : i32
    %add3A_628 = arith.addi %mul3A_4, %add3A_627 : i32
    %dma_wait3A_629 = arith.constant 0 : i32
    %dma_wait3A_630 = arith.constant 0 : i32
    %dma_wait3A_631 = arith.constant 0 : i32
    %dma_wait3A_632 = arith.constant 0 : i32
    %dma_wait3A_633 = tpu.memref_slice %arg12[%dma_wait3A_629, %dma_wait3A_631, %dma_wait3A_632] : memref<8x120x64xf32, #tpu.memory_space<vmem>> -> memref<1x80x64xf32, #tpu.memory_space<vmem>>
    %dma_wait3A_634 = tpu.memref_squeeze %dma_wait3A_633 : memref<1x80x64xf32, #tpu.memory_space<vmem>> -> memref<80x64xf32, #tpu.memory_space<vmem>>
    %dma_wait3A_635 = arith.constant 0 : i32
    %dma_wait3A_636 = tpu.memref_slice %arg8[%add3A_628, %dma_wait3A_635] : memref<25600x64xf32, #tpu.memory_space<hbm>> -> memref<80x64xf32, #tpu.memory_space<hbm>>
    %dma_wait3A_637 = tpu.memref_slice %arg15[%dma_wait3A_630] : memref<8x!tpu.dma_semaphore, #tpu.memory_space<semaphore_mem>> -> memref<1x!tpu.dma_semaphore, #tpu.memory_space<semaphore_mem>>
    %dma_wait3A_638 = tpu.memref_squeeze %dma_wait3A_637 : memref<1x!tpu.dma_semaphore, #tpu.memory_space<semaphore_mem>> -> memref<!tpu.dma_semaphore, #tpu.memory_space<semaphore_mem>>
    %dma_wait3A_639 = arith.constant 0 : i32
    %dma_wait3A_640 = tpu.memref_slice %arg8[%add3A_628, %dma_wait3A_639] : memref<25600x64xf32, #tpu.memory_space<hbm>> -> memref<80x64xf32, #tpu.memory_space<hbm>>
    %dma_wait3A_641 = arith.constant 0 : i32
    %dma_wait3A_642 = arith.constant 0 : i32
    %dma_wait3A_643 = tpu.memref_slice %arg12[%dma_wait3A_629, %dma_wait3A_641, %dma_wait3A_642] : memref<8x120x64xf32, #tpu.memory_space<vmem>> -> memref<1x80x64xf32, #tpu.memory_space<vmem>>
    %dma_wait3A_644 = tpu.memref_squeeze %dma_wait3A_643 : memref<1x80x64xf32, #tpu.memory_space<vmem>> -> memref<80x64xf32, #tpu.memory_space<vmem>>
    tpu.wait_dma2 semaphore(%dma_wait3A_638 : memref<!tpu.dma_semaphore, #tpu.memory_space<semaphore_mem>>) src(%dma_wait3A_644 : memref<80x64xf32, #tpu.memory_space<vmem>>) dst(%dma_wait3A_640 : memref<80x64xf32, #tpu.memory_space<hbm>>)
    %add3A_645 = arith.constant 720 : i32
    %add3A_646 = arith.addi %mul3A_4, %add3A_645 : i32
    %dma_wait3A_647 = arith.constant 1 : i32
    %dma_wait3A_648 = arith.constant 1 : i32
    %dma_wait3A_649 = arith.constant 0 : i32
    %dma_wait3A_650 = arith.constant 0 : i32
    %dma_wait3A_651 = tpu.memref_slice %arg12[%dma_wait3A_647, %dma_wait3A_649, %dma_wait3A_650] : memref<8x120x64xf32, #tpu.memory_space<vmem>> -> memref<1x80x64xf32, #tpu.memory_space<vmem>>
    %dma_wait3A_652 = tpu.memref_squeeze %dma_wait3A_651 : memref<1x80x64xf32, #tpu.memory_space<vmem>> -> memref<80x64xf32, #tpu.memory_space<vmem>>
    %dma_wait3A_653 = arith.constant 0 : i32
    %dma_wait3A_654 = tpu.memref_slice %arg8[%add3A_646, %dma_wait3A_653] : memref<25600x64xf32, #tpu.memory_space<hbm>> -> memref<80x64xf32, #tpu.memory_space<hbm>>
    %dma_wait3A_655 = tpu.memref_slice %arg15[%dma_wait3A_648] : memref<8x!tpu.dma_semaphore, #tpu.memory_space<semaphore_mem>> -> memref<1x!tpu.dma_semaphore, #tpu.memory_space<semaphore_mem>>
    %dma_wait3A_656 = tpu.memref_squeeze %dma_wait3A_655 : memref<1x!tpu.dma_semaphore, #tpu.memory_space<semaphore_mem>> -> memref<!tpu.dma_semaphore, #tpu.memory_space<semaphore_mem>>
    %dma_wait3A_657 = arith.constant 0 : i32
    %dma_wait3A_658 = tpu.memref_slice %arg8[%add3A_646, %dma_wait3A_657] : memref<25600x64xf32, #tpu.memory_space<hbm>> -> memref<80x64xf32, #tpu.memory_space<hbm>>
    %dma_wait3A_659 = arith.constant 0 : i32
    %dma_wait3A_660 = arith.constant 0 : i32
    %dma_wait3A_661 = tpu.memref_slice %arg12[%dma_wait3A_647, %dma_wait3A_659, %dma_wait3A_660] : memref<8x120x64xf32, #tpu.memory_space<vmem>> -> memref<1x80x64xf32, #tpu.memory_space<vmem>>
    %dma_wait3A_662 = tpu.memref_squeeze %dma_wait3A_661 : memref<1x80x64xf32, #tpu.memory_space<vmem>> -> memref<80x64xf32, #tpu.memory_space<vmem>>
    tpu.wait_dma2 semaphore(%dma_wait3A_656 : memref<!tpu.dma_semaphore, #tpu.memory_space<semaphore_mem>>) src(%dma_wait3A_662 : memref<80x64xf32, #tpu.memory_space<vmem>>) dst(%dma_wait3A_658 : memref<80x64xf32, #tpu.memory_space<hbm>>)
    %dma_start3A_663 = arith.constant 0 : i32
    %dma_start3A_664 = arith.constant 0 : i32
    %dma_start3A_665 = arith.constant 0 : i32
    %dma_start3A_666 = arith.constant 0 : i32
    %dma_start3A_667 = arith.constant 0 : i32
    %dma_start3A_668 = tpu.memref_slice %arg12[%dma_start3A_664, %dma_start3A_666, %dma_start3A_667] : memref<8x120x64xf32, #tpu.memory_space<vmem>> -> memref<1x120x64xf32, #tpu.memory_space<vmem>>
    %dma_start3A_669 = tpu.memref_squeeze %dma_start3A_668 : memref<1x120x64xf32, #tpu.memory_space<vmem>> -> memref<120x64xf32, #tpu.memory_space<vmem>>
    %dma_start3A_670 = arith.constant 0 : i32
    %dma_start3A_671 = tpu.memref_slice %arg9[%dma_start3A_663, %dma_start3A_670] : memref<80x120xi32, #tpu.memory_space<vmem>> -> memref<1x120xi32, #tpu.memory_space<vmem>>
    %dma_start3A_672 = tpu.memref_squeeze %dma_start3A_671 : memref<1x120xi32, #tpu.memory_space<vmem>> -> memref<120xi32, #tpu.memory_space<vmem>>
    %dma_start3A_673 = arith.constant 0 : i32
    %dma_start3A_674 = arith.constant 0 : i32
    %dma_start3A_675 = tpu.memref_slice %arg2[%dma_start3A_673, %dma_start3A_674] : memref<100000x64xf32, #tpu.memory_space<hbm>> -> memref<100000x64xf32, #tpu.memory_space<hbm>>
    %dma_start3A_676 = tpu.memref_slice %arg13[%dma_start3A_665] : memref<8x!tpu.dma_semaphore, #tpu.memory_space<semaphore_mem>> -> memref<1x!tpu.dma_semaphore, #tpu.memory_space<semaphore_mem>>
    %dma_start3A_677 = tpu.memref_squeeze %dma_start3A_676 : memref<1x!tpu.dma_semaphore, #tpu.memory_space<semaphore_mem>> -> memref<!tpu.dma_semaphore, #tpu.memory_space<semaphore_mem>>
    tpu.enqueue_indirect_dma source(%dma_start3A_675 : memref<100000x64xf32, #tpu.memory_space<hbm>>) target(%dma_start3A_669 : memref<120x64xf32, #tpu.memory_space<vmem>>) offsets(%dma_start3A_672 : memref<120xi32, #tpu.memory_space<vmem>>) semaphore(%dma_start3A_677 : memref<!tpu.dma_semaphore, #tpu.memory_space<semaphore_mem>>)
    %dma_start3A_678 = arith.constant 1 : i32
    %dma_start3A_679 = arith.constant 1 : i32
    %dma_start3A_680 = arith.constant 1 : i32
    %dma_start3A_681 = arith.constant 0 : i32
    %dma_start3A_682 = arith.constant 0 : i32
    %dma_start3A_683 = tpu.memref_slice %arg12[%dma_start3A_679, %dma_start3A_681, %dma_start3A_682] : memref<8x120x64xf32, #tpu.memory_space<vmem>> -> memref<1x120x64xf32, #tpu.memory_space<vmem>>
    %dma_start3A_684 = tpu.memref_squeeze %dma_start3A_683 : memref<1x120x64xf32, #tpu.memory_space<vmem>> -> memref<120x64xf32, #tpu.memory_space<vmem>>
    %dma_start3A_685 = arith.constant 0 : i32
    %dma_start3A_686 = tpu.memref_slice %arg9[%dma_start3A_678, %dma_start3A_685] : memref<80x120xi32, #tpu.memory_space<vmem>> -> memref<1x120xi32, #tpu.memory_space<vmem>>
    %dma_start3A_687 = tpu.memref_squeeze %dma_start3A_686 : memref<1x120xi32, #tpu.memory_space<vmem>> -> memref<120xi32, #tpu.memory_space<vmem>>
    %dma_start3A_688 = arith.constant 0 : i32
    %dma_start3A_689 = arith.constant 0 : i32
    %dma_start3A_690 = tpu.memref_slice %arg2[%dma_start3A_688, %dma_start3A_689] : memref<100000x64xf32, #tpu.memory_space<hbm>> -> memref<100000x64xf32, #tpu.memory_space<hbm>>
    %dma_start3A_691 = tpu.memref_slice %arg13[%dma_start3A_680] : memref<8x!tpu.dma_semaphore, #tpu.memory_space<semaphore_mem>> -> memref<1x!tpu.dma_semaphore, #tpu.memory_space<semaphore_mem>>
    %dma_start3A_692 = tpu.memref_squeeze %dma_start3A_691 : memref<1x!tpu.dma_semaphore, #tpu.memory_space<semaphore_mem>> -> memref<!tpu.dma_semaphore, #tpu.memory_space<semaphore_mem>>
    tpu.enqueue_indirect_dma source(%dma_start3A_690 : memref<100000x64xf32, #tpu.memory_space<hbm>>) target(%dma_start3A_684 : memref<120x64xf32, #tpu.memory_space<vmem>>) offsets(%dma_start3A_687 : memref<120xi32, #tpu.memory_space<vmem>>) semaphore(%dma_start3A_692 : memref<!tpu.dma_semaphore, #tpu.memory_space<semaphore_mem>>)
    %dma_start3A_693 = arith.constant 2 : i32
    %dma_start3A_694 = arith.constant 2 : i32
    %dma_start3A_695 = arith.constant 2 : i32
    %dma_start3A_696 = arith.constant 0 : i32
    %dma_start3A_697 = arith.constant 0 : i32
    %dma_start3A_698 = tpu.memref_slice %arg12[%dma_start3A_694, %dma_start3A_696, %dma_start3A_697] : memref<8x120x64xf32, #tpu.memory_space<vmem>> -> memref<1x120x64xf32, #tpu.memory_space<vmem>>
    %dma_start3A_699 = tpu.memref_squeeze %dma_start3A_698 : memref<1x120x64xf32, #tpu.memory_space<vmem>> -> memref<120x64xf32, #tpu.memory_space<vmem>>
    %dma_start3A_700 = arith.constant 0 : i32
    %dma_start3A_701 = tpu.memref_slice %arg9[%dma_start3A_693, %dma_start3A_700] : memref<80x120xi32, #tpu.memory_space<vmem>> -> memref<1x120xi32, #tpu.memory_space<vmem>>
    %dma_start3A_702 = tpu.memref_squeeze %dma_start3A_701 : memref<1x120xi32, #tpu.memory_space<vmem>> -> memref<120xi32, #tpu.memory_space<vmem>>
    %dma_start3A_703 = arith.constant 0 : i32
    %dma_start3A_704 = arith.constant 0 : i32
    %dma_start3A_705 = tpu.memref_slice %arg2[%dma_start3A_703, %dma_start3A_704] : memref<100000x64xf32, #tpu.memory_space<hbm>> -> memref<100000x64xf32, #tpu.memory_space<hbm>>
    %dma_start3A_706 = tpu.memref_slice %arg13[%dma_start3A_695] : memref<8x!tpu.dma_semaphore, #tpu.memory_space<semaphore_mem>> -> memref<1x!tpu.dma_semaphore, #tpu.memory_space<semaphore_mem>>
    %dma_start3A_707 = tpu.memref_squeeze %dma_start3A_706 : memref<1x!tpu.dma_semaphore, #tpu.memory_space<semaphore_mem>> -> memref<!tpu.dma_semaphore, #tpu.memory_space<semaphore_mem>>
    tpu.enqueue_indirect_dma source(%dma_start3A_705 : memref<100000x64xf32, #tpu.memory_space<hbm>>) target(%dma_start3A_699 : memref<120x64xf32, #tpu.memory_space<vmem>>) offsets(%dma_start3A_702 : memref<120xi32, #tpu.memory_space<vmem>>) semaphore(%dma_start3A_707 : memref<!tpu.dma_semaphore, #tpu.memory_space<semaphore_mem>>)
    %dma_start3A_708 = arith.constant 3 : i32
    %dma_start3A_709 = arith.constant 3 : i32
    %dma_start3A_710 = arith.constant 3 : i32
    %dma_start3A_711 = arith.constant 0 : i32
    %dma_start3A_712 = arith.constant 0 : i32
    %dma_start3A_713 = tpu.memref_slice %arg12[%dma_start3A_709, %dma_start3A_711, %dma_start3A_712] : memref<8x120x64xf32, #tpu.memory_space<vmem>> -> memref<1x120x64xf32, #tpu.memory_space<vmem>>
    %dma_start3A_714 = tpu.memref_squeeze %dma_start3A_713 : memref<1x120x64xf32, #tpu.memory_space<vmem>> -> memref<120x64xf32, #tpu.memory_space<vmem>>
    %dma_start3A_715 = arith.constant 0 : i32
    %dma_start3A_716 = tpu.memref_slice %arg9[%dma_start3A_708, %dma_start3A_715] : memref<80x120xi32, #tpu.memory_space<vmem>> -> memref<1x120xi32, #tpu.memory_space<vmem>>
    %dma_start3A_717 = tpu.memref_squeeze %dma_start3A_716 : memref<1x120xi32, #tpu.memory_space<vmem>> -> memref<120xi32, #tpu.memory_space<vmem>>
    %dma_start3A_718 = arith.constant 0 : i32
    %dma_start3A_719 = arith.constant 0 : i32
    %dma_start3A_720 = tpu.memref_slice %arg2[%dma_start3A_718, %dma_start3A_719] : memref<100000x64xf32, #tpu.memory_space<hbm>> -> memref<100000x64xf32, #tpu.memory_space<hbm>>
    %dma_start3A_721 = tpu.memref_slice %arg13[%dma_start3A_710] : memref<8x!tpu.dma_semaphore, #tpu.memory_space<semaphore_mem>> -> memref<1x!tpu.dma_semaphore, #tpu.memory_space<semaphore_mem>>
    %dma_start3A_722 = tpu.memref_squeeze %dma_start3A_721 : memref<1x!tpu.dma_semaphore, #tpu.memory_space<semaphore_mem>> -> memref<!tpu.dma_semaphore, #tpu.memory_space<semaphore_mem>>
    tpu.enqueue_indirect_dma source(%dma_start3A_720 : memref<100000x64xf32, #tpu.memory_space<hbm>>) target(%dma_start3A_714 : memref<120x64xf32, #tpu.memory_space<vmem>>) offsets(%dma_start3A_717 : memref<120xi32, #tpu.memory_space<vmem>>) semaphore(%dma_start3A_722 : memref<!tpu.dma_semaphore, #tpu.memory_space<semaphore_mem>>)
    %dma_start3A_723 = arith.constant 4 : i32
    %dma_start3A_724 = arith.constant 4 : i32
    %dma_start3A_725 = arith.constant 4 : i32
    %dma_start3A_726 = arith.constant 0 : i32
    %dma_start3A_727 = arith.constant 0 : i32
    %dma_start3A_728 = tpu.memref_slice %arg12[%dma_start3A_724, %dma_start3A_726, %dma_start3A_727] : memref<8x120x64xf32, #tpu.memory_space<vmem>> -> memref<1x120x64xf32, #tpu.memory_space<vmem>>
    %dma_start3A_729 = tpu.memref_squeeze %dma_start3A_728 : memref<1x120x64xf32, #tpu.memory_space<vmem>> -> memref<120x64xf32, #tpu.memory_space<vmem>>
    %dma_start3A_730 = arith.constant 0 : i32
    %dma_start3A_731 = tpu.memref_slice %arg9[%dma_start3A_723, %dma_start3A_730] : memref<80x120xi32, #tpu.memory_space<vmem>> -> memref<1x120xi32, #tpu.memory_space<vmem>>
    %dma_start3A_732 = tpu.memref_squeeze %dma_start3A_731 : memref<1x120xi32, #tpu.memory_space<vmem>> -> memref<120xi32, #tpu.memory_space<vmem>>
    %dma_start3A_733 = arith.constant 0 : i32
    %dma_start3A_734 = arith.constant 0 : i32
    %dma_start3A_735 = tpu.memref_slice %arg2[%dma_start3A_733, %dma_start3A_734] : memref<100000x64xf32, #tpu.memory_space<hbm>> -> memref<100000x64xf32, #tpu.memory_space<hbm>>
    %dma_start3A_736 = tpu.memref_slice %arg13[%dma_start3A_725] : memref<8x!tpu.dma_semaphore, #tpu.memory_space<semaphore_mem>> -> memref<1x!tpu.dma_semaphore, #tpu.memory_space<semaphore_mem>>
    %dma_start3A_737 = tpu.memref_squeeze %dma_start3A_736 : memref<1x!tpu.dma_semaphore, #tpu.memory_space<semaphore_mem>> -> memref<!tpu.dma_semaphore, #tpu.memory_space<semaphore_mem>>
    tpu.enqueue_indirect_dma source(%dma_start3A_735 : memref<100000x64xf32, #tpu.memory_space<hbm>>) target(%dma_start3A_729 : memref<120x64xf32, #tpu.memory_space<vmem>>) offsets(%dma_start3A_732 : memref<120xi32, #tpu.memory_space<vmem>>) semaphore(%dma_start3A_737 : memref<!tpu.dma_semaphore, #tpu.memory_space<semaphore_mem>>)
    %dma_start3A_738 = arith.constant 5 : i32
    %dma_start3A_739 = arith.constant 5 : i32
    %dma_start3A_740 = arith.constant 5 : i32
    %dma_start3A_741 = arith.constant 0 : i32
    %dma_start3A_742 = arith.constant 0 : i32
    %dma_start3A_743 = tpu.memref_slice %arg12[%dma_start3A_739, %dma_start3A_741, %dma_start3A_742] : memref<8x120x64xf32, #tpu.memory_space<vmem>> -> memref<1x120x64xf32, #tpu.memory_space<vmem>>
    %dma_start3A_744 = tpu.memref_squeeze %dma_start3A_743 : memref<1x120x64xf32, #tpu.memory_space<vmem>> -> memref<120x64xf32, #tpu.memory_space<vmem>>
    %dma_start3A_745 = arith.constant 0 : i32
    %dma_start3A_746 = tpu.memref_slice %arg9[%dma_start3A_738, %dma_start3A_745] : memref<80x120xi32, #tpu.memory_space<vmem>> -> memref<1x120xi32, #tpu.memory_space<vmem>>
    %dma_start3A_747 = tpu.memref_squeeze %dma_start3A_746 : memref<1x120xi32, #tpu.memory_space<vmem>> -> memref<120xi32, #tpu.memory_space<vmem>>
    %dma_start3A_748 = arith.constant 0 : i32
    %dma_start3A_749 = arith.constant 0 : i32
    %dma_start3A_750 = tpu.memref_slice %arg2[%dma_start3A_748, %dma_start3A_749] : memref<100000x64xf32, #tpu.memory_space<hbm>> -> memref<100000x64xf32, #tpu.memory_space<hbm>>
    %dma_start3A_751 = tpu.memref_slice %arg13[%dma_start3A_740] : memref<8x!tpu.dma_semaphore, #tpu.memory_space<semaphore_mem>> -> memref<1x!tpu.dma_semaphore, #tpu.memory_space<semaphore_mem>>
    %dma_start3A_752 = tpu.memref_squeeze %dma_start3A_751 : memref<1x!tpu.dma_semaphore, #tpu.memory_space<semaphore_mem>> -> memref<!tpu.dma_semaphore, #tpu.memory_space<semaphore_mem>>
    tpu.enqueue_indirect_dma source(%dma_start3A_750 : memref<100000x64xf32, #tpu.memory_space<hbm>>) target(%dma_start3A_744 : memref<120x64xf32, #tpu.memory_space<vmem>>) offsets(%dma_start3A_747 : memref<120xi32, #tpu.memory_space<vmem>>) semaphore(%dma_start3A_752 : memref<!tpu.dma_semaphore, #tpu.memory_space<semaphore_mem>>)
    %dma_start3A_753 = arith.constant 6 : i32
    %dma_start3A_754 = arith.constant 6 : i32
    %dma_start3A_755 = arith.constant 6 : i32
    %dma_start3A_756 = arith.constant 0 : i32
    %dma_start3A_757 = arith.constant 0 : i32
    %dma_start3A_758 = tpu.memref_slice %arg12[%dma_start3A_754, %dma_start3A_756, %dma_start3A_757] : memref<8x120x64xf32, #tpu.memory_space<vmem>> -> memref<1x120x64xf32, #tpu.memory_space<vmem>>
    %dma_start3A_759 = tpu.memref_squeeze %dma_start3A_758 : memref<1x120x64xf32, #tpu.memory_space<vmem>> -> memref<120x64xf32, #tpu.memory_space<vmem>>
    %dma_start3A_760 = arith.constant 0 : i32
    %dma_start3A_761 = tpu.memref_slice %arg9[%dma_start3A_753, %dma_start3A_760] : memref<80x120xi32, #tpu.memory_space<vmem>> -> memref<1x120xi32, #tpu.memory_space<vmem>>
    %dma_start3A_762 = tpu.memref_squeeze %dma_start3A_761 : memref<1x120xi32, #tpu.memory_space<vmem>> -> memref<120xi32, #tpu.memory_space<vmem>>
    %dma_start3A_763 = arith.constant 0 : i32
    %dma_start3A_764 = arith.constant 0 : i32
    %dma_start3A_765 = tpu.memref_slice %arg2[%dma_start3A_763, %dma_start3A_764] : memref<100000x64xf32, #tpu.memory_space<hbm>> -> memref<100000x64xf32, #tpu.memory_space<hbm>>
    %dma_start3A_766 = tpu.memref_slice %arg13[%dma_start3A_755] : memref<8x!tpu.dma_semaphore, #tpu.memory_space<semaphore_mem>> -> memref<1x!tpu.dma_semaphore, #tpu.memory_space<semaphore_mem>>
    %dma_start3A_767 = tpu.memref_squeeze %dma_start3A_766 : memref<1x!tpu.dma_semaphore, #tpu.memory_space<semaphore_mem>> -> memref<!tpu.dma_semaphore, #tpu.memory_space<semaphore_mem>>
    tpu.enqueue_indirect_dma source(%dma_start3A_765 : memref<100000x64xf32, #tpu.memory_space<hbm>>) target(%dma_start3A_759 : memref<120x64xf32, #tpu.memory_space<vmem>>) offsets(%dma_start3A_762 : memref<120xi32, #tpu.memory_space<vmem>>) semaphore(%dma_start3A_767 : memref<!tpu.dma_semaphore, #tpu.memory_space<semaphore_mem>>)
    %dma_start3A_768 = arith.constant 7 : i32
    %dma_start3A_769 = arith.constant 7 : i32
    %dma_start3A_770 = arith.constant 7 : i32
    %dma_start3A_771 = arith.constant 0 : i32
    %dma_start3A_772 = arith.constant 0 : i32
    %dma_start3A_773 = tpu.memref_slice %arg12[%dma_start3A_769, %dma_start3A_771, %dma_start3A_772] : memref<8x120x64xf32, #tpu.memory_space<vmem>> -> memref<1x120x64xf32, #tpu.memory_space<vmem>>
    %dma_start3A_774 = tpu.memref_squeeze %dma_start3A_773 : memref<1x120x64xf32, #tpu.memory_space<vmem>> -> memref<120x64xf32, #tpu.memory_space<vmem>>
    %dma_start3A_775 = arith.constant 0 : i32
    %dma_start3A_776 = tpu.memref_slice %arg9[%dma_start3A_768, %dma_start3A_775] : memref<80x120xi32, #tpu.memory_space<vmem>> -> memref<1x120xi32, #tpu.memory_space<vmem>>
    %dma_start3A_777 = tpu.memref_squeeze %dma_start3A_776 : memref<1x120xi32, #tpu.memory_space<vmem>> -> memref<120xi32, #tpu.memory_space<vmem>>
    %dma_start3A_778 = arith.constant 0 : i32
    %dma_start3A_779 = arith.constant 0 : i32
    %dma_start3A_780 = tpu.memref_slice %arg2[%dma_start3A_778, %dma_start3A_779] : memref<100000x64xf32, #tpu.memory_space<hbm>> -> memref<100000x64xf32, #tpu.memory_space<hbm>>
    %dma_start3A_781 = tpu.memref_slice %arg13[%dma_start3A_770] : memref<8x!tpu.dma_semaphore, #tpu.memory_space<semaphore_mem>> -> memref<1x!tpu.dma_semaphore, #tpu.memory_space<semaphore_mem>>
    %dma_start3A_782 = tpu.memref_squeeze %dma_start3A_781 : memref<1x!tpu.dma_semaphore, #tpu.memory_space<semaphore_mem>> -> memref<!tpu.dma_semaphore, #tpu.memory_space<semaphore_mem>>
    tpu.enqueue_indirect_dma source(%dma_start3A_780 : memref<100000x64xf32, #tpu.memory_space<hbm>>) target(%dma_start3A_774 : memref<120x64xf32, #tpu.memory_space<vmem>>) offsets(%dma_start3A_777 : memref<120xi32, #tpu.memory_space<vmem>>) semaphore(%dma_start3A_782 : memref<!tpu.dma_semaphore, #tpu.memory_space<semaphore_mem>>)
    %scan3A = arith.constant 0 : i32
    %scan3A_783 = arith.constant 0 : i32
    %scan3A_784 = arith.constant 10 : i32
    %scan3A_785 = arith.addi %scan3A_783, %scan3A_784 : i32
    %scan3A_786 = arith.constant 1 : i32
    %scan3A_787 = scf.for %scan3A_789 = %scan3A_783 to %scan3A_785 step %scan3A_786 iter_args(%scan3A_790 = %scan3A) -> (i32)  : i32 {
      %mul3A_791 = arith.constant 8 : i32
      %mul3A_792 = arith.muli %scan3A_789, %mul3A_791 : i32
      %add3A_793 = arith.constant 0 : i32
      %add3A_794 = arith.addi %mul3A_792, %add3A_793 : i32
      %dma_wait3A_795 = arith.constant 0 : i32
      %dma_wait3A_796 = arith.constant 0 : i32
      %dma_wait3A_797 = arith.constant 0 : i32
      %dma_wait3A_798 = arith.constant 0 : i32
      %dma_wait3A_799 = tpu.memref_slice %arg12[%dma_wait3A_795, %dma_wait3A_797, %dma_wait3A_798] : memref<8x120x64xf32, #tpu.memory_space<vmem>> -> memref<1x120x64xf32, #tpu.memory_space<vmem>>
      %dma_wait3A_800 = tpu.memref_squeeze %dma_wait3A_799 : memref<1x120x64xf32, #tpu.memory_space<vmem>> -> memref<120x64xf32, #tpu.memory_space<vmem>>
      %dma_wait3A_801 = arith.constant 0 : i32
      %dma_wait3A_802 = tpu.memref_slice %arg9[%add3A_794, %dma_wait3A_801] : memref<80x120xi32, #tpu.memory_space<vmem>> -> memref<1x120xi32, #tpu.memory_space<vmem>>
      %dma_wait3A_803 = tpu.memref_squeeze %dma_wait3A_802 : memref<1x120xi32, #tpu.memory_space<vmem>> -> memref<120xi32, #tpu.memory_space<vmem>>
      %dma_wait3A_804 = arith.constant 0 : i32
      %dma_wait3A_805 = arith.constant 0 : i32
      %dma_wait3A_806 = tpu.memref_slice %arg2[%dma_wait3A_804, %dma_wait3A_805] : memref<100000x64xf32, #tpu.memory_space<hbm>> -> memref<100000x64xf32, #tpu.memory_space<hbm>>
      %dma_wait3A_807 = tpu.memref_slice %arg13[%dma_wait3A_796] : memref<8x!tpu.dma_semaphore, #tpu.memory_space<semaphore_mem>> -> memref<1x!tpu.dma_semaphore, #tpu.memory_space<semaphore_mem>>
      %dma_wait3A_808 = tpu.memref_squeeze %dma_wait3A_807 : memref<1x!tpu.dma_semaphore, #tpu.memory_space<semaphore_mem>> -> memref<!tpu.dma_semaphore, #tpu.memory_space<semaphore_mem>>
      tpu.wait_indirect_dma semaphore(%dma_wait3A_808 : memref<!tpu.dma_semaphore, #tpu.memory_space<semaphore_mem>>) src(%dma_wait3A_806 : memref<100000x64xf32, #tpu.memory_space<hbm>>) dst(%dma_wait3A_800 : memref<120x64xf32, #tpu.memory_space<vmem>>)
      %dma_start3A_809 = arith.constant 0 : i32
      %dma_start3A_810 = arith.constant 0 : i32
      %dma_start3A_811 = arith.constant 0 : i32
      %dma_start3A_812 = arith.constant 0 : i32
      %dma_start3A_813 = tpu.memref_slice %arg12[%dma_start3A_809, %dma_start3A_811, %dma_start3A_812] : memref<8x120x64xf32, #tpu.memory_space<vmem>> -> memref<1x120x64xf32, #tpu.memory_space<vmem>>
      %dma_start3A_814 = tpu.memref_squeeze %dma_start3A_813 : memref<1x120x64xf32, #tpu.memory_space<vmem>> -> memref<120x64xf32, #tpu.memory_space<vmem>>
      %dma_start3A_815 = arith.constant 0 : i32
      %dma_start3A_816 = tpu.memref_slice %arg10[%add3A_794, %dma_start3A_815] : memref<80x120xi32, #tpu.memory_space<vmem>> -> memref<1x120xi32, #tpu.memory_space<vmem>>
      %dma_start3A_817 = tpu.memref_squeeze %dma_start3A_816 : memref<1x120xi32, #tpu.memory_space<vmem>> -> memref<120xi32, #tpu.memory_space<vmem>>
      %dma_start3A_818 = arith.constant 0 : i32
      %dma_start3A_819 = arith.constant 0 : i32
      %dma_start3A_820 = tpu.memref_slice %arg3[%dma_start3A_818, %dma_start3A_819] : memref<40000x64xf32, #tpu.memory_space<hbm>> -> memref<40000x64xf32, #tpu.memory_space<hbm>>
      %dma_start3A_821 = tpu.memref_slice %arg14[%dma_start3A_810] : memref<8x!tpu.dma_semaphore, #tpu.memory_space<semaphore_mem>> -> memref<1x!tpu.dma_semaphore, #tpu.memory_space<semaphore_mem>>
      %dma_start3A_822 = tpu.memref_squeeze %dma_start3A_821 : memref<1x!tpu.dma_semaphore, #tpu.memory_space<semaphore_mem>> -> memref<!tpu.dma_semaphore, #tpu.memory_space<semaphore_mem>>
      tpu.enqueue_indirect_dma source(%dma_start3A_820 : memref<40000x64xf32, #tpu.memory_space<hbm>>) target(%dma_start3A_814 : memref<120x64xf32, #tpu.memory_space<vmem>>) offsets(%dma_start3A_817 : memref<120xi32, #tpu.memory_space<vmem>>) semaphore(%dma_start3A_822 : memref<!tpu.dma_semaphore, #tpu.memory_space<semaphore_mem>>) {add = true}
      %mul3A_823 = arith.constant 8 : i32
      %mul3A_824 = arith.muli %scan3A_789, %mul3A_823 : i32
      %add3A_825 = arith.constant 1 : i32
      %add3A_826 = arith.addi %mul3A_824, %add3A_825 : i32
      %dma_wait3A_827 = arith.constant 1 : i32
      %dma_wait3A_828 = arith.constant 1 : i32
      %dma_wait3A_829 = arith.constant 0 : i32
      %dma_wait3A_830 = arith.constant 0 : i32
      %dma_wait3A_831 = tpu.memref_slice %arg12[%dma_wait3A_827, %dma_wait3A_829, %dma_wait3A_830] : memref<8x120x64xf32, #tpu.memory_space<vmem>> -> memref<1x120x64xf32, #tpu.memory_space<vmem>>
      %dma_wait3A_832 = tpu.memref_squeeze %dma_wait3A_831 : memref<1x120x64xf32, #tpu.memory_space<vmem>> -> memref<120x64xf32, #tpu.memory_space<vmem>>
      %dma_wait3A_833 = arith.constant 0 : i32
      %dma_wait3A_834 = tpu.memref_slice %arg9[%add3A_826, %dma_wait3A_833] : memref<80x120xi32, #tpu.memory_space<vmem>> -> memref<1x120xi32, #tpu.memory_space<vmem>>
      %dma_wait3A_835 = tpu.memref_squeeze %dma_wait3A_834 : memref<1x120xi32, #tpu.memory_space<vmem>> -> memref<120xi32, #tpu.memory_space<vmem>>
      %dma_wait3A_836 = arith.constant 0 : i32
      %dma_wait3A_837 = arith.constant 0 : i32
      %dma_wait3A_838 = tpu.memref_slice %arg2[%dma_wait3A_836, %dma_wait3A_837] : memref<100000x64xf32, #tpu.memory_space<hbm>> -> memref<100000x64xf32, #tpu.memory_space<hbm>>
      %dma_wait3A_839 = tpu.memref_slice %arg13[%dma_wait3A_828] : memref<8x!tpu.dma_semaphore, #tpu.memory_space<semaphore_mem>> -> memref<1x!tpu.dma_semaphore, #tpu.memory_space<semaphore_mem>>
      %dma_wait3A_840 = tpu.memref_squeeze %dma_wait3A_839 : memref<1x!tpu.dma_semaphore, #tpu.memory_space<semaphore_mem>> -> memref<!tpu.dma_semaphore, #tpu.memory_space<semaphore_mem>>
      tpu.wait_indirect_dma semaphore(%dma_wait3A_840 : memref<!tpu.dma_semaphore, #tpu.memory_space<semaphore_mem>>) src(%dma_wait3A_838 : memref<100000x64xf32, #tpu.memory_space<hbm>>) dst(%dma_wait3A_832 : memref<120x64xf32, #tpu.memory_space<vmem>>)
      %dma_start3A_841 = arith.constant 1 : i32
      %dma_start3A_842 = arith.constant 1 : i32
      %dma_start3A_843 = arith.constant 0 : i32
      %dma_start3A_844 = arith.constant 0 : i32
      %dma_start3A_845 = tpu.memref_slice %arg12[%dma_start3A_841, %dma_start3A_843, %dma_start3A_844] : memref<8x120x64xf32, #tpu.memory_space<vmem>> -> memref<1x120x64xf32, #tpu.memory_space<vmem>>
      %dma_start3A_846 = tpu.memref_squeeze %dma_start3A_845 : memref<1x120x64xf32, #tpu.memory_space<vmem>> -> memref<120x64xf32, #tpu.memory_space<vmem>>
      %dma_start3A_847 = arith.constant 0 : i32
      %dma_start3A_848 = tpu.memref_slice %arg10[%add3A_826, %dma_start3A_847] : memref<80x120xi32, #tpu.memory_space<vmem>> -> memref<1x120xi32, #tpu.memory_space<vmem>>
      %dma_start3A_849 = tpu.memref_squeeze %dma_start3A_848 : memref<1x120xi32, #tpu.memory_space<vmem>> -> memref<120xi32, #tpu.memory_space<vmem>>
      %dma_start3A_850 = arith.constant 0 : i32
      %dma_start3A_851 = arith.constant 0 : i32
      %dma_start3A_852 = tpu.memref_slice %arg3[%dma_start3A_850, %dma_start3A_851] : memref<40000x64xf32, #tpu.memory_space<hbm>> -> memref<40000x64xf32, #tpu.memory_space<hbm>>
      %dma_start3A_853 = tpu.memref_slice %arg14[%dma_start3A_842] : memref<8x!tpu.dma_semaphore, #tpu.memory_space<semaphore_mem>> -> memref<1x!tpu.dma_semaphore, #tpu.memory_space<semaphore_mem>>
      %dma_start3A_854 = tpu.memref_squeeze %dma_start3A_853 : memref<1x!tpu.dma_semaphore, #tpu.memory_space<semaphore_mem>> -> memref<!tpu.dma_semaphore, #tpu.memory_space<semaphore_mem>>
      tpu.enqueue_indirect_dma source(%dma_start3A_852 : memref<40000x64xf32, #tpu.memory_space<hbm>>) target(%dma_start3A_846 : memref<120x64xf32, #tpu.memory_space<vmem>>) offsets(%dma_start3A_849 : memref<120xi32, #tpu.memory_space<vmem>>) semaphore(%dma_start3A_854 : memref<!tpu.dma_semaphore, #tpu.memory_space<semaphore_mem>>) {add = true}
      %mul3A_855 = arith.constant 8 : i32
      %mul3A_856 = arith.muli %scan3A_789, %mul3A_855 : i32
      %add3A_857 = arith.constant 2 : i32
      %add3A_858 = arith.addi %mul3A_856, %add3A_857 : i32
      %dma_wait3A_859 = arith.constant 2 : i32
      %dma_wait3A_860 = arith.constant 2 : i32
      %dma_wait3A_861 = arith.constant 0 : i32
      %dma_wait3A_862 = arith.constant 0 : i32
      %dma_wait3A_863 = tpu.memref_slice %arg12[%dma_wait3A_859, %dma_wait3A_861, %dma_wait3A_862] : memref<8x120x64xf32, #tpu.memory_space<vmem>> -> memref<1x120x64xf32, #tpu.memory_space<vmem>>
      %dma_wait3A_864 = tpu.memref_squeeze %dma_wait3A_863 : memref<1x120x64xf32, #tpu.memory_space<vmem>> -> memref<120x64xf32, #tpu.memory_space<vmem>>
      %dma_wait3A_865 = arith.constant 0 : i32
      %dma_wait3A_866 = tpu.memref_slice %arg9[%add3A_858, %dma_wait3A_865] : memref<80x120xi32, #tpu.memory_space<vmem>> -> memref<1x120xi32, #tpu.memory_space<vmem>>
      %dma_wait3A_867 = tpu.memref_squeeze %dma_wait3A_866 : memref<1x120xi32, #tpu.memory_space<vmem>> -> memref<120xi32, #tpu.memory_space<vmem>>
      %dma_wait3A_868 = arith.constant 0 : i32
      %dma_wait3A_869 = arith.constant 0 : i32
      %dma_wait3A_870 = tpu.memref_slice %arg2[%dma_wait3A_868, %dma_wait3A_869] : memref<100000x64xf32, #tpu.memory_space<hbm>> -> memref<100000x64xf32, #tpu.memory_space<hbm>>
      %dma_wait3A_871 = tpu.memref_slice %arg13[%dma_wait3A_860] : memref<8x!tpu.dma_semaphore, #tpu.memory_space<semaphore_mem>> -> memref<1x!tpu.dma_semaphore, #tpu.memory_space<semaphore_mem>>
      %dma_wait3A_872 = tpu.memref_squeeze %dma_wait3A_871 : memref<1x!tpu.dma_semaphore, #tpu.memory_space<semaphore_mem>> -> memref<!tpu.dma_semaphore, #tpu.memory_space<semaphore_mem>>
      tpu.wait_indirect_dma semaphore(%dma_wait3A_872 : memref<!tpu.dma_semaphore, #tpu.memory_space<semaphore_mem>>) src(%dma_wait3A_870 : memref<100000x64xf32, #tpu.memory_space<hbm>>) dst(%dma_wait3A_864 : memref<120x64xf32, #tpu.memory_space<vmem>>)
      %dma_start3A_873 = arith.constant 2 : i32
      %dma_start3A_874 = arith.constant 2 : i32
      %dma_start3A_875 = arith.constant 0 : i32
      %dma_start3A_876 = arith.constant 0 : i32
      %dma_start3A_877 = tpu.memref_slice %arg12[%dma_start3A_873, %dma_start3A_875, %dma_start3A_876] : memref<8x120x64xf32, #tpu.memory_space<vmem>> -> memref<1x120x64xf32, #tpu.memory_space<vmem>>
      %dma_start3A_878 = tpu.memref_squeeze %dma_start3A_877 : memref<1x120x64xf32, #tpu.memory_space<vmem>> -> memref<120x64xf32, #tpu.memory_space<vmem>>
      %dma_start3A_879 = arith.constant 0 : i32
      %dma_start3A_880 = tpu.memref_slice %arg10[%add3A_858, %dma_start3A_879] : memref<80x120xi32, #tpu.memory_space<vmem>> -> memref<1x120xi32, #tpu.memory_space<vmem>>
      %dma_start3A_881 = tpu.memref_squeeze %dma_start3A_880 : memref<1x120xi32, #tpu.memory_space<vmem>> -> memref<120xi32, #tpu.memory_space<vmem>>
      %dma_start3A_882 = arith.constant 0 : i32
      %dma_start3A_883 = arith.constant 0 : i32
      %dma_start3A_884 = tpu.memref_slice %arg3[%dma_start3A_882, %dma_start3A_883] : memref<40000x64xf32, #tpu.memory_space<hbm>> -> memref<40000x64xf32, #tpu.memory_space<hbm>>
      %dma_start3A_885 = tpu.memref_slice %arg14[%dma_start3A_874] : memref<8x!tpu.dma_semaphore, #tpu.memory_space<semaphore_mem>> -> memref<1x!tpu.dma_semaphore, #tpu.memory_space<semaphore_mem>>
      %dma_start3A_886 = tpu.memref_squeeze %dma_start3A_885 : memref<1x!tpu.dma_semaphore, #tpu.memory_space<semaphore_mem>> -> memref<!tpu.dma_semaphore, #tpu.memory_space<semaphore_mem>>
      tpu.enqueue_indirect_dma source(%dma_start3A_884 : memref<40000x64xf32, #tpu.memory_space<hbm>>) target(%dma_start3A_878 : memref<120x64xf32, #tpu.memory_space<vmem>>) offsets(%dma_start3A_881 : memref<120xi32, #tpu.memory_space<vmem>>) semaphore(%dma_start3A_886 : memref<!tpu.dma_semaphore, #tpu.memory_space<semaphore_mem>>) {add = true}
      %mul3A_887 = arith.constant 8 : i32
      %mul3A_888 = arith.muli %scan3A_789, %mul3A_887 : i32
      %add3A_889 = arith.constant 3 : i32
      %add3A_890 = arith.addi %mul3A_888, %add3A_889 : i32
      %dma_wait3A_891 = arith.constant 3 : i32
      %dma_wait3A_892 = arith.constant 3 : i32
      %dma_wait3A_893 = arith.constant 0 : i32
      %dma_wait3A_894 = arith.constant 0 : i32
      %dma_wait3A_895 = tpu.memref_slice %arg12[%dma_wait3A_891, %dma_wait3A_893, %dma_wait3A_894] : memref<8x120x64xf32, #tpu.memory_space<vmem>> -> memref<1x120x64xf32, #tpu.memory_space<vmem>>
      %dma_wait3A_896 = tpu.memref_squeeze %dma_wait3A_895 : memref<1x120x64xf32, #tpu.memory_space<vmem>> -> memref<120x64xf32, #tpu.memory_space<vmem>>
      %dma_wait3A_897 = arith.constant 0 : i32
      %dma_wait3A_898 = tpu.memref_slice %arg9[%add3A_890, %dma_wait3A_897] : memref<80x120xi32, #tpu.memory_space<vmem>> -> memref<1x120xi32, #tpu.memory_space<vmem>>
      %dma_wait3A_899 = tpu.memref_squeeze %dma_wait3A_898 : memref<1x120xi32, #tpu.memory_space<vmem>> -> memref<120xi32, #tpu.memory_space<vmem>>
      %dma_wait3A_900 = arith.constant 0 : i32
      %dma_wait3A_901 = arith.constant 0 : i32
      %dma_wait3A_902 = tpu.memref_slice %arg2[%dma_wait3A_900, %dma_wait3A_901] : memref<100000x64xf32, #tpu.memory_space<hbm>> -> memref<100000x64xf32, #tpu.memory_space<hbm>>
      %dma_wait3A_903 = tpu.memref_slice %arg13[%dma_wait3A_892] : memref<8x!tpu.dma_semaphore, #tpu.memory_space<semaphore_mem>> -> memref<1x!tpu.dma_semaphore, #tpu.memory_space<semaphore_mem>>
      %dma_wait3A_904 = tpu.memref_squeeze %dma_wait3A_903 : memref<1x!tpu.dma_semaphore, #tpu.memory_space<semaphore_mem>> -> memref<!tpu.dma_semaphore, #tpu.memory_space<semaphore_mem>>
      tpu.wait_indirect_dma semaphore(%dma_wait3A_904 : memref<!tpu.dma_semaphore, #tpu.memory_space<semaphore_mem>>) src(%dma_wait3A_902 : memref<100000x64xf32, #tpu.memory_space<hbm>>) dst(%dma_wait3A_896 : memref<120x64xf32, #tpu.memory_space<vmem>>)
      %dma_start3A_905 = arith.constant 3 : i32
      %dma_start3A_906 = arith.constant 3 : i32
      %dma_start3A_907 = arith.constant 0 : i32
      %dma_start3A_908 = arith.constant 0 : i32
      %dma_start3A_909 = tpu.memref_slice %arg12[%dma_start3A_905, %dma_start3A_907, %dma_start3A_908] : memref<8x120x64xf32, #tpu.memory_space<vmem>> -> memref<1x120x64xf32, #tpu.memory_space<vmem>>
      %dma_start3A_910 = tpu.memref_squeeze %dma_start3A_909 : memref<1x120x64xf32, #tpu.memory_space<vmem>> -> memref<120x64xf32, #tpu.memory_space<vmem>>
      %dma_start3A_911 = arith.constant 0 : i32
      %dma_start3A_912 = tpu.memref_slice %arg10[%add3A_890, %dma_start3A_911] : memref<80x120xi32, #tpu.memory_space<vmem>> -> memref<1x120xi32, #tpu.memory_space<vmem>>
      %dma_start3A_913 = tpu.memref_squeeze %dma_start3A_912 : memref<1x120xi32, #tpu.memory_space<vmem>> -> memref<120xi32, #tpu.memory_space<vmem>>
      %dma_start3A_914 = arith.constant 0 : i32
      %dma_start3A_915 = arith.constant 0 : i32
      %dma_start3A_916 = tpu.memref_slice %arg3[%dma_start3A_914, %dma_start3A_915] : memref<40000x64xf32, #tpu.memory_space<hbm>> -> memref<40000x64xf32, #tpu.memory_space<hbm>>
      %dma_start3A_917 = tpu.memref_slice %arg14[%dma_start3A_906] : memref<8x!tpu.dma_semaphore, #tpu.memory_space<semaphore_mem>> -> memref<1x!tpu.dma_semaphore, #tpu.memory_space<semaphore_mem>>
      %dma_start3A_918 = tpu.memref_squeeze %dma_start3A_917 : memref<1x!tpu.dma_semaphore, #tpu.memory_space<semaphore_mem>> -> memref<!tpu.dma_semaphore, #tpu.memory_space<semaphore_mem>>
      tpu.enqueue_indirect_dma source(%dma_start3A_916 : memref<40000x64xf32, #tpu.memory_space<hbm>>) target(%dma_start3A_910 : memref<120x64xf32, #tpu.memory_space<vmem>>) offsets(%dma_start3A_913 : memref<120xi32, #tpu.memory_space<vmem>>) semaphore(%dma_start3A_918 : memref<!tpu.dma_semaphore, #tpu.memory_space<semaphore_mem>>) {add = true}
      %mul3A_919 = arith.constant 8 : i32
      %mul3A_920 = arith.muli %scan3A_789, %mul3A_919 : i32
      %add3A_921 = arith.constant 4 : i32
      %add3A_922 = arith.addi %mul3A_920, %add3A_921 : i32
      %dma_wait3A_923 = arith.constant 4 : i32
      %dma_wait3A_924 = arith.constant 4 : i32
      %dma_wait3A_925 = arith.constant 0 : i32
      %dma_wait3A_926 = arith.constant 0 : i32
      %dma_wait3A_927 = tpu.memref_slice %arg12[%dma_wait3A_923, %dma_wait3A_925, %dma_wait3A_926] : memref<8x120x64xf32, #tpu.memory_space<vmem>> -> memref<1x120x64xf32, #tpu.memory_space<vmem>>
      %dma_wait3A_928 = tpu.memref_squeeze %dma_wait3A_927 : memref<1x120x64xf32, #tpu.memory_space<vmem>> -> memref<120x64xf32, #tpu.memory_space<vmem>>
      %dma_wait3A_929 = arith.constant 0 : i32
      %dma_wait3A_930 = tpu.memref_slice %arg9[%add3A_922, %dma_wait3A_929] : memref<80x120xi32, #tpu.memory_space<vmem>> -> memref<1x120xi32, #tpu.memory_space<vmem>>
      %dma_wait3A_931 = tpu.memref_squeeze %dma_wait3A_930 : memref<1x120xi32, #tpu.memory_space<vmem>> -> memref<120xi32, #tpu.memory_space<vmem>>
      %dma_wait3A_932 = arith.constant 0 : i32
      %dma_wait3A_933 = arith.constant 0 : i32
      %dma_wait3A_934 = tpu.memref_slice %arg2[%dma_wait3A_932, %dma_wait3A_933] : memref<100000x64xf32, #tpu.memory_space<hbm>> -> memref<100000x64xf32, #tpu.memory_space<hbm>>
      %dma_wait3A_935 = tpu.memref_slice %arg13[%dma_wait3A_924] : memref<8x!tpu.dma_semaphore, #tpu.memory_space<semaphore_mem>> -> memref<1x!tpu.dma_semaphore, #tpu.memory_space<semaphore_mem>>
      %dma_wait3A_936 = tpu.memref_squeeze %dma_wait3A_935 : memref<1x!tpu.dma_semaphore, #tpu.memory_space<semaphore_mem>> -> memref<!tpu.dma_semaphore, #tpu.memory_space<semaphore_mem>>
      tpu.wait_indirect_dma semaphore(%dma_wait3A_936 : memref<!tpu.dma_semaphore, #tpu.memory_space<semaphore_mem>>) src(%dma_wait3A_934 : memref<100000x64xf32, #tpu.memory_space<hbm>>) dst(%dma_wait3A_928 : memref<120x64xf32, #tpu.memory_space<vmem>>)
      %dma_start3A_937 = arith.constant 4 : i32
      %dma_start3A_938 = arith.constant 4 : i32
      %dma_start3A_939 = arith.constant 0 : i32
      %dma_start3A_940 = arith.constant 0 : i32
      %dma_start3A_941 = tpu.memref_slice %arg12[%dma_start3A_937, %dma_start3A_939, %dma_start3A_940] : memref<8x120x64xf32, #tpu.memory_space<vmem>> -> memref<1x120x64xf32, #tpu.memory_space<vmem>>
      %dma_start3A_942 = tpu.memref_squeeze %dma_start3A_941 : memref<1x120x64xf32, #tpu.memory_space<vmem>> -> memref<120x64xf32, #tpu.memory_space<vmem>>
      %dma_start3A_943 = arith.constant 0 : i32
      %dma_start3A_944 = tpu.memref_slice %arg10[%add3A_922, %dma_start3A_943] : memref<80x120xi32, #tpu.memory_space<vmem>> -> memref<1x120xi32, #tpu.memory_space<vmem>>
      %dma_start3A_945 = tpu.memref_squeeze %dma_start3A_944 : memref<1x120xi32, #tpu.memory_space<vmem>> -> memref<120xi32, #tpu.memory_space<vmem>>
      %dma_start3A_946 = arith.constant 0 : i32
      %dma_start3A_947 = arith.constant 0 : i32
      %dma_start3A_948 = tpu.memref_slice %arg3[%dma_start3A_946, %dma_start3A_947] : memref<40000x64xf32, #tpu.memory_space<hbm>> -> memref<40000x64xf32, #tpu.memory_space<hbm>>
      %dma_start3A_949 = tpu.memref_slice %arg14[%dma_start3A_938] : memref<8x!tpu.dma_semaphore, #tpu.memory_space<semaphore_mem>> -> memref<1x!tpu.dma_semaphore, #tpu.memory_space<semaphore_mem>>
      %dma_start3A_950 = tpu.memref_squeeze %dma_start3A_949 : memref<1x!tpu.dma_semaphore, #tpu.memory_space<semaphore_mem>> -> memref<!tpu.dma_semaphore, #tpu.memory_space<semaphore_mem>>
      tpu.enqueue_indirect_dma source(%dma_start3A_948 : memref<40000x64xf32, #tpu.memory_space<hbm>>) target(%dma_start3A_942 : memref<120x64xf32, #tpu.memory_space<vmem>>) offsets(%dma_start3A_945 : memref<120xi32, #tpu.memory_space<vmem>>) semaphore(%dma_start3A_950 : memref<!tpu.dma_semaphore, #tpu.memory_space<semaphore_mem>>) {add = true}
      %mul3A_951 = arith.constant 8 : i32
      %mul3A_952 = arith.muli %scan3A_789, %mul3A_951 : i32
      %add3A_953 = arith.constant 5 : i32
      %add3A_954 = arith.addi %mul3A_952, %add3A_953 : i32
      %dma_wait3A_955 = arith.constant 5 : i32
      %dma_wait3A_956 = arith.constant 5 : i32
      %dma_wait3A_957 = arith.constant 0 : i32
      %dma_wait3A_958 = arith.constant 0 : i32
      %dma_wait3A_959 = tpu.memref_slice %arg12[%dma_wait3A_955, %dma_wait3A_957, %dma_wait3A_958] : memref<8x120x64xf32, #tpu.memory_space<vmem>> -> memref<1x120x64xf32, #tpu.memory_space<vmem>>
      %dma_wait3A_960 = tpu.memref_squeeze %dma_wait3A_959 : memref<1x120x64xf32, #tpu.memory_space<vmem>> -> memref<120x64xf32, #tpu.memory_space<vmem>>
      %dma_wait3A_961 = arith.constant 0 : i32
      %dma_wait3A_962 = tpu.memref_slice %arg9[%add3A_954, %dma_wait3A_961] : memref<80x120xi32, #tpu.memory_space<vmem>> -> memref<1x120xi32, #tpu.memory_space<vmem>>
      %dma_wait3A_963 = tpu.memref_squeeze %dma_wait3A_962 : memref<1x120xi32, #tpu.memory_space<vmem>> -> memref<120xi32, #tpu.memory_space<vmem>>
      %dma_wait3A_964 = arith.constant 0 : i32
      %dma_wait3A_965 = arith.constant 0 : i32
      %dma_wait3A_966 = tpu.memref_slice %arg2[%dma_wait3A_964, %dma_wait3A_965] : memref<100000x64xf32, #tpu.memory_space<hbm>> -> memref<100000x64xf32, #tpu.memory_space<hbm>>
      %dma_wait3A_967 = tpu.memref_slice %arg13[%dma_wait3A_956] : memref<8x!tpu.dma_semaphore, #tpu.memory_space<semaphore_mem>> -> memref<1x!tpu.dma_semaphore, #tpu.memory_space<semaphore_mem>>
      %dma_wait3A_968 = tpu.memref_squeeze %dma_wait3A_967 : memref<1x!tpu.dma_semaphore, #tpu.memory_space<semaphore_mem>> -> memref<!tpu.dma_semaphore, #tpu.memory_space<semaphore_mem>>
      tpu.wait_indirect_dma semaphore(%dma_wait3A_968 : memref<!tpu.dma_semaphore, #tpu.memory_space<semaphore_mem>>) src(%dma_wait3A_966 : memref<100000x64xf32, #tpu.memory_space<hbm>>) dst(%dma_wait3A_960 : memref<120x64xf32, #tpu.memory_space<vmem>>)
      %dma_start3A_969 = arith.constant 5 : i32
      %dma_start3A_970 = arith.constant 5 : i32
      %dma_start3A_971 = arith.constant 0 : i32
      %dma_start3A_972 = arith.constant 0 : i32
      %dma_start3A_973 = tpu.memref_slice %arg12[%dma_start3A_969, %dma_start3A_971, %dma_start3A_972] : memref<8x120x64xf32, #tpu.memory_space<vmem>> -> memref<1x120x64xf32, #tpu.memory_space<vmem>>
      %dma_start3A_974 = tpu.memref_squeeze %dma_start3A_973 : memref<1x120x64xf32, #tpu.memory_space<vmem>> -> memref<120x64xf32, #tpu.memory_space<vmem>>
      %dma_start3A_975 = arith.constant 0 : i32
      %dma_start3A_976 = tpu.memref_slice %arg10[%add3A_954, %dma_start3A_975] : memref<80x120xi32, #tpu.memory_space<vmem>> -> memref<1x120xi32, #tpu.memory_space<vmem>>
      %dma_start3A_977 = tpu.memref_squeeze %dma_start3A_976 : memref<1x120xi32, #tpu.memory_space<vmem>> -> memref<120xi32, #tpu.memory_space<vmem>>
      %dma_start3A_978 = arith.constant 0 : i32
      %dma_start3A_979 = arith.constant 0 : i32
      %dma_start3A_980 = tpu.memref_slice %arg3[%dma_start3A_978, %dma_start3A_979] : memref<40000x64xf32, #tpu.memory_space<hbm>> -> memref<40000x64xf32, #tpu.memory_space<hbm>>
      %dma_start3A_981 = tpu.memref_slice %arg14[%dma_start3A_970] : memref<8x!tpu.dma_semaphore, #tpu.memory_space<semaphore_mem>> -> memref<1x!tpu.dma_semaphore, #tpu.memory_space<semaphore_mem>>
      %dma_start3A_982 = tpu.memref_squeeze %dma_start3A_981 : memref<1x!tpu.dma_semaphore, #tpu.memory_space<semaphore_mem>> -> memref<!tpu.dma_semaphore, #tpu.memory_space<semaphore_mem>>
      tpu.enqueue_indirect_dma source(%dma_start3A_980 : memref<40000x64xf32, #tpu.memory_space<hbm>>) target(%dma_start3A_974 : memref<120x64xf32, #tpu.memory_space<vmem>>) offsets(%dma_start3A_977 : memref<120xi32, #tpu.memory_space<vmem>>) semaphore(%dma_start3A_982 : memref<!tpu.dma_semaphore, #tpu.memory_space<semaphore_mem>>) {add = true}
      %mul3A_983 = arith.constant 8 : i32
      %mul3A_984 = arith.muli %scan3A_789, %mul3A_983 : i32
      %add3A_985 = arith.constant 6 : i32
      %add3A_986 = arith.addi %mul3A_984, %add3A_985 : i32
      %dma_wait3A_987 = arith.constant 6 : i32
      %dma_wait3A_988 = arith.constant 6 : i32
      %dma_wait3A_989 = arith.constant 0 : i32
      %dma_wait3A_990 = arith.constant 0 : i32
      %dma_wait3A_991 = tpu.memref_slice %arg12[%dma_wait3A_987, %dma_wait3A_989, %dma_wait3A_990] : memref<8x120x64xf32, #tpu.memory_space<vmem>> -> memref<1x120x64xf32, #tpu.memory_space<vmem>>
      %dma_wait3A_992 = tpu.memref_squeeze %dma_wait3A_991 : memref<1x120x64xf32, #tpu.memory_space<vmem>> -> memref<120x64xf32, #tpu.memory_space<vmem>>
      %dma_wait3A_993 = arith.constant 0 : i32
      %dma_wait3A_994 = tpu.memref_slice %arg9[%add3A_986, %dma_wait3A_993] : memref<80x120xi32, #tpu.memory_space<vmem>> -> memref<1x120xi32, #tpu.memory_space<vmem>>
      %dma_wait3A_995 = tpu.memref_squeeze %dma_wait3A_994 : memref<1x120xi32, #tpu.memory_space<vmem>> -> memref<120xi32, #tpu.memory_space<vmem>>
      %dma_wait3A_996 = arith.constant 0 : i32
      %dma_wait3A_997 = arith.constant 0 : i32
      %dma_wait3A_998 = tpu.memref_slice %arg2[%dma_wait3A_996, %dma_wait3A_997] : memref<100000x64xf32, #tpu.memory_space<hbm>> -> memref<100000x64xf32, #tpu.memory_space<hbm>>
      %dma_wait3A_999 = tpu.memref_slice %arg13[%dma_wait3A_988] : memref<8x!tpu.dma_semaphore, #tpu.memory_space<semaphore_mem>> -> memref<1x!tpu.dma_semaphore, #tpu.memory_space<semaphore_mem>>
      %dma_wait3A_1000 = tpu.memref_squeeze %dma_wait3A_999 : memref<1x!tpu.dma_semaphore, #tpu.memory_space<semaphore_mem>> -> memref<!tpu.dma_semaphore, #tpu.memory_space<semaphore_mem>>
      tpu.wait_indirect_dma semaphore(%dma_wait3A_1000 : memref<!tpu.dma_semaphore, #tpu.memory_space<semaphore_mem>>) src(%dma_wait3A_998 : memref<100000x64xf32, #tpu.memory_space<hbm>>) dst(%dma_wait3A_992 : memref<120x64xf32, #tpu.memory_space<vmem>>)
      %dma_start3A_1001 = arith.constant 6 : i32
      %dma_start3A_1002 = arith.constant 6 : i32
      %dma_start3A_1003 = arith.constant 0 : i32
      %dma_start3A_1004 = arith.constant 0 : i32
      %dma_start3A_1005 = tpu.memref_slice %arg12[%dma_start3A_1001, %dma_start3A_1003, %dma_start3A_1004] : memref<8x120x64xf32, #tpu.memory_space<vmem>> -> memref<1x120x64xf32, #tpu.memory_space<vmem>>
      %dma_start3A_1006 = tpu.memref_squeeze %dma_start3A_1005 : memref<1x120x64xf32, #tpu.memory_space<vmem>> -> memref<120x64xf32, #tpu.memory_space<vmem>>
      %dma_start3A_1007 = arith.constant 0 : i32
      %dma_start3A_1008 = tpu.memref_slice %arg10[%add3A_986, %dma_start3A_1007] : memref<80x120xi32, #tpu.memory_space<vmem>> -> memref<1x120xi32, #tpu.memory_space<vmem>>
      %dma_start3A_1009 = tpu.memref_squeeze %dma_start3A_1008 : memref<1x120xi32, #tpu.memory_space<vmem>> -> memref<120xi32, #tpu.memory_space<vmem>>
      %dma_start3A_1010 = arith.constant 0 : i32
      %dma_start3A_1011 = arith.constant 0 : i32
      %dma_start3A_1012 = tpu.memref_slice %arg3[%dma_start3A_1010, %dma_start3A_1011] : memref<40000x64xf32, #tpu.memory_space<hbm>> -> memref<40000x64xf32, #tpu.memory_space<hbm>>
      %dma_start3A_1013 = tpu.memref_slice %arg14[%dma_start3A_1002] : memref<8x!tpu.dma_semaphore, #tpu.memory_space<semaphore_mem>> -> memref<1x!tpu.dma_semaphore, #tpu.memory_space<semaphore_mem>>
      %dma_start3A_1014 = tpu.memref_squeeze %dma_start3A_1013 : memref<1x!tpu.dma_semaphore, #tpu.memory_space<semaphore_mem>> -> memref<!tpu.dma_semaphore, #tpu.memory_space<semaphore_mem>>
      tpu.enqueue_indirect_dma source(%dma_start3A_1012 : memref<40000x64xf32, #tpu.memory_space<hbm>>) target(%dma_start3A_1006 : memref<120x64xf32, #tpu.memory_space<vmem>>) offsets(%dma_start3A_1009 : memref<120xi32, #tpu.memory_space<vmem>>) semaphore(%dma_start3A_1014 : memref<!tpu.dma_semaphore, #tpu.memory_space<semaphore_mem>>) {add = true}
      %mul3A_1015 = arith.constant 8 : i32
      %mul3A_1016 = arith.muli %scan3A_789, %mul3A_1015 : i32
      %add3A_1017 = arith.constant 7 : i32
      %add3A_1018 = arith.addi %mul3A_1016, %add3A_1017 : i32
      %dma_wait3A_1019 = arith.constant 7 : i32
      %dma_wait3A_1020 = arith.constant 7 : i32
      %dma_wait3A_1021 = arith.constant 0 : i32
      %dma_wait3A_1022 = arith.constant 0 : i32
      %dma_wait3A_1023 = tpu.memref_slice %arg12[%dma_wait3A_1019, %dma_wait3A_1021, %dma_wait3A_1022] : memref<8x120x64xf32, #tpu.memory_space<vmem>> -> memref<1x120x64xf32, #tpu.memory_space<vmem>>
      %dma_wait3A_1024 = tpu.memref_squeeze %dma_wait3A_1023 : memref<1x120x64xf32, #tpu.memory_space<vmem>> -> memref<120x64xf32, #tpu.memory_space<vmem>>
      %dma_wait3A_1025 = arith.constant 0 : i32
      %dma_wait3A_1026 = tpu.memref_slice %arg9[%add3A_1018, %dma_wait3A_1025] : memref<80x120xi32, #tpu.memory_space<vmem>> -> memref<1x120xi32, #tpu.memory_space<vmem>>
      %dma_wait3A_1027 = tpu.memref_squeeze %dma_wait3A_1026 : memref<1x120xi32, #tpu.memory_space<vmem>> -> memref<120xi32, #tpu.memory_space<vmem>>
      %dma_wait3A_1028 = arith.constant 0 : i32
      %dma_wait3A_1029 = arith.constant 0 : i32
      %dma_wait3A_1030 = tpu.memref_slice %arg2[%dma_wait3A_1028, %dma_wait3A_1029] : memref<100000x64xf32, #tpu.memory_space<hbm>> -> memref<100000x64xf32, #tpu.memory_space<hbm>>
      %dma_wait3A_1031 = tpu.memref_slice %arg13[%dma_wait3A_1020] : memref<8x!tpu.dma_semaphore, #tpu.memory_space<semaphore_mem>> -> memref<1x!tpu.dma_semaphore, #tpu.memory_space<semaphore_mem>>
      %dma_wait3A_1032 = tpu.memref_squeeze %dma_wait3A_1031 : memref<1x!tpu.dma_semaphore, #tpu.memory_space<semaphore_mem>> -> memref<!tpu.dma_semaphore, #tpu.memory_space<semaphore_mem>>
      tpu.wait_indirect_dma semaphore(%dma_wait3A_1032 : memref<!tpu.dma_semaphore, #tpu.memory_space<semaphore_mem>>) src(%dma_wait3A_1030 : memref<100000x64xf32, #tpu.memory_space<hbm>>) dst(%dma_wait3A_1024 : memref<120x64xf32, #tpu.memory_space<vmem>>)
      %dma_start3A_1033 = arith.constant 7 : i32
      %dma_start3A_1034 = arith.constant 7 : i32
      %dma_start3A_1035 = arith.constant 0 : i32
      %dma_start3A_1036 = arith.constant 0 : i32
      %dma_start3A_1037 = tpu.memref_slice %arg12[%dma_start3A_1033, %dma_start3A_1035, %dma_start3A_1036] : memref<8x120x64xf32, #tpu.memory_space<vmem>> -> memref<1x120x64xf32, #tpu.memory_space<vmem>>
      %dma_start3A_1038 = tpu.memref_squeeze %dma_start3A_1037 : memref<1x120x64xf32, #tpu.memory_space<vmem>> -> memref<120x64xf32, #tpu.memory_space<vmem>>
      %dma_start3A_1039 = arith.constant 0 : i32
      %dma_start3A_1040 = tpu.memref_slice %arg10[%add3A_1018, %dma_start3A_1039] : memref<80x120xi32, #tpu.memory_space<vmem>> -> memref<1x120xi32, #tpu.memory_space<vmem>>
      %dma_start3A_1041 = tpu.memref_squeeze %dma_start3A_1040 : memref<1x120xi32, #tpu.memory_space<vmem>> -> memref<120xi32, #tpu.memory_space<vmem>>
      %dma_start3A_1042 = arith.constant 0 : i32
      %dma_start3A_1043 = arith.constant 0 : i32
      %dma_start3A_1044 = tpu.memref_slice %arg3[%dma_start3A_1042, %dma_start3A_1043] : memref<40000x64xf32, #tpu.memory_space<hbm>> -> memref<40000x64xf32, #tpu.memory_space<hbm>>
      %dma_start3A_1045 = tpu.memref_slice %arg14[%dma_start3A_1034] : memref<8x!tpu.dma_semaphore, #tpu.memory_space<semaphore_mem>> -> memref<1x!tpu.dma_semaphore, #tpu.memory_space<semaphore_mem>>
      %dma_start3A_1046 = tpu.memref_squeeze %dma_start3A_1045 : memref<1x!tpu.dma_semaphore, #tpu.memory_space<semaphore_mem>> -> memref<!tpu.dma_semaphore, #tpu.memory_space<semaphore_mem>>
      tpu.enqueue_indirect_dma source(%dma_start3A_1044 : memref<40000x64xf32, #tpu.memory_space<hbm>>) target(%dma_start3A_1038 : memref<120x64xf32, #tpu.memory_space<vmem>>) offsets(%dma_start3A_1041 : memref<120xi32, #tpu.memory_space<vmem>>) semaphore(%dma_start3A_1046 : memref<!tpu.dma_semaphore, #tpu.memory_space<semaphore_mem>>) {add = true}
      %mul3A_1047 = arith.constant 8 : i32
      %mul3A_1048 = arith.muli %scan3A_789, %mul3A_1047 : i32
      %add3A_1049 = arith.constant 0 : i32
      %add3A_1050 = arith.addi %mul3A_1048, %add3A_1049 : i32
      %dma_wait3A_1051 = arith.constant 0 : i32
      %dma_wait3A_1052 = arith.constant 0 : i32
      %dma_wait3A_1053 = arith.constant 0 : i32
      %dma_wait3A_1054 = arith.constant 0 : i32
      %dma_wait3A_1055 = tpu.memref_slice %arg12[%dma_wait3A_1051, %dma_wait3A_1053, %dma_wait3A_1054] : memref<8x120x64xf32, #tpu.memory_space<vmem>> -> memref<1x120x64xf32, #tpu.memory_space<vmem>>
      %dma_wait3A_1056 = tpu.memref_squeeze %dma_wait3A_1055 : memref<1x120x64xf32, #tpu.memory_space<vmem>> -> memref<120x64xf32, #tpu.memory_space<vmem>>
      %dma_wait3A_1057 = arith.constant 0 : i32
      %dma_wait3A_1058 = tpu.memref_slice %arg10[%add3A_1050, %dma_wait3A_1057] : memref<80x120xi32, #tpu.memory_space<vmem>> -> memref<1x120xi32, #tpu.memory_space<vmem>>
      %dma_wait3A_1059 = tpu.memref_squeeze %dma_wait3A_1058 : memref<1x120xi32, #tpu.memory_space<vmem>> -> memref<120xi32, #tpu.memory_space<vmem>>
      %dma_wait3A_1060 = arith.constant 0 : i32
      %dma_wait3A_1061 = arith.constant 0 : i32
      %dma_wait3A_1062 = tpu.memref_slice %arg3[%dma_wait3A_1060, %dma_wait3A_1061] : memref<40000x64xf32, #tpu.memory_space<hbm>> -> memref<40000x64xf32, #tpu.memory_space<hbm>>
      %dma_wait3A_1063 = tpu.memref_slice %arg14[%dma_wait3A_1052] : memref<8x!tpu.dma_semaphore, #tpu.memory_space<semaphore_mem>> -> memref<1x!tpu.dma_semaphore, #tpu.memory_space<semaphore_mem>>
      %dma_wait3A_1064 = tpu.memref_squeeze %dma_wait3A_1063 : memref<1x!tpu.dma_semaphore, #tpu.memory_space<semaphore_mem>> -> memref<!tpu.dma_semaphore, #tpu.memory_space<semaphore_mem>>
      tpu.wait_indirect_dma semaphore(%dma_wait3A_1064 : memref<!tpu.dma_semaphore, #tpu.memory_space<semaphore_mem>>) src(%dma_wait3A_1062 : memref<40000x64xf32, #tpu.memory_space<hbm>>) dst(%dma_wait3A_1056 : memref<120x64xf32, #tpu.memory_space<vmem>>)
      %mul3A_1065 = arith.constant 120 : i32
      %mul3A_1066 = arith.muli %add3A_1050, %mul3A_1065 : i32
      %add3A_1067 = arith.addi %mul3A_2, %mul3A_1066 : i32
      %dma_start3A_1068 = arith.constant 0 : i32
      %dma_start3A_1069 = arith.constant 0 : i32
      %dma_start3A_1070 = arith.constant 0 : i32
      %dma_start3A_1071 = arith.constant 0 : i32
      %dma_start3A_1072 = tpu.memref_slice %arg12[%dma_start3A_1068, %dma_start3A_1070, %dma_start3A_1071] : memref<8x120x64xf32, #tpu.memory_space<vmem>> -> memref<1x120x64xf32, #tpu.memory_space<vmem>>
      %dma_start3A_1073 = tpu.memref_squeeze %dma_start3A_1072 : memref<1x120x64xf32, #tpu.memory_space<vmem>> -> memref<120x64xf32, #tpu.memory_space<vmem>>
      %dma_start3A_1074 = arith.constant 0 : i32
      %dma_start3A_1075 = tpu.memref_slice %arg7[%add3A_1067, %dma_start3A_1074] : memref<307200x64xf32, #tpu.memory_space<hbm>> -> memref<120x64xf32, #tpu.memory_space<hbm>>
      %dma_start3A_1076 = tpu.memref_slice %arg15[%dma_start3A_1069] : memref<8x!tpu.dma_semaphore, #tpu.memory_space<semaphore_mem>> -> memref<1x!tpu.dma_semaphore, #tpu.memory_space<semaphore_mem>>
      %dma_start3A_1077 = tpu.memref_squeeze %dma_start3A_1076 : memref<1x!tpu.dma_semaphore, #tpu.memory_space<semaphore_mem>> -> memref<!tpu.dma_semaphore, #tpu.memory_space<semaphore_mem>>
      %dma_start3A_1078 = arith.constant 0 : i32
      %dma_start3A_1079 = tpu.memref_slice %arg7[%add3A_1067, %dma_start3A_1078] : memref<307200x64xf32, #tpu.memory_space<hbm>> -> memref<120x64xf32, #tpu.memory_space<hbm>>
      %dma_start3A_1080 = arith.constant 0 : i32
      %dma_start3A_1081 = arith.constant 0 : i32
      %dma_start3A_1082 = tpu.memref_slice %arg12[%dma_start3A_1068, %dma_start3A_1080, %dma_start3A_1081] : memref<8x120x64xf32, #tpu.memory_space<vmem>> -> memref<1x120x64xf32, #tpu.memory_space<vmem>>
      %dma_start3A_1083 = tpu.memref_squeeze %dma_start3A_1082 : memref<1x120x64xf32, #tpu.memory_space<vmem>> -> memref<120x64xf32, #tpu.memory_space<vmem>>
      tpu.enqueue_dma source(%dma_start3A_1083 : memref<120x64xf32, #tpu.memory_space<vmem>>) target(%dma_start3A_1079 : memref<120x64xf32, #tpu.memory_space<hbm>>) target_semaphore(%dma_start3A_1077 : memref<!tpu.dma_semaphore, #tpu.memory_space<semaphore_mem>>)
      %mul3A_1084 = arith.constant 8 : i32
      %mul3A_1085 = arith.muli %scan3A_789, %mul3A_1084 : i32
      %add3A_1086 = arith.constant 1 : i32
      %add3A_1087 = arith.addi %mul3A_1085, %add3A_1086 : i32
      %dma_wait3A_1088 = arith.constant 1 : i32
      %dma_wait3A_1089 = arith.constant 1 : i32
      %dma_wait3A_1090 = arith.constant 0 : i32
      %dma_wait3A_1091 = arith.constant 0 : i32
      %dma_wait3A_1092 = tpu.memref_slice %arg12[%dma_wait3A_1088, %dma_wait3A_1090, %dma_wait3A_1091] : memref<8x120x64xf32, #tpu.memory_space<vmem>> -> memref<1x120x64xf32, #tpu.memory_space<vmem>>
      %dma_wait3A_1093 = tpu.memref_squeeze %dma_wait3A_1092 : memref<1x120x64xf32, #tpu.memory_space<vmem>> -> memref<120x64xf32, #tpu.memory_space<vmem>>
      %dma_wait3A_1094 = arith.constant 0 : i32
      %dma_wait3A_1095 = tpu.memref_slice %arg10[%add3A_1087, %dma_wait3A_1094] : memref<80x120xi32, #tpu.memory_space<vmem>> -> memref<1x120xi32, #tpu.memory_space<vmem>>
      %dma_wait3A_1096 = tpu.memref_squeeze %dma_wait3A_1095 : memref<1x120xi32, #tpu.memory_space<vmem>> -> memref<120xi32, #tpu.memory_space<vmem>>
      %dma_wait3A_1097 = arith.constant 0 : i32
      %dma_wait3A_1098 = arith.constant 0 : i32
      %dma_wait3A_1099 = tpu.memref_slice %arg3[%dma_wait3A_1097, %dma_wait3A_1098] : memref<40000x64xf32, #tpu.memory_space<hbm>> -> memref<40000x64xf32, #tpu.memory_space<hbm>>
      %dma_wait3A_1100 = tpu.memref_slice %arg14[%dma_wait3A_1089] : memref<8x!tpu.dma_semaphore, #tpu.memory_space<semaphore_mem>> -> memref<1x!tpu.dma_semaphore, #tpu.memory_space<semaphore_mem>>
      %dma_wait3A_1101 = tpu.memref_squeeze %dma_wait3A_1100 : memref<1x!tpu.dma_semaphore, #tpu.memory_space<semaphore_mem>> -> memref<!tpu.dma_semaphore, #tpu.memory_space<semaphore_mem>>
      tpu.wait_indirect_dma semaphore(%dma_wait3A_1101 : memref<!tpu.dma_semaphore, #tpu.memory_space<semaphore_mem>>) src(%dma_wait3A_1099 : memref<40000x64xf32, #tpu.memory_space<hbm>>) dst(%dma_wait3A_1093 : memref<120x64xf32, #tpu.memory_space<vmem>>)
      %mul3A_1102 = arith.constant 120 : i32
      %mul3A_1103 = arith.muli %add3A_1087, %mul3A_1102 : i32
      %add3A_1104 = arith.addi %mul3A_2, %mul3A_1103 : i32
      %dma_start3A_1105 = arith.constant 1 : i32
      %dma_start3A_1106 = arith.constant 1 : i32
      %dma_start3A_1107 = arith.constant 0 : i32
      %dma_start3A_1108 = arith.constant 0 : i32
      %dma_start3A_1109 = tpu.memref_slice %arg12[%dma_start3A_1105, %dma_start3A_1107, %dma_start3A_1108] : memref<8x120x64xf32, #tpu.memory_space<vmem>> -> memref<1x120x64xf32, #tpu.memory_space<vmem>>
      %dma_start3A_1110 = tpu.memref_squeeze %dma_start3A_1109 : memref<1x120x64xf32, #tpu.memory_space<vmem>> -> memref<120x64xf32, #tpu.memory_space<vmem>>
      %dma_start3A_1111 = arith.constant 0 : i32
      %dma_start3A_1112 = tpu.memref_slice %arg7[%add3A_1104, %dma_start3A_1111] : memref<307200x64xf32, #tpu.memory_space<hbm>> -> memref<120x64xf32, #tpu.memory_space<hbm>>
      %dma_start3A_1113 = tpu.memref_slice %arg15[%dma_start3A_1106] : memref<8x!tpu.dma_semaphore, #tpu.memory_space<semaphore_mem>> -> memref<1x!tpu.dma_semaphore, #tpu.memory_space<semaphore_mem>>
      %dma_start3A_1114 = tpu.memref_squeeze %dma_start3A_1113 : memref<1x!tpu.dma_semaphore, #tpu.memory_space<semaphore_mem>> -> memref<!tpu.dma_semaphore, #tpu.memory_space<semaphore_mem>>
      %dma_start3A_1115 = arith.constant 0 : i32
      %dma_start3A_1116 = tpu.memref_slice %arg7[%add3A_1104, %dma_start3A_1115] : memref<307200x64xf32, #tpu.memory_space<hbm>> -> memref<120x64xf32, #tpu.memory_space<hbm>>
      %dma_start3A_1117 = arith.constant 0 : i32
      %dma_start3A_1118 = arith.constant 0 : i32
      %dma_start3A_1119 = tpu.memref_slice %arg12[%dma_start3A_1105, %dma_start3A_1117, %dma_start3A_1118] : memref<8x120x64xf32, #tpu.memory_space<vmem>> -> memref<1x120x64xf32, #tpu.memory_space<vmem>>
      %dma_start3A_1120 = tpu.memref_squeeze %dma_start3A_1119 : memref<1x120x64xf32, #tpu.memory_space<vmem>> -> memref<120x64xf32, #tpu.memory_space<vmem>>
      tpu.enqueue_dma source(%dma_start3A_1120 : memref<120x64xf32, #tpu.memory_space<vmem>>) target(%dma_start3A_1116 : memref<120x64xf32, #tpu.memory_space<hbm>>) target_semaphore(%dma_start3A_1114 : memref<!tpu.dma_semaphore, #tpu.memory_space<semaphore_mem>>)
      %mul3A_1121 = arith.constant 8 : i32
      %mul3A_1122 = arith.muli %scan3A_789, %mul3A_1121 : i32
      %add3A_1123 = arith.constant 2 : i32
      %add3A_1124 = arith.addi %mul3A_1122, %add3A_1123 : i32
      %dma_wait3A_1125 = arith.constant 2 : i32
      %dma_wait3A_1126 = arith.constant 2 : i32
      %dma_wait3A_1127 = arith.constant 0 : i32
      %dma_wait3A_1128 = arith.constant 0 : i32
      %dma_wait3A_1129 = tpu.memref_slice %arg12[%dma_wait3A_1125, %dma_wait3A_1127, %dma_wait3A_1128] : memref<8x120x64xf32, #tpu.memory_space<vmem>> -> memref<1x120x64xf32, #tpu.memory_space<vmem>>
      %dma_wait3A_1130 = tpu.memref_squeeze %dma_wait3A_1129 : memref<1x120x64xf32, #tpu.memory_space<vmem>> -> memref<120x64xf32, #tpu.memory_space<vmem>>
      %dma_wait3A_1131 = arith.constant 0 : i32
      %dma_wait3A_1132 = tpu.memref_slice %arg10[%add3A_1124, %dma_wait3A_1131] : memref<80x120xi32, #tpu.memory_space<vmem>> -> memref<1x120xi32, #tpu.memory_space<vmem>>
      %dma_wait3A_1133 = tpu.memref_squeeze %dma_wait3A_1132 : memref<1x120xi32, #tpu.memory_space<vmem>> -> memref<120xi32, #tpu.memory_space<vmem>>
      %dma_wait3A_1134 = arith.constant 0 : i32
      %dma_wait3A_1135 = arith.constant 0 : i32
      %dma_wait3A_1136 = tpu.memref_slice %arg3[%dma_wait3A_1134, %dma_wait3A_1135] : memref<40000x64xf32, #tpu.memory_space<hbm>> -> memref<40000x64xf32, #tpu.memory_space<hbm>>
      %dma_wait3A_1137 = tpu.memref_slice %arg14[%dma_wait3A_1126] : memref<8x!tpu.dma_semaphore, #tpu.memory_space<semaphore_mem>> -> memref<1x!tpu.dma_semaphore, #tpu.memory_space<semaphore_mem>>
      %dma_wait3A_1138 = tpu.memref_squeeze %dma_wait3A_1137 : memref<1x!tpu.dma_semaphore, #tpu.memory_space<semaphore_mem>> -> memref<!tpu.dma_semaphore, #tpu.memory_space<semaphore_mem>>
      tpu.wait_indirect_dma semaphore(%dma_wait3A_1138 : memref<!tpu.dma_semaphore, #tpu.memory_space<semaphore_mem>>) src(%dma_wait3A_1136 : memref<40000x64xf32, #tpu.memory_space<hbm>>) dst(%dma_wait3A_1130 : memref<120x64xf32, #tpu.memory_space<vmem>>)
      %mul3A_1139 = arith.constant 120 : i32
      %mul3A_1140 = arith.muli %add3A_1124, %mul3A_1139 : i32
      %add3A_1141 = arith.addi %mul3A_2, %mul3A_1140 : i32
      %dma_start3A_1142 = arith.constant 2 : i32
      %dma_start3A_1143 = arith.constant 2 : i32
      %dma_start3A_1144 = arith.constant 0 : i32
      %dma_start3A_1145 = arith.constant 0 : i32
      %dma_start3A_1146 = tpu.memref_slice %arg12[%dma_start3A_1142, %dma_start3A_1144, %dma_start3A_1145] : memref<8x120x64xf32, #tpu.memory_space<vmem>> -> memref<1x120x64xf32, #tpu.memory_space<vmem>>
      %dma_start3A_1147 = tpu.memref_squeeze %dma_start3A_1146 : memref<1x120x64xf32, #tpu.memory_space<vmem>> -> memref<120x64xf32, #tpu.memory_space<vmem>>
      %dma_start3A_1148 = arith.constant 0 : i32
      %dma_start3A_1149 = tpu.memref_slice %arg7[%add3A_1141, %dma_start3A_1148] : memref<307200x64xf32, #tpu.memory_space<hbm>> -> memref<120x64xf32, #tpu.memory_space<hbm>>
      %dma_start3A_1150 = tpu.memref_slice %arg15[%dma_start3A_1143] : memref<8x!tpu.dma_semaphore, #tpu.memory_space<semaphore_mem>> -> memref<1x!tpu.dma_semaphore, #tpu.memory_space<semaphore_mem>>
      %dma_start3A_1151 = tpu.memref_squeeze %dma_start3A_1150 : memref<1x!tpu.dma_semaphore, #tpu.memory_space<semaphore_mem>> -> memref<!tpu.dma_semaphore, #tpu.memory_space<semaphore_mem>>
      %dma_start3A_1152 = arith.constant 0 : i32
      %dma_start3A_1153 = tpu.memref_slice %arg7[%add3A_1141, %dma_start3A_1152] : memref<307200x64xf32, #tpu.memory_space<hbm>> -> memref<120x64xf32, #tpu.memory_space<hbm>>
      %dma_start3A_1154 = arith.constant 0 : i32
      %dma_start3A_1155 = arith.constant 0 : i32
      %dma_start3A_1156 = tpu.memref_slice %arg12[%dma_start3A_1142, %dma_start3A_1154, %dma_start3A_1155] : memref<8x120x64xf32, #tpu.memory_space<vmem>> -> memref<1x120x64xf32, #tpu.memory_space<vmem>>
      %dma_start3A_1157 = tpu.memref_squeeze %dma_start3A_1156 : memref<1x120x64xf32, #tpu.memory_space<vmem>> -> memref<120x64xf32, #tpu.memory_space<vmem>>
      tpu.enqueue_dma source(%dma_start3A_1157 : memref<120x64xf32, #tpu.memory_space<vmem>>) target(%dma_start3A_1153 : memref<120x64xf32, #tpu.memory_space<hbm>>) target_semaphore(%dma_start3A_1151 : memref<!tpu.dma_semaphore, #tpu.memory_space<semaphore_mem>>)
      %mul3A_1158 = arith.constant 8 : i32
      %mul3A_1159 = arith.muli %scan3A_789, %mul3A_1158 : i32
      %add3A_1160 = arith.constant 3 : i32
      %add3A_1161 = arith.addi %mul3A_1159, %add3A_1160 : i32
      %dma_wait3A_1162 = arith.constant 3 : i32
      %dma_wait3A_1163 = arith.constant 3 : i32
      %dma_wait3A_1164 = arith.constant 0 : i32
      %dma_wait3A_1165 = arith.constant 0 : i32
      %dma_wait3A_1166 = tpu.memref_slice %arg12[%dma_wait3A_1162, %dma_wait3A_1164, %dma_wait3A_1165] : memref<8x120x64xf32, #tpu.memory_space<vmem>> -> memref<1x120x64xf32, #tpu.memory_space<vmem>>
      %dma_wait3A_1167 = tpu.memref_squeeze %dma_wait3A_1166 : memref<1x120x64xf32, #tpu.memory_space<vmem>> -> memref<120x64xf32, #tpu.memory_space<vmem>>
      %dma_wait3A_1168 = arith.constant 0 : i32
      %dma_wait3A_1169 = tpu.memref_slice %arg10[%add3A_1161, %dma_wait3A_1168] : memref<80x120xi32, #tpu.memory_space<vmem>> -> memref<1x120xi32, #tpu.memory_space<vmem>>
      %dma_wait3A_1170 = tpu.memref_squeeze %dma_wait3A_1169 : memref<1x120xi32, #tpu.memory_space<vmem>> -> memref<120xi32, #tpu.memory_space<vmem>>
      %dma_wait3A_1171 = arith.constant 0 : i32
      %dma_wait3A_1172 = arith.constant 0 : i32
      %dma_wait3A_1173 = tpu.memref_slice %arg3[%dma_wait3A_1171, %dma_wait3A_1172] : memref<40000x64xf32, #tpu.memory_space<hbm>> -> memref<40000x64xf32, #tpu.memory_space<hbm>>
      %dma_wait3A_1174 = tpu.memref_slice %arg14[%dma_wait3A_1163] : memref<8x!tpu.dma_semaphore, #tpu.memory_space<semaphore_mem>> -> memref<1x!tpu.dma_semaphore, #tpu.memory_space<semaphore_mem>>
      %dma_wait3A_1175 = tpu.memref_squeeze %dma_wait3A_1174 : memref<1x!tpu.dma_semaphore, #tpu.memory_space<semaphore_mem>> -> memref<!tpu.dma_semaphore, #tpu.memory_space<semaphore_mem>>
      tpu.wait_indirect_dma semaphore(%dma_wait3A_1175 : memref<!tpu.dma_semaphore, #tpu.memory_space<semaphore_mem>>) src(%dma_wait3A_1173 : memref<40000x64xf32, #tpu.memory_space<hbm>>) dst(%dma_wait3A_1167 : memref<120x64xf32, #tpu.memory_space<vmem>>)
      %mul3A_1176 = arith.constant 120 : i32
      %mul3A_1177 = arith.muli %add3A_1161, %mul3A_1176 : i32
      %add3A_1178 = arith.addi %mul3A_2, %mul3A_1177 : i32
      %dma_start3A_1179 = arith.constant 3 : i32
      %dma_start3A_1180 = arith.constant 3 : i32
      %dma_start3A_1181 = arith.constant 0 : i32
      %dma_start3A_1182 = arith.constant 0 : i32
      %dma_start3A_1183 = tpu.memref_slice %arg12[%dma_start3A_1179, %dma_start3A_1181, %dma_start3A_1182] : memref<8x120x64xf32, #tpu.memory_space<vmem>> -> memref<1x120x64xf32, #tpu.memory_space<vmem>>
      %dma_start3A_1184 = tpu.memref_squeeze %dma_start3A_1183 : memref<1x120x64xf32, #tpu.memory_space<vmem>> -> memref<120x64xf32, #tpu.memory_space<vmem>>
      %dma_start3A_1185 = arith.constant 0 : i32
      %dma_start3A_1186 = tpu.memref_slice %arg7[%add3A_1178, %dma_start3A_1185] : memref<307200x64xf32, #tpu.memory_space<hbm>> -> memref<120x64xf32, #tpu.memory_space<hbm>>
      %dma_start3A_1187 = tpu.memref_slice %arg15[%dma_start3A_1180] : memref<8x!tpu.dma_semaphore, #tpu.memory_space<semaphore_mem>> -> memref<1x!tpu.dma_semaphore, #tpu.memory_space<semaphore_mem>>
      %dma_start3A_1188 = tpu.memref_squeeze %dma_start3A_1187 : memref<1x!tpu.dma_semaphore, #tpu.memory_space<semaphore_mem>> -> memref<!tpu.dma_semaphore, #tpu.memory_space<semaphore_mem>>
      %dma_start3A_1189 = arith.constant 0 : i32
      %dma_start3A_1190 = tpu.memref_slice %arg7[%add3A_1178, %dma_start3A_1189] : memref<307200x64xf32, #tpu.memory_space<hbm>> -> memref<120x64xf32, #tpu.memory_space<hbm>>
      %dma_start3A_1191 = arith.constant 0 : i32
      %dma_start3A_1192 = arith.constant 0 : i32
      %dma_start3A_1193 = tpu.memref_slice %arg12[%dma_start3A_1179, %dma_start3A_1191, %dma_start3A_1192] : memref<8x120x64xf32, #tpu.memory_space<vmem>> -> memref<1x120x64xf32, #tpu.memory_space<vmem>>
      %dma_start3A_1194 = tpu.memref_squeeze %dma_start3A_1193 : memref<1x120x64xf32, #tpu.memory_space<vmem>> -> memref<120x64xf32, #tpu.memory_space<vmem>>
      tpu.enqueue_dma source(%dma_start3A_1194 : memref<120x64xf32, #tpu.memory_space<vmem>>) target(%dma_start3A_1190 : memref<120x64xf32, #tpu.memory_space<hbm>>) target_semaphore(%dma_start3A_1188 : memref<!tpu.dma_semaphore, #tpu.memory_space<semaphore_mem>>)
      %mul3A_1195 = arith.constant 8 : i32
      %mul3A_1196 = arith.muli %scan3A_789, %mul3A_1195 : i32
      %add3A_1197 = arith.constant 4 : i32
      %add3A_1198 = arith.addi %mul3A_1196, %add3A_1197 : i32
      %dma_wait3A_1199 = arith.constant 4 : i32
      %dma_wait3A_1200 = arith.constant 4 : i32
      %dma_wait3A_1201 = arith.constant 0 : i32
      %dma_wait3A_1202 = arith.constant 0 : i32
      %dma_wait3A_1203 = tpu.memref_slice %arg12[%dma_wait3A_1199, %dma_wait3A_1201, %dma_wait3A_1202] : memref<8x120x64xf32, #tpu.memory_space<vmem>> -> memref<1x120x64xf32, #tpu.memory_space<vmem>>
      %dma_wait3A_1204 = tpu.memref_squeeze %dma_wait3A_1203 : memref<1x120x64xf32, #tpu.memory_space<vmem>> -> memref<120x64xf32, #tpu.memory_space<vmem>>
      %dma_wait3A_1205 = arith.constant 0 : i32
      %dma_wait3A_1206 = tpu.memref_slice %arg10[%add3A_1198, %dma_wait3A_1205] : memref<80x120xi32, #tpu.memory_space<vmem>> -> memref<1x120xi32, #tpu.memory_space<vmem>>
      %dma_wait3A_1207 = tpu.memref_squeeze %dma_wait3A_1206 : memref<1x120xi32, #tpu.memory_space<vmem>> -> memref<120xi32, #tpu.memory_space<vmem>>
      %dma_wait3A_1208 = arith.constant 0 : i32
      %dma_wait3A_1209 = arith.constant 0 : i32
      %dma_wait3A_1210 = tpu.memref_slice %arg3[%dma_wait3A_1208, %dma_wait3A_1209] : memref<40000x64xf32, #tpu.memory_space<hbm>> -> memref<40000x64xf32, #tpu.memory_space<hbm>>
      %dma_wait3A_1211 = tpu.memref_slice %arg14[%dma_wait3A_1200] : memref<8x!tpu.dma_semaphore, #tpu.memory_space<semaphore_mem>> -> memref<1x!tpu.dma_semaphore, #tpu.memory_space<semaphore_mem>>
      %dma_wait3A_1212 = tpu.memref_squeeze %dma_wait3A_1211 : memref<1x!tpu.dma_semaphore, #tpu.memory_space<semaphore_mem>> -> memref<!tpu.dma_semaphore, #tpu.memory_space<semaphore_mem>>
      tpu.wait_indirect_dma semaphore(%dma_wait3A_1212 : memref<!tpu.dma_semaphore, #tpu.memory_space<semaphore_mem>>) src(%dma_wait3A_1210 : memref<40000x64xf32, #tpu.memory_space<hbm>>) dst(%dma_wait3A_1204 : memref<120x64xf32, #tpu.memory_space<vmem>>)
      %mul3A_1213 = arith.constant 120 : i32
      %mul3A_1214 = arith.muli %add3A_1198, %mul3A_1213 : i32
      %add3A_1215 = arith.addi %mul3A_2, %mul3A_1214 : i32
      %dma_start3A_1216 = arith.constant 4 : i32
      %dma_start3A_1217 = arith.constant 4 : i32
      %dma_start3A_1218 = arith.constant 0 : i32
      %dma_start3A_1219 = arith.constant 0 : i32
      %dma_start3A_1220 = tpu.memref_slice %arg12[%dma_start3A_1216, %dma_start3A_1218, %dma_start3A_1219] : memref<8x120x64xf32, #tpu.memory_space<vmem>> -> memref<1x120x64xf32, #tpu.memory_space<vmem>>
      %dma_start3A_1221 = tpu.memref_squeeze %dma_start3A_1220 : memref<1x120x64xf32, #tpu.memory_space<vmem>> -> memref<120x64xf32, #tpu.memory_space<vmem>>
      %dma_start3A_1222 = arith.constant 0 : i32
      %dma_start3A_1223 = tpu.memref_slice %arg7[%add3A_1215, %dma_start3A_1222] : memref<307200x64xf32, #tpu.memory_space<hbm>> -> memref<120x64xf32, #tpu.memory_space<hbm>>
      %dma_start3A_1224 = tpu.memref_slice %arg15[%dma_start3A_1217] : memref<8x!tpu.dma_semaphore, #tpu.memory_space<semaphore_mem>> -> memref<1x!tpu.dma_semaphore, #tpu.memory_space<semaphore_mem>>
      %dma_start3A_1225 = tpu.memref_squeeze %dma_start3A_1224 : memref<1x!tpu.dma_semaphore, #tpu.memory_space<semaphore_mem>> -> memref<!tpu.dma_semaphore, #tpu.memory_space<semaphore_mem>>
      %dma_start3A_1226 = arith.constant 0 : i32
      %dma_start3A_1227 = tpu.memref_slice %arg7[%add3A_1215, %dma_start3A_1226] : memref<307200x64xf32, #tpu.memory_space<hbm>> -> memref<120x64xf32, #tpu.memory_space<hbm>>
      %dma_start3A_1228 = arith.constant 0 : i32
      %dma_start3A_1229 = arith.constant 0 : i32
      %dma_start3A_1230 = tpu.memref_slice %arg12[%dma_start3A_1216, %dma_start3A_1228, %dma_start3A_1229] : memref<8x120x64xf32, #tpu.memory_space<vmem>> -> memref<1x120x64xf32, #tpu.memory_space<vmem>>
      %dma_start3A_1231 = tpu.memref_squeeze %dma_start3A_1230 : memref<1x120x64xf32, #tpu.memory_space<vmem>> -> memref<120x64xf32, #tpu.memory_space<vmem>>
      tpu.enqueue_dma source(%dma_start3A_1231 : memref<120x64xf32, #tpu.memory_space<vmem>>) target(%dma_start3A_1227 : memref<120x64xf32, #tpu.memory_space<hbm>>) target_semaphore(%dma_start3A_1225 : memref<!tpu.dma_semaphore, #tpu.memory_space<semaphore_mem>>)
      %mul3A_1232 = arith.constant 8 : i32
      %mul3A_1233 = arith.muli %scan3A_789, %mul3A_1232 : i32
      %add3A_1234 = arith.constant 5 : i32
      %add3A_1235 = arith.addi %mul3A_1233, %add3A_1234 : i32
      %dma_wait3A_1236 = arith.constant 5 : i32
      %dma_wait3A_1237 = arith.constant 5 : i32
      %dma_wait3A_1238 = arith.constant 0 : i32
      %dma_wait3A_1239 = arith.constant 0 : i32
      %dma_wait3A_1240 = tpu.memref_slice %arg12[%dma_wait3A_1236, %dma_wait3A_1238, %dma_wait3A_1239] : memref<8x120x64xf32, #tpu.memory_space<vmem>> -> memref<1x120x64xf32, #tpu.memory_space<vmem>>
      %dma_wait3A_1241 = tpu.memref_squeeze %dma_wait3A_1240 : memref<1x120x64xf32, #tpu.memory_space<vmem>> -> memref<120x64xf32, #tpu.memory_space<vmem>>
      %dma_wait3A_1242 = arith.constant 0 : i32
      %dma_wait3A_1243 = tpu.memref_slice %arg10[%add3A_1235, %dma_wait3A_1242] : memref<80x120xi32, #tpu.memory_space<vmem>> -> memref<1x120xi32, #tpu.memory_space<vmem>>
      %dma_wait3A_1244 = tpu.memref_squeeze %dma_wait3A_1243 : memref<1x120xi32, #tpu.memory_space<vmem>> -> memref<120xi32, #tpu.memory_space<vmem>>
      %dma_wait3A_1245 = arith.constant 0 : i32
      %dma_wait3A_1246 = arith.constant 0 : i32
      %dma_wait3A_1247 = tpu.memref_slice %arg3[%dma_wait3A_1245, %dma_wait3A_1246] : memref<40000x64xf32, #tpu.memory_space<hbm>> -> memref<40000x64xf32, #tpu.memory_space<hbm>>
      %dma_wait3A_1248 = tpu.memref_slice %arg14[%dma_wait3A_1237] : memref<8x!tpu.dma_semaphore, #tpu.memory_space<semaphore_mem>> -> memref<1x!tpu.dma_semaphore, #tpu.memory_space<semaphore_mem>>
      %dma_wait3A_1249 = tpu.memref_squeeze %dma_wait3A_1248 : memref<1x!tpu.dma_semaphore, #tpu.memory_space<semaphore_mem>> -> memref<!tpu.dma_semaphore, #tpu.memory_space<semaphore_mem>>
      tpu.wait_indirect_dma semaphore(%dma_wait3A_1249 : memref<!tpu.dma_semaphore, #tpu.memory_space<semaphore_mem>>) src(%dma_wait3A_1247 : memref<40000x64xf32, #tpu.memory_space<hbm>>) dst(%dma_wait3A_1241 : memref<120x64xf32, #tpu.memory_space<vmem>>)
      %mul3A_1250 = arith.constant 120 : i32
      %mul3A_1251 = arith.muli %add3A_1235, %mul3A_1250 : i32
      %add3A_1252 = arith.addi %mul3A_2, %mul3A_1251 : i32
      %dma_start3A_1253 = arith.constant 5 : i32
      %dma_start3A_1254 = arith.constant 5 : i32
      %dma_start3A_1255 = arith.constant 0 : i32
      %dma_start3A_1256 = arith.constant 0 : i32
      %dma_start3A_1257 = tpu.memref_slice %arg12[%dma_start3A_1253, %dma_start3A_1255, %dma_start3A_1256] : memref<8x120x64xf32, #tpu.memory_space<vmem>> -> memref<1x120x64xf32, #tpu.memory_space<vmem>>
      %dma_start3A_1258 = tpu.memref_squeeze %dma_start3A_1257 : memref<1x120x64xf32, #tpu.memory_space<vmem>> -> memref<120x64xf32, #tpu.memory_space<vmem>>
      %dma_start3A_1259 = arith.constant 0 : i32
      %dma_start3A_1260 = tpu.memref_slice %arg7[%add3A_1252, %dma_start3A_1259] : memref<307200x64xf32, #tpu.memory_space<hbm>> -> memref<120x64xf32, #tpu.memory_space<hbm>>
      %dma_start3A_1261 = tpu.memref_slice %arg15[%dma_start3A_1254] : memref<8x!tpu.dma_semaphore, #tpu.memory_space<semaphore_mem>> -> memref<1x!tpu.dma_semaphore, #tpu.memory_space<semaphore_mem>>
      %dma_start3A_1262 = tpu.memref_squeeze %dma_start3A_1261 : memref<1x!tpu.dma_semaphore, #tpu.memory_space<semaphore_mem>> -> memref<!tpu.dma_semaphore, #tpu.memory_space<semaphore_mem>>
      %dma_start3A_1263 = arith.constant 0 : i32
      %dma_start3A_1264 = tpu.memref_slice %arg7[%add3A_1252, %dma_start3A_1263] : memref<307200x64xf32, #tpu.memory_space<hbm>> -> memref<120x64xf32, #tpu.memory_space<hbm>>
      %dma_start3A_1265 = arith.constant 0 : i32
      %dma_start3A_1266 = arith.constant 0 : i32
      %dma_start3A_1267 = tpu.memref_slice %arg12[%dma_start3A_1253, %dma_start3A_1265, %dma_start3A_1266] : memref<8x120x64xf32, #tpu.memory_space<vmem>> -> memref<1x120x64xf32, #tpu.memory_space<vmem>>
      %dma_start3A_1268 = tpu.memref_squeeze %dma_start3A_1267 : memref<1x120x64xf32, #tpu.memory_space<vmem>> -> memref<120x64xf32, #tpu.memory_space<vmem>>
      tpu.enqueue_dma source(%dma_start3A_1268 : memref<120x64xf32, #tpu.memory_space<vmem>>) target(%dma_start3A_1264 : memref<120x64xf32, #tpu.memory_space<hbm>>) target_semaphore(%dma_start3A_1262 : memref<!tpu.dma_semaphore, #tpu.memory_space<semaphore_mem>>)
      %mul3A_1269 = arith.constant 8 : i32
      %mul3A_1270 = arith.muli %scan3A_789, %mul3A_1269 : i32
      %add3A_1271 = arith.constant 6 : i32
      %add3A_1272 = arith.addi %mul3A_1270, %add3A_1271 : i32
      %dma_wait3A_1273 = arith.constant 6 : i32
      %dma_wait3A_1274 = arith.constant 6 : i32
      %dma_wait3A_1275 = arith.constant 0 : i32
      %dma_wait3A_1276 = arith.constant 0 : i32
      %dma_wait3A_1277 = tpu.memref_slice %arg12[%dma_wait3A_1273, %dma_wait3A_1275, %dma_wait3A_1276] : memref<8x120x64xf32, #tpu.memory_space<vmem>> -> memref<1x120x64xf32, #tpu.memory_space<vmem>>
      %dma_wait3A_1278 = tpu.memref_squeeze %dma_wait3A_1277 : memref<1x120x64xf32, #tpu.memory_space<vmem>> -> memref<120x64xf32, #tpu.memory_space<vmem>>
      %dma_wait3A_1279 = arith.constant 0 : i32
      %dma_wait3A_1280 = tpu.memref_slice %arg10[%add3A_1272, %dma_wait3A_1279] : memref<80x120xi32, #tpu.memory_space<vmem>> -> memref<1x120xi32, #tpu.memory_space<vmem>>
      %dma_wait3A_1281 = tpu.memref_squeeze %dma_wait3A_1280 : memref<1x120xi32, #tpu.memory_space<vmem>> -> memref<120xi32, #tpu.memory_space<vmem>>
      %dma_wait3A_1282 = arith.constant 0 : i32
      %dma_wait3A_1283 = arith.constant 0 : i32
      %dma_wait3A_1284 = tpu.memref_slice %arg3[%dma_wait3A_1282, %dma_wait3A_1283] : memref<40000x64xf32, #tpu.memory_space<hbm>> -> memref<40000x64xf32, #tpu.memory_space<hbm>>
      %dma_wait3A_1285 = tpu.memref_slice %arg14[%dma_wait3A_1274] : memref<8x!tpu.dma_semaphore, #tpu.memory_space<semaphore_mem>> -> memref<1x!tpu.dma_semaphore, #tpu.memory_space<semaphore_mem>>
      %dma_wait3A_1286 = tpu.memref_squeeze %dma_wait3A_1285 : memref<1x!tpu.dma_semaphore, #tpu.memory_space<semaphore_mem>> -> memref<!tpu.dma_semaphore, #tpu.memory_space<semaphore_mem>>
      tpu.wait_indirect_dma semaphore(%dma_wait3A_1286 : memref<!tpu.dma_semaphore, #tpu.memory_space<semaphore_mem>>) src(%dma_wait3A_1284 : memref<40000x64xf32, #tpu.memory_space<hbm>>) dst(%dma_wait3A_1278 : memref<120x64xf32, #tpu.memory_space<vmem>>)
      %mul3A_1287 = arith.constant 120 : i32
      %mul3A_1288 = arith.muli %add3A_1272, %mul3A_1287 : i32
      %add3A_1289 = arith.addi %mul3A_2, %mul3A_1288 : i32
      %dma_start3A_1290 = arith.constant 6 : i32
      %dma_start3A_1291 = arith.constant 6 : i32
      %dma_start3A_1292 = arith.constant 0 : i32
      %dma_start3A_1293 = arith.constant 0 : i32
      %dma_start3A_1294 = tpu.memref_slice %arg12[%dma_start3A_1290, %dma_start3A_1292, %dma_start3A_1293] : memref<8x120x64xf32, #tpu.memory_space<vmem>> -> memref<1x120x64xf32, #tpu.memory_space<vmem>>
      %dma_start3A_1295 = tpu.memref_squeeze %dma_start3A_1294 : memref<1x120x64xf32, #tpu.memory_space<vmem>> -> memref<120x64xf32, #tpu.memory_space<vmem>>
      %dma_start3A_1296 = arith.constant 0 : i32
      %dma_start3A_1297 = tpu.memref_slice %arg7[%add3A_1289, %dma_start3A_1296] : memref<307200x64xf32, #tpu.memory_space<hbm>> -> memref<120x64xf32, #tpu.memory_space<hbm>>
      %dma_start3A_1298 = tpu.memref_slice %arg15[%dma_start3A_1291] : memref<8x!tpu.dma_semaphore, #tpu.memory_space<semaphore_mem>> -> memref<1x!tpu.dma_semaphore, #tpu.memory_space<semaphore_mem>>
      %dma_start3A_1299 = tpu.memref_squeeze %dma_start3A_1298 : memref<1x!tpu.dma_semaphore, #tpu.memory_space<semaphore_mem>> -> memref<!tpu.dma_semaphore, #tpu.memory_space<semaphore_mem>>
      %dma_start3A_1300 = arith.constant 0 : i32
      %dma_start3A_1301 = tpu.memref_slice %arg7[%add3A_1289, %dma_start3A_1300] : memref<307200x64xf32, #tpu.memory_space<hbm>> -> memref<120x64xf32, #tpu.memory_space<hbm>>
      %dma_start3A_1302 = arith.constant 0 : i32
      %dma_start3A_1303 = arith.constant 0 : i32
      %dma_start3A_1304 = tpu.memref_slice %arg12[%dma_start3A_1290, %dma_start3A_1302, %dma_start3A_1303] : memref<8x120x64xf32, #tpu.memory_space<vmem>> -> memref<1x120x64xf32, #tpu.memory_space<vmem>>
      %dma_start3A_1305 = tpu.memref_squeeze %dma_start3A_1304 : memref<1x120x64xf32, #tpu.memory_space<vmem>> -> memref<120x64xf32, #tpu.memory_space<vmem>>
      tpu.enqueue_dma source(%dma_start3A_1305 : memref<120x64xf32, #tpu.memory_space<vmem>>) target(%dma_start3A_1301 : memref<120x64xf32, #tpu.memory_space<hbm>>) target_semaphore(%dma_start3A_1299 : memref<!tpu.dma_semaphore, #tpu.memory_space<semaphore_mem>>)
      %mul3A_1306 = arith.constant 8 : i32
      %mul3A_1307 = arith.muli %scan3A_789, %mul3A_1306 : i32
      %add3A_1308 = arith.constant 7 : i32
      %add3A_1309 = arith.addi %mul3A_1307, %add3A_1308 : i32
      %dma_wait3A_1310 = arith.constant 7 : i32
      %dma_wait3A_1311 = arith.constant 7 : i32
      %dma_wait3A_1312 = arith.constant 0 : i32
      %dma_wait3A_1313 = arith.constant 0 : i32
      %dma_wait3A_1314 = tpu.memref_slice %arg12[%dma_wait3A_1310, %dma_wait3A_1312, %dma_wait3A_1313] : memref<8x120x64xf32, #tpu.memory_space<vmem>> -> memref<1x120x64xf32, #tpu.memory_space<vmem>>
      %dma_wait3A_1315 = tpu.memref_squeeze %dma_wait3A_1314 : memref<1x120x64xf32, #tpu.memory_space<vmem>> -> memref<120x64xf32, #tpu.memory_space<vmem>>
      %dma_wait3A_1316 = arith.constant 0 : i32
      %dma_wait3A_1317 = tpu.memref_slice %arg10[%add3A_1309, %dma_wait3A_1316] : memref<80x120xi32, #tpu.memory_space<vmem>> -> memref<1x120xi32, #tpu.memory_space<vmem>>
      %dma_wait3A_1318 = tpu.memref_squeeze %dma_wait3A_1317 : memref<1x120xi32, #tpu.memory_space<vmem>> -> memref<120xi32, #tpu.memory_space<vmem>>
      %dma_wait3A_1319 = arith.constant 0 : i32
      %dma_wait3A_1320 = arith.constant 0 : i32
      %dma_wait3A_1321 = tpu.memref_slice %arg3[%dma_wait3A_1319, %dma_wait3A_1320] : memref<40000x64xf32, #tpu.memory_space<hbm>> -> memref<40000x64xf32, #tpu.memory_space<hbm>>
      %dma_wait3A_1322 = tpu.memref_slice %arg14[%dma_wait3A_1311] : memref<8x!tpu.dma_semaphore, #tpu.memory_space<semaphore_mem>> -> memref<1x!tpu.dma_semaphore, #tpu.memory_space<semaphore_mem>>
      %dma_wait3A_1323 = tpu.memref_squeeze %dma_wait3A_1322 : memref<1x!tpu.dma_semaphore, #tpu.memory_space<semaphore_mem>> -> memref<!tpu.dma_semaphore, #tpu.memory_space<semaphore_mem>>
      tpu.wait_indirect_dma semaphore(%dma_wait3A_1323 : memref<!tpu.dma_semaphore, #tpu.memory_space<semaphore_mem>>) src(%dma_wait3A_1321 : memref<40000x64xf32, #tpu.memory_space<hbm>>) dst(%dma_wait3A_1315 : memref<120x64xf32, #tpu.memory_space<vmem>>)
      %mul3A_1324 = arith.constant 120 : i32
      %mul3A_1325 = arith.muli %add3A_1309, %mul3A_1324 : i32
      %add3A_1326 = arith.addi %mul3A_2, %mul3A_1325 : i32
      %dma_start3A_1327 = arith.constant 7 : i32
      %dma_start3A_1328 = arith.constant 7 : i32
      %dma_start3A_1329 = arith.constant 0 : i32
      %dma_start3A_1330 = arith.constant 0 : i32
      %dma_start3A_1331 = tpu.memref_slice %arg12[%dma_start3A_1327, %dma_start3A_1329, %dma_start3A_1330] : memref<8x120x64xf32, #tpu.memory_space<vmem>> -> memref<1x120x64xf32, #tpu.memory_space<vmem>>
      %dma_start3A_1332 = tpu.memref_squeeze %dma_start3A_1331 : memref<1x120x64xf32, #tpu.memory_space<vmem>> -> memref<120x64xf32, #tpu.memory_space<vmem>>
      %dma_start3A_1333 = arith.constant 0 : i32
      %dma_start3A_1334 = tpu.memref_slice %arg7[%add3A_1326, %dma_start3A_1333] : memref<307200x64xf32, #tpu.memory_space<hbm>> -> memref<120x64xf32, #tpu.memory_space<hbm>>
      %dma_start3A_1335 = tpu.memref_slice %arg15[%dma_start3A_1328] : memref<8x!tpu.dma_semaphore, #tpu.memory_space<semaphore_mem>> -> memref<1x!tpu.dma_semaphore, #tpu.memory_space<semaphore_mem>>
      %dma_start3A_1336 = tpu.memref_squeeze %dma_start3A_1335 : memref<1x!tpu.dma_semaphore, #tpu.memory_space<semaphore_mem>> -> memref<!tpu.dma_semaphore, #tpu.memory_space<semaphore_mem>>
      %dma_start3A_1337 = arith.constant 0 : i32
      %dma_start3A_1338 = tpu.memref_slice %arg7[%add3A_1326, %dma_start3A_1337] : memref<307200x64xf32, #tpu.memory_space<hbm>> -> memref<120x64xf32, #tpu.memory_space<hbm>>
      %dma_start3A_1339 = arith.constant 0 : i32
      %dma_start3A_1340 = arith.constant 0 : i32
      %dma_start3A_1341 = tpu.memref_slice %arg12[%dma_start3A_1327, %dma_start3A_1339, %dma_start3A_1340] : memref<8x120x64xf32, #tpu.memory_space<vmem>> -> memref<1x120x64xf32, #tpu.memory_space<vmem>>
      %dma_start3A_1342 = tpu.memref_squeeze %dma_start3A_1341 : memref<1x120x64xf32, #tpu.memory_space<vmem>> -> memref<120x64xf32, #tpu.memory_space<vmem>>
      tpu.enqueue_dma source(%dma_start3A_1342 : memref<120x64xf32, #tpu.memory_space<vmem>>) target(%dma_start3A_1338 : memref<120x64xf32, #tpu.memory_space<hbm>>) target_semaphore(%dma_start3A_1336 : memref<!tpu.dma_semaphore, #tpu.memory_space<semaphore_mem>>)
      %mul3A_1343 = arith.constant 8 : i32
      %mul3A_1344 = arith.muli %scan3A_789, %mul3A_1343 : i32
      %add3A_1345 = arith.constant 0 : i32
      %add3A_1346 = arith.addi %mul3A_1344, %add3A_1345 : i32
      %mul3A_1347 = arith.constant 120 : i32
      %mul3A_1348 = arith.muli %add3A_1346, %mul3A_1347 : i32
      %add3A_1349 = arith.addi %mul3A_2, %mul3A_1348 : i32
      %dma_wait3A_1350 = arith.constant 0 : i32
      %dma_wait3A_1351 = arith.constant 0 : i32
      %dma_wait3A_1352 = arith.constant 0 : i32
      %dma_wait3A_1353 = arith.constant 0 : i32
      %dma_wait3A_1354 = tpu.memref_slice %arg12[%dma_wait3A_1350, %dma_wait3A_1352, %dma_wait3A_1353] : memref<8x120x64xf32, #tpu.memory_space<vmem>> -> memref<1x120x64xf32, #tpu.memory_space<vmem>>
      %dma_wait3A_1355 = tpu.memref_squeeze %dma_wait3A_1354 : memref<1x120x64xf32, #tpu.memory_space<vmem>> -> memref<120x64xf32, #tpu.memory_space<vmem>>
      %dma_wait3A_1356 = arith.constant 0 : i32
      %dma_wait3A_1357 = tpu.memref_slice %arg7[%add3A_1349, %dma_wait3A_1356] : memref<307200x64xf32, #tpu.memory_space<hbm>> -> memref<120x64xf32, #tpu.memory_space<hbm>>
      %dma_wait3A_1358 = tpu.memref_slice %arg15[%dma_wait3A_1351] : memref<8x!tpu.dma_semaphore, #tpu.memory_space<semaphore_mem>> -> memref<1x!tpu.dma_semaphore, #tpu.memory_space<semaphore_mem>>
      %dma_wait3A_1359 = tpu.memref_squeeze %dma_wait3A_1358 : memref<1x!tpu.dma_semaphore, #tpu.memory_space<semaphore_mem>> -> memref<!tpu.dma_semaphore, #tpu.memory_space<semaphore_mem>>
      %dma_wait3A_1360 = arith.constant 0 : i32
      %dma_wait3A_1361 = tpu.memref_slice %arg7[%add3A_1349, %dma_wait3A_1360] : memref<307200x64xf32, #tpu.memory_space<hbm>> -> memref<120x64xf32, #tpu.memory_space<hbm>>
      %dma_wait3A_1362 = arith.constant 0 : i32
      %dma_wait3A_1363 = arith.constant 0 : i32
      %dma_wait3A_1364 = tpu.memref_slice %arg12[%dma_wait3A_1350, %dma_wait3A_1362, %dma_wait3A_1363] : memref<8x120x64xf32, #tpu.memory_space<vmem>> -> memref<1x120x64xf32, #tpu.memory_space<vmem>>
      %dma_wait3A_1365 = tpu.memref_squeeze %dma_wait3A_1364 : memref<1x120x64xf32, #tpu.memory_space<vmem>> -> memref<120x64xf32, #tpu.memory_space<vmem>>
      tpu.wait_dma2 semaphore(%dma_wait3A_1359 : memref<!tpu.dma_semaphore, #tpu.memory_space<semaphore_mem>>) src(%dma_wait3A_1365 : memref<120x64xf32, #tpu.memory_space<vmem>>) dst(%dma_wait3A_1361 : memref<120x64xf32, #tpu.memory_space<hbm>>)
      %lt3A = arith.constant 9 : i32
      %lt3A_1366 = arith.cmpi slt, %scan3A_789, %lt3A : i32
      %convert_element_type3A = arith.extui %lt3A_1366 : i1 to i32
      %cond3A = arith.constant 0 : i32
      %cond3A_1367 = arith.cmpi ne, %convert_element_type3A, %cond3A : i32
      scf.if %cond3A_1367 {
        %mul3A_1565 = arith.constant 8 : i32
        %mul3A_1566 = arith.muli %scan3A_789, %mul3A_1565 : i32
        %add3A_1567 = arith.constant 8 : i32
        %add3A_1568 = arith.addi %mul3A_1566, %add3A_1567 : i32
        %add3A_1569 = arith.constant 0 : i32
        %add3A_1570 = arith.addi %add3A_1568, %add3A_1569 : i32
        %dma_start3A_1571 = arith.constant 0 : i32
        %dma_start3A_1572 = arith.constant 0 : i32
        %dma_start3A_1573 = arith.constant 0 : i32
        %dma_start3A_1574 = arith.constant 0 : i32
        %dma_start3A_1575 = tpu.memref_slice %arg12[%dma_start3A_1571, %dma_start3A_1573, %dma_start3A_1574] : memref<8x120x64xf32, #tpu.memory_space<vmem>> -> memref<1x120x64xf32, #tpu.memory_space<vmem>>
        %dma_start3A_1576 = tpu.memref_squeeze %dma_start3A_1575 : memref<1x120x64xf32, #tpu.memory_space<vmem>> -> memref<120x64xf32, #tpu.memory_space<vmem>>
        %dma_start3A_1577 = arith.constant 0 : i32
        %dma_start3A_1578 = tpu.memref_slice %arg9[%add3A_1570, %dma_start3A_1577] : memref<80x120xi32, #tpu.memory_space<vmem>> -> memref<1x120xi32, #tpu.memory_space<vmem>>
        %dma_start3A_1579 = tpu.memref_squeeze %dma_start3A_1578 : memref<1x120xi32, #tpu.memory_space<vmem>> -> memref<120xi32, #tpu.memory_space<vmem>>
        %dma_start3A_1580 = arith.constant 0 : i32
        %dma_start3A_1581 = arith.constant 0 : i32
        %dma_start3A_1582 = tpu.memref_slice %arg2[%dma_start3A_1580, %dma_start3A_1581] : memref<100000x64xf32, #tpu.memory_space<hbm>> -> memref<100000x64xf32, #tpu.memory_space<hbm>>
        %dma_start3A_1583 = tpu.memref_slice %arg13[%dma_start3A_1572] : memref<8x!tpu.dma_semaphore, #tpu.memory_space<semaphore_mem>> -> memref<1x!tpu.dma_semaphore, #tpu.memory_space<semaphore_mem>>
        %dma_start3A_1584 = tpu.memref_squeeze %dma_start3A_1583 : memref<1x!tpu.dma_semaphore, #tpu.memory_space<semaphore_mem>> -> memref<!tpu.dma_semaphore, #tpu.memory_space<semaphore_mem>>
        tpu.enqueue_indirect_dma source(%dma_start3A_1582 : memref<100000x64xf32, #tpu.memory_space<hbm>>) target(%dma_start3A_1576 : memref<120x64xf32, #tpu.memory_space<vmem>>) offsets(%dma_start3A_1579 : memref<120xi32, #tpu.memory_space<vmem>>) semaphore(%dma_start3A_1584 : memref<!tpu.dma_semaphore, #tpu.memory_space<semaphore_mem>>)
      } else {
      }
      %mul3A_1368 = arith.constant 8 : i32
      %mul3A_1369 = arith.muli %scan3A_789, %mul3A_1368 : i32
      %add3A_1370 = arith.constant 1 : i32
      %add3A_1371 = arith.addi %mul3A_1369, %add3A_1370 : i32
      %mul3A_1372 = arith.constant 120 : i32
      %mul3A_1373 = arith.muli %add3A_1371, %mul3A_1372 : i32
      %add3A_1374 = arith.addi %mul3A_2, %mul3A_1373 : i32
      %dma_wait3A_1375 = arith.constant 1 : i32
      %dma_wait3A_1376 = arith.constant 1 : i32
      %dma_wait3A_1377 = arith.constant 0 : i32
      %dma_wait3A_1378 = arith.constant 0 : i32
      %dma_wait3A_1379 = tpu.memref_slice %arg12[%dma_wait3A_1375, %dma_wait3A_1377, %dma_wait3A_1378] : memref<8x120x64xf32, #tpu.memory_space<vmem>> -> memref<1x120x64xf32, #tpu.memory_space<vmem>>
      %dma_wait3A_1380 = tpu.memref_squeeze %dma_wait3A_1379 : memref<1x120x64xf32, #tpu.memory_space<vmem>> -> memref<120x64xf32, #tpu.memory_space<vmem>>
      %dma_wait3A_1381 = arith.constant 0 : i32
      %dma_wait3A_1382 = tpu.memref_slice %arg7[%add3A_1374, %dma_wait3A_1381] : memref<307200x64xf32, #tpu.memory_space<hbm>> -> memref<120x64xf32, #tpu.memory_space<hbm>>
      %dma_wait3A_1383 = tpu.memref_slice %arg15[%dma_wait3A_1376] : memref<8x!tpu.dma_semaphore, #tpu.memory_space<semaphore_mem>> -> memref<1x!tpu.dma_semaphore, #tpu.memory_space<semaphore_mem>>
      %dma_wait3A_1384 = tpu.memref_squeeze %dma_wait3A_1383 : memref<1x!tpu.dma_semaphore, #tpu.memory_space<semaphore_mem>> -> memref<!tpu.dma_semaphore, #tpu.memory_space<semaphore_mem>>
      %dma_wait3A_1385 = arith.constant 0 : i32
      %dma_wait3A_1386 = tpu.memref_slice %arg7[%add3A_1374, %dma_wait3A_1385] : memref<307200x64xf32, #tpu.memory_space<hbm>> -> memref<120x64xf32, #tpu.memory_space<hbm>>
      %dma_wait3A_1387 = arith.constant 0 : i32
      %dma_wait3A_1388 = arith.constant 0 : i32
      %dma_wait3A_1389 = tpu.memref_slice %arg12[%dma_wait3A_1375, %dma_wait3A_1387, %dma_wait3A_1388] : memref<8x120x64xf32, #tpu.memory_space<vmem>> -> memref<1x120x64xf32, #tpu.memory_space<vmem>>
      %dma_wait3A_1390 = tpu.memref_squeeze %dma_wait3A_1389 : memref<1x120x64xf32, #tpu.memory_space<vmem>> -> memref<120x64xf32, #tpu.memory_space<vmem>>
      tpu.wait_dma2 semaphore(%dma_wait3A_1384 : memref<!tpu.dma_semaphore, #tpu.memory_space<semaphore_mem>>) src(%dma_wait3A_1390 : memref<120x64xf32, #tpu.memory_space<vmem>>) dst(%dma_wait3A_1386 : memref<120x64xf32, #tpu.memory_space<hbm>>)
      %lt3A_1391 = arith.constant 9 : i32
      %lt3A_1392 = arith.cmpi slt, %scan3A_789, %lt3A_1391 : i32
      %convert_element_type3A_1393 = arith.extui %lt3A_1392 : i1 to i32
      %cond3A_1394 = arith.constant 0 : i32
      %cond3A_1395 = arith.cmpi ne, %convert_element_type3A_1393, %cond3A_1394 : i32
      scf.if %cond3A_1395 {
        %mul3A_1565 = arith.constant 8 : i32
        %mul3A_1566 = arith.muli %scan3A_789, %mul3A_1565 : i32
        %add3A_1567 = arith.constant 8 : i32
        %add3A_1568 = arith.addi %mul3A_1566, %add3A_1567 : i32
        %add3A_1569 = arith.constant 1 : i32
        %add3A_1570 = arith.addi %add3A_1568, %add3A_1569 : i32
        %dma_start3A_1571 = arith.constant 1 : i32
        %dma_start3A_1572 = arith.constant 1 : i32
        %dma_start3A_1573 = arith.constant 0 : i32
        %dma_start3A_1574 = arith.constant 0 : i32
        %dma_start3A_1575 = tpu.memref_slice %arg12[%dma_start3A_1571, %dma_start3A_1573, %dma_start3A_1574] : memref<8x120x64xf32, #tpu.memory_space<vmem>> -> memref<1x120x64xf32, #tpu.memory_space<vmem>>
        %dma_start3A_1576 = tpu.memref_squeeze %dma_start3A_1575 : memref<1x120x64xf32, #tpu.memory_space<vmem>> -> memref<120x64xf32, #tpu.memory_space<vmem>>
        %dma_start3A_1577 = arith.constant 0 : i32
        %dma_start3A_1578 = tpu.memref_slice %arg9[%add3A_1570, %dma_start3A_1577] : memref<80x120xi32, #tpu.memory_space<vmem>> -> memref<1x120xi32, #tpu.memory_space<vmem>>
        %dma_start3A_1579 = tpu.memref_squeeze %dma_start3A_1578 : memref<1x120xi32, #tpu.memory_space<vmem>> -> memref<120xi32, #tpu.memory_space<vmem>>
        %dma_start3A_1580 = arith.constant 0 : i32
        %dma_start3A_1581 = arith.constant 0 : i32
        %dma_start3A_1582 = tpu.memref_slice %arg2[%dma_start3A_1580, %dma_start3A_1581] : memref<100000x64xf32, #tpu.memory_space<hbm>> -> memref<100000x64xf32, #tpu.memory_space<hbm>>
        %dma_start3A_1583 = tpu.memref_slice %arg13[%dma_start3A_1572] : memref<8x!tpu.dma_semaphore, #tpu.memory_space<semaphore_mem>> -> memref<1x!tpu.dma_semaphore, #tpu.memory_space<semaphore_mem>>
        %dma_start3A_1584 = tpu.memref_squeeze %dma_start3A_1583 : memref<1x!tpu.dma_semaphore, #tpu.memory_space<semaphore_mem>> -> memref<!tpu.dma_semaphore, #tpu.memory_space<semaphore_mem>>
        tpu.enqueue_indirect_dma source(%dma_start3A_1582 : memref<100000x64xf32, #tpu.memory_space<hbm>>) target(%dma_start3A_1576 : memref<120x64xf32, #tpu.memory_space<vmem>>) offsets(%dma_start3A_1579 : memref<120xi32, #tpu.memory_space<vmem>>) semaphore(%dma_start3A_1584 : memref<!tpu.dma_semaphore, #tpu.memory_space<semaphore_mem>>)
      } else {
      }
      %mul3A_1396 = arith.constant 8 : i32
      %mul3A_1397 = arith.muli %scan3A_789, %mul3A_1396 : i32
      %add3A_1398 = arith.constant 2 : i32
      %add3A_1399 = arith.addi %mul3A_1397, %add3A_1398 : i32
      %mul3A_1400 = arith.constant 120 : i32
      %mul3A_1401 = arith.muli %add3A_1399, %mul3A_1400 : i32
      %add3A_1402 = arith.addi %mul3A_2, %mul3A_1401 : i32
      %dma_wait3A_1403 = arith.constant 2 : i32
      %dma_wait3A_1404 = arith.constant 2 : i32
      %dma_wait3A_1405 = arith.constant 0 : i32
      %dma_wait3A_1406 = arith.constant 0 : i32
      %dma_wait3A_1407 = tpu.memref_slice %arg12[%dma_wait3A_1403, %dma_wait3A_1405, %dma_wait3A_1406] : memref<8x120x64xf32, #tpu.memory_space<vmem>> -> memref<1x120x64xf32, #tpu.memory_space<vmem>>
      %dma_wait3A_1408 = tpu.memref_squeeze %dma_wait3A_1407 : memref<1x120x64xf32, #tpu.memory_space<vmem>> -> memref<120x64xf32, #tpu.memory_space<vmem>>
      %dma_wait3A_1409 = arith.constant 0 : i32
      %dma_wait3A_1410 = tpu.memref_slice %arg7[%add3A_1402, %dma_wait3A_1409] : memref<307200x64xf32, #tpu.memory_space<hbm>> -> memref<120x64xf32, #tpu.memory_space<hbm>>
      %dma_wait3A_1411 = tpu.memref_slice %arg15[%dma_wait3A_1404] : memref<8x!tpu.dma_semaphore, #tpu.memory_space<semaphore_mem>> -> memref<1x!tpu.dma_semaphore, #tpu.memory_space<semaphore_mem>>
      %dma_wait3A_1412 = tpu.memref_squeeze %dma_wait3A_1411 : memref<1x!tpu.dma_semaphore, #tpu.memory_space<semaphore_mem>> -> memref<!tpu.dma_semaphore, #tpu.memory_space<semaphore_mem>>
      %dma_wait3A_1413 = arith.constant 0 : i32
      %dma_wait3A_1414 = tpu.memref_slice %arg7[%add3A_1402, %dma_wait3A_1413] : memref<307200x64xf32, #tpu.memory_space<hbm>> -> memref<120x64xf32, #tpu.memory_space<hbm>>
      %dma_wait3A_1415 = arith.constant 0 : i32
      %dma_wait3A_1416 = arith.constant 0 : i32
      %dma_wait3A_1417 = tpu.memref_slice %arg12[%dma_wait3A_1403, %dma_wait3A_1415, %dma_wait3A_1416] : memref<8x120x64xf32, #tpu.memory_space<vmem>> -> memref<1x120x64xf32, #tpu.memory_space<vmem>>
      %dma_wait3A_1418 = tpu.memref_squeeze %dma_wait3A_1417 : memref<1x120x64xf32, #tpu.memory_space<vmem>> -> memref<120x64xf32, #tpu.memory_space<vmem>>
      tpu.wait_dma2 semaphore(%dma_wait3A_1412 : memref<!tpu.dma_semaphore, #tpu.memory_space<semaphore_mem>>) src(%dma_wait3A_1418 : memref<120x64xf32, #tpu.memory_space<vmem>>) dst(%dma_wait3A_1414 : memref<120x64xf32, #tpu.memory_space<hbm>>)
      %lt3A_1419 = arith.constant 9 : i32
      %lt3A_1420 = arith.cmpi slt, %scan3A_789, %lt3A_1419 : i32
      %convert_element_type3A_1421 = arith.extui %lt3A_1420 : i1 to i32
      %cond3A_1422 = arith.constant 0 : i32
      %cond3A_1423 = arith.cmpi ne, %convert_element_type3A_1421, %cond3A_1422 : i32
      scf.if %cond3A_1423 {
        %mul3A_1565 = arith.constant 8 : i32
        %mul3A_1566 = arith.muli %scan3A_789, %mul3A_1565 : i32
        %add3A_1567 = arith.constant 8 : i32
        %add3A_1568 = arith.addi %mul3A_1566, %add3A_1567 : i32
        %add3A_1569 = arith.constant 2 : i32
        %add3A_1570 = arith.addi %add3A_1568, %add3A_1569 : i32
        %dma_start3A_1571 = arith.constant 2 : i32
        %dma_start3A_1572 = arith.constant 2 : i32
        %dma_start3A_1573 = arith.constant 0 : i32
        %dma_start3A_1574 = arith.constant 0 : i32
        %dma_start3A_1575 = tpu.memref_slice %arg12[%dma_start3A_1571, %dma_start3A_1573, %dma_start3A_1574] : memref<8x120x64xf32, #tpu.memory_space<vmem>> -> memref<1x120x64xf32, #tpu.memory_space<vmem>>
        %dma_start3A_1576 = tpu.memref_squeeze %dma_start3A_1575 : memref<1x120x64xf32, #tpu.memory_space<vmem>> -> memref<120x64xf32, #tpu.memory_space<vmem>>
        %dma_start3A_1577 = arith.constant 0 : i32
        %dma_start3A_1578 = tpu.memref_slice %arg9[%add3A_1570, %dma_start3A_1577] : memref<80x120xi32, #tpu.memory_space<vmem>> -> memref<1x120xi32, #tpu.memory_space<vmem>>
        %dma_start3A_1579 = tpu.memref_squeeze %dma_start3A_1578 : memref<1x120xi32, #tpu.memory_space<vmem>> -> memref<120xi32, #tpu.memory_space<vmem>>
        %dma_start3A_1580 = arith.constant 0 : i32
        %dma_start3A_1581 = arith.constant 0 : i32
        %dma_start3A_1582 = tpu.memref_slice %arg2[%dma_start3A_1580, %dma_start3A_1581] : memref<100000x64xf32, #tpu.memory_space<hbm>> -> memref<100000x64xf32, #tpu.memory_space<hbm>>
        %dma_start3A_1583 = tpu.memref_slice %arg13[%dma_start3A_1572] : memref<8x!tpu.dma_semaphore, #tpu.memory_space<semaphore_mem>> -> memref<1x!tpu.dma_semaphore, #tpu.memory_space<semaphore_mem>>
        %dma_start3A_1584 = tpu.memref_squeeze %dma_start3A_1583 : memref<1x!tpu.dma_semaphore, #tpu.memory_space<semaphore_mem>> -> memref<!tpu.dma_semaphore, #tpu.memory_space<semaphore_mem>>
        tpu.enqueue_indirect_dma source(%dma_start3A_1582 : memref<100000x64xf32, #tpu.memory_space<hbm>>) target(%dma_start3A_1576 : memref<120x64xf32, #tpu.memory_space<vmem>>) offsets(%dma_start3A_1579 : memref<120xi32, #tpu.memory_space<vmem>>) semaphore(%dma_start3A_1584 : memref<!tpu.dma_semaphore, #tpu.memory_space<semaphore_mem>>)
      } else {
      }
      %mul3A_1424 = arith.constant 8 : i32
      %mul3A_1425 = arith.muli %scan3A_789, %mul3A_1424 : i32
      %add3A_1426 = arith.constant 3 : i32
      %add3A_1427 = arith.addi %mul3A_1425, %add3A_1426 : i32
      %mul3A_1428 = arith.constant 120 : i32
      %mul3A_1429 = arith.muli %add3A_1427, %mul3A_1428 : i32
      %add3A_1430 = arith.addi %mul3A_2, %mul3A_1429 : i32
      %dma_wait3A_1431 = arith.constant 3 : i32
      %dma_wait3A_1432 = arith.constant 3 : i32
      %dma_wait3A_1433 = arith.constant 0 : i32
      %dma_wait3A_1434 = arith.constant 0 : i32
      %dma_wait3A_1435 = tpu.memref_slice %arg12[%dma_wait3A_1431, %dma_wait3A_1433, %dma_wait3A_1434] : memref<8x120x64xf32, #tpu.memory_space<vmem>> -> memref<1x120x64xf32, #tpu.memory_space<vmem>>
      %dma_wait3A_1436 = tpu.memref_squeeze %dma_wait3A_1435 : memref<1x120x64xf32, #tpu.memory_space<vmem>> -> memref<120x64xf32, #tpu.memory_space<vmem>>
      %dma_wait3A_1437 = arith.constant 0 : i32
      %dma_wait3A_1438 = tpu.memref_slice %arg7[%add3A_1430, %dma_wait3A_1437] : memref<307200x64xf32, #tpu.memory_space<hbm>> -> memref<120x64xf32, #tpu.memory_space<hbm>>
      %dma_wait3A_1439 = tpu.memref_slice %arg15[%dma_wait3A_1432] : memref<8x!tpu.dma_semaphore, #tpu.memory_space<semaphore_mem>> -> memref<1x!tpu.dma_semaphore, #tpu.memory_space<semaphore_mem>>
      %dma_wait3A_1440 = tpu.memref_squeeze %dma_wait3A_1439 : memref<1x!tpu.dma_semaphore, #tpu.memory_space<semaphore_mem>> -> memref<!tpu.dma_semaphore, #tpu.memory_space<semaphore_mem>>
      %dma_wait3A_1441 = arith.constant 0 : i32
      %dma_wait3A_1442 = tpu.memref_slice %arg7[%add3A_1430, %dma_wait3A_1441] : memref<307200x64xf32, #tpu.memory_space<hbm>> -> memref<120x64xf32, #tpu.memory_space<hbm>>
      %dma_wait3A_1443 = arith.constant 0 : i32
      %dma_wait3A_1444 = arith.constant 0 : i32
      %dma_wait3A_1445 = tpu.memref_slice %arg12[%dma_wait3A_1431, %dma_wait3A_1443, %dma_wait3A_1444] : memref<8x120x64xf32, #tpu.memory_space<vmem>> -> memref<1x120x64xf32, #tpu.memory_space<vmem>>
      %dma_wait3A_1446 = tpu.memref_squeeze %dma_wait3A_1445 : memref<1x120x64xf32, #tpu.memory_space<vmem>> -> memref<120x64xf32, #tpu.memory_space<vmem>>
      tpu.wait_dma2 semaphore(%dma_wait3A_1440 : memref<!tpu.dma_semaphore, #tpu.memory_space<semaphore_mem>>) src(%dma_wait3A_1446 : memref<120x64xf32, #tpu.memory_space<vmem>>) dst(%dma_wait3A_1442 : memref<120x64xf32, #tpu.memory_space<hbm>>)
      %lt3A_1447 = arith.constant 9 : i32
      %lt3A_1448 = arith.cmpi slt, %scan3A_789, %lt3A_1447 : i32
      %convert_element_type3A_1449 = arith.extui %lt3A_1448 : i1 to i32
      %cond3A_1450 = arith.constant 0 : i32
      %cond3A_1451 = arith.cmpi ne, %convert_element_type3A_1449, %cond3A_1450 : i32
      scf.if %cond3A_1451 {
        %mul3A_1565 = arith.constant 8 : i32
        %mul3A_1566 = arith.muli %scan3A_789, %mul3A_1565 : i32
        %add3A_1567 = arith.constant 8 : i32
        %add3A_1568 = arith.addi %mul3A_1566, %add3A_1567 : i32
        %add3A_1569 = arith.constant 3 : i32
        %add3A_1570 = arith.addi %add3A_1568, %add3A_1569 : i32
        %dma_start3A_1571 = arith.constant 3 : i32
        %dma_start3A_1572 = arith.constant 3 : i32
        %dma_start3A_1573 = arith.constant 0 : i32
        %dma_start3A_1574 = arith.constant 0 : i32
        %dma_start3A_1575 = tpu.memref_slice %arg12[%dma_start3A_1571, %dma_start3A_1573, %dma_start3A_1574] : memref<8x120x64xf32, #tpu.memory_space<vmem>> -> memref<1x120x64xf32, #tpu.memory_space<vmem>>
        %dma_start3A_1576 = tpu.memref_squeeze %dma_start3A_1575 : memref<1x120x64xf32, #tpu.memory_space<vmem>> -> memref<120x64xf32, #tpu.memory_space<vmem>>
        %dma_start3A_1577 = arith.constant 0 : i32
        %dma_start3A_1578 = tpu.memref_slice %arg9[%add3A_1570, %dma_start3A_1577] : memref<80x120xi32, #tpu.memory_space<vmem>> -> memref<1x120xi32, #tpu.memory_space<vmem>>
        %dma_start3A_1579 = tpu.memref_squeeze %dma_start3A_1578 : memref<1x120xi32, #tpu.memory_space<vmem>> -> memref<120xi32, #tpu.memory_space<vmem>>
        %dma_start3A_1580 = arith.constant 0 : i32
        %dma_start3A_1581 = arith.constant 0 : i32
        %dma_start3A_1582 = tpu.memref_slice %arg2[%dma_start3A_1580, %dma_start3A_1581] : memref<100000x64xf32, #tpu.memory_space<hbm>> -> memref<100000x64xf32, #tpu.memory_space<hbm>>
        %dma_start3A_1583 = tpu.memref_slice %arg13[%dma_start3A_1572] : memref<8x!tpu.dma_semaphore, #tpu.memory_space<semaphore_mem>> -> memref<1x!tpu.dma_semaphore, #tpu.memory_space<semaphore_mem>>
        %dma_start3A_1584 = tpu.memref_squeeze %dma_start3A_1583 : memref<1x!tpu.dma_semaphore, #tpu.memory_space<semaphore_mem>> -> memref<!tpu.dma_semaphore, #tpu.memory_space<semaphore_mem>>
        tpu.enqueue_indirect_dma source(%dma_start3A_1582 : memref<100000x64xf32, #tpu.memory_space<hbm>>) target(%dma_start3A_1576 : memref<120x64xf32, #tpu.memory_space<vmem>>) offsets(%dma_start3A_1579 : memref<120xi32, #tpu.memory_space<vmem>>) semaphore(%dma_start3A_1584 : memref<!tpu.dma_semaphore, #tpu.memory_space<semaphore_mem>>)
      } else {
      }
      %mul3A_1452 = arith.constant 8 : i32
      %mul3A_1453 = arith.muli %scan3A_789, %mul3A_1452 : i32
      %add3A_1454 = arith.constant 4 : i32
      %add3A_1455 = arith.addi %mul3A_1453, %add3A_1454 : i32
      %mul3A_1456 = arith.constant 120 : i32
      %mul3A_1457 = arith.muli %add3A_1455, %mul3A_1456 : i32
      %add3A_1458 = arith.addi %mul3A_2, %mul3A_1457 : i32
      %dma_wait3A_1459 = arith.constant 4 : i32
      %dma_wait3A_1460 = arith.constant 4 : i32
      %dma_wait3A_1461 = arith.constant 0 : i32
      %dma_wait3A_1462 = arith.constant 0 : i32
      %dma_wait3A_1463 = tpu.memref_slice %arg12[%dma_wait3A_1459, %dma_wait3A_1461, %dma_wait3A_1462] : memref<8x120x64xf32, #tpu.memory_space<vmem>> -> memref<1x120x64xf32, #tpu.memory_space<vmem>>
      %dma_wait3A_1464 = tpu.memref_squeeze %dma_wait3A_1463 : memref<1x120x64xf32, #tpu.memory_space<vmem>> -> memref<120x64xf32, #tpu.memory_space<vmem>>
      %dma_wait3A_1465 = arith.constant 0 : i32
      %dma_wait3A_1466 = tpu.memref_slice %arg7[%add3A_1458, %dma_wait3A_1465] : memref<307200x64xf32, #tpu.memory_space<hbm>> -> memref<120x64xf32, #tpu.memory_space<hbm>>
      %dma_wait3A_1467 = tpu.memref_slice %arg15[%dma_wait3A_1460] : memref<8x!tpu.dma_semaphore, #tpu.memory_space<semaphore_mem>> -> memref<1x!tpu.dma_semaphore, #tpu.memory_space<semaphore_mem>>
      %dma_wait3A_1468 = tpu.memref_squeeze %dma_wait3A_1467 : memref<1x!tpu.dma_semaphore, #tpu.memory_space<semaphore_mem>> -> memref<!tpu.dma_semaphore, #tpu.memory_space<semaphore_mem>>
      %dma_wait3A_1469 = arith.constant 0 : i32
      %dma_wait3A_1470 = tpu.memref_slice %arg7[%add3A_1458, %dma_wait3A_1469] : memref<307200x64xf32, #tpu.memory_space<hbm>> -> memref<120x64xf32, #tpu.memory_space<hbm>>
      %dma_wait3A_1471 = arith.constant 0 : i32
      %dma_wait3A_1472 = arith.constant 0 : i32
      %dma_wait3A_1473 = tpu.memref_slice %arg12[%dma_wait3A_1459, %dma_wait3A_1471, %dma_wait3A_1472] : memref<8x120x64xf32, #tpu.memory_space<vmem>> -> memref<1x120x64xf32, #tpu.memory_space<vmem>>
      %dma_wait3A_1474 = tpu.memref_squeeze %dma_wait3A_1473 : memref<1x120x64xf32, #tpu.memory_space<vmem>> -> memref<120x64xf32, #tpu.memory_space<vmem>>
      tpu.wait_dma2 semaphore(%dma_wait3A_1468 : memref<!tpu.dma_semaphore, #tpu.memory_space<semaphore_mem>>) src(%dma_wait3A_1474 : memref<120x64xf32, #tpu.memory_space<vmem>>) dst(%dma_wait3A_1470 : memref<120x64xf32, #tpu.memory_space<hbm>>)
      %lt3A_1475 = arith.constant 9 : i32
      %lt3A_1476 = arith.cmpi slt, %scan3A_789, %lt3A_1475 : i32
      %convert_element_type3A_1477 = arith.extui %lt3A_1476 : i1 to i32
      %cond3A_1478 = arith.constant 0 : i32
      %cond3A_1479 = arith.cmpi ne, %convert_element_type3A_1477, %cond3A_1478 : i32
      scf.if %cond3A_1479 {
        %mul3A_1565 = arith.constant 8 : i32
        %mul3A_1566 = arith.muli %scan3A_789, %mul3A_1565 : i32
        %add3A_1567 = arith.constant 8 : i32
        %add3A_1568 = arith.addi %mul3A_1566, %add3A_1567 : i32
        %add3A_1569 = arith.constant 4 : i32
        %add3A_1570 = arith.addi %add3A_1568, %add3A_1569 : i32
        %dma_start3A_1571 = arith.constant 4 : i32
        %dma_start3A_1572 = arith.constant 4 : i32
        %dma_start3A_1573 = arith.constant 0 : i32
        %dma_start3A_1574 = arith.constant 0 : i32
        %dma_start3A_1575 = tpu.memref_slice %arg12[%dma_start3A_1571, %dma_start3A_1573, %dma_start3A_1574] : memref<8x120x64xf32, #tpu.memory_space<vmem>> -> memref<1x120x64xf32, #tpu.memory_space<vmem>>
        %dma_start3A_1576 = tpu.memref_squeeze %dma_start3A_1575 : memref<1x120x64xf32, #tpu.memory_space<vmem>> -> memref<120x64xf32, #tpu.memory_space<vmem>>
        %dma_start3A_1577 = arith.constant 0 : i32
        %dma_start3A_1578 = tpu.memref_slice %arg9[%add3A_1570, %dma_start3A_1577] : memref<80x120xi32, #tpu.memory_space<vmem>> -> memref<1x120xi32, #tpu.memory_space<vmem>>
        %dma_start3A_1579 = tpu.memref_squeeze %dma_start3A_1578 : memref<1x120xi32, #tpu.memory_space<vmem>> -> memref<120xi32, #tpu.memory_space<vmem>>
        %dma_start3A_1580 = arith.constant 0 : i32
        %dma_start3A_1581 = arith.constant 0 : i32
        %dma_start3A_1582 = tpu.memref_slice %arg2[%dma_start3A_1580, %dma_start3A_1581] : memref<100000x64xf32, #tpu.memory_space<hbm>> -> memref<100000x64xf32, #tpu.memory_space<hbm>>
        %dma_start3A_1583 = tpu.memref_slice %arg13[%dma_start3A_1572] : memref<8x!tpu.dma_semaphore, #tpu.memory_space<semaphore_mem>> -> memref<1x!tpu.dma_semaphore, #tpu.memory_space<semaphore_mem>>
        %dma_start3A_1584 = tpu.memref_squeeze %dma_start3A_1583 : memref<1x!tpu.dma_semaphore, #tpu.memory_space<semaphore_mem>> -> memref<!tpu.dma_semaphore, #tpu.memory_space<semaphore_mem>>
        tpu.enqueue_indirect_dma source(%dma_start3A_1582 : memref<100000x64xf32, #tpu.memory_space<hbm>>) target(%dma_start3A_1576 : memref<120x64xf32, #tpu.memory_space<vmem>>) offsets(%dma_start3A_1579 : memref<120xi32, #tpu.memory_space<vmem>>) semaphore(%dma_start3A_1584 : memref<!tpu.dma_semaphore, #tpu.memory_space<semaphore_mem>>)
      } else {
      }
      %mul3A_1480 = arith.constant 8 : i32
      %mul3A_1481 = arith.muli %scan3A_789, %mul3A_1480 : i32
      %add3A_1482 = arith.constant 5 : i32
      %add3A_1483 = arith.addi %mul3A_1481, %add3A_1482 : i32
      %mul3A_1484 = arith.constant 120 : i32
      %mul3A_1485 = arith.muli %add3A_1483, %mul3A_1484 : i32
      %add3A_1486 = arith.addi %mul3A_2, %mul3A_1485 : i32
      %dma_wait3A_1487 = arith.constant 5 : i32
      %dma_wait3A_1488 = arith.constant 5 : i32
      %dma_wait3A_1489 = arith.constant 0 : i32
      %dma_wait3A_1490 = arith.constant 0 : i32
      %dma_wait3A_1491 = tpu.memref_slice %arg12[%dma_wait3A_1487, %dma_wait3A_1489, %dma_wait3A_1490] : memref<8x120x64xf32, #tpu.memory_space<vmem>> -> memref<1x120x64xf32, #tpu.memory_space<vmem>>
      %dma_wait3A_1492 = tpu.memref_squeeze %dma_wait3A_1491 : memref<1x120x64xf32, #tpu.memory_space<vmem>> -> memref<120x64xf32, #tpu.memory_space<vmem>>
      %dma_wait3A_1493 = arith.constant 0 : i32
      %dma_wait3A_1494 = tpu.memref_slice %arg7[%add3A_1486, %dma_wait3A_1493] : memref<307200x64xf32, #tpu.memory_space<hbm>> -> memref<120x64xf32, #tpu.memory_space<hbm>>
      %dma_wait3A_1495 = tpu.memref_slice %arg15[%dma_wait3A_1488] : memref<8x!tpu.dma_semaphore, #tpu.memory_space<semaphore_mem>> -> memref<1x!tpu.dma_semaphore, #tpu.memory_space<semaphore_mem>>
      %dma_wait3A_1496 = tpu.memref_squeeze %dma_wait3A_1495 : memref<1x!tpu.dma_semaphore, #tpu.memory_space<semaphore_mem>> -> memref<!tpu.dma_semaphore, #tpu.memory_space<semaphore_mem>>
      %dma_wait3A_1497 = arith.constant 0 : i32
      %dma_wait3A_1498 = tpu.memref_slice %arg7[%add3A_1486, %dma_wait3A_1497] : memref<307200x64xf32, #tpu.memory_space<hbm>> -> memref<120x64xf32, #tpu.memory_space<hbm>>
      %dma_wait3A_1499 = arith.constant 0 : i32
      %dma_wait3A_1500 = arith.constant 0 : i32
      %dma_wait3A_1501 = tpu.memref_slice %arg12[%dma_wait3A_1487, %dma_wait3A_1499, %dma_wait3A_1500] : memref<8x120x64xf32, #tpu.memory_space<vmem>> -> memref<1x120x64xf32, #tpu.memory_space<vmem>>
      %dma_wait3A_1502 = tpu.memref_squeeze %dma_wait3A_1501 : memref<1x120x64xf32, #tpu.memory_space<vmem>> -> memref<120x64xf32, #tpu.memory_space<vmem>>
      tpu.wait_dma2 semaphore(%dma_wait3A_1496 : memref<!tpu.dma_semaphore, #tpu.memory_space<semaphore_mem>>) src(%dma_wait3A_1502 : memref<120x64xf32, #tpu.memory_space<vmem>>) dst(%dma_wait3A_1498 : memref<120x64xf32, #tpu.memory_space<hbm>>)
      %lt3A_1503 = arith.constant 9 : i32
      %lt3A_1504 = arith.cmpi slt, %scan3A_789, %lt3A_1503 : i32
      %convert_element_type3A_1505 = arith.extui %lt3A_1504 : i1 to i32
      %cond3A_1506 = arith.constant 0 : i32
      %cond3A_1507 = arith.cmpi ne, %convert_element_type3A_1505, %cond3A_1506 : i32
      scf.if %cond3A_1507 {
        %mul3A_1565 = arith.constant 8 : i32
        %mul3A_1566 = arith.muli %scan3A_789, %mul3A_1565 : i32
        %add3A_1567 = arith.constant 8 : i32
        %add3A_1568 = arith.addi %mul3A_1566, %add3A_1567 : i32
        %add3A_1569 = arith.constant 5 : i32
        %add3A_1570 = arith.addi %add3A_1568, %add3A_1569 : i32
        %dma_start3A_1571 = arith.constant 5 : i32
        %dma_start3A_1572 = arith.constant 5 : i32
        %dma_start3A_1573 = arith.constant 0 : i32
        %dma_start3A_1574 = arith.constant 0 : i32
        %dma_start3A_1575 = tpu.memref_slice %arg12[%dma_start3A_1571, %dma_start3A_1573, %dma_start3A_1574] : memref<8x120x64xf32, #tpu.memory_space<vmem>> -> memref<1x120x64xf32, #tpu.memory_space<vmem>>
        %dma_start3A_1576 = tpu.memref_squeeze %dma_start3A_1575 : memref<1x120x64xf32, #tpu.memory_space<vmem>> -> memref<120x64xf32, #tpu.memory_space<vmem>>
        %dma_start3A_1577 = arith.constant 0 : i32
        %dma_start3A_1578 = tpu.memref_slice %arg9[%add3A_1570, %dma_start3A_1577] : memref<80x120xi32, #tpu.memory_space<vmem>> -> memref<1x120xi32, #tpu.memory_space<vmem>>
        %dma_start3A_1579 = tpu.memref_squeeze %dma_start3A_1578 : memref<1x120xi32, #tpu.memory_space<vmem>> -> memref<120xi32, #tpu.memory_space<vmem>>
        %dma_start3A_1580 = arith.constant 0 : i32
        %dma_start3A_1581 = arith.constant 0 : i32
        %dma_start3A_1582 = tpu.memref_slice %arg2[%dma_start3A_1580, %dma_start3A_1581] : memref<100000x64xf32, #tpu.memory_space<hbm>> -> memref<100000x64xf32, #tpu.memory_space<hbm>>
        %dma_start3A_1583 = tpu.memref_slice %arg13[%dma_start3A_1572] : memref<8x!tpu.dma_semaphore, #tpu.memory_space<semaphore_mem>> -> memref<1x!tpu.dma_semaphore, #tpu.memory_space<semaphore_mem>>
        %dma_start3A_1584 = tpu.memref_squeeze %dma_start3A_1583 : memref<1x!tpu.dma_semaphore, #tpu.memory_space<semaphore_mem>> -> memref<!tpu.dma_semaphore, #tpu.memory_space<semaphore_mem>>
        tpu.enqueue_indirect_dma source(%dma_start3A_1582 : memref<100000x64xf32, #tpu.memory_space<hbm>>) target(%dma_start3A_1576 : memref<120x64xf32, #tpu.memory_space<vmem>>) offsets(%dma_start3A_1579 : memref<120xi32, #tpu.memory_space<vmem>>) semaphore(%dma_start3A_1584 : memref<!tpu.dma_semaphore, #tpu.memory_space<semaphore_mem>>)
      } else {
      }
      %mul3A_1508 = arith.constant 8 : i32
      %mul3A_1509 = arith.muli %scan3A_789, %mul3A_1508 : i32
      %add3A_1510 = arith.constant 6 : i32
      %add3A_1511 = arith.addi %mul3A_1509, %add3A_1510 : i32
      %mul3A_1512 = arith.constant 120 : i32
      %mul3A_1513 = arith.muli %add3A_1511, %mul3A_1512 : i32
      %add3A_1514 = arith.addi %mul3A_2, %mul3A_1513 : i32
      %dma_wait3A_1515 = arith.constant 6 : i32
      %dma_wait3A_1516 = arith.constant 6 : i32
      %dma_wait3A_1517 = arith.constant 0 : i32
      %dma_wait3A_1518 = arith.constant 0 : i32
      %dma_wait3A_1519 = tpu.memref_slice %arg12[%dma_wait3A_1515, %dma_wait3A_1517, %dma_wait3A_1518] : memref<8x120x64xf32, #tpu.memory_space<vmem>> -> memref<1x120x64xf32, #tpu.memory_space<vmem>>
      %dma_wait3A_1520 = tpu.memref_squeeze %dma_wait3A_1519 : memref<1x120x64xf32, #tpu.memory_space<vmem>> -> memref<120x64xf32, #tpu.memory_space<vmem>>
      %dma_wait3A_1521 = arith.constant 0 : i32
      %dma_wait3A_1522 = tpu.memref_slice %arg7[%add3A_1514, %dma_wait3A_1521] : memref<307200x64xf32, #tpu.memory_space<hbm>> -> memref<120x64xf32, #tpu.memory_space<hbm>>
      %dma_wait3A_1523 = tpu.memref_slice %arg15[%dma_wait3A_1516] : memref<8x!tpu.dma_semaphore, #tpu.memory_space<semaphore_mem>> -> memref<1x!tpu.dma_semaphore, #tpu.memory_space<semaphore_mem>>
      %dma_wait3A_1524 = tpu.memref_squeeze %dma_wait3A_1523 : memref<1x!tpu.dma_semaphore, #tpu.memory_space<semaphore_mem>> -> memref<!tpu.dma_semaphore, #tpu.memory_space<semaphore_mem>>
      %dma_wait3A_1525 = arith.constant 0 : i32
      %dma_wait3A_1526 = tpu.memref_slice %arg7[%add3A_1514, %dma_wait3A_1525] : memref<307200x64xf32, #tpu.memory_space<hbm>> -> memref<120x64xf32, #tpu.memory_space<hbm>>
      %dma_wait3A_1527 = arith.constant 0 : i32
      %dma_wait3A_1528 = arith.constant 0 : i32
      %dma_wait3A_1529 = tpu.memref_slice %arg12[%dma_wait3A_1515, %dma_wait3A_1527, %dma_wait3A_1528] : memref<8x120x64xf32, #tpu.memory_space<vmem>> -> memref<1x120x64xf32, #tpu.memory_space<vmem>>
      %dma_wait3A_1530 = tpu.memref_squeeze %dma_wait3A_1529 : memref<1x120x64xf32, #tpu.memory_space<vmem>> -> memref<120x64xf32, #tpu.memory_space<vmem>>
      tpu.wait_dma2 semaphore(%dma_wait3A_1524 : memref<!tpu.dma_semaphore, #tpu.memory_space<semaphore_mem>>) src(%dma_wait3A_1530 : memref<120x64xf32, #tpu.memory_space<vmem>>) dst(%dma_wait3A_1526 : memref<120x64xf32, #tpu.memory_space<hbm>>)
      %lt3A_1531 = arith.constant 9 : i32
      %lt3A_1532 = arith.cmpi slt, %scan3A_789, %lt3A_1531 : i32
      %convert_element_type3A_1533 = arith.extui %lt3A_1532 : i1 to i32
      %cond3A_1534 = arith.constant 0 : i32
      %cond3A_1535 = arith.cmpi ne, %convert_element_type3A_1533, %cond3A_1534 : i32
      scf.if %cond3A_1535 {
        %mul3A_1565 = arith.constant 8 : i32
        %mul3A_1566 = arith.muli %scan3A_789, %mul3A_1565 : i32
        %add3A_1567 = arith.constant 8 : i32
        %add3A_1568 = arith.addi %mul3A_1566, %add3A_1567 : i32
        %add3A_1569 = arith.constant 6 : i32
        %add3A_1570 = arith.addi %add3A_1568, %add3A_1569 : i32
        %dma_start3A_1571 = arith.constant 6 : i32
        %dma_start3A_1572 = arith.constant 6 : i32
        %dma_start3A_1573 = arith.constant 0 : i32
        %dma_start3A_1574 = arith.constant 0 : i32
        %dma_start3A_1575 = tpu.memref_slice %arg12[%dma_start3A_1571, %dma_start3A_1573, %dma_start3A_1574] : memref<8x120x64xf32, #tpu.memory_space<vmem>> -> memref<1x120x64xf32, #tpu.memory_space<vmem>>
        %dma_start3A_1576 = tpu.memref_squeeze %dma_start3A_1575 : memref<1x120x64xf32, #tpu.memory_space<vmem>> -> memref<120x64xf32, #tpu.memory_space<vmem>>
        %dma_start3A_1577 = arith.constant 0 : i32
        %dma_start3A_1578 = tpu.memref_slice %arg9[%add3A_1570, %dma_start3A_1577] : memref<80x120xi32, #tpu.memory_space<vmem>> -> memref<1x120xi32, #tpu.memory_space<vmem>>
        %dma_start3A_1579 = tpu.memref_squeeze %dma_start3A_1578 : memref<1x120xi32, #tpu.memory_space<vmem>> -> memref<120xi32, #tpu.memory_space<vmem>>
        %dma_start3A_1580 = arith.constant 0 : i32
        %dma_start3A_1581 = arith.constant 0 : i32
        %dma_start3A_1582 = tpu.memref_slice %arg2[%dma_start3A_1580, %dma_start3A_1581] : memref<100000x64xf32, #tpu.memory_space<hbm>> -> memref<100000x64xf32, #tpu.memory_space<hbm>>
        %dma_start3A_1583 = tpu.memref_slice %arg13[%dma_start3A_1572] : memref<8x!tpu.dma_semaphore, #tpu.memory_space<semaphore_mem>> -> memref<1x!tpu.dma_semaphore, #tpu.memory_space<semaphore_mem>>
        %dma_start3A_1584 = tpu.memref_squeeze %dma_start3A_1583 : memref<1x!tpu.dma_semaphore, #tpu.memory_space<semaphore_mem>> -> memref<!tpu.dma_semaphore, #tpu.memory_space<semaphore_mem>>
        tpu.enqueue_indirect_dma source(%dma_start3A_1582 : memref<100000x64xf32, #tpu.memory_space<hbm>>) target(%dma_start3A_1576 : memref<120x64xf32, #tpu.memory_space<vmem>>) offsets(%dma_start3A_1579 : memref<120xi32, #tpu.memory_space<vmem>>) semaphore(%dma_start3A_1584 : memref<!tpu.dma_semaphore, #tpu.memory_space<semaphore_mem>>)
      } else {
      }
      %mul3A_1536 = arith.constant 8 : i32
      %mul3A_1537 = arith.muli %scan3A_789, %mul3A_1536 : i32
      %add3A_1538 = arith.constant 7 : i32
      %add3A_1539 = arith.addi %mul3A_1537, %add3A_1538 : i32
      %mul3A_1540 = arith.constant 120 : i32
      %mul3A_1541 = arith.muli %add3A_1539, %mul3A_1540 : i32
      %add3A_1542 = arith.addi %mul3A_2, %mul3A_1541 : i32
      %dma_wait3A_1543 = arith.constant 7 : i32
      %dma_wait3A_1544 = arith.constant 7 : i32
      %dma_wait3A_1545 = arith.constant 0 : i32
      %dma_wait3A_1546 = arith.constant 0 : i32
      %dma_wait3A_1547 = tpu.memref_slice %arg12[%dma_wait3A_1543, %dma_wait3A_1545, %dma_wait3A_1546] : memref<8x120x64xf32, #tpu.memory_space<vmem>> -> memref<1x120x64xf32, #tpu.memory_space<vmem>>
      %dma_wait3A_1548 = tpu.memref_squeeze %dma_wait3A_1547 : memref<1x120x64xf32, #tpu.memory_space<vmem>> -> memref<120x64xf32, #tpu.memory_space<vmem>>
      %dma_wait3A_1549 = arith.constant 0 : i32
      %dma_wait3A_1550 = tpu.memref_slice %arg7[%add3A_1542, %dma_wait3A_1549] : memref<307200x64xf32, #tpu.memory_space<hbm>> -> memref<120x64xf32, #tpu.memory_space<hbm>>
      %dma_wait3A_1551 = tpu.memref_slice %arg15[%dma_wait3A_1544] : memref<8x!tpu.dma_semaphore, #tpu.memory_space<semaphore_mem>> -> memref<1x!tpu.dma_semaphore, #tpu.memory_space<semaphore_mem>>
      %dma_wait3A_1552 = tpu.memref_squeeze %dma_wait3A_1551 : memref<1x!tpu.dma_semaphore, #tpu.memory_space<semaphore_mem>> -> memref<!tpu.dma_semaphore, #tpu.memory_space<semaphore_mem>>
      %dma_wait3A_1553 = arith.constant 0 : i32
      %dma_wait3A_1554 = tpu.memref_slice %arg7[%add3A_1542, %dma_wait3A_1553] : memref<307200x64xf32, #tpu.memory_space<hbm>> -> memref<120x64xf32, #tpu.memory_space<hbm>>
      %dma_wait3A_1555 = arith.constant 0 : i32
      %dma_wait3A_1556 = arith.constant 0 : i32
      %dma_wait3A_1557 = tpu.memref_slice %arg12[%dma_wait3A_1543, %dma_wait3A_1555, %dma_wait3A_1556] : memref<8x120x64xf32, #tpu.memory_space<vmem>> -> memref<1x120x64xf32, #tpu.memory_space<vmem>>
      %dma_wait3A_1558 = tpu.memref_squeeze %dma_wait3A_1557 : memref<1x120x64xf32, #tpu.memory_space<vmem>> -> memref<120x64xf32, #tpu.memory_space<vmem>>
      tpu.wait_dma2 semaphore(%dma_wait3A_1552 : memref<!tpu.dma_semaphore, #tpu.memory_space<semaphore_mem>>) src(%dma_wait3A_1558 : memref<120x64xf32, #tpu.memory_space<vmem>>) dst(%dma_wait3A_1554 : memref<120x64xf32, #tpu.memory_space<hbm>>)
      %lt3A_1559 = arith.constant 9 : i32
      %lt3A_1560 = arith.cmpi slt, %scan3A_789, %lt3A_1559 : i32
      %convert_element_type3A_1561 = arith.extui %lt3A_1560 : i1 to i32
      %cond3A_1562 = arith.constant 0 : i32
      %cond3A_1563 = arith.cmpi ne, %convert_element_type3A_1561, %cond3A_1562 : i32
      scf.if %cond3A_1563 {
        %mul3A_1565 = arith.constant 8 : i32
        %mul3A_1566 = arith.muli %scan3A_789, %mul3A_1565 : i32
        %add3A_1567 = arith.constant 8 : i32
        %add3A_1568 = arith.addi %mul3A_1566, %add3A_1567 : i32
        %add3A_1569 = arith.constant 7 : i32
        %add3A_1570 = arith.addi %add3A_1568, %add3A_1569 : i32
        %dma_start3A_1571 = arith.constant 7 : i32
        %dma_start3A_1572 = arith.constant 7 : i32
        %dma_start3A_1573 = arith.constant 0 : i32
        %dma_start3A_1574 = arith.constant 0 : i32
        %dma_start3A_1575 = tpu.memref_slice %arg12[%dma_start3A_1571, %dma_start3A_1573, %dma_start3A_1574] : memref<8x120x64xf32, #tpu.memory_space<vmem>> -> memref<1x120x64xf32, #tpu.memory_space<vmem>>
        %dma_start3A_1576 = tpu.memref_squeeze %dma_start3A_1575 : memref<1x120x64xf32, #tpu.memory_space<vmem>> -> memref<120x64xf32, #tpu.memory_space<vmem>>
        %dma_start3A_1577 = arith.constant 0 : i32
        %dma_start3A_1578 = tpu.memref_slice %arg9[%add3A_1570, %dma_start3A_1577] : memref<80x120xi32, #tpu.memory_space<vmem>> -> memref<1x120xi32, #tpu.memory_space<vmem>>
        %dma_start3A_1579 = tpu.memref_squeeze %dma_start3A_1578 : memref<1x120xi32, #tpu.memory_space<vmem>> -> memref<120xi32, #tpu.memory_space<vmem>>
        %dma_start3A_1580 = arith.constant 0 : i32
        %dma_start3A_1581 = arith.constant 0 : i32
        %dma_start3A_1582 = tpu.memref_slice %arg2[%dma_start3A_1580, %dma_start3A_1581] : memref<100000x64xf32, #tpu.memory_space<hbm>> -> memref<100000x64xf32, #tpu.memory_space<hbm>>
        %dma_start3A_1583 = tpu.memref_slice %arg13[%dma_start3A_1572] : memref<8x!tpu.dma_semaphore, #tpu.memory_space<semaphore_mem>> -> memref<1x!tpu.dma_semaphore, #tpu.memory_space<semaphore_mem>>
        %dma_start3A_1584 = tpu.memref_squeeze %dma_start3A_1583 : memref<1x!tpu.dma_semaphore, #tpu.memory_space<semaphore_mem>> -> memref<!tpu.dma_semaphore, #tpu.memory_space<semaphore_mem>>
        tpu.enqueue_indirect_dma source(%dma_start3A_1582 : memref<100000x64xf32, #tpu.memory_space<hbm>>) target(%dma_start3A_1576 : memref<120x64xf32, #tpu.memory_space<vmem>>) offsets(%dma_start3A_1579 : memref<120xi32, #tpu.memory_space<vmem>>) semaphore(%dma_start3A_1584 : memref<!tpu.dma_semaphore, #tpu.memory_space<semaphore_mem>>)
      } else {
      }
      %scan3A_1564 = arith.constant 0 : i32
      scf.yield %scan3A_1564 : i32
    }
    %scan3A_788 = arith.constant 10 : i32
    return
  }
}

module attributes {stable_mosaic.version = 14 : i64} {
  func.func @_pair_table_body(%arg0: i32, %arg1: memref<8x64xf32, #tpu.memory_space<vmem>>, %arg2: memref<200x64xf32, #tpu.memory_space<vmem>>, %arg3: memref<2x64xf32, #tpu.memory_space<vmem>>, %arg4: memref<1600x64xf32, #tpu.memory_space<vmem>>) attributes {dimension_semantics = [#tpu.dimension_semantics<arbitrary>], iteration_bounds = array<i64: 25>, scalar_prefetch = 0 : i64, scratch_operands = 0 : i64, tpu.core_type = #tpu.core_type<tc>, window_params = [{transform_indices = @transform_0, window_bounds = array<i64: 8, 64>}, {pipeline_mode = #tpu.pipeline_mode<synchronous>, transform_indices = @transform_1, window_bounds = array<i64: 200, 64>}, {pipeline_mode = #tpu.pipeline_mode<synchronous>, transform_indices = @transform_2, window_bounds = array<i64: 2, 64>}, {transform_indices = @transform_3, window_bounds = array<i64: 1600, 64>}]} {
    %get3A = arith.constant 0 : index
    %get3A_0 = arith.constant 0 : index
    %get3A_1 = vector.load %arg1[%get3A, %get3A_0] : memref<8x64xf32, #tpu.memory_space<vmem>>, vector<8x64xf32>
    %broadcast_in_dim3A = vector.shape_cast %get3A_1 : vector<8x64xf32> to vector<8x1x64xf32>
    %get3A_2 = arith.constant 0 : index
    %get3A_3 = arith.constant 0 : index
    %get3A_4 = vector.load %arg2[%get3A_2, %get3A_3] : memref<200x64xf32, #tpu.memory_space<vmem>>, vector<200x64xf32>
    %broadcast_in_dim3A_5 = vector.shape_cast %get3A_4 : vector<200x64xf32> to vector<1x200x64xf32>
    %add3A = vector.broadcast %broadcast_in_dim3A : vector<8x1x64xf32> to vector<8x200x64xf32>
    %add3A_6 = vector.broadcast %broadcast_in_dim3A_5 : vector<1x200x64xf32> to vector<8x200x64xf32>
    %add3A_7 = arith.addf %add3A, %add3A_6 : vector<8x200x64xf32>
    %get3A_8 = arith.constant 1 : index
    %get3A_9 = arith.constant 0 : index
    %get3A_10 = vector.load %arg3[%get3A_8, %get3A_9] : memref<2x64xf32, #tpu.memory_space<vmem>>, vector<1x64xf32>
    %get3A_11 = vector.shape_cast %get3A_10 : vector<1x64xf32> to vector<64xf32>
    %broadcast_in_dim3A_12 = vector.shape_cast %get3A_11 : vector<64xf32> to vector<1x1x64xf32>
    %add3A_13 = vector.broadcast %broadcast_in_dim3A_12 : vector<1x1x64xf32> to vector<8x200x64xf32>
    %add3A_14 = arith.addf %add3A_7, %add3A_13 : vector<8x200x64xf32>
    %reshape3A = vector.shape_cast %add3A_14 : vector<8x200x64xf32> to vector<1600x64xf32>
    %swap3A = arith.constant 0 : index
    %swap3A_15 = arith.constant 0 : index
    %swap3A_16 = vector.load %arg4[%swap3A, %swap3A_15] : memref<1600x64xf32, #tpu.memory_space<vmem>>, vector<1600x64xf32>
    tpu.vector_store %arg4[%swap3A, %swap3A_15], %reshape3A {strides = array<i32>} : memref<1600x64xf32, #tpu.memory_space<vmem>>, vector<1600x64xf32>,
    return
  }
  func.func @transform_0(%arg0: i32) -> (i32, i32) {
    %c0_i32 = arith.constant 0 : i32
    %c0_i32_0 = arith.constant 0 : i32
    return %arg0, %c0_i32 : i32, i32
  }
  func.func @transform_1(%arg0: i32) -> (i32, i32) {
    %c0_i32 = arith.constant 0 : i32
    %c0_i32_0 = arith.constant 0 : i32
    %c0_i32_1 = arith.constant 0 : i32
    return %c0_i32, %c0_i32_0 : i32, i32
  }
  func.func @transform_2(%arg0: i32) -> (i32, i32) {
    %c0_i32 = arith.constant 0 : i32
    %c0_i32_0 = arith.constant 0 : i32
    %c0_i32_1 = arith.constant 0 : i32
    return %c0_i32, %c0_i32_0 : i32, i32
  }
  func.func @transform_3(%arg0: i32) -> (i32, i32) {
    %c0_i32 = arith.constant 0 : i32
    %c0_i32_0 = arith.constant 0 : i32
    return %arg0, %c0_i32 : i32, i32
  }
}

module attributes {stable_mosaic.version = 14 : i64} {
  func.func @_epilogue_body(%arg0: i32, %arg1: memref<12x400x64xf32, #tpu.memory_space<vmem>>, %arg2: memref<400x64xf32, #tpu.memory_space<vmem>>, %arg3: memref<8x50x64xf32, #tpu.memory_space<vmem>>, %arg4: memref<8x50xf32, #tpu.memory_space<vmem>>, %arg5: memref<8x50x12xf32, #tpu.memory_space<vmem>>, %arg6: memref<400x64xf32, #tpu.memory_space<vmem>>) attributes {dimension_semantics = [#tpu.dimension_semantics<arbitrary>], iteration_bounds = array<i64: 64>, scalar_prefetch = 0 : i64, scratch_operands = 0 : i64, tpu.core_type = #tpu.core_type<tc>, window_params = [{transform_indices = @transform_0, window_bounds = array<i64: 12, 400, 64>}, {transform_indices = @transform_1, window_bounds = array<i64: 400, 64>}, {transform_indices = @transform_2, window_bounds = array<i64: 8, 50, 64>}, {transform_indices = @transform_3, window_bounds = array<i64: 8, 50>}, {transform_indices = @transform_4, window_bounds = array<i64: 8, 50, 12>}, {transform_indices = @transform_5, window_bounds = array<i64: 400, 64>}]} {
    %get3A = arith.constant 0 : index
    %get3A_0 = arith.constant 0 : index
    %get3A_1 = vector.load %arg4[%get3A, %get3A_0] : memref<8x50xf32, #tpu.memory_space<vmem>>, vector<8x50xf32>
    %get3A_2 = arith.constant 0 : index
    %get3A_3 = arith.constant 0 : index
    %get3A_4 = arith.constant 0 : index
    %get3A_5 = vector.load %arg3[%get3A_2, %get3A_3, %get3A_4] : memref<8x50x64xf32, #tpu.memory_space<vmem>>, vector<8x50x64xf32>
    %reduce_sum3A = arith.constant dense<0.000000e+00> : vector<8xf32>
    %reduce_sum3A_6 = vector.multi_reduction <add>, %get3A_1, %reduce_sum3A [1] : vector<8x50xf32> to vector<8xf32>
    %broadcast_in_dim3A = vector.shape_cast %reduce_sum3A_6 : vector<8xf32> to vector<8x1xf32>
    %add3A = arith.constant 9.99999993E-9 : f32
    %add3A_7 = vector.broadcast %add3A : f32 to vector<8x1xf32>
    %add3A_8 = arith.addf %broadcast_in_dim3A, %add3A_7 : vector<8x1xf32>
    %broadcast_in_dim3A_9 = vector.shape_cast %get3A_1 : vector<8x50xf32> to vector<8x50x1xf32>
    %mul3A = vector.broadcast %broadcast_in_dim3A_9 : vector<8x50x1xf32> to vector<8x50x64xf32>
    %mul3A_10 = arith.mulf %get3A_5, %mul3A : vector<8x50x64xf32>
    %reduce_sum3A_11 = arith.constant dense<0.000000e+00> : vector<8x64xf32>
    %reduce_sum3A_12 = vector.multi_reduction <add>, %mul3A_10, %reduce_sum3A_11 [1] : vector<8x50x64xf32> to vector<8x64xf32>
    %div3A = vector.broadcast %add3A_8 : vector<8x1xf32> to vector<8x64xf32>
    %div3A_13 = arith.divf %reduce_sum3A_12, %div3A : vector<8x64xf32>
    %broadcast_in_dim3A_14 = vector.shape_cast %div3A_13 : vector<8x64xf32> to vector<8x1x64xf32>
    %broadcast_in_dim3A_15 = vector.shape_cast %broadcast_in_dim3A_14 : vector<8x1x64xf32> to vector<8x1x64xf32>
    %broadcast_in_dim3A_16 = vector.broadcast %broadcast_in_dim3A_15 : vector<8x1x64xf32> to vector<8x50x64xf32>
    %reshape3A = vector.shape_cast %broadcast_in_dim3A_16 : vector<8x50x64xf32> to vector<400x64xf32>
    %get3A_17 = arith.constant 0 : index
    %get3A_18 = arith.constant 0 : index
    %get3A_19 = arith.constant 0 : index
    %get3A_20 = vector.load %arg1[%get3A_17, %get3A_18, %get3A_19] : memref<12x400x64xf32, #tpu.memory_space<vmem>>, vector<1x400x64xf32>
    %get3A_21 = vector.shape_cast %get3A_20 : vector<1x400x64xf32> to vector<400x64xf32>
    %get3A_22 = arith.constant 1 : index
    %get3A_23 = arith.constant 0 : index
    %get3A_24 = arith.constant 0 : index
    %get3A_25 = vector.load %arg1[%get3A_22, %get3A_23, %get3A_24] : memref<12x400x64xf32, #tpu.memory_space<vmem>>, vector<1x400x64xf32>
    %get3A_26 = vector.shape_cast %get3A_25 : vector<1x400x64xf32> to vector<400x64xf32>
    %get3A_27 = arith.constant 2 : index
    %get3A_28 = arith.constant 0 : index
    %get3A_29 = arith.constant 0 : index
    %get3A_30 = vector.load %arg1[%get3A_27, %get3A_28, %get3A_29] : memref<12x400x64xf32, #tpu.memory_space<vmem>>, vector<1x400x64xf32>
    %get3A_31 = vector.shape_cast %get3A_30 : vector<1x400x64xf32> to vector<400x64xf32>
    %get3A_32 = arith.constant 3 : index
    %get3A_33 = arith.constant 0 : index
    %get3A_34 = arith.constant 0 : index
    %get3A_35 = vector.load %arg1[%get3A_32, %get3A_33, %get3A_34] : memref<12x400x64xf32, #tpu.memory_space<vmem>>, vector<1x400x64xf32>
    %get3A_36 = vector.shape_cast %get3A_35 : vector<1x400x64xf32> to vector<400x64xf32>
    %get3A_37 = arith.constant 4 : index
    %get3A_38 = arith.constant 0 : index
    %get3A_39 = arith.constant 0 : index
    %get3A_40 = vector.load %arg1[%get3A_37, %get3A_38, %get3A_39] : memref<12x400x64xf32, #tpu.memory_space<vmem>>, vector<1x400x64xf32>
    %get3A_41 = vector.shape_cast %get3A_40 : vector<1x400x64xf32> to vector<400x64xf32>
    %get3A_42 = arith.constant 5 : index
    %get3A_43 = arith.constant 0 : index
    %get3A_44 = arith.constant 0 : index
    %get3A_45 = vector.load %arg1[%get3A_42, %get3A_43, %get3A_44] : memref<12x400x64xf32, #tpu.memory_space<vmem>>, vector<1x400x64xf32>
    %get3A_46 = vector.shape_cast %get3A_45 : vector<1x400x64xf32> to vector<400x64xf32>
    %get3A_47 = arith.constant 6 : index
    %get3A_48 = arith.constant 0 : index
    %get3A_49 = arith.constant 0 : index
    %get3A_50 = vector.load %arg1[%get3A_47, %get3A_48, %get3A_49] : memref<12x400x64xf32, #tpu.memory_space<vmem>>, vector<1x400x64xf32>
    %get3A_51 = vector.shape_cast %get3A_50 : vector<1x400x64xf32> to vector<400x64xf32>
    %get3A_52 = arith.constant 7 : index
    %get3A_53 = arith.constant 0 : index
    %get3A_54 = arith.constant 0 : index
    %get3A_55 = vector.load %arg1[%get3A_52, %get3A_53, %get3A_54] : memref<12x400x64xf32, #tpu.memory_space<vmem>>, vector<1x400x64xf32>
    %get3A_56 = vector.shape_cast %get3A_55 : vector<1x400x64xf32> to vector<400x64xf32>
    %get3A_57 = arith.constant 8 : index
    %get3A_58 = arith.constant 0 : index
    %get3A_59 = arith.constant 0 : index
    %get3A_60 = vector.load %arg1[%get3A_57, %get3A_58, %get3A_59] : memref<12x400x64xf32, #tpu.memory_space<vmem>>, vector<1x400x64xf32>
    %get3A_61 = vector.shape_cast %get3A_60 : vector<1x400x64xf32> to vector<400x64xf32>
    %get3A_62 = arith.constant 9 : index
    %get3A_63 = arith.constant 0 : index
    %get3A_64 = arith.constant 0 : index
    %get3A_65 = vector.load %arg1[%get3A_62, %get3A_63, %get3A_64] : memref<12x400x64xf32, #tpu.memory_space<vmem>>, vector<1x400x64xf32>
    %get3A_66 = vector.shape_cast %get3A_65 : vector<1x400x64xf32> to vector<400x64xf32>
    %get3A_67 = arith.constant 10 : index
    %get3A_68 = arith.constant 0 : index
    %get3A_69 = arith.constant 0 : index
    %get3A_70 = vector.load %arg1[%get3A_67, %get3A_68, %get3A_69] : memref<12x400x64xf32, #tpu.memory_space<vmem>>, vector<1x400x64xf32>
    %get3A_71 = vector.shape_cast %get3A_70 : vector<1x400x64xf32> to vector<400x64xf32>
    %get3A_72 = arith.constant 11 : index
    %get3A_73 = arith.constant 0 : index
    %get3A_74 = arith.constant 0 : index
    %get3A_75 = vector.load %arg1[%get3A_72, %get3A_73, %get3A_74] : memref<12x400x64xf32, #tpu.memory_space<vmem>>, vector<1x400x64xf32>
    %get3A_76 = vector.shape_cast %get3A_75 : vector<1x400x64xf32> to vector<400x64xf32>
    %get3A_77 = arith.constant 0 : index
    %get3A_78 = arith.constant 0 : index
    %get3A_79 = arith.constant 0 : index
    %get3A_80 = vector.load %arg5[%get3A_77, %get3A_78, %get3A_79] : memref<8x50x12xf32, #tpu.memory_space<vmem>>, vector<8x50x12xf32>
    %mul3A_81 = arith.mulf %get3A_21, %reshape3A : vector<400x64xf32>
    %reduce_sum3A_82 = arith.constant dense<0.000000e+00> : vector<400xf32>
    %reduce_sum3A_83 = vector.multi_reduction <add>, %mul3A_81, %reduce_sum3A_82 [1] : vector<400x64xf32> to vector<400xf32>
    %slice3A = vector.extract_strided_slice %get3A_80 {offsets = [0, 0, 0], sizes = [8, 50, 1], strides = [1, 1, 1]} : vector<8x50x12xf32> to vector<8x50x1xf32>
    %squeeze3A = vector.shape_cast %slice3A : vector<8x50x1xf32> to vector<8x50xf32>
    %reshape3A_84 = vector.shape_cast %squeeze3A : vector<8x50xf32> to vector<400xf32>
    %mul3A_85 = arith.mulf %reduce_sum3A_83, %reshape3A_84 : vector<400xf32>
    %mul3A_86 = arith.mulf %get3A_26, %reshape3A : vector<400x64xf32>
    %reduce_sum3A_87 = arith.constant dense<0.000000e+00> : vector<400xf32>
    %reduce_sum3A_88 = vector.multi_reduction <add>, %mul3A_86, %reduce_sum3A_87 [1] : vector<400x64xf32> to vector<400xf32>
    %slice3A_89 = vector.extract_strided_slice %get3A_80 {offsets = [0, 0, 1], sizes = [8, 50, 1], strides = [1, 1, 1]} : vector<8x50x12xf32> to vector<8x50x1xf32>
    %squeeze3A_90 = vector.shape_cast %slice3A_89 : vector<8x50x1xf32> to vector<8x50xf32>
    %reshape3A_91 = vector.shape_cast %squeeze3A_90 : vector<8x50xf32> to vector<400xf32>
    %mul3A_92 = arith.mulf %reduce_sum3A_88, %reshape3A_91 : vector<400xf32>
    %mul3A_93 = arith.mulf %get3A_31, %reshape3A : vector<400x64xf32>
    %reduce_sum3A_94 = arith.constant dense<0.000000e+00> : vector<400xf32>
    %reduce_sum3A_95 = vector.multi_reduction <add>, %mul3A_93, %reduce_sum3A_94 [1] : vector<400x64xf32> to vector<400xf32>
    %slice3A_96 = vector.extract_strided_slice %get3A_80 {offsets = [0, 0, 2], sizes = [8, 50, 1], strides = [1, 1, 1]} : vector<8x50x12xf32> to vector<8x50x1xf32>
    %squeeze3A_97 = vector.shape_cast %slice3A_96 : vector<8x50x1xf32> to vector<8x50xf32>
    %reshape3A_98 = vector.shape_cast %squeeze3A_97 : vector<8x50xf32> to vector<400xf32>
    %mul3A_99 = arith.mulf %reduce_sum3A_95, %reshape3A_98 : vector<400xf32>
    %mul3A_100 = arith.mulf %get3A_36, %reshape3A : vector<400x64xf32>
    %reduce_sum3A_101 = arith.constant dense<0.000000e+00> : vector<400xf32>
    %reduce_sum3A_102 = vector.multi_reduction <add>, %mul3A_100, %reduce_sum3A_101 [1] : vector<400x64xf32> to vector<400xf32>
    %slice3A_103 = vector.extract_strided_slice %get3A_80 {offsets = [0, 0, 3], sizes = [8, 50, 1], strides = [1, 1, 1]} : vector<8x50x12xf32> to vector<8x50x1xf32>
    %squeeze3A_104 = vector.shape_cast %slice3A_103 : vector<8x50x1xf32> to vector<8x50xf32>
    %reshape3A_105 = vector.shape_cast %squeeze3A_104 : vector<8x50xf32> to vector<400xf32>
    %mul3A_106 = arith.mulf %reduce_sum3A_102, %reshape3A_105 : vector<400xf32>
    %mul3A_107 = arith.mulf %get3A_41, %reshape3A : vector<400x64xf32>
    %reduce_sum3A_108 = arith.constant dense<0.000000e+00> : vector<400xf32>
    %reduce_sum3A_109 = vector.multi_reduction <add>, %mul3A_107, %reduce_sum3A_108 [1] : vector<400x64xf32> to vector<400xf32>
    %slice3A_110 = vector.extract_strided_slice %get3A_80 {offsets = [0, 0, 4], sizes = [8, 50, 1], strides = [1, 1, 1]} : vector<8x50x12xf32> to vector<8x50x1xf32>
    %squeeze3A_111 = vector.shape_cast %slice3A_110 : vector<8x50x1xf32> to vector<8x50xf32>
    %reshape3A_112 = vector.shape_cast %squeeze3A_111 : vector<8x50xf32> to vector<400xf32>
    %mul3A_113 = arith.mulf %reduce_sum3A_109, %reshape3A_112 : vector<400xf32>
    %mul3A_114 = arith.mulf %get3A_46, %reshape3A : vector<400x64xf32>
    %reduce_sum3A_115 = arith.constant dense<0.000000e+00> : vector<400xf32>
    %reduce_sum3A_116 = vector.multi_reduction <add>, %mul3A_114, %reduce_sum3A_115 [1] : vector<400x64xf32> to vector<400xf32>
    %slice3A_117 = vector.extract_strided_slice %get3A_80 {offsets = [0, 0, 5], sizes = [8, 50, 1], strides = [1, 1, 1]} : vector<8x50x12xf32> to vector<8x50x1xf32>
    %squeeze3A_118 = vector.shape_cast %slice3A_117 : vector<8x50x1xf32> to vector<8x50xf32>
    %reshape3A_119 = vector.shape_cast %squeeze3A_118 : vector<8x50xf32> to vector<400xf32>
    %mul3A_120 = arith.mulf %reduce_sum3A_116, %reshape3A_119 : vector<400xf32>
    %mul3A_121 = arith.mulf %get3A_51, %reshape3A : vector<400x64xf32>
    %reduce_sum3A_122 = arith.constant dense<0.000000e+00> : vector<400xf32>
    %reduce_sum3A_123 = vector.multi_reduction <add>, %mul3A_121, %reduce_sum3A_122 [1] : vector<400x64xf32> to vector<400xf32>
    %slice3A_124 = vector.extract_strided_slice %get3A_80 {offsets = [0, 0, 6], sizes = [8, 50, 1], strides = [1, 1, 1]} : vector<8x50x12xf32> to vector<8x50x1xf32>
    %squeeze3A_125 = vector.shape_cast %slice3A_124 : vector<8x50x1xf32> to vector<8x50xf32>
    %reshape3A_126 = vector.shape_cast %squeeze3A_125 : vector<8x50xf32> to vector<400xf32>
    %mul3A_127 = arith.mulf %reduce_sum3A_123, %reshape3A_126 : vector<400xf32>
    %mul3A_128 = arith.mulf %get3A_56, %reshape3A : vector<400x64xf32>
    %reduce_sum3A_129 = arith.constant dense<0.000000e+00> : vector<400xf32>
    %reduce_sum3A_130 = vector.multi_reduction <add>, %mul3A_128, %reduce_sum3A_129 [1] : vector<400x64xf32> to vector<400xf32>
    %slice3A_131 = vector.extract_strided_slice %get3A_80 {offsets = [0, 0, 7], sizes = [8, 50, 1], strides = [1, 1, 1]} : vector<8x50x12xf32> to vector<8x50x1xf32>
    %squeeze3A_132 = vector.shape_cast %slice3A_131 : vector<8x50x1xf32> to vector<8x50xf32>
    %reshape3A_133 = vector.shape_cast %squeeze3A_132 : vector<8x50xf32> to vector<400xf32>
    %mul3A_134 = arith.mulf %reduce_sum3A_130, %reshape3A_133 : vector<400xf32>
    %mul3A_135 = arith.mulf %get3A_61, %reshape3A : vector<400x64xf32>
    %reduce_sum3A_136 = arith.constant dense<0.000000e+00> : vector<400xf32>
    %reduce_sum3A_137 = vector.multi_reduction <add>, %mul3A_135, %reduce_sum3A_136 [1] : vector<400x64xf32> to vector<400xf32>
    %slice3A_138 = vector.extract_strided_slice %get3A_80 {offsets = [0, 0, 8], sizes = [8, 50, 1], strides = [1, 1, 1]} : vector<8x50x12xf32> to vector<8x50x1xf32>
    %squeeze3A_139 = vector.shape_cast %slice3A_138 : vector<8x50x1xf32> to vector<8x50xf32>
    %reshape3A_140 = vector.shape_cast %squeeze3A_139 : vector<8x50xf32> to vector<400xf32>
    %mul3A_141 = arith.mulf %reduce_sum3A_137, %reshape3A_140 : vector<400xf32>
    %mul3A_142 = arith.mulf %get3A_66, %reshape3A : vector<400x64xf32>
    %reduce_sum3A_143 = arith.constant dense<0.000000e+00> : vector<400xf32>
    %reduce_sum3A_144 = vector.multi_reduction <add>, %mul3A_142, %reduce_sum3A_143 [1] : vector<400x64xf32> to vector<400xf32>
    %slice3A_145 = vector.extract_strided_slice %get3A_80 {offsets = [0, 0, 9], sizes = [8, 50, 1], strides = [1, 1, 1]} : vector<8x50x12xf32> to vector<8x50x1xf32>
    %squeeze3A_146 = vector.shape_cast %slice3A_145 : vector<8x50x1xf32> to vector<8x50xf32>
    %reshape3A_147 = vector.shape_cast %squeeze3A_146 : vector<8x50xf32> to vector<400xf32>
    %mul3A_148 = arith.mulf %reduce_sum3A_144, %reshape3A_147 : vector<400xf32>
    %mul3A_149 = arith.mulf %get3A_71, %reshape3A : vector<400x64xf32>
    %reduce_sum3A_150 = arith.constant dense<0.000000e+00> : vector<400xf32>
    %reduce_sum3A_151 = vector.multi_reduction <add>, %mul3A_149, %reduce_sum3A_150 [1] : vector<400x64xf32> to vector<400xf32>
    %slice3A_152 = vector.extract_strided_slice %get3A_80 {offsets = [0, 0, 10], sizes = [8, 50, 1], strides = [1, 1, 1]} : vector<8x50x12xf32> to vector<8x50x1xf32>
    %squeeze3A_153 = vector.shape_cast %slice3A_152 : vector<8x50x1xf32> to vector<8x50xf32>
    %reshape3A_154 = vector.shape_cast %squeeze3A_153 : vector<8x50xf32> to vector<400xf32>
    %mul3A_155 = arith.mulf %reduce_sum3A_151, %reshape3A_154 : vector<400xf32>
    %mul3A_156 = arith.mulf %get3A_76, %reshape3A : vector<400x64xf32>
    %reduce_sum3A_157 = arith.constant dense<0.000000e+00> : vector<400xf32>
    %reduce_sum3A_158 = vector.multi_reduction <add>, %mul3A_156, %reduce_sum3A_157 [1] : vector<400x64xf32> to vector<400xf32>
    %slice3A_159 = vector.extract_strided_slice %get3A_80 {offsets = [0, 0, 11], sizes = [8, 50, 1], strides = [1, 1, 1]} : vector<8x50x12xf32> to vector<8x50x1xf32>
    %squeeze3A_160 = vector.shape_cast %slice3A_159 : vector<8x50x1xf32> to vector<8x50xf32>
    %reshape3A_161 = vector.shape_cast %squeeze3A_160 : vector<8x50xf32> to vector<400xf32>
    %mul3A_162 = arith.mulf %reduce_sum3A_158, %reshape3A_161 : vector<400xf32>
    %max3A = arith.maximumf %mul3A_85, %mul3A_92 : vector<400xf32>
    %max3A_163 = arith.maximumf %mul3A_99, %mul3A_106 : vector<400xf32>
    %max3A_164 = arith.maximumf %mul3A_113, %mul3A_120 : vector<400xf32>
    %max3A_165 = arith.maximumf %mul3A_127, %mul3A_134 : vector<400xf32>
    %max3A_166 = arith.maximumf %mul3A_141, %mul3A_148 : vector<400xf32>
    %max3A_167 = arith.maximumf %mul3A_155, %mul3A_162 : vector<400xf32>
    %max3A_168 = arith.maximumf %max3A, %max3A_163 : vector<400xf32>
    %max3A_169 = arith.maximumf %max3A_164, %max3A_165 : vector<400xf32>
    %max3A_170 = arith.maximumf %max3A_166, %max3A_167 : vector<400xf32>
    %max3A_171 = arith.maximumf %max3A_168, %max3A_169 : vector<400xf32>
    %max3A_172 = arith.maximumf %max3A_171, %max3A_170 : vector<400xf32>
    %sub3A = arith.subf %mul3A_85, %max3A_172 : vector<400xf32>
    %exp3A = math.exp %sub3A : vector<400xf32>
    %sub3A_173 = arith.subf %mul3A_92, %max3A_172 : vector<400xf32>
    %exp3A_174 = math.exp %sub3A_173 : vector<400xf32>
    %sub3A_175 = arith.subf %mul3A_99, %max3A_172 : vector<400xf32>
    %exp3A_176 = math.exp %sub3A_175 : vector<400xf32>
    %sub3A_177 = arith.subf %mul3A_106, %max3A_172 : vector<400xf32>
    %exp3A_178 = math.exp %sub3A_177 : vector<400xf32>
    %sub3A_179 = arith.subf %mul3A_113, %max3A_172 : vector<400xf32>
    %exp3A_180 = math.exp %sub3A_179 : vector<400xf32>
    %sub3A_181 = arith.subf %mul3A_120, %max3A_172 : vector<400xf32>
    %exp3A_182 = math.exp %sub3A_181 : vector<400xf32>
    %sub3A_183 = arith.subf %mul3A_127, %max3A_172 : vector<400xf32>
    %exp3A_184 = math.exp %sub3A_183 : vector<400xf32>
    %sub3A_185 = arith.subf %mul3A_134, %max3A_172 : vector<400xf32>
    %exp3A_186 = math.exp %sub3A_185 : vector<400xf32>
    %sub3A_187 = arith.subf %mul3A_141, %max3A_172 : vector<400xf32>
    %exp3A_188 = math.exp %sub3A_187 : vector<400xf32>
    %sub3A_189 = arith.subf %mul3A_148, %max3A_172 : vector<400xf32>
    %exp3A_190 = math.exp %sub3A_189 : vector<400xf32>
    %sub3A_191 = arith.subf %mul3A_155, %max3A_172 : vector<400xf32>
    %exp3A_192 = math.exp %sub3A_191 : vector<400xf32>
    %sub3A_193 = arith.subf %mul3A_162, %max3A_172 : vector<400xf32>
    %exp3A_194 = math.exp %sub3A_193 : vector<400xf32>
    %add3A_195 = arith.addf %exp3A, %exp3A_174 : vector<400xf32>
    %add3A_196 = arith.addf %exp3A_176, %exp3A_178 : vector<400xf32>
    %add3A_197 = arith.addf %exp3A_180, %exp3A_182 : vector<400xf32>
    %add3A_198 = arith.addf %exp3A_184, %exp3A_186 : vector<400xf32>
    %add3A_199 = arith.addf %exp3A_188, %exp3A_190 : vector<400xf32>
    %add3A_200 = arith.addf %exp3A_192, %exp3A_194 : vector<400xf32>
    %add3A_201 = arith.addf %add3A_195, %add3A_196 : vector<400xf32>
    %add3A_202 = arith.addf %add3A_197, %add3A_198 : vector<400xf32>
    %add3A_203 = arith.addf %add3A_199, %add3A_200 : vector<400xf32>
    %add3A_204 = arith.addf %add3A_201, %add3A_202 : vector<400xf32>
    %add3A_205 = arith.addf %add3A_204, %add3A_203 : vector<400xf32>
    %div3A_206 = arith.constant 1.000000e+00 : f32
    %div3A_207 = vector.broadcast %div3A_206 : f32 to vector<400xf32>
    %div3A_208 = arith.divf %div3A_207, %add3A_205 : vector<400xf32>
    %mul3A_209 = arith.mulf %exp3A, %div3A_208 : vector<400xf32>
    %broadcast_in_dim3A_210 = vector.shape_cast %mul3A_209 : vector<400xf32> to vector<400x1xf32>
    %mul3A_211 = vector.broadcast %broadcast_in_dim3A_210 : vector<400x1xf32> to vector<400x64xf32>
    %mul3A_212 = arith.mulf %mul3A_211, %get3A_21 : vector<400x64xf32>
    %mul3A_213 = arith.mulf %exp3A_174, %div3A_208 : vector<400xf32>
    %broadcast_in_dim3A_214 = vector.shape_cast %mul3A_213 : vector<400xf32> to vector<400x1xf32>
    %mul3A_215 = vector.broadcast %broadcast_in_dim3A_214 : vector<400x1xf32> to vector<400x64xf32>
    %mul3A_216 = arith.mulf %mul3A_215, %get3A_26 : vector<400x64xf32>
    %mul3A_217 = arith.mulf %exp3A_176, %div3A_208 : vector<400xf32>
    %broadcast_in_dim3A_218 = vector.shape_cast %mul3A_217 : vector<400xf32> to vector<400x1xf32>
    %mul3A_219 = vector.broadcast %broadcast_in_dim3A_218 : vector<400x1xf32> to vector<400x64xf32>
    %mul3A_220 = arith.mulf %mul3A_219, %get3A_31 : vector<400x64xf32>
    %mul3A_221 = arith.mulf %exp3A_178, %div3A_208 : vector<400xf32>
    %broadcast_in_dim3A_222 = vector.shape_cast %mul3A_221 : vector<400xf32> to vector<400x1xf32>
    %mul3A_223 = vector.broadcast %broadcast_in_dim3A_222 : vector<400x1xf32> to vector<400x64xf32>
    %mul3A_224 = arith.mulf %mul3A_223, %get3A_36 : vector<400x64xf32>
    %mul3A_225 = arith.mulf %exp3A_180, %div3A_208 : vector<400xf32>
    %broadcast_in_dim3A_226 = vector.shape_cast %mul3A_225 : vector<400xf32> to vector<400x1xf32>
    %mul3A_227 = vector.broadcast %broadcast_in_dim3A_226 : vector<400x1xf32> to vector<400x64xf32>
    %mul3A_228 = arith.mulf %mul3A_227, %get3A_41 : vector<400x64xf32>
    %mul3A_229 = arith.mulf %exp3A_182, %div3A_208 : vector<400xf32>
    %broadcast_in_dim3A_230 = vector.shape_cast %mul3A_229 : vector<400xf32> to vector<400x1xf32>
    %mul3A_231 = vector.broadcast %broadcast_in_dim3A_230 : vector<400x1xf32> to vector<400x64xf32>
    %mul3A_232 = arith.mulf %mul3A_231, %get3A_46 : vector<400x64xf32>
    %mul3A_233 = arith.mulf %exp3A_184, %div3A_208 : vector<400xf32>
    %broadcast_in_dim3A_234 = vector.shape_cast %mul3A_233 : vector<400xf32> to vector<400x1xf32>
    %mul3A_235 = vector.broadcast %broadcast_in_dim3A_234 : vector<400x1xf32> to vector<400x64xf32>
    %mul3A_236 = arith.mulf %mul3A_235, %get3A_51 : vector<400x64xf32>
    %mul3A_237 = arith.mulf %exp3A_186, %div3A_208 : vector<400xf32>
    %broadcast_in_dim3A_238 = vector.shape_cast %mul3A_237 : vector<400xf32> to vector<400x1xf32>
    %mul3A_239 = vector.broadcast %broadcast_in_dim3A_238 : vector<400x1xf32> to vector<400x64xf32>
    %mul3A_240 = arith.mulf %mul3A_239, %get3A_56 : vector<400x64xf32>
    %mul3A_241 = arith.mulf %exp3A_188, %div3A_208 : vector<400xf32>
    %broadcast_in_dim3A_242 = vector.shape_cast %mul3A_241 : vector<400xf32> to vector<400x1xf32>
    %mul3A_243 = vector.broadcast %broadcast_in_dim3A_242 : vector<400x1xf32> to vector<400x64xf32>
    %mul3A_244 = arith.mulf %mul3A_243, %get3A_61 : vector<400x64xf32>
    %mul3A_245 = arith.mulf %exp3A_190, %div3A_208 : vector<400xf32>
    %broadcast_in_dim3A_246 = vector.shape_cast %mul3A_245 : vector<400xf32> to vector<400x1xf32>
    %mul3A_247 = vector.broadcast %broadcast_in_dim3A_246 : vector<400x1xf32> to vector<400x64xf32>
    %mul3A_248 = arith.mulf %mul3A_247, %get3A_66 : vector<400x64xf32>
    %mul3A_249 = arith.mulf %exp3A_192, %div3A_208 : vector<400xf32>
    %broadcast_in_dim3A_250 = vector.shape_cast %mul3A_249 : vector<400xf32> to vector<400x1xf32>
    %mul3A_251 = vector.broadcast %broadcast_in_dim3A_250 : vector<400x1xf32> to vector<400x64xf32>
    %mul3A_252 = arith.mulf %mul3A_251, %get3A_71 : vector<400x64xf32>
    %mul3A_253 = arith.mulf %exp3A_194, %div3A_208 : vector<400xf32>
    %broadcast_in_dim3A_254 = vector.shape_cast %mul3A_253 : vector<400xf32> to vector<400x1xf32>
    %mul3A_255 = vector.broadcast %broadcast_in_dim3A_254 : vector<400x1xf32> to vector<400x64xf32>
    %mul3A_256 = arith.mulf %mul3A_255, %get3A_76 : vector<400x64xf32>
    %add3A_257 = arith.addf %mul3A_212, %mul3A_216 : vector<400x64xf32>
    %add3A_258 = arith.addf %mul3A_220, %mul3A_224 : vector<400x64xf32>
    %add3A_259 = arith.addf %mul3A_228, %mul3A_232 : vector<400x64xf32>
    %add3A_260 = arith.addf %mul3A_236, %mul3A_240 : vector<400x64xf32>
    %add3A_261 = arith.addf %mul3A_244, %mul3A_248 : vector<400x64xf32>
    %add3A_262 = arith.addf %mul3A_252, %mul3A_256 : vector<400x64xf32>
    %add3A_263 = arith.addf %add3A_257, %add3A_258 : vector<400x64xf32>
    %add3A_264 = arith.addf %add3A_259, %add3A_260 : vector<400x64xf32>
    %add3A_265 = arith.addf %add3A_261, %add3A_262 : vector<400x64xf32>
    %add3A_266 = arith.addf %add3A_263, %add3A_264 : vector<400x64xf32>
    %add3A_267 = arith.addf %add3A_266, %add3A_265 : vector<400x64xf32>
    %get3A_268 = arith.constant 0 : index
    %get3A_269 = arith.constant 0 : index
    %get3A_270 = vector.load %arg2[%get3A_268, %get3A_269] : memref<400x64xf32, #tpu.memory_space<vmem>>, vector<400x64xf32>
    %add3A_271 = arith.addf %get3A_270, %add3A_267 : vector<400x64xf32>
    %max3A_272 = arith.constant 0.000000e+00 : f32
    %max3A_273 = vector.broadcast %max3A_272 : f32 to vector<400x64xf32>
    %max3A_274 = arith.maximumf %add3A_271, %max3A_273 : vector<400x64xf32>
    %swap3A = arith.constant 0 : index
    %swap3A_275 = arith.constant 0 : index
    %swap3A_276 = vector.load %arg6[%swap3A, %swap3A_275] : memref<400x64xf32, #tpu.memory_space<vmem>>, vector<400x64xf32>
    tpu.vector_store %arg6[%swap3A, %swap3A_275], %max3A_274 {strides = array<i32>} : memref<400x64xf32, #tpu.memory_space<vmem>>, vector<400x64xf32>,
    return
  }
  func.func @transform_0(%arg0: i32) -> (i32, i32, i32) {
    %c0_i32 = arith.constant 0 : i32
    %c0_i32_0 = arith.constant 0 : i32
    %c0_i32_1 = arith.constant 0 : i32
    return %c0_i32, %arg0, %c0_i32_0 : i32, i32, i32
  }
  func.func @transform_1(%arg0: i32) -> (i32, i32) {
    %c0_i32 = arith.constant 0 : i32
    %c0_i32_0 = arith.constant 0 : i32
    return %arg0, %c0_i32 : i32, i32
  }
  func.func @transform_2(%arg0: i32) -> (i32, i32, i32) {
    %c0_i32 = arith.constant 0 : i32
    %c0_i32_0 = arith.constant 0 : i32
    %c0_i32_1 = arith.constant 0 : i32
    return %arg0, %c0_i32, %c0_i32_0 : i32, i32, i32
  }
  func.func @transform_3(%arg0: i32) -> (i32, i32) {
    %c0_i32 = arith.constant 0 : i32
    %c0_i32_0 = arith.constant 0 : i32
    return %arg0, %c0_i32 : i32, i32
  }
  func.func @transform_4(%arg0: i32) -> (i32, i32, i32) {
    %c0_i32 = arith.constant 0 : i32
    %c0_i32_0 = arith.constant 0 : i32
    %c0_i32_1 = arith.constant 0 : i32
    return %arg0, %c0_i32, %c0_i32_0 : i32, i32, i32
  }
  func.func @transform_5(%arg0: i32) -> (i32, i32) {
    %c0_i32 = arith.constant 0 : i32
    %c0_i32_0 = arith.constant 0 : i32
    return %arg0, %c0_i32 : i32, i32
  }
}

</mosaic_0001>

<sc_bundles>
// kernel: kernel.10.cloned.1.call-start
scs
__scs_entry_jumppad:
0x0: {  	(pc) =	sbr.rel $0x88, $3  }
0x1: {  	(tag) =	ssettag $0x0;
	lr =	simm.s32 $0x1  }
0x2: {  	[smem:$0x3F96] =	sst lr;
	_ =	strace $0xD0000000  }
0x3: {  	_ = 	snop  }
0x4: {  	_ = 	snop  }
0x5: {  	_ = 	snop  }
0x6: {  	_ = 	snop  }
0x7: {  	_ = 	snop  }
__scs_overlays_trampoline_lowered:
0x8: {  	[smem:$0x3FA5] =	sst s0  }
0x9: {  	[smem:$0x3FA6] =	sst s1  }
0xa: {  	[smem:$0x3FA7] =	sst s2  }
0xb: {  	[smem:$0x3FA8] =	sst s3  }
0xc: {  	[smem:$0x3FA9] =	sst s4  }
0xd: {  	[smem:$0x3FAA] =	sst s5  }
0xe: {  	[smem:$0x3FAB] =	sst s6  }
0xf: {  	[smem:$0x3FAC] =	sst s7  }
0x10: {  	[smem:$0x3FAD] =	sst s8  }
0x11: {  	[smem:$0x3FAE] =	sst s9;
	s0 =	simm.s32 @!p0 $0x0  }
0x12: {  	s1 =	sld [smem:$0x3F94];
	s0 =	simm.s32 @p0 $0x1  }
0x13: {  	[smem:$0x3FAF] =	sst s0;
	s0 =	simm.s32 @!p1 $0x0  }
0x14: {  	s2 =	sld [smem:$0x3F93];
	s0 =	simm.s32 @p1 $0x1  }
0x15: {  	[smem:$0x3FB0] =	sst s0;
	s0 =	simm.s32 @!p2 $0x0  }
0x16: {  	s3 =	sld [smem:$0x3FDB];
	s0 =	simm.s32 @p2 $0x1  }
0x17: {  	s4 =	simm.s32 $0x1BF5;
	[smem:$0x3FB2] =	sst s0  }
0x18: {  	s0 =	sld [smem:$0x3F95];
	_ =	swait.ge [sflag:s4], $0x0  }
0x19: {  	s7 =	sld [smem:$0x3F96]  }
0x1a: {  	s8 =	sadd.s32 $0xFFFFE003, lr  }
0x1b: {  	s9 =	sadd.s32 $0xFFFFFEF7, lr;
	s5 =	simm.s32 $0xFFFFFFFF;
	p2 =	slt.u32 s8, $0xFFFFF086  }
0x1c: {  	p1 =	slt.u32 s9, $0xF7A;
	s5 =	simm.s32 @!p2 $0x0  }
0x1d: {  	s5 =	simm.s32 @p1 $0x1;
	p0 =	seq.s32 s7, s2  }
0x1e: {  	s7 =	smul.u32 @!p0 $0xF7A, s2;
	p2 =	seq.s32 @!p0 s5, $0x0  }
0x1f: {  	s9 =	smul.u32 $0xF7A, s1;
	s8 =	simm.s32 @!p0 $0x1BF5;
	p2 =	por !p2, p0  }
0x20: {  	[sflag:s8] =	ssyncset.s32 @!p0 $0xFFFFF086;
	s6 =	sadd.s32 @!p0 s3, s7;
	s7 =	simm.s32 @!p0 $0x108  }
0x21: {  	s3 =	sadd.s32 s3, s9;
	s6 =	sadd.s32 @!p0 $0x88, s6;
	s7 =	simm.s32 @p2 $0x1082  }
0x22: {  	[simem:s7], [sflag:s8] =	dma.local @!p0 [hbm:s6], $0xF7A  }
0x23: {  	s9 =	sor.u32 $0xD0000000, s2;
	s6 =	simm.s32 $0x108;
	_ =	swait.ge @!p0 [sflag:s8], $0x0  }
0x24: {  	s3 =	sadd.s32 $0x88, s3;
	s6 =	simm.s32 @!p1 $0x1082;
	[sflag:s4] =	ssyncset.s32 $0xFFFFF086  }
0x25: {  	[simem:s6], [sflag:s4] =	dma.local [hbm:s3], $0xF7A  }
0x26: {  	[smem:$0x3F96] =	sst s1;
	(tag) =	ssettag s2;
	_ =	strace s9  }
0x27: {  	s1 =	sld [smem:$0x3FA6]  }
0x28: {  	s2 =	sld [smem:$0x3FA7]  }
0x29: {  	s4 =	sld [smem:$0x3FA9]  }
0x2a: {  	p0 =	seq.s32 s5, $0x0;
	s5 =	sld [smem:$0x3FAA]  }
0x2b: {  	s6 =	sld [smem:$0x3FAB]  }
0x2c: {  	s7 =	sld [smem:$0x3FAC]  }
0x2d: {  	s3 =	simm.s32 $0x108;
	s8 =	sld [smem:$0x3FAD]  }
0x2e: {  	s3 =	simm.s32 @!p0 $0x1082;
	s9 =	sld [smem:$0x3FAE]  }
0x2f: {  	lr =	sadd.s32 s0, s3;
	s0 =	sld [smem:$0x3FA5]  }
0x30: {  	s3 =	sld [smem:$0x3FA8]  }
0x31: {  	[smem:$0x3FB1] =	sst s10  }
0x32: {  	s10 =	sld [smem:$0x3FAF];
	_ =	sdelay $0x3  }
0x33: {  	p0 =	seq.s32 s10, $0x1;
	s10 =	sld [smem:$0x3FB1];
	_ =	sdelay $0x3  }
0x34: {  	[smem:$0x3FB1] =	sst s10  }
0x35: {  	s10 =	sld [smem:$0x3FB0];
	_ =	sdelay $0x3  }
0x36: {  	p1 =	seq.s32 s10, $0x1;
	s10 =	sld [smem:$0x3FB1];
	_ =	sdelay $0x3  }
0x37: {  	[smem:$0x3FB1] =	sst s10  }
0x38: {  	s10 =	sld [smem:$0x3FB2]  }
0x39: {  	_ = 	snop;
	(pc) =	sbr.ind lr, $3  }
0x3a: {  	_ = 	snop  }
0x3b: {  	_ = 	snop  }
0x3c: {  	p2 =	seq.s32 s10, $0x1;
	s10 =	sld [smem:$0x3FB1]  }
0x3d: {  	_ =	shalt  }
0x3e: {  	_ =	shalt  }
0x3f: {  	_ =	shalt  }
0x40: {  	_ =	shalt  }
0x41: {  	_ =	shalt  }
0x42: {  	_ =	shalt  }
0x43: {  	_ =	shalt  }
0x44: {  	_ =	shalt  }
0x45: {  	_ =	shalt  }
0x46: {  	_ =	shalt  }
0x47: {  	_ =	shalt  }
0x48: {  	_ =	shalt  }
0x49: {  	_ =	shalt  }
0x4a: {  	_ =	shalt  }
0x4b: {  	_ =	shalt  }
0x4c: {  	_ =	shalt  }
0x4d: {  	_ =	shalt  }
0x4e: {  	_ =	shalt  }
0x4f: {  	_ =	shalt  }
0x50: {  	_ =	shalt  }
0x51: {  	_ =	shalt  }
0x52: {  	_ =	shalt  }
0x53: {  	_ =	shalt  }
0x54: {  	_ =	shalt  }
0x55: {  	_ =	shalt  }
0x56: {  	_ =	shalt  }
0x57: {  	_ =	shalt  }
0x58: {  	_ =	shalt  }
0x59: {  	_ =	shalt  }
0x5a: {  	_ =	shalt  }
0x5b: {  	_ =	shalt  }
0x5c: {  	_ =	shalt  }
0x5d: {  	_ =	shalt  }
0x5e: {  	_ =	shalt  }
0x5f: {  	_ =	shalt  }
0x60: {  	_ =	shalt  }
0x61: {  	_ =	shalt  }
0x62: {  	_ =	shalt  }
0x63: {  	_ =	shalt  }
0x64: {  	_ =	shalt  }
0x65: {  	_ =	shalt  }
0x66: {  	_ =	shalt  }
0x67: {  	_ =	shalt  }
0x68: {  	_ =	shalt  }
0x69: {  	_ =	shalt  }
0x6a: {  	_ =	shalt  }
0x6b: {  	_ =	shalt  }
0x6c: {  	_ =	shalt  }
0x6d: {  	_ =	shalt  }
0x6e: {  	_ =	shalt  }
0x6f: {  	_ =	shalt  }
0x70: {  	_ =	shalt  }
0x71: {  	_ =	shalt  }
0x72: {  	_ =	shalt  }
0x73: {  	_ =	shalt  }
0x74: {  	_ =	shalt  }
0x75: {  	_ =	shalt  }
0x76: {  	_ =	shalt  }
0x77: {  	_ =	shalt  }
0x78: {  	_ =	shalt  }
0x79: {  	_ =	shalt  }
0x7a: {  	_ =	shalt  }
0x7b: {  	_ =	shalt  }
0x7c: {  	_ =	shalt  }
0x7d: {  	_ =	shalt  }
0x7e: {  	_ =	shalt  }
0x7f: {  	_ =	shalt  }
0x80: {  	_ =	shalt  }
0x81: {  	_ =	shalt  }
0x82: {  	_ =	shalt  }
0x83: {  	_ =	shalt  }
0x84: {  	_ =	shalt  }
0x85: {  	_ =	shalt  }
0x86: {  	_ =	shalt  }
0x87: {  	_ =	shalt  }
.Lfunc_end0:
.L_simem_size_0:
called_computation.1_lowered:
.L_overlay_start_0:
0x88: {  	s2 =	sld [smem:$0x3FD9]  }
0x89: {  	s3 =	sld [smem:$0x3FFE];
	_ =	sdelay $0x1  }
0x8a: {  	s1 =	srdreg.scid  }
0x8b: {  	s0 =	sand.u32 $0x1, s1  }
0x8c: {  	s17 =	sshll.u32 s0, $0xA;
	s2 =	sadd.s32 s3, s2  }
0x8d: {  	s2 =	sadd.s32 s2, s17  }
0x8e: {  	[smem:$0x3FBD] =	sst s2  }
0x8f: {  	_ = 	snop  }
0x90: {  	(tm) =	ssettm $0x1  }
0x91: {  	s18 =	sld [smem:$0x3FFB];
	_ =	sdelay $0x3  }
0x92: {  	_ =	strace s18  }
0x93: {  	s2 =	sld [smem:$0x3FFC];
	_ =	sdelay $0x3  }
0x94: {  	_ =	strace s2  }
0x95: {  	s2 =	sld [smem:$0x3FFD];
	_ =	sdelay $0x3  }
0x96: {  	_ =	strace s2  }
0x97: {  	_ =	strace $0x8FFFFFFF  }
0x98: {  	s19 =	sld [smem:$0x3FDB];
	_ =	sdelay $0x1  }
0x99: {  	s20 =	simm.s32 $_scs_section_size  }
0x9a: {  	s4 =	simm.s32 $_size__tile_overlayer_lowered;
	s5 =	simm.s32 $_tile_overlayer_lowered  }
0x9b: {  	s6 =	simm.s32 $0x1BFF;
	s21 =	sshll.u32 s5, $0x1;
	s3 =	sadd.s32 s20, s19  }
0x9c: {  	s22 =	simm.s32 $0x0;
	s4 =	sshll.u32 s4, $0x1;
	s5 =	sadd.s32 s21, s3  }
0x9d: {  	[timem:s22], [sflag:s6] =	dma.local [hbm:s5], s4  }
0x9e: {  	_ =	swait.ge [sflag:s6], s4  }
0x9f: {  	s4 =	ssub.s32 $0x0, s4;
	[sflag:s6] =	ssyncset.done $0x0  }
0xa0: {  	[sflag:s6] =	ssyncadd.s32 s4;
	_ =	sdelay $0x1  }
0xa1: {  	s23 =	simm.s32 $0x1B8B  }
0xa2: {  	_ =	swait.ge [sflag:s23], $0x1  }
0xa3: {  	[sflag:s23] =	ssyncset.done $0x0  }
0xa4: {  	[sflag:s23] =	ssyncadd.s32 $0xFFFFFFFF  }
0xa5: {  	s4 =	sld [smem:$0x0]  }
0xa6: {  	s5 =	sand.u32 $0xFFFFFFFE, s1  }
0xa7: {  	p0 =	sne.s32 s1, s5  }
0xa8: {  	s5 =	sshll.u32 @p0 s5, $0xE  }
0xa9: {  	s5 =	sadd.s32 @p0 $0x11B8D, s5;
	s6 =	sshll.u32 @p0 s4, $0x11  }
0xaa: {  	s5 =	sor.u32 @p0 s6, s5  }
0xab: {  	[sflag:s5] =	ssyncadd.remote.s32 @p0 $0x1;
	_ =	sdelay $0x1  }
0xac: {  	s5 =	simm.s32 @p0 $0x1B8D  }
0xad: {  	_ =	swait.eq @p0 [sflag:s5], $0x1  }
0xae: {  	[sflag:s5] =	ssyncadd.s32 @p0 $0xFFFFFFFF  }
0xaf: {  	s6 =	sshll.u32 @!p0 s1, $0xE  }
0xb0: {  	s6 =	sor.u32 @!p0 $0x4000, s6;
	s5 =	simm.s32 @!p0 $0x1B8D  }
0xb1: {  	s4 =	sshll.u32 @!p0 s4, $0x11;
	s6 =	sadd.s32 @!p0 $0x11B8D, s6;
	_ =	swait.eq @!p0 [sflag:s5], $0x1  }
0xb2: {  	s4 =	sor.u32 @!p0 s4, s6;
	[sflag:s5] =	ssyncadd.s32 @!p0 $0xFFFFFFFF  }
0xb3: {  	s25 =	simm.s32 $0x1B8E;
	s24 =	sld [smem:$0x3FFE];
	[sflag:s4] =	ssyncadd.remote.s32 @!p0 $0x1  }
0xb4: {  	s26 =	simm.s32 $execute0_lowered;
	[smem:$0x3FD2] =	sst s25  }
0xb5: {  	s5 =	sshll.u32 s26, $0x1;
	_ =	strace $0x80000049;
	[dreg:$0x1] =	wrdreg $0xFFFFFFFF  }
0xb6: {  	s28 =	simm.s32 $_size_execute0_lowered;
	s3 =	sadd.s32 s3, s5;
	[dreg:$0x0] =	wrdreg $0x0  }
0xb7: {  	s5 =	sshll.u32 s28, $0x1;
	[dreg:$0x2] =	wrdreg s3  }
0xb8: {  	[dreg:$0x3] =	wrdreg s5  }
0xb9: {  	[dreg:$0x4] =	wrdreg $0xC0  }
0xba: {  	_ =	task [dreg:s22], $0x5FFFF  }
0xbb: {  	[dreg:$0x1] =	wrdreg $0xFFFFFFFF  }
0xbc: {  	[dreg:$0x0] =	wrdreg $0x60  }
0xbd: {  	[dreg:$0x2] =	wrdreg s24  }
0xbe: {  	[dreg:$0x3] =	wrdreg $0xA  }
0xbf: {  	_ =	task.clear_ibuf [dreg:s22], $0x4FFFF;
	_ =	strace $0x90000049  }
0xc0: {  	s29 =	simm.s32 $0xA;
	_ =	strace $0x8000004B  }
0xc1: {  	_ =	swait.ge [sflag:s29], $0x1  }
0xc2: {  	[sflag:s29] =	ssyncadd.s32 $0xFFFFFFFF  }
0xc3: {  	_ =	strace $0x9000004B  }
0xc4: {  	_ =	sfence  }
0xc5: {  	s30 =	sld [smem:$0x0];
	_ =	sdelay $0x2  }
0xc6: {  	s31 =	sshll.u32 s1, $0xD;
	s1 =	sshrl.u32 s1, $0x2  }
0xc7: {  	s4 =	sand.u32 $0x4000, s31;
	s1 =	sadd.s32 s1, s30  }
0xc8: {  	s0 =	sor.u32 s4, s0;
	s1 =	sshll.u32 s1, $0x11  }
0xc9: {  	s0 =	sor.u32 s1, s0  }
0xca: {  	s0 =	sadd.s32 $0x8F2B, s0  }
0xcb: {  	[sflag:s0] =	ssyncadd.remote.s32 $0x1  }
0xcc: {  	_ =	sfence.sel $0xFFFF  }
0xcd: {  	[dreg:$0x0] =	wrdreg $0xFFFFFFFF;
	(pc) =	sbr.abs _section_cstart, $3  }
0xce: {  	[dreg:$0x1] =	wrdreg $0xFFFFFFFF  }
0xcf: {  	_ =	task.clear_ibuf [dreg:s22], $0x2FFFF;
	_ =	strace $0x9FFFFFFF  }
0xd0: {  	(tm) =	ssettm $0x7FFFFFFF  }
0xd1: {  	_ =	shalt  }
tec
execute0_lowered:
.L_overlay_start_1:
0x0: {  	(tag) =	ssettag $0x1  }
0x1: {  	s0 =	srdreg.scid  }
0x2: {  	s11 =	stileid.u32;
	s1 =	rddreg [dreg:$0x0];
	s2 =	simm.s32 $0x0  }
0x3: {  	s31 =	simm.s32 $0x6C20;
	s0 =	sand.u32 $0x1, s0;
	s26 =	smul.u32 $0x25800, s11  }
0x4: {  	s29 =	simm.s32 $0xA820;
	s3 =	sshll.u32 s11, $0x1;
	s16 =	smul.u32 $0x2580, s0  }
0x5: {  	s5 =	sor.u32 s0, s3;
	s8 =	ssub.s32 $0x2, s0;
	s0 =	smul.u32 $0x12C00, s0  }
0x6: {  	[smem:$0x7FF] =	sst s2;
	s12 =	sadd.s32 $0x4A6400, s1;
	s4 =	smul.u32 $0x2580, s5  }
0x7: {  	s28 =	simm.s32 $0xF;
	_ =	strace $0x8000004A;
	s7 =	smul.u32 $0x64, s5  }
0x8: {  	s3 =	sadd.s32 $0x18AE00, s1;
	s9 =	sshrl.u32 s8, $0x1;
	s10 =	smul.u32 $0xC800, s5  }
0x9: {  	[dreg:$0x2] =	wrdreg s12;
	s5 =	smul.u32 $0x1900, s5;
	s8 =	ssub.s32 s8, s9  }
0xa: {  	s0 =	sadd.s32 s0, s26;
	s6 =	sshrl.u32 s4, $0x3;
	s4 =	sadd.s32 $0x4400, s1  }
0xb: {  	s7 =	sadd.s32 s7, s1;
	s19 =	smax.u32 s8, $0x1;
	[dreg:$0x11] =	wrdreg s0  }
0xc: {  	s6 =	sadd.s32 s6, s1;
	s23 =	sadd.s32 $0x78C00, s7;
	[dreg:$0x10] =	wrdreg s19  }
0xd: {  	s22 =	sshrl.u32 s10, $0x3;
	s21 =	sadd.s32 $0x6F600, s6;
	[dreg:$0x5] =	wrdreg s23  }
0xe: {  	s1 =	sadd.s32 $0x79A00, s1;
	s6 =	sadd.s32 $0x66000, s6;
	[dreg:$0x3] =	wrdreg s21  }
0xf: {  	s24 =	sadd.s32 s1, s22;
	s1 =	sadd.s32 s1, s5;
	[dreg:$0x4] =	wrdreg s6  }
0x10: {  	s30 =	simm.s32 $0x17;
	[dreg:$0x6] =	wrdreg s1;
	s25 =	sadd.s32 $0x280, s24  }
0x11: {  	s13 =	smul.u32 $0x4B00, s11;
	s10 =	sadd.s32 $0x500, s24;
	[dreg:$0x7] =	wrdreg s25  }
0x12: {  	s8 =	simm.s32 $0x11;
	s12 =	sadd.s32 $0x780, s24;
	[dreg:$0x8] =	wrdreg s10  }
0x13: {  	s19 =	simm.s32 $0x4E20;
	s14 =	sadd.s32 $0xA00, s24;
	[dreg:$0x9] =	wrdreg s12  }
0x14: {  	s5 =	sadd.s32 s16, s13;
	s15 =	sadd.s32 $0xC80, s24;
	[dreg:$0xa] =	wrdreg s14  }
0x15: {  	s16 =	simm.s32 $0x18;
	s9 =	sadd.s32 $0xF00, s24;
	[dreg:$0xb] =	wrdreg s15  }
0x16: {  	s17 =	sadd.s32 $0x1180, s24;
	s18 =	sadd.s32 $0x1400, s24;
	[dreg:$0xc] =	wrdreg s9  }
0x17: {  	s6 =	sadd.s32 $0x1680, s24;
	s20 =	sshll.u32 s5, $0x3;
	[dreg:$0xd] =	wrdreg s17  }
0x18: {  	s5 =	simm.s32 $0x15;
	s1 =	simm.s32 $0x0;
	[dreg:$0xe] =	wrdreg s18  }
0x19: {  	[dreg:$0xf] =	wrdreg s6;
	s21 =	sadd.s32 $0x1A40, s20;
	s22 =	sadd.s32 $0x1680, s20  }
0x1a: {  	s23 =	sadd.s32 $0x12C0, s20;
	s24 =	sadd.s32 $0xF00, s20;
	[dreg:$0x12] =	wrdreg s21  }
0x1b: {  	s25 =	sadd.s32 $0xB40, s20;
	s26 =	sadd.s32 $0x780, s20;
	[dreg:$0x13] =	wrdreg s22  }
0x1c: {  	s0 =	sor.u32 $0x3C0, s20;
	s12 =	simm.s32 $0x8A20;
	[dreg:$0x14] =	wrdreg s23  }
0x1d: {  	s9 =	simm.s32 $0x2;
	s10 =	simm.s32 $0x12;
	[dreg:$0x15] =	wrdreg s24  }
.Ltmp0:
0x1e: {  	s14 =	simm.s32 $0x14;
	[dreg:$0x16] =	wrdreg s25;
	(pc) =	sbr.rel .LBB2_1-.Ltmp0, $4  }
0x1f: {  	s15 =	simm.s32 $0x78;
	s6 =	simm.s32 $0x10;
	[dreg:$0x17] =	wrdreg s26  }
0x20: {  	s20 =	simm.s32 $0x10220;
	[dreg:$0x18] =	wrdreg s0;
	s21 =	simm.s32 $0x9  }
0x21: {  	s22 =	simm.s32 $0xA;
	s23 =	simm.s32 $0xB;
	s24 =	simm.s32 $0xC  }
0x22: {  	s25 =	simm.s32 $0xD;
	s26 =	simm.s32 $0xE;
	s0 =	simm.s32 $0x16  }
.LBB2_4:
0x23: {  	_ =	swait.ge [sflag:s10], $0x1E00  }
0x24: {  	[sflag:s10] =	ssyncset.done $0x0  }
0x25: {  	s1 =	simm.s32 $0x13;
	[sflag:s10] =	ssyncadd.s32 $0xFFFFE200  }
0x26: {  	_ =	swait.ge [sflag:s1], $0x1E00  }
0x27: {  	[sflag:s1] =	ssyncset.done $0x0  }
0x28: {  	s14 =	simm.s32 $0x14;
	[sflag:s1] =	ssyncadd.s32 $0xFFFFE200  }
0x29: {  	_ =	swait.ge [sflag:s14], $0x1E00  }
0x2a: {  	[sflag:s14] =	ssyncset.done $0x0  }
0x2b: {  	[sflag:s14] =	ssyncadd.s32 $0xFFFFE200  }
0x2c: {  	_ =	swait.ge [sflag:s5], $0x1E00  }
0x2d: {  	[sflag:s5] =	ssyncset.done $0x0  }
0x2e: {  	[sflag:s5] =	ssyncadd.s32 $0xFFFFE200  }
0x2f: {  	_ =	swait.ge [sflag:s0], $0x1E00  }
0x30: {  	[sflag:s0] =	ssyncset.done $0x0  }
0x31: {  	[sflag:s0] =	ssyncadd.s32 $0xFFFFE200  }
0x32: {  	_ =	swait.ge [sflag:s30], $0x1E00  }
0x33: {  	[sflag:s30] =	ssyncset.done $0x0  }
0x34: {  	[sflag:s30] =	ssyncadd.s32 $0xFFFFE200  }
0x35: {  	_ =	swait.ge [sflag:s16], $0x1E00  }
0x36: {  	s19 =	rddreg [dreg:$0x19]  }
0x37: {  	s11 =	rddreg [dreg:$0x10];
	s1 =	sadd.s32 $0x1, s19  }
0x38: {  	p0 =	sne.s32 s1, s11  }
.Ltmp1:
0x39: {  	_ = 	snop;
	(pc) =	sbr.rel @!p0 .LBB2_5-.Ltmp1, $3  }
0x3a: {  	_ =	sdelay $0x1  }
0x3b: {  	s31 =	simm.s32 $0x6C20;
	s12 =	simm.s32 $0x8A20;
	[sflag:s16] =	ssyncset.done $0x0  }
0x3c: {  	s29 =	simm.s32 $0xA820;
	[sflag:s16] =	ssyncadd.s32 $0xFFFFE200;
	s19 =	simm.s32 $0x4E20  }
.LBB2_1:
0x3d: {  	[dreg:$0x19] =	wrdreg s1  }
0x3e: {  	s11 =	rddreg [dreg:$0x3];
	s17 =	simm.s32 $0x19  }
0x3f: {  	[tilespmem:s2], [sflag:$0x19] =	stream.linear.gather [hbm4b:s11+s2], $0x2580, $0x38;
	[tilespmem:$0x13E20] =	vst v63  }
0x40: {  	_ =	swait.ge [sflag:s17], $0x2580  }
0x41: {  	[sflag:s17] =	ssyncset.done $0x0  }
0x42: {  	s18 =	simm.s32 $0x2580;
	s13 =	rddreg [dreg:$0x4];
	[sflag:s17] =	ssyncadd.s32 $0xFFFFDA80  }
0x43: {  	[tilespmem:s18], [sflag:$0x19] =	stream.linear.gather [hbm4b:s13+s2], $0x2580, $0x38;
	[tilespmem:$0x13E20] =	vst v63  }
0x44: {  	_ =	swait.ge [sflag:s17], $0x2580  }
0x45: {  	[sflag:s17] =	ssyncset.done $0x0  }
0x46: {  	s1 =	simm.s32 $0x4B00;
	s18 =	rddreg [dreg:$0x5];
	[sflag:s17] =	ssyncadd.s32 $0xFFFFDA80  }
0x47: {  	[tilespmem:s1], [sflag:$0x19] =	stream.linear.gather [hbm4b:s18+s2], $0x320, $0x38;
	[tilespmem:$0x13E20] =	vst v63  }
0x48: {  	_ =	swait.ge [sflag:s17], $0x320  }
0x49: {  	[sflag:s17] =	ssyncset.done $0x0  }
0x4a: {  	[sflag:s17] =	ssyncadd.s32 $0xFFFFFCE0;
	s17 =	simm.s32 $0x50  }
0x4b: {  	[tilespmem:s19], [sflag:$0x1] =	stream.indirect.gather [hbm4b:s3+s17], $0x40, s1, s17, $0xb8;
	[tilespmem:$0x13E20] =	vst v63  }
0x4c: {  	s7 =	simm.s32 $0x4B50  }
0x4d: {  	[tilespmem:s31], [sflag:$0x2] =	stream.indirect.gather [hbm4b:s3+s17], $0x40, s7, s17, $0xb8;
	[tilespmem:$0x13E20] =	vst v63  }
0x4e: {  	s13 =	simm.s32 $0x4BA0  }
0x4f: {  	[tilespmem:s12], [sflag:$0x3] =	stream.indirect.gather [hbm4b:s3+s17], $0x40, s13, s17, $0xb8;
	[tilespmem:$0x13E20] =	vst v63  }
0x50: {  	s18 =	simm.s32 $0x4BF0;
	s7 =	simm.s32 $0x1  }
0x51: {  	[tilespmem:s29], [sflag:$0x4] =	stream.indirect.gather [hbm4b:s3+s17], $0x40, s18, s17, $0xb8;
	[tilespmem:$0x13E20] =	vst v63  }
0x52: {  	_ =	swait.ge [sflag:s7], $0x1400  }
0x53: {  	[sflag:s7] =	ssyncset.done $0x0  }
0x54: {  	s1 =	rddreg [dreg:$0x6];
	[sflag:s7] =	ssyncadd.s32 $0xFFFFEC00  }
0x55: {  	[hbm4b:s1+s2] =	stream.linear.scatter [tilespmem:s19], [sflag:$0x11], $0x1400, $0x38;
	[tilespmem:$0x13E20] =	vst v63  }
0x56: {  	_ =	swait.ge [sflag:s8], $0x1400  }
0x57: {  	[sflag:s8] =	ssyncset.done $0x0  }
0x58: {  	s13 =	simm.s32 $0x4C40;
	[sflag:s8] =	ssyncadd.s32 $0xFFFFEC00  }
0x59: {  	[tilespmem:s19], [sflag:$0x1] =	stream.indirect.gather [hbm4b:s3+s17], $0x40, s13, s17, $0xb8;
	[tilespmem:$0x13E20] =	vst v63  }
0x5a: {  	_ =	swait.ge [sflag:s9], $0x1400  }
0x5b: {  	[sflag:s9] =	ssyncset.done $0x0  }
0x5c: {  	s1 =	rddreg [dreg:$0x7];
	[sflag:s9] =	ssyncadd.s32 $0xFFFFEC00  }
0x5d: {  	[hbm4b:s1+s2] =	stream.linear.scatter [tilespmem:s31], [sflag:$0x12], $0x1400, $0x38;
	[tilespmem:$0x13E20] =	vst v63  }
0x5e: {  	_ =	swait.ge [sflag:s10], $0x1400  }
0x5f: {  	[sflag:s10] =	ssyncset.done $0x0  }
0x60: {  	s11 =	simm.s32 $0x4C90;
	s1 =	simm.s32 $0x3;
	[sflag:s10] =	ssyncadd.s32 $0xFFFFEC00  }
0x61: {  	[tilespmem:s31], [sflag:$0x2] =	stream.indirect.gather [hbm4b:s3+s17], $0x40, s11, s17, $0xb8;
	[tilespmem:$0x13E20] =	vst v63  }
0x62: {  	_ =	swait.ge [sflag:s1], $0x1400  }
0x63: {  	[sflag:s1] =	ssyncset.done $0x0  }
0x64: {  	s18 =	simm.s32 $0x13;
	s13 =	rddreg [dreg:$0x8];
	[sflag:s1] =	ssyncadd.s32 $0xFFFFEC00  }
0x65: {  	[hbm4b:s13+s2] =	stream.linear.scatter [tilespmem:s12], [sflag:$0x13], $0x1400, $0x38;
	[tilespmem:$0x13E20] =	vst v63  }
0x66: {  	_ =	swait.ge [sflag:s18], $0x1400  }
0x67: {  	[sflag:s18] =	ssyncset.done $0x0  }
0x68: {  	s13 =	simm.s32 $0x4CE0;
	[sflag:s18] =	ssyncadd.s32 $0xFFFFEC00  }
0x69: {  	[tilespmem:s12], [sflag:$0x3] =	stream.indirect.gather [hbm4b:s3+s17], $0x40, s13, s17, $0xb8;
	[tilespmem:$0x13E20] =	vst v63  }
0x6a: {  	s13 =	simm.s32 $0x4  }
0x6b: {  	_ =	swait.ge [sflag:s13], $0x1400  }
0x6c: {  	[sflag:s13] =	ssyncset.done $0x0  }
0x6d: {  	s11 =	rddreg [dreg:$0x9];
	[sflag:s13] =	ssyncadd.s32 $0xFFFFEC00  }
0x6e: {  	[hbm4b:s11+s2] =	stream.linear.scatter [tilespmem:s29], [sflag:$0x14], $0x1400, $0x38;
	[tilespmem:$0x13E20] =	vst v63  }
0x6f: {  	_ =	swait.ge [sflag:s14], $0x1400  }
0x70: {  	[sflag:s14] =	ssyncset.done $0x0  }
0x71: {  	s11 =	simm.s32 $0x4D30;
	[sflag:s14] =	ssyncadd.s32 $0xFFFFEC00  }
0x72: {  	[tilespmem:s29], [sflag:$0x4] =	stream.indirect.gather [hbm4b:s3+s17], $0x40, s11, s17, $0xb8;
	[tilespmem:$0x13E20] =	vst v63  }
0x73: {  	_ =	swait.ge [sflag:s7], $0x1400  }
0x74: {  	[sflag:s7] =	ssyncset.done $0x0  }
0x75: {  	s11 =	rddreg [dreg:$0xa];
	[sflag:s7] =	ssyncadd.s32 $0xFFFFEC00  }
0x76: {  	[hbm4b:s11+s2] =	stream.linear.scatter [tilespmem:s19], [sflag:$0x11], $0x1400, $0x38;
	[tilespmem:$0x13E20] =	vst v63  }
0x77: {  	_ =	swait.ge [sflag:s8], $0x1400  }
0x78: {  	[sflag:s8] =	ssyncset.done $0x0  }
0x79: {  	s11 =	simm.s32 $0x4D80;
	[sflag:s8] =	ssyncadd.s32 $0xFFFFEC00  }
0x7a: {  	[tilespmem:s19], [sflag:$0x1] =	stream.indirect.gather [hbm4b:s3+s17], $0x40, s11, s17, $0xb8;
	[tilespmem:$0x13E20] =	vst v63  }
0x7b: {  	_ =	swait.ge [sflag:s9], $0x1400  }
0x7c: {  	[sflag:s9] =	ssyncset.done $0x0  }
0x7d: {  	s11 =	rddreg [dreg:$0xb];
	[sflag:s9] =	ssyncadd.s32 $0xFFFFEC00  }
0x7e: {  	[hbm4b:s11+s2] =	stream.linear.scatter [tilespmem:s31], [sflag:$0x12], $0x1400, $0x38;
	[tilespmem:$0x13E20] =	vst v63  }
0x7f: {  	_ =	swait.ge [sflag:s10], $0x1400  }
0x80: {  	[sflag:s10] =	ssyncset.done $0x0  }
0x81: {  	s11 =	simm.s32 $0x4DD0;
	[sflag:s10] =	ssyncadd.s32 $0xFFFFEC00  }
0x82: {  	[tilespmem:s31], [sflag:$0x2] =	stream.indirect.gather [hbm4b:s3+s17], $0x40, s11, s17, $0xb8;
	[tilespmem:$0x13E20] =	vst v63  }
0x83: {  	_ =	swait.ge [sflag:s1], $0x1400  }
0x84: {  	[sflag:s1] =	ssyncset.done $0x0  }
0x85: {  	[sflag:s1] =	ssyncadd.s32 $0xFFFFEC00;
	s1 =	rddreg [dreg:$0xc]  }
0x86: {  	[hbm4b:s1+s2] =	stream.linear.scatter [tilespmem:s12], [sflag:$0x13], $0x1400, $0x38;
	[tilespmem:$0x13E20] =	vst v63  }
0x87: {  	_ =	swait.ge [sflag:s13], $0x1400  }
0x88: {  	[sflag:s13] =	ssyncset.done $0x0  }
0x89: {  	s17 =	rddreg [dreg:$0xd];
	[sflag:s13] =	ssyncadd.s32 $0xFFFFEC00  }
0x8a: {  	[hbm4b:s17+s2] =	stream.linear.scatter [tilespmem:s29], [sflag:$0x14], $0x1400, $0x38;
	[tilespmem:$0x13E20] =	vst v63  }
0x8b: {  	_ =	swait.ge [sflag:s7], $0x1400  }
0x8c: {  	[sflag:s7] =	ssyncset.done $0x0  }
0x8d: {  	s1 =	rddreg [dreg:$0xe];
	[sflag:s7] =	ssyncadd.s32 $0xFFFFEC00  }
0x8e: {  	[hbm4b:s1+s2] =	stream.linear.scatter [tilespmem:s19], [sflag:$0x11], $0x1400, $0x38;
	[tilespmem:$0x13E20] =	vst v63  }
0x8f: {  	_ =	swait.ge [sflag:s9], $0x1400  }
0x90: {  	[sflag:s9] =	ssyncset.done $0x0  }
0x91: {  	s7 =	rddreg [dreg:$0xf];
	[sflag:s9] =	ssyncadd.s32 $0xFFFFEC00  }
0x92: {  	[hbm4b:s7+s2] =	stream.linear.scatter [tilespmem:s31], [sflag:$0x12], $0x1400, $0x38;
	[tilespmem:$0x13E20] =	vst v63  }
0x93: {  	_ =	swait.ge [sflag:s18], $0x1400  }
0x94: {  	[sflag:s18] =	ssyncset.done $0x0  }
0x95: {  	[sflag:s18] =	ssyncadd.s32 $0xFFFFEC00  }
0x96: {  	_ =	swait.ge [sflag:s14], $0x1400  }
0x97: {  	[sflag:s14] =	ssyncset.done $0x0  }
0x98: {  	[sflag:s14] =	ssyncadd.s32 $0xFFFFEC00  }
0x99: {  	_ =	swait.ge [sflag:s8], $0x1400  }
0x9a: {  	[sflag:s8] =	ssyncset.done $0x0  }
0x9b: {  	[sflag:s8] =	ssyncadd.s32 $0xFFFFEC00  }
0x9c: {  	_ =	swait.ge [sflag:s10], $0x1400  }
0x9d: {  	[sflag:s10] =	ssyncset.done $0x0  }
0x9e: {  	[sflag:s10] =	ssyncadd.s32 $0xFFFFEC00  }
0x9f: {  	[tilespmem:s19], [sflag:$0x1] =	stream.indirect.gather [hbm4b:s3+s15], $0x40, s2, s15, $0xb8;
	[tilespmem:$0x13E20] =	vst v63  }
0xa0: {  	_ = 	snop  }
0xa1: {  	[tilespmem:s31], [sflag:$0x2] =	stream.indirect.gather [hbm4b:s3+s15], $0x40, s15, s15, $0xb8;
	[tilespmem:$0x13E20] =	vst v63  }
0xa2: {  	s11 =	simm.s32 $0xF0  }
0xa3: {  	[tilespmem:s12], [sflag:$0x3] =	stream.indirect.gather [hbm4b:s3+s15], $0x40, s11, s15, $0xb8;
	[tilespmem:$0x13E20] =	vst v63  }
0xa4: {  	s13 =	simm.s32 $0x168;
	s17 =	simm.s32 $0x258  }
0xa5: {  	[tilespmem:s29], [sflag:$0x4] =	stream.indirect.gather [hbm4b:s3+s15], $0x40, s13, s15, $0xb8;
	[tilespmem:$0x13E20] =	vst v63  }
0xa6: {  	s1 =	simm.s32 $0xA820;
	s14 =	simm.s32 $0x1E0;
	s13 =	simm.s32 $0xC620  }
0xa7: {  	[tilespmem:s13], [sflag:$0x5] =	stream.indirect.gather [hbm4b:s3+s15], $0x40, s14, s15, $0xb8;
	[tilespmem:$0x13E20] =	vst v63  }
0xa8: {  	s7 =	simm.s32 $0xE420;
	s18 =	simm.s32 $0x2D0;
	s19 =	simm.s32 $0x348  }
0xa9: {  	[tilespmem:s7], [sflag:$0x6] =	stream.indirect.gather [hbm4b:s3+s15], $0x40, s17, s15, $0xb8;
	[tilespmem:$0x13E20] =	vst v63  }
0xaa: {  	s31 =	simm.s32 $0x4E20;
	s12 =	simm.s32 $0x6C20;
	s29 =	simm.s32 $0x8A20  }
0xab: {  	[tilespmem:s20], [sflag:$0x7] =	stream.indirect.gather [hbm4b:s3+s15], $0x40, s18, s15, $0xb8;
	[tilespmem:$0x13E20] =	vst v63  }
0xac: {  	s14 =	simm.s32 $0x12020;
	s17 =	rddreg [dreg:$0x2];
	s18 =	simm.s32 $0x0  }
0xad: {  	[tilespmem:s14], [sflag:$0x8] =	stream.indirect.gather [hbm4b:s3+s15], $0x40, s19, s15, $0xb8;
	[tilespmem:$0x13E20] =	vst v63  }
.LBB2_2:
0xae: {  	s11 =	simm.s32 $0x1  }
0xaf: {  	_ =	swait.ge [sflag:s11], $0x1E00  }
0xb0: {  	s19 =	sshra.s32 s18, $0x2;
	[sflag:s11] =	ssyncset.done $0x0  }
0xb1: {  	[sflag:s11] =	ssyncadd.s32 $0xFFFFE200;
	s11 =	sadd.s32 $0x2580, s19  }
0xb2: {  	[tilespmem:s31], [sflag:$0x9] =	stream.indirect.gather.add.f32 [hbm:s4], $0x40, s11, s15, $0xb8;
	[tilespmem:$0x13E20] =	vst v63  }
0xb3: {  	_ =	swait.ge [sflag:s9], $0x1E00  }
0xb4: {  	[sflag:s9] =	ssyncset.done $0x0  }
0xb5: {  	s11 =	sadd.s32 $0x25F8, s19;
	[sflag:s9] =	ssyncadd.s32 $0xFFFFE200  }
0xb6: {  	[tilespmem:s12], [sflag:$0xA] =	stream.indirect.gather.add.f32 [hbm:s4], $0x40, s11, s15, $0xb8;
	[tilespmem:$0x13E20] =	vst v63  }
0xb7: {  	s11 =	simm.s32 $0x3  }
0xb8: {  	_ =	swait.ge [sflag:s11], $0x1E00  }
0xb9: {  	[sflag:s11] =	ssyncset.done $0x0  }
0xba: {  	[sflag:s11] =	ssyncadd.s32 $0xFFFFE200;
	s11 =	sadd.s32 $0x2670, s19  }
0xbb: {  	[tilespmem:s29], [sflag:$0xB] =	stream.indirect.gather.add.f32 [hbm:s4], $0x40, s11, s15, $0xb8;
	[tilespmem:$0x13E20] =	vst v63  }
0xbc: {  	s11 =	simm.s32 $0x4  }
0xbd: {  	_ =	swait.ge [sflag:s11], $0x1E00  }
0xbe: {  	[sflag:s11] =	ssyncset.done $0x0  }
0xbf: {  	[sflag:s11] =	ssyncadd.s32 $0xFFFFE200;
	s11 =	sadd.s32 $0x26E8, s19  }
0xc0: {  	[tilespmem:s1], [sflag:$0xC] =	stream.indirect.gather.add.f32 [hbm:s4], $0x40, s11, s15, $0xb8;
	[tilespmem:$0x13E20] =	vst v63  }
0xc1: {  	s11 =	simm.s32 $0x5  }
0xc2: {  	_ =	swait.ge [sflag:s11], $0x1E00  }
0xc3: {  	[sflag:s11] =	ssyncset.done $0x0  }
0xc4: {  	[sflag:s11] =	ssyncadd.s32 $0xFFFFE200;
	s11 =	sadd.s32 $0x2760, s19  }
0xc5: {  	[tilespmem:s13], [sflag:$0xD] =	stream.indirect.gather.add.f32 [hbm:s4], $0x40, s11, s15, $0xb8;
	[tilespmem:$0x13E20] =	vst v63  }
0xc6: {  	s11 =	simm.s32 $0x6  }
0xc7: {  	_ =	swait.ge [sflag:s11], $0x1E00  }
0xc8: {  	[sflag:s11] =	ssyncset.done $0x0  }
0xc9: {  	[sflag:s11] =	ssyncadd.s32 $0xFFFFE200;
	s11 =	sadd.s32 $0x27D8, s19  }
0xca: {  	[tilespmem:s7], [sflag:$0xE] =	stream.indirect.gather.add.f32 [hbm:s4], $0x40, s11, s15, $0xb8;
	[tilespmem:$0x13E20] =	vst v63  }
0xcb: {  	s11 =	simm.s32 $0x7  }
0xcc: {  	_ =	swait.ge [sflag:s11], $0x1E00  }
0xcd: {  	[sflag:s11] =	ssyncset.done $0x0  }
0xce: {  	[sflag:s11] =	ssyncadd.s32 $0xFFFFE200;
	s11 =	sadd.s32 $0x2850, s19  }
0xcf: {  	[tilespmem:s20], [sflag:$0xF] =	stream.indirect.gather.add.f32 [hbm:s4], $0x40, s11, s15, $0xb8;
	[tilespmem:$0x13E20] =	vst v63  }
0xd0: {  	s11 =	simm.s32 $0x8  }
0xd1: {  	_ =	swait.ge [sflag:s11], $0x1E00  }
0xd2: {  	[sflag:s11] =	ssyncset.done $0x0  }
0xd3: {  	[sflag:s11] =	ssyncadd.s32 $0xFFFFE200;
	s11 =	sadd.s32 $0x28C8, s19  }
0xd4: {  	[tilespmem:s14], [sflag:$0x10] =	stream.indirect.gather.add.f32 [hbm:s4], $0x40, s11, s15, $0xb8;
	[tilespmem:$0x13E20] =	vst v63  }
0xd5: {  	_ =	swait.ge [sflag:s21], $0x1E00  }
0xd6: {  	[sflag:s21] =	ssyncset.done $0x0;
	s11 =	rddreg [dreg:$0x11]  }
0xd7: {  	[sflag:s21] =	ssyncadd.s32 $0xFFFFE200;
	s11 =	sadd.s32 s17, s11  }
0xd8: {  	[hbm4b:s11+s2] =	stream.linear.scatter [tilespmem:s31], [sflag:$0x11], $0x1E00, $0x38;
	[tilespmem:$0x13E20] =	vst v63  }
0xd9: {  	_ =	swait.ge [sflag:s22], $0x1E00  }
0xda: {  	[sflag:s22] =	ssyncset.done $0x0;
	s11 =	rddreg [dreg:$0x18]  }
0xdb: {  	[sflag:s22] =	ssyncadd.s32 $0xFFFFE200;
	s11 =	sadd.s32 s17, s11  }
0xdc: {  	[hbm4b:s11+s2] =	stream.linear.scatter [tilespmem:s12], [sflag:$0x12], $0x1E00, $0x38;
	[tilespmem:$0x13E20] =	vst v63  }
0xdd: {  	_ =	swait.ge [sflag:s23], $0x1E00  }
0xde: {  	[sflag:s23] =	ssyncset.done $0x0;
	s11 =	rddreg [dreg:$0x17]  }
0xdf: {  	[sflag:s23] =	ssyncadd.s32 $0xFFFFE200;
	s11 =	sadd.s32 s17, s11  }
0xe0: {  	[hbm4b:s11+s2] =	stream.linear.scatter [tilespmem:s29], [sflag:$0x13], $0x1E00, $0x38;
	[tilespmem:$0x13E20] =	vst v63  }
0xe1: {  	_ =	swait.ge [sflag:s24], $0x1E00  }
0xe2: {  	[sflag:s24] =	ssyncset.done $0x0;
	s11 =	rddreg [dreg:$0x16]  }
0xe3: {  	[sflag:s24] =	ssyncadd.s32 $0xFFFFE200;
	s11 =	sadd.s32 s17, s11  }
0xe4: {  	[hbm4b:s11+s2] =	stream.linear.scatter [tilespmem:s1], [sflag:$0x14], $0x1E00, $0x38;
	[tilespmem:$0x13E20] =	vst v63  }
0xe5: {  	_ =	swait.ge [sflag:s25], $0x1E00  }
0xe6: {  	[sflag:s25] =	ssyncset.done $0x0;
	s11 =	rddreg [dreg:$0x15]  }
0xe7: {  	[sflag:s25] =	ssyncadd.s32 $0xFFFFE200;
	s11 =	sadd.s32 s17, s11  }
0xe8: {  	[hbm4b:s11+s2] =	stream.linear.scatter [tilespmem:s13], [sflag:$0x15], $0x1E00, $0x38;
	[tilespmem:$0x13E20] =	vst v63  }
0xe9: {  	_ =	swait.ge [sflag:s26], $0x1E00  }
0xea: {  	[sflag:s26] =	ssyncset.done $0x0;
	s11 =	rddreg [dreg:$0x14]  }
0xeb: {  	[sflag:s26] =	ssyncadd.s32 $0xFFFFE200;
	s11 =	sadd.s32 s17, s11  }
0xec: {  	[hbm4b:s11+s2] =	stream.linear.scatter [tilespmem:s7], [sflag:$0x16], $0x1E00, $0x38;
	[tilespmem:$0x13E20] =	vst v63  }
0xed: {  	_ =	swait.ge [sflag:s28], $0x1E00  }
0xee: {  	[sflag:s28] =	ssyncset.done $0x0;
	s11 =	rddreg [dreg:$0x13]  }
0xef: {  	[sflag:s28] =	ssyncadd.s32 $0xFFFFE200;
	s11 =	sadd.s32 s17, s11  }
0xf0: {  	[hbm4b:s11+s2] =	stream.linear.scatter [tilespmem:s20], [sflag:$0x17], $0x1E00, $0x38;
	[tilespmem:$0x13E20] =	vst v63  }
0xf1: {  	_ =	swait.ge [sflag:s6], $0x1E00  }
0xf2: {  	p0 =	seq.s32 s18, $0x8700;
	[sflag:s6] =	ssyncset.done $0x0;
	s11 =	rddreg [dreg:$0x12]  }
.Ltmp2:
0xf3: {  	[sflag:s6] =	ssyncadd.s32 $0xFFFFE200;
	s11 =	sadd.s32 s17, s11;
	(pc) =	sbr.rel @p0 .LBB2_4-.Ltmp2, $4  }
0xf4: {  	[hbm4b:s11+s2] =	stream.linear.scatter [tilespmem:s14], [sflag:$0x18], $0x1E00, $0x38;
	[tilespmem:$0x13E20] =	vst v63  }
0xf5: {  	_ =	swait.ge [sflag:s8], $0x1E00  }
0xf6: {  	[sflag:s8] =	ssyncset.done $0x0  }
0xf7: {  	[sflag:s8] =	ssyncadd.s32 $0xFFFFE200  }
0xf8: {  	s11 =	sadd.s32 $0x3C0, s19  }
0xf9: {  	[tilespmem:s31], [sflag:$0x1] =	stream.indirect.gather [hbm4b:s3+s15], $0x40, s11, s15, $0xb8;
	[tilespmem:$0x13E20] =	vst v63  }
0xfa: {  	_ =	swait.ge [sflag:s10], $0x1E00  }
0xfb: {  	[sflag:s10] =	ssyncset.done $0x0  }
0xfc: {  	s11 =	sadd.s32 $0x438, s19;
	[sflag:s10] =	ssyncadd.s32 $0xFFFFE200  }
0xfd: {  	[tilespmem:s12], [sflag:$0x2] =	stream.indirect.gather [hbm4b:s3+s15], $0x40, s11, s15, $0xb8;
	[tilespmem:$0x13E20] =	vst v63  }
0xfe: {  	s11 =	simm.s32 $0x13  }
0xff: {  	_ =	swait.ge [sflag:s11], $0x1E00  }
0x100: {  	[sflag:s11] =	ssyncset.done $0x0  }
0x101: {  	[sflag:s11] =	ssyncadd.s32 $0xFFFFE200;
	s11 =	sadd.s32 $0x4B0, s19  }
0x102: {  	[tilespmem:s29], [sflag:$0x3] =	stream.indirect.gather [hbm4b:s3+s15], $0x40, s11, s15, $0xb8;
	[tilespmem:$0x13E20] =	vst v63  }
0x103: {  	s11 =	simm.s32 $0x14  }
0x104: {  	_ =	swait.ge [sflag:s11], $0x1E00  }
0x105: {  	[sflag:s11] =	ssyncset.done $0x0  }
0x106: {  	[sflag:s11] =	ssyncadd.s32 $0xFFFFE200;
	s11 =	sadd.s32 $0x528, s19  }
0x107: {  	[tilespmem:s1], [sflag:$0x4] =	stream.indirect.gather [hbm4b:s3+s15], $0x40, s11, s15, $0xb8;
	[tilespmem:$0x13E20] =	vst v63  }
0x108: {  	_ =	swait.ge [sflag:s5], $0x1E00  }
0x109: {  	[sflag:s5] =	ssyncset.done $0x0  }
0x10a: {  	s11 =	sadd.s32 $0x5A0, s19;
	[sflag:s5] =	ssyncadd.s32 $0xFFFFE200  }
0x10b: {  	[tilespmem:s13], [sflag:$0x5] =	stream.indirect.gather [hbm4b:s3+s15], $0x40, s11, s15, $0xb8;
	[tilespmem:$0x13E20] =	vst v63  }
0x10c: {  	_ =	swait.ge [sflag:s0], $0x1E00  }
0x10d: {  	[sflag:s0] =	ssyncset.done $0x0  }
0x10e: {  	s11 =	sadd.s32 $0x618, s19;
	[sflag:s0] =	ssyncadd.s32 $0xFFFFE200  }
0x10f: {  	[tilespmem:s7], [sflag:$0x6] =	stream.indirect.gather [hbm4b:s3+s15], $0x40, s11, s15, $0xb8;
	[tilespmem:$0x13E20] =	vst v63  }
0x110: {  	_ =	swait.ge [sflag:s30], $0x1E00  }
0x111: {  	[sflag:s30] =	ssyncset.done $0x0  }
0x112: {  	s11 =	sadd.s32 $0x690, s19;
	[sflag:s30] =	ssyncadd.s32 $0xFFFFE200  }
0x113: {  	[tilespmem:s20], [sflag:$0x7] =	stream.indirect.gather [hbm4b:s3+s15], $0x40, s11, s15, $0xb8;
	[tilespmem:$0x13E20] =	vst v63  }
.Ltmp3:
0x114: {  	_ = 	snop;
	(pc) =	sbr.rel .LBB2_2-.Ltmp3, $4  }
0x115: {  	_ =	swait.ge [sflag:s16], $0x1E00  }
0x116: {  	s18 =	sadd.s32 $0xF00, s18;
	[sflag:s16] =	ssyncset.done $0x0  }
0x117: {  	s17 =	sadd.s32 $0x1E00, s17;
	s19 =	sadd.s32 $0x708, s19;
	[sflag:s16] =	ssyncadd.s32 $0xFFFFE200  }
0x118: {  	[tilespmem:s14], [sflag:$0x8] =	stream.indirect.gather [hbm4b:s3+s15], $0x40, s19, s15, $0xb8;
	[tilespmem:$0x13E20] =	vst v63  }
.LBB2_5:
0x119: {  	_ =	sfence.sel $0x180000  }
0x11a: {  	[bflag:$0x0] =	sbarrier.arrive $0xFFFF  }
0x11b: {  	_ =	strace $0x9000004A  }
0x11c: {  	s0 =	stileid.u32;
	[bflag:$0x2] =	sbarrier.arrive $0xFFFF  }
0x11d: {  	p0 =	sne.s32 s0, $0x0;
	s0 =	rddreg [dreg:$0x1]  }
0x11e: {  	s0 =	sadd.s32 @!p0 $0x100000, s0  }
0x11f: {  	[sflag:s0] =	ssyncadd.tile.s32 @!p0 $0x1;
	_ =	shalt  }
.Lfunc_end2:
_tile_overlayer_lowered:
.L_overlay_start_2:
0x120: {  	(tag) =	ssettag $0x2  }
0x121: {  	s0 =	rddreg [dreg:$0x0];
	s2 =	stileid.u32  }
0x122: {  	s1 =	rddreg [dreg:$0x1];
	p0 =	sne.s32 s2, $0x0  }
0x123: {  	s3 =	rddreg [dreg:$0x2];
	[bflag:$0x3] =	sbarrier.arrive $0xFFFF;
	s2 =	simm.s32 @!p0 $0x1C19  }
0x124: {  	[timem:s3], [sflag:s2] =	dma.local @!p0 [hbm:s0], s1  }
0x125: {  	s0 =	simm.s32 @!p0 $0x19  }
0x126: {  	_ =	swait.ge @!p0 [sflag:s0], s1  }
0x127: {  	s1 =	ssub.s32 @!p0 $0x0, s1;
	[sflag:s0] =	ssyncset.done @!p0 $0x0  }
0x128: {  	[sflag:s0] =	ssyncadd.s32 @!p0 s1  }
0x129: {  	[bflag:$0x3] =	sbarrier.arrive $0xFFFF  }
0x12a: {  	_ =	shalt  }

// kernel: kernel.7.cloned.1.call-start
scs
__scs_entry_jumppad:
0x0: {  	(pc) =	sbr.rel $0x88, $3  }
0x1: {  	(tag) =	ssettag $0x0;
	lr =	simm.s32 $0x1  }
0x2: {  	[smem:$0x3F96] =	sst lr;
	_ =	strace $0xD0000000  }
0x3: {  	_ = 	snop  }
0x4: {  	_ = 	snop  }
0x5: {  	_ = 	snop  }
0x6: {  	_ = 	snop  }
0x7: {  	_ = 	snop  }
__scs_overlays_trampoline_lowered:
0x8: {  	[smem:$0x3FA5] =	sst s0  }
0x9: {  	[smem:$0x3FA6] =	sst s1  }
0xa: {  	[smem:$0x3FA7] =	sst s2  }
0xb: {  	[smem:$0x3FA8] =	sst s3  }
0xc: {  	[smem:$0x3FA9] =	sst s4  }
0xd: {  	[smem:$0x3FAA] =	sst s5  }
0xe: {  	[smem:$0x3FAB] =	sst s6  }
0xf: {  	[smem:$0x3FAC] =	sst s7  }
0x10: {  	[smem:$0x3FAD] =	sst s8  }
0x11: {  	[smem:$0x3FAE] =	sst s9;
	s0 =	simm.s32 @!p0 $0x0  }
0x12: {  	s1 =	sld [smem:$0x3F94];
	s0 =	simm.s32 @p0 $0x1  }
0x13: {  	[smem:$0x3FAF] =	sst s0;
	s0 =	simm.s32 @!p1 $0x0  }
0x14: {  	s2 =	sld [smem:$0x3F93];
	s0 =	simm.s32 @p1 $0x1  }
0x15: {  	[smem:$0x3FB0] =	sst s0;
	s0 =	simm.s32 @!p2 $0x0  }
0x16: {  	s3 =	sld [smem:$0x3FDB];
	s0 =	simm.s32 @p2 $0x1  }
0x17: {  	s4 =	simm.s32 $0x1BF5;
	[smem:$0x3FB2] =	sst s0  }
0x18: {  	s0 =	sld [smem:$0x3F95];
	_ =	swait.ge [sflag:s4], $0x0  }
0x19: {  	s7 =	sld [smem:$0x3F96]  }
0x1a: {  	s8 =	sadd.s32 $0xFFFFE003, lr  }
0x1b: {  	s9 =	sadd.s32 $0xFFFFFEF7, lr;
	s5 =	simm.s32 $0xFFFFFFFF;
	p2 =	slt.u32 s8, $0xFFFFF086  }
0x1c: {  	p1 =	slt.u32 s9, $0xF7A;
	s5 =	simm.s32 @!p2 $0x0  }
0x1d: {  	s5 =	simm.s32 @p1 $0x1;
	p0 =	seq.s32 s7, s2  }
0x1e: {  	s7 =	smul.u32 @!p0 $0xF7A, s2;
	p2 =	seq.s32 @!p0 s5, $0x0  }
0x1f: {  	s9 =	smul.u32 $0xF7A, s1;
	s8 =	simm.s32 @!p0 $0x1BF5;
	p2 =	por !p2, p0  }
0x20: {  	[sflag:s8] =	ssyncset.s32 @!p0 $0xFFFFF086;
	s6 =	sadd.s32 @!p0 s3, s7;
	s7 =	simm.s32 @!p0 $0x108  }
0x21: {  	s3 =	sadd.s32 s3, s9;
	s6 =	sadd.s32 @!p0 $0x88, s6;
	s7 =	simm.s32 @p2 $0x1082  }
0x22: {  	[simem:s7], [sflag:s8] =	dma.local @!p0 [hbm:s6], $0xF7A  }
0x23: {  	s9 =	sor.u32 $0xD0000000, s2;
	s6 =	simm.s32 $0x108;
	_ =	swait.ge @!p0 [sflag:s8], $0x0  }
0x24: {  	s3 =	sadd.s32 $0x88, s3;
	s6 =	simm.s32 @!p1 $0x1082;
	[sflag:s4] =	ssyncset.s32 $0xFFFFF086  }
0x25: {  	[simem:s6], [sflag:s4] =	dma.local [hbm:s3], $0xF7A  }
0x26: {  	[smem:$0x3F96] =	sst s1;
	(tag) =	ssettag s2;
	_ =	strace s9  }
0x27: {  	s1 =	sld [smem:$0x3FA6]  }
0x28: {  	s2 =	sld [smem:$0x3FA7]  }
0x29: {  	s4 =	sld [smem:$0x3FA9]  }
0x2a: {  	p0 =	seq.s32 s5, $0x0;
	s5 =	sld [smem:$0x3FAA]  }
0x2b: {  	s6 =	sld [smem:$0x3FAB]  }
0x2c: {  	s7 =	sld [smem:$0x3FAC]  }
0x2d: {  	s3 =	simm.s32 $0x108;
	s8 =	sld [smem:$0x3FAD]  }
0x2e: {  	s3 =	simm.s32 @!p0 $0x1082;
	s9 =	sld [smem:$0x3FAE]  }
0x2f: {  	lr =	sadd.s32 s0, s3;
	s0 =	sld [smem:$0x3FA5]  }
0x30: {  	s3 =	sld [smem:$0x3FA8]  }
0x31: {  	[smem:$0x3FB1] =	sst s10  }
0x32: {  	s10 =	sld [smem:$0x3FAF];
	_ =	sdelay $0x3  }
0x33: {  	p0 =	seq.s32 s10, $0x1;
	s10 =	sld [smem:$0x3FB1];
	_ =	sdelay $0x3  }
0x34: {  	[smem:$0x3FB1] =	sst s10  }
0x35: {  	s10 =	sld [smem:$0x3FB0];
	_ =	sdelay $0x3  }
0x36: {  	p1 =	seq.s32 s10, $0x1;
	s10 =	sld [smem:$0x3FB1];
	_ =	sdelay $0x3  }
0x37: {  	[smem:$0x3FB1] =	sst s10  }
0x38: {  	s10 =	sld [smem:$0x3FB2]  }
0x39: {  	_ = 	snop;
	(pc) =	sbr.ind lr, $3  }
0x3a: {  	_ = 	snop  }
0x3b: {  	_ = 	snop  }
0x3c: {  	p2 =	seq.s32 s10, $0x1;
	s10 =	sld [smem:$0x3FB1]  }
0x3d: {  	_ =	shalt  }
0x3e: {  	_ =	shalt  }
0x3f: {  	_ =	shalt  }
0x40: {  	_ =	shalt  }
0x41: {  	_ =	shalt  }
0x42: {  	_ =	shalt  }
0x43: {  	_ =	shalt  }
0x44: {  	_ =	shalt  }
0x45: {  	_ =	shalt  }
0x46: {  	_ =	shalt  }
0x47: {  	_ =	shalt  }
0x48: {  	_ =	shalt  }
0x49: {  	_ =	shalt  }
0x4a: {  	_ =	shalt  }
0x4b: {  	_ =	shalt  }
0x4c: {  	_ =	shalt  }
0x4d: {  	_ =	shalt  }
0x4e: {  	_ =	shalt  }
0x4f: {  	_ =	shalt  }
0x50: {  	_ =	shalt  }
0x51: {  	_ =	shalt  }
0x52: {  	_ =	shalt  }
0x53: {  	_ =	shalt  }
0x54: {  	_ =	shalt  }
0x55: {  	_ =	shalt  }
0x56: {  	_ =	shalt  }
0x57: {  	_ =	shalt  }
0x58: {  	_ =	shalt  }
0x59: {  	_ =	shalt  }
0x5a: {  	_ =	shalt  }
0x5b: {  	_ =	shalt  }
0x5c: {  	_ =	shalt  }
0x5d: {  	_ =	shalt  }
0x5e: {  	_ =	shalt  }
0x5f: {  	_ =	shalt  }
0x60: {  	_ =	shalt  }
0x61: {  	_ =	shalt  }
0x62: {  	_ =	shalt  }
0x63: {  	_ =	shalt  }
0x64: {  	_ =	shalt  }
0x65: {  	_ =	shalt  }
0x66: {  	_ =	shalt  }
0x67: {  	_ =	shalt  }
0x68: {  	_ =	shalt  }
0x69: {  	_ =	shalt  }
0x6a: {  	_ =	shalt  }
0x6b: {  	_ =	shalt  }
0x6c: {  	_ =	shalt  }
0x6d: {  	_ =	shalt  }
0x6e: {  	_ =	shalt  }
0x6f: {  	_ =	shalt  }
0x70: {  	_ =	shalt  }
0x71: {  	_ =	shalt  }
0x72: {  	_ =	shalt  }
0x73: {  	_ =	shalt  }
0x74: {  	_ =	shalt  }
0x75: {  	_ =	shalt  }
0x76: {  	_ =	shalt  }
0x77: {  	_ =	shalt  }
0x78: {  	_ =	shalt  }
0x79: {  	_ =	shalt  }
0x7a: {  	_ =	shalt  }
0x7b: {  	_ =	shalt  }
0x7c: {  	_ =	shalt  }
0x7d: {  	_ =	shalt  }
0x7e: {  	_ =	shalt  }
0x7f: {  	_ =	shalt  }
0x80: {  	_ =	shalt  }
0x81: {  	_ =	shalt  }
0x82: {  	_ =	shalt  }
0x83: {  	_ =	shalt  }
0x84: {  	_ =	shalt  }
0x85: {  	_ =	shalt  }
0x86: {  	_ =	shalt  }
0x87: {  	_ =	shalt  }
.Lfunc_end0:
.L_simem_size_0:
called_computation_lowered:
.L_overlay_start_0:
0x88: {  	s2 =	sld [smem:$0x3FD9]  }
0x89: {  	s3 =	sld [smem:$0x3FFE];
	_ =	sdelay $0x1  }
0x8a: {  	s1 =	srdreg.scid  }
0x8b: {  	s0 =	sand.u32 $0x1, s1  }
0x8c: {  	s17 =	sshll.u32 s0, $0xA;
	s2 =	sadd.s32 s3, s2  }
0x8d: {  	s2 =	sadd.s32 s2, s17  }
0x8e: {  	[smem:$0x3FBD] =	sst s2  }
0x8f: {  	_ = 	snop  }
0x90: {  	s2 =	sld [smem:$0x3FD0];
	(tm) =	ssettm $0x1  }
0x91: {  	s18 =	sld [smem:$0x3FFB];
	_ =	sdelay $0x3  }
0x92: {  	_ =	strace s18  }
0x93: {  	s3 =	sld [smem:$0x3FFC];
	_ =	sdelay $0x3  }
0x94: {  	_ =	strace s3  }
0x95: {  	s3 =	sld [smem:$0x3FFD];
	_ =	sdelay $0x3  }
0x96: {  	_ =	strace s3  }
0x97: {  	_ =	strace $0x8FFFFFFF  }
0x98: {  	s19 =	sld [smem:$0x3FDB];
	_ =	sdelay $0x1  }
0x99: {  	s4 =	simm.s32 $_scs_section_size  }
0x9a: {  	s5 =	simm.s32 $_size__tile_overlayer_lowered;
	s6 =	simm.s32 $_tile_overlayer_lowered  }
0x9b: {  	s22 =	simm.s32 $0x1BFF;
	s21 =	sshll.u32 s6, $0x1;
	s3 =	sadd.s32 s4, s19  }
0x9c: {  	s7 =	simm.s32 $0x0;
	s20 =	sshll.u32 s5, $0x1;
	s5 =	sadd.s32 s21, s3  }
0x9d: {  	[timem:s7], [sflag:s22] =	dma.local [hbm:s5], s20  }
0x9e: {  	_ =	swait.ge [sflag:s22], s20  }
0x9f: {  	s4 =	ssub.s32 $0x0, s20;
	[sflag:s22] =	ssyncset.done $0x0  }
0xa0: {  	[sflag:s22] =	ssyncadd.s32 s4;
	_ =	sdelay $0x1  }
0xa1: {  	s23 =	simm.s32 $0x1B8B  }
0xa2: {  	_ =	swait.ge [sflag:s23], $0x1  }
0xa3: {  	[sflag:s23] =	ssyncset.done $0x0  }
0xa4: {  	s25 =	simm.s32 $0x1B8E;
	s24 =	sld [smem:$0x3FFE];
	[sflag:s23] =	ssyncadd.s32 $0xFFFFFFFF  }
0xa5: {  	s26 =	simm.s32 $execute0_lowered;
	[smem:$0x3FD2] =	sst s25  }
0xa6: {  	s5 =	sshll.u32 s26, $0x1;
	_ =	strace $0x80000046;
	[dreg:$0x1] =	wrdreg $0xFFFFFFFF  }
0xa7: {  	s28 =	simm.s32 $_size_execute0_lowered;
	s3 =	sadd.s32 s3, s5;
	[dreg:$0x0] =	wrdreg $0x0  }
0xa8: {  	s5 =	sshll.u32 s28, $0x1;
	[dreg:$0x2] =	wrdreg s3  }
0xa9: {  	[dreg:$0x3] =	wrdreg s5  }
0xaa: {  	[dreg:$0x4] =	wrdreg $0xC0  }
0xab: {  	_ =	task [dreg:s7], $0x5FFFF  }
0xac: {  	[dreg:$0x1] =	wrdreg $0xFFFFFFFF  }
0xad: {  	[dreg:$0x0] =	wrdreg $0x60  }
0xae: {  	[dreg:$0x2] =	wrdreg s24  }
0xaf: {  	[dreg:$0x3] =	wrdreg s2  }
0xb0: {  	[dreg:$0x4] =	wrdreg $0x9  }
0xb1: {  	_ =	task.clear_ibuf [dreg:s7], $0x5FFFF;
	_ =	strace $0x90000046  }
0xb2: {  	s29 =	simm.s32 $0x9;
	_ =	strace $0x80000048  }
0xb3: {  	_ =	swait.ge [sflag:s29], $0x1  }
0xb4: {  	[sflag:s29] =	ssyncadd.s32 $0xFFFFFFFF  }
0xb5: {  	_ =	strace $0x90000048  }
0xb6: {  	_ =	sfence  }
0xb7: {  	s30 =	sld [smem:$0x0];
	_ =	sdelay $0x2  }
0xb8: {  	s31 =	sshll.u32 s1, $0xD;
	s1 =	sshrl.u32 s1, $0x2  }
0xb9: {  	s3 =	sand.u32 $0x4000, s31;
	s1 =	sadd.s32 s1, s30  }
0xba: {  	s0 =	sor.u32 s3, s0;
	s1 =	sshll.u32 s1, $0x11  }
0xbb: {  	s0 =	sor.u32 s1, s0  }
0xbc: {  	s0 =	sadd.s32 $0x8F2B, s0  }
0xbd: {  	[sflag:s0] =	ssyncadd.remote.s32 $0x1  }
0xbe: {  	_ =	sfence.sel $0xFFFF  }
0xbf: {  	[dreg:$0x0] =	wrdreg $0xFFFFFFFF;
	(pc) =	sbr.abs _section_cstart, $3  }
0xc0: {  	[dreg:$0x1] =	wrdreg $0xFFFFFFFF  }
0xc1: {  	_ =	task.clear_ibuf [dreg:s7], $0x2FFFF;
	_ =	strace $0x9FFFFFFF  }
0xc2: {  	(tm) =	ssettm $0x7FFFFFFF  }
0xc3: {  	_ =	shalt  }
tec
execute0_lowered:
.L_overlay_start_1:
0x0: {  	(tag) =	ssettag $0x1  }
0x1: {  	s3 =	srdreg.scid;
	s12 =	stileid.u32  }
0x2: {  	s5 =	sand.u32 $0x1, s3;
	s26 =	smul.u32 $0x25800, s12  }
0x3: {  	s0 =	rddreg [dreg:$0x0];
	s19 =	sshll.u32 s12, $0x1;
	s16 =	smul.u32 $0x2580, s5  }
0x4: {  	s6 =	sor.u32 s5, s19;
	s9 =	ssub.s32 $0x2, s5;
	s5 =	smul.u32 $0x12C00, s5  }
0x5: {  	s1 =	rddreg [dreg:$0x1];
	s2 =	simm.s32 $0x0;
	s7 =	smul.u32 $0x2580, s6  }
0x6: {  	s31 =	simm.s32 $0x6C20;
	s29 =	simm.s32 $0xA820;
	s8 =	smul.u32 $0x64, s6  }
0x7: {  	[smem:$0x7FF] =	sst s2;
	s3 =	sadd.s32 $0x18AE00, s0;
	s11 =	smul.u32 $0xC800, s6  }
0x8: {  	s4 =	sadd.s32 $0x4400, s0;
	_ =	strace $0x80000047;
	s6 =	smul.u32 $0x1900, s6  }
0x9: {  	s19 =	sadd.s32 s5, s26;
	s7 =	sshrl.u32 s7, $0x3;
	s8 =	sadd.s32 s8, s0  }
0xa: {  	[dreg:$0x12] =	wrdreg s19;
	s7 =	sadd.s32 s7, s0;
	s0 =	sadd.s32 $0x24E400, s0  }
0xb: {  	s22 =	sshrl.u32 s11, $0x3;
	s23 =	sadd.s32 $0x65200, s8;
	[dreg:$0x3] =	wrdreg s0  }
0xc: {  	s24 =	sadd.s32 s1, s22;
	s1 =	sadd.s32 s1, s6;
	[dreg:$0x6] =	wrdreg s23  }
0xd: {  	s28 =	simm.s32 $0xF;
	s21 =	sadd.s32 $0x5BC00, s7;
	[dreg:$0x7] =	wrdreg s1  }
0xe: {  	s30 =	simm.s32 $0x17;
	s7 =	sadd.s32 $0x52600, s7;
	[dreg:$0x4] =	wrdreg s21  }
0xf: {  	s10 =	sshrl.u32 s9, $0x1;
	s25 =	sadd.s32 $0x280, s24;
	[dreg:$0x5] =	wrdreg s7  }
0x10: {  	s20 =	ssub.s32 s9, s10;
	s10 =	sadd.s32 $0x500, s24;
	[dreg:$0x8] =	wrdreg s25  }
0x11: {  	s13 =	smul.u32 $0x4B00, s12;
	s11 =	sadd.s32 $0x780, s24;
	[dreg:$0x9] =	wrdreg s10  }
0x12: {  	s12 =	simm.s32 $0x8A20;
	s14 =	sadd.s32 $0xA00, s24;
	[dreg:$0xa] =	wrdreg s11  }
0x13: {  	s5 =	simm.s32 $0x15;
	s15 =	sadd.s32 $0xC80, s24;
	[dreg:$0xb] =	wrdreg s14  }
0x14: {  	s19 =	simm.s32 $0x4E20;
	s9 =	sadd.s32 $0xF00, s24;
	[dreg:$0xc] =	wrdreg s15  }
0x15: {  	s6 =	sadd.s32 s16, s13;
	s17 =	sadd.s32 $0x1180, s24;
	[dreg:$0xd] =	wrdreg s9  }
0x16: {  	s8 =	simm.s32 $0x11;
	s18 =	sadd.s32 $0x1400, s24;
	[dreg:$0xe] =	wrdreg s17  }
0x17: {  	s16 =	simm.s32 $0x18;
	s0 =	smax.u32 s20, $0x1;
	[dreg:$0xf] =	wrdreg s18  }
0x18: {  	s20 =	sshll.u32 s6, $0x3;
	s7 =	sadd.s32 $0x1680, s24;
	[dreg:$0x11] =	wrdreg s0  }
0x19: {  	s6 =	simm.s32 $0x10;
	s21 =	sadd.s32 $0x1A40, s20;
	[dreg:$0x10] =	wrdreg s7  }
0x1a: {  	s1 =	simm.s32 $0x16;
	s22 =	sadd.s32 $0x1680, s20;
	[dreg:$0x13] =	wrdreg s21  }
0x1b: {  	s23 =	sadd.s32 $0x12C0, s20;
	s24 =	sadd.s32 $0xF00, s20;
	[dreg:$0x14] =	wrdreg s22  }
0x1c: {  	s25 =	sadd.s32 $0xB40, s20;
	s26 =	sadd.s32 $0x780, s20;
	[dreg:$0x15] =	wrdreg s23  }
0x1d: {  	s0 =	sor.u32 $0x3C0, s20;
	s9 =	simm.s32 $0x2;
	[dreg:$0x16] =	wrdreg s24  }
.Ltmp0:
0x1e: {  	s10 =	simm.s32 $0x12;
	[dreg:$0x17] =	wrdreg s25;
	(pc) =	sbr.rel .LBB2_1-.Ltmp0, $4  }
0x1f: {  	s14 =	simm.s32 $0x14;
	s15 =	simm.s32 $0x78;
	[dreg:$0x18] =	wrdreg s26  }
0x20: {  	s20 =	simm.s32 $0x10220;
	[dreg:$0x19] =	wrdreg s0;
	s21 =	simm.s32 $0x9  }
0x21: {  	s22 =	simm.s32 $0xA;
	s23 =	simm.s32 $0xB;
	s24 =	simm.s32 $0xC  }
0x22: {  	s25 =	simm.s32 $0xD;
	s26 =	simm.s32 $0xE;
	s0 =	simm.s32 $0x0  }
.LBB2_4:
0x23: {  	_ =	swait.ge [sflag:s10], $0x1E00  }
0x24: {  	[sflag:s10] =	ssyncset.done $0x0  }
0x25: {  	s0 =	simm.s32 $0x13;
	[sflag:s10] =	ssyncadd.s32 $0xFFFFE200  }
0x26: {  	_ =	swait.ge [sflag:s0], $0x1E00  }
0x27: {  	[sflag:s0] =	ssyncset.done $0x0  }
0x28: {  	s14 =	simm.s32 $0x14;
	[sflag:s0] =	ssyncadd.s32 $0xFFFFE200  }
0x29: {  	_ =	swait.ge [sflag:s14], $0x1E00  }
0x2a: {  	[sflag:s14] =	ssyncset.done $0x0  }
0x2b: {  	[sflag:s14] =	ssyncadd.s32 $0xFFFFE200  }
0x2c: {  	_ =	swait.ge [sflag:s5], $0x1E00  }
0x2d: {  	[sflag:s5] =	ssyncset.done $0x0  }
0x2e: {  	[sflag:s5] =	ssyncadd.s32 $0xFFFFE200  }
0x2f: {  	_ =	swait.ge [sflag:s1], $0x1E00  }
0x30: {  	[sflag:s1] =	ssyncset.done $0x0  }
0x31: {  	[sflag:s1] =	ssyncadd.s32 $0xFFFFE200  }
0x32: {  	_ =	swait.ge [sflag:s30], $0x1E00  }
0x33: {  	[sflag:s30] =	ssyncset.done $0x0  }
0x34: {  	[sflag:s30] =	ssyncadd.s32 $0xFFFFE200  }
0x35: {  	_ =	swait.ge [sflag:s16], $0x1E00  }
0x36: {  	s19 =	rddreg [dreg:$0x1a]  }
0x37: {  	s11 =	rddreg [dreg:$0x11];
	s0 =	sadd.s32 $0x1, s19  }
0x38: {  	p0 =	sne.s32 s0, s11  }
.Ltmp1:
0x39: {  	_ = 	snop;
	(pc) =	sbr.rel @!p0 .LBB2_5-.Ltmp1, $3  }
0x3a: {  	_ =	sdelay $0x1  }
0x3b: {  	s31 =	simm.s32 $0x6C20;
	s12 =	simm.s32 $0x8A20;
	[sflag:s16] =	ssyncset.done $0x0  }
0x3c: {  	s29 =	simm.s32 $0xA820;
	[sflag:s16] =	ssyncadd.s32 $0xFFFFE200;
	s19 =	simm.s32 $0x4E20  }
.LBB2_1:
0x3d: {  	[dreg:$0x1a] =	wrdreg s0  }
0x3e: {  	s11 =	rddreg [dreg:$0x4];
	s17 =	simm.s32 $0x19  }
0x3f: {  	[tilespmem:s2], [sflag:$0x19] =	stream.linear.gather [hbm4b:s11+s2], $0x2580, $0x38;
	[tilespmem:$0x13E20] =	vst v63  }
0x40: {  	_ =	swait.ge [sflag:s17], $0x2580  }
0x41: {  	[sflag:s17] =	ssyncset.done $0x0  }
0x42: {  	s18 =	simm.s32 $0x2580;
	s13 =	rddreg [dreg:$0x5];
	[sflag:s17] =	ssyncadd.s32 $0xFFFFDA80  }
0x43: {  	[tilespmem:s18], [sflag:$0x19] =	stream.linear.gather [hbm4b:s13+s2], $0x2580, $0x38;
	[tilespmem:$0x13E20] =	vst v63  }
0x44: {  	_ =	swait.ge [sflag:s17], $0x2580  }
0x45: {  	[sflag:s17] =	ssyncset.done $0x0  }
0x46: {  	s0 =	simm.s32 $0x4B00;
	s18 =	rddreg [dreg:$0x6];
	[sflag:s17] =	ssyncadd.s32 $0xFFFFDA80  }
0x47: {  	[tilespmem:s0], [sflag:$0x19] =	stream.linear.gather [hbm4b:s18+s2], $0x320, $0x38;
	[tilespmem:$0x13E20] =	vst v63  }
0x48: {  	_ =	swait.ge [sflag:s17], $0x320  }
0x49: {  	[sflag:s17] =	ssyncset.done $0x0  }
0x4a: {  	[sflag:s17] =	ssyncadd.s32 $0xFFFFFCE0;
	s17 =	simm.s32 $0x50  }
0x4b: {  	[tilespmem:s19], [sflag:$0x1] =	stream.indirect.gather [hbm4b:s3+s17], $0x40, s0, s17, $0xb8;
	[tilespmem:$0x13E20] =	vst v63  }
0x4c: {  	s7 =	simm.s32 $0x4B50  }
0x4d: {  	[tilespmem:s31], [sflag:$0x2] =	stream.indirect.gather [hbm4b:s3+s17], $0x40, s7, s17, $0xb8;
	[tilespmem:$0x13E20] =	vst v63  }
0x4e: {  	s13 =	simm.s32 $0x4BA0  }
0x4f: {  	[tilespmem:s12], [sflag:$0x3] =	stream.indirect.gather [hbm4b:s3+s17], $0x40, s13, s17, $0xb8;
	[tilespmem:$0x13E20] =	vst v63  }
0x50: {  	s18 =	simm.s32 $0x4BF0;
	s7 =	simm.s32 $0x1  }
0x51: {  	[tilespmem:s29], [sflag:$0x4] =	stream.indirect.gather [hbm4b:s3+s17], $0x40, s18, s17, $0xb8;
	[tilespmem:$0x13E20] =	vst v63  }
0x52: {  	_ =	swait.ge [sflag:s7], $0x1400  }
0x53: {  	[sflag:s7] =	ssyncset.done $0x0  }
0x54: {  	s0 =	rddreg [dreg:$0x7];
	[sflag:s7] =	ssyncadd.s32 $0xFFFFEC00  }
0x55: {  	[hbm4b:s0+s2] =	stream.linear.scatter [tilespmem:s19], [sflag:$0x11], $0x1400, $0x38;
	[tilespmem:$0x13E20] =	vst v63  }
0x56: {  	_ =	swait.ge [sflag:s8], $0x1400  }
0x57: {  	[sflag:s8] =	ssyncset.done $0x0  }
0x58: {  	s13 =	simm.s32 $0x4C40;
	[sflag:s8] =	ssyncadd.s32 $0xFFFFEC00  }
0x59: {  	[tilespmem:s19], [sflag:$0x1] =	stream.indirect.gather [hbm4b:s3+s17], $0x40, s13, s17, $0xb8;
	[tilespmem:$0x13E20] =	vst v63  }
0x5a: {  	_ =	swait.ge [sflag:s9], $0x1400  }
0x5b: {  	[sflag:s9] =	ssyncset.done $0x0  }
0x5c: {  	s0 =	rddreg [dreg:$0x8];
	[sflag:s9] =	ssyncadd.s32 $0xFFFFEC00  }
0x5d: {  	[hbm4b:s0+s2] =	stream.linear.scatter [tilespmem:s31], [sflag:$0x12], $0x1400, $0x38;
	[tilespmem:$0x13E20] =	vst v63  }
0x5e: {  	_ =	swait.ge [sflag:s10], $0x1400  }
0x5f: {  	[sflag:s10] =	ssyncset.done $0x0  }
0x60: {  	s11 =	simm.s32 $0x4C90;
	s0 =	simm.s32 $0x3;
	[sflag:s10] =	ssyncadd.s32 $0xFFFFEC00  }
0x61: {  	[tilespmem:s31], [sflag:$0x2] =	stream.indirect.gather [hbm4b:s3+s17], $0x40, s11, s17, $0xb8;
	[tilespmem:$0x13E20] =	vst v63  }
0x62: {  	_ =	swait.ge [sflag:s0], $0x1400  }
0x63: {  	[sflag:s0] =	ssyncset.done $0x0  }
0x64: {  	s18 =	simm.s32 $0x13;
	s13 =	rddreg [dreg:$0x9];
	[sflag:s0] =	ssyncadd.s32 $0xFFFFEC00  }
0x65: {  	[hbm4b:s13+s2] =	stream.linear.scatter [tilespmem:s12], [sflag:$0x13], $0x1400, $0x38;
	[tilespmem:$0x13E20] =	vst v63  }
0x66: {  	_ =	swait.ge [sflag:s18], $0x1400  }
0x67: {  	[sflag:s18] =	ssyncset.done $0x0  }
0x68: {  	s13 =	simm.s32 $0x4CE0;
	[sflag:s18] =	ssyncadd.s32 $0xFFFFEC00  }
0x69: {  	[tilespmem:s12], [sflag:$0x3] =	stream.indirect.gather [hbm4b:s3+s17], $0x40, s13, s17, $0xb8;
	[tilespmem:$0x13E20] =	vst v63  }
0x6a: {  	s13 =	simm.s32 $0x4  }
0x6b: {  	_ =	swait.ge [sflag:s13], $0x1400  }
0x6c: {  	[sflag:s13] =	ssyncset.done $0x0  }
0x6d: {  	s11 =	rddreg [dreg:$0xa];
	[sflag:s13] =	ssyncadd.s32 $0xFFFFEC00  }
0x6e: {  	[hbm4b:s11+s2] =	stream.linear.scatter [tilespmem:s29], [sflag:$0x14], $0x1400, $0x38;
	[tilespmem:$0x13E20] =	vst v63  }
0x6f: {  	_ =	swait.ge [sflag:s14], $0x1400  }
0x70: {  	[sflag:s14] =	ssyncset.done $0x0  }
0x71: {  	s11 =	simm.s32 $0x4D30;
	[sflag:s14] =	ssyncadd.s32 $0xFFFFEC00  }
0x72: {  	[tilespmem:s29], [sflag:$0x4] =	stream.indirect.gather [hbm4b:s3+s17], $0x40, s11, s17, $0xb8;
	[tilespmem:$0x13E20] =	vst v63  }
0x73: {  	_ =	swait.ge [sflag:s7], $0x1400  }
0x74: {  	[sflag:s7] =	ssyncset.done $0x0  }
0x75: {  	s11 =	rddreg [dreg:$0xb];
	[sflag:s7] =	ssyncadd.s32 $0xFFFFEC00  }
0x76: {  	[hbm4b:s11+s2] =	stream.linear.scatter [tilespmem:s19], [sflag:$0x11], $0x1400, $0x38;
	[tilespmem:$0x13E20] =	vst v63  }
0x77: {  	_ =	swait.ge [sflag:s8], $0x1400  }
0x78: {  	[sflag:s8] =	ssyncset.done $0x0  }
0x79: {  	s11 =	simm.s32 $0x4D80;
	[sflag:s8] =	ssyncadd.s32 $0xFFFFEC00  }
0x7a: {  	[tilespmem:s19], [sflag:$0x1] =	stream.indirect.gather [hbm4b:s3+s17], $0x40, s11, s17, $0xb8;
	[tilespmem:$0x13E20] =	vst v63  }
0x7b: {  	_ =	swait.ge [sflag:s9], $0x1400  }
0x7c: {  	[sflag:s9] =	ssyncset.done $0x0  }
0x7d: {  	s11 =	rddreg [dreg:$0xc];
	[sflag:s9] =	ssyncadd.s32 $0xFFFFEC00  }
0x7e: {  	[hbm4b:s11+s2] =	stream.linear.scatter [tilespmem:s31], [sflag:$0x12], $0x1400, $0x38;
	[tilespmem:$0x13E20] =	vst v63  }
0x7f: {  	_ =	swait.ge [sflag:s10], $0x1400  }
0x80: {  	[sflag:s10] =	ssyncset.done $0x0  }
0x81: {  	s11 =	simm.s32 $0x4DD0;
	[sflag:s10] =	ssyncadd.s32 $0xFFFFEC00  }
0x82: {  	[tilespmem:s31], [sflag:$0x2] =	stream.indirect.gather [hbm4b:s3+s17], $0x40, s11, s17, $0xb8;
	[tilespmem:$0x13E20] =	vst v63  }
0x83: {  	_ =	swait.ge [sflag:s0], $0x1400  }
0x84: {  	[sflag:s0] =	ssyncset.done $0x0  }
0x85: {  	[sflag:s0] =	ssyncadd.s32 $0xFFFFEC00;
	s0 =	rddreg [dreg:$0xd]  }
0x86: {  	[hbm4b:s0+s2] =	stream.linear.scatter [tilespmem:s12], [sflag:$0x13], $0x1400, $0x38;
	[tilespmem:$0x13E20] =	vst v63  }
0x87: {  	_ =	swait.ge [sflag:s13], $0x1400  }
0x88: {  	[sflag:s13] =	ssyncset.done $0x0  }
0x89: {  	s17 =	rddreg [dreg:$0xe];
	[sflag:s13] =	ssyncadd.s32 $0xFFFFEC00  }
0x8a: {  	[hbm4b:s17+s2] =	stream.linear.scatter [tilespmem:s29], [sflag:$0x14], $0x1400, $0x38;
	[tilespmem:$0x13E20] =	vst v63  }
0x8b: {  	_ =	swait.ge [sflag:s7], $0x1400  }
0x8c: {  	[sflag:s7] =	ssyncset.done $0x0  }
0x8d: {  	s0 =	rddreg [dreg:$0xf];
	[sflag:s7] =	ssyncadd.s32 $0xFFFFEC00  }
0x8e: {  	[hbm4b:s0+s2] =	stream.linear.scatter [tilespmem:s19], [sflag:$0x11], $0x1400, $0x38;
	[tilespmem:$0x13E20] =	vst v63  }
0x8f: {  	_ =	swait.ge [sflag:s9], $0x1400  }
0x90: {  	[sflag:s9] =	ssyncset.done $0x0  }
0x91: {  	s7 =	rddreg [dreg:$0x10];
	[sflag:s9] =	ssyncadd.s32 $0xFFFFEC00  }
0x92: {  	[hbm4b:s7+s2] =	stream.linear.scatter [tilespmem:s31], [sflag:$0x12], $0x1400, $0x38;
	[tilespmem:$0x13E20] =	vst v63  }
0x93: {  	_ =	swait.ge [sflag:s18], $0x1400  }
0x94: {  	[sflag:s18] =	ssyncset.done $0x0  }
0x95: {  	[sflag:s18] =	ssyncadd.s32 $0xFFFFEC00  }
0x96: {  	_ =	swait.ge [sflag:s14], $0x1400  }
0x97: {  	[sflag:s14] =	ssyncset.done $0x0  }
0x98: {  	[sflag:s14] =	ssyncadd.s32 $0xFFFFEC00  }
0x99: {  	_ =	swait.ge [sflag:s8], $0x1400  }
0x9a: {  	[sflag:s8] =	ssyncset.done $0x0  }
0x9b: {  	[sflag:s8] =	ssyncadd.s32 $0xFFFFEC00  }
0x9c: {  	_ =	swait.ge [sflag:s10], $0x1400  }
0x9d: {  	[sflag:s10] =	ssyncset.done $0x0  }
0x9e: {  	[sflag:s10] =	ssyncadd.s32 $0xFFFFEC00  }
0x9f: {  	[tilespmem:s19], [sflag:$0x1] =	stream.indirect.gather [hbm4b:s3+s15], $0x40, s2, s15, $0xb8;
	[tilespmem:$0x13E20] =	vst v63  }
0xa0: {  	_ = 	snop  }
0xa1: {  	[tilespmem:s31], [sflag:$0x2] =	stream.indirect.gather [hbm4b:s3+s15], $0x40, s15, s15, $0xb8;
	[tilespmem:$0x13E20] =	vst v63  }
0xa2: {  	s11 =	simm.s32 $0xF0  }
0xa3: {  	[tilespmem:s12], [sflag:$0x3] =	stream.indirect.gather [hbm4b:s3+s15], $0x40, s11, s15, $0xb8;
	[tilespmem:$0x13E20] =	vst v63  }
0xa4: {  	s13 =	simm.s32 $0x168;
	s17 =	simm.s32 $0x258  }
0xa5: {  	[tilespmem:s29], [sflag:$0x4] =	stream.indirect.gather [hbm4b:s3+s15], $0x40, s13, s15, $0xb8;
	[tilespmem:$0x13E20] =	vst v63  }
0xa6: {  	s0 =	simm.s32 $0xA820;
	s14 =	simm.s32 $0x1E0;
	s13 =	simm.s32 $0xC620  }
0xa7: {  	[tilespmem:s13], [sflag:$0x5] =	stream.indirect.gather [hbm4b:s3+s15], $0x40, s14, s15, $0xb8;
	[tilespmem:$0x13E20] =	vst v63  }
0xa8: {  	s7 =	simm.s32 $0xE420;
	s18 =	simm.s32 $0x2D0;
	s19 =	simm.s32 $0x348  }
0xa9: {  	[tilespmem:s7], [sflag:$0x6] =	stream.indirect.gather [hbm4b:s3+s15], $0x40, s17, s15, $0xb8;
	[tilespmem:$0x13E20] =	vst v63  }
0xaa: {  	s31 =	simm.s32 $0x4E20;
	s12 =	simm.s32 $0x6C20;
	s29 =	simm.s32 $0x8A20  }
0xab: {  	[tilespmem:s20], [sflag:$0x7] =	stream.indirect.gather [hbm4b:s3+s15], $0x40, s18, s15, $0xb8;
	[tilespmem:$0x13E20] =	vst v63  }
0xac: {  	s14 =	simm.s32 $0x12020;
	s17 =	rddreg [dreg:$0x3];
	s18 =	simm.s32 $0x0  }
0xad: {  	[tilespmem:s14], [sflag:$0x8] =	stream.indirect.gather [hbm4b:s3+s15], $0x40, s19, s15, $0xb8;
	[tilespmem:$0x13E20] =	vst v63  }
.LBB2_2:
0xae: {  	s11 =	simm.s32 $0x1  }
0xaf: {  	_ =	swait.ge [sflag:s11], $0x1E00  }
0xb0: {  	s19 =	sshra.s32 s18, $0x2;
	[sflag:s11] =	ssyncset.done $0x0  }
0xb1: {  	[sflag:s11] =	ssyncadd.s32 $0xFFFFE200;
	s11 =	sadd.s32 $0x2580, s19  }
0xb2: {  	[tilespmem:s31], [sflag:$0x9] =	stream.indirect.gather.add.f32 [hbm:s4], $0x40, s11, s15, $0xb8;
	[tilespmem:$0x13E20] =	vst v63  }
0xb3: {  	_ =	swait.ge [sflag:s9], $0x1E00  }
0xb4: {  	[sflag:s9] =	ssyncset.done $0x0  }
0xb5: {  	s11 =	sadd.s32 $0x25F8, s19;
	[sflag:s9] =	ssyncadd.s32 $0xFFFFE200  }
0xb6: {  	[tilespmem:s12], [sflag:$0xA] =	stream.indirect.gather.add.f32 [hbm:s4], $0x40, s11, s15, $0xb8;
	[tilespmem:$0x13E20] =	vst v63  }
0xb7: {  	s11 =	simm.s32 $0x3  }
0xb8: {  	_ =	swait.ge [sflag:s11], $0x1E00  }
0xb9: {  	[sflag:s11] =	ssyncset.done $0x0  }
0xba: {  	[sflag:s11] =	ssyncadd.s32 $0xFFFFE200;
	s11 =	sadd.s32 $0x2670, s19  }
0xbb: {  	[tilespmem:s29], [sflag:$0xB] =	stream.indirect.gather.add.f32 [hbm:s4], $0x40, s11, s15, $0xb8;
	[tilespmem:$0x13E20] =	vst v63  }
0xbc: {  	s11 =	simm.s32 $0x4  }
0xbd: {  	_ =	swait.ge [sflag:s11], $0x1E00  }
0xbe: {  	[sflag:s11] =	ssyncset.done $0x0  }
0xbf: {  	[sflag:s11] =	ssyncadd.s32 $0xFFFFE200;
	s11 =	sadd.s32 $0x26E8, s19  }
0xc0: {  	[tilespmem:s0], [sflag:$0xC] =	stream.indirect.gather.add.f32 [hbm:s4], $0x40, s11, s15, $0xb8;
	[tilespmem:$0x13E20] =	vst v63  }
0xc1: {  	s11 =	simm.s32 $0x5  }
0xc2: {  	_ =	swait.ge [sflag:s11], $0x1E00  }
0xc3: {  	[sflag:s11] =	ssyncset.done $0x0  }
0xc4: {  	[sflag:s11] =	ssyncadd.s32 $0xFFFFE200;
	s11 =	sadd.s32 $0x2760, s19  }
0xc5: {  	[tilespmem:s13], [sflag:$0xD] =	stream.indirect.gather.add.f32 [hbm:s4], $0x40, s11, s15, $0xb8;
	[tilespmem:$0x13E20] =	vst v63  }
0xc6: {  	s11 =	simm.s32 $0x6  }
0xc7: {  	_ =	swait.ge [sflag:s11], $0x1E00  }
0xc8: {  	[sflag:s11] =	ssyncset.done $0x0  }
0xc9: {  	[sflag:s11] =	ssyncadd.s32 $0xFFFFE200;
	s11 =	sadd.s32 $0x27D8, s19  }
0xca: {  	[tilespmem:s7], [sflag:$0xE] =	stream.indirect.gather.add.f32 [hbm:s4], $0x40, s11, s15, $0xb8;
	[tilespmem:$0x13E20] =	vst v63  }
0xcb: {  	s11 =	simm.s32 $0x7  }
0xcc: {  	_ =	swait.ge [sflag:s11], $0x1E00  }
0xcd: {  	[sflag:s11] =	ssyncset.done $0x0  }
0xce: {  	[sflag:s11] =	ssyncadd.s32 $0xFFFFE200;
	s11 =	sadd.s32 $0x2850, s19  }
0xcf: {  	[tilespmem:s20], [sflag:$0xF] =	stream.indirect.gather.add.f32 [hbm:s4], $0x40, s11, s15, $0xb8;
	[tilespmem:$0x13E20] =	vst v63  }
0xd0: {  	s11 =	simm.s32 $0x8  }
0xd1: {  	_ =	swait.ge [sflag:s11], $0x1E00  }
0xd2: {  	[sflag:s11] =	ssyncset.done $0x0  }
0xd3: {  	[sflag:s11] =	ssyncadd.s32 $0xFFFFE200;
	s11 =	sadd.s32 $0x28C8, s19  }
0xd4: {  	[tilespmem:s14], [sflag:$0x10] =	stream.indirect.gather.add.f32 [hbm:s4], $0x40, s11, s15, $0xb8;
	[tilespmem:$0x13E20] =	vst v63  }
0xd5: {  	_ =	swait.ge [sflag:s21], $0x1E00  }
0xd6: {  	[sflag:s21] =	ssyncset.done $0x0;
	s11 =	rddreg [dreg:$0x12]  }
0xd7: {  	[sflag:s21] =	ssyncadd.s32 $0xFFFFE200;
	s11 =	sadd.s32 s17, s11  }
0xd8: {  	[hbm4b:s11+s2] =	stream.linear.scatter [tilespmem:s31], [sflag:$0x11], $0x1E00, $0x38;
	[tilespmem:$0x13E20] =	vst v63  }
0xd9: {  	_ =	swait.ge [sflag:s22], $0x1E00  }
0xda: {  	[sflag:s22] =	ssyncset.done $0x0;
	s11 =	rddreg [dreg:$0x19]  }
0xdb: {  	[sflag:s22] =	ssyncadd.s32 $0xFFFFE200;
	s11 =	sadd.s32 s17, s11  }
0xdc: {  	[hbm4b:s11+s2] =	stream.linear.scatter [tilespmem:s12], [sflag:$0x12], $0x1E00, $0x38;
	[tilespmem:$0x13E20] =	vst v63  }
0xdd: {  	_ =	swait.ge [sflag:s23], $0x1E00  }
0xde: {  	[sflag:s23] =	ssyncset.done $0x0;
	s11 =	rddreg [dreg:$0x18]  }
0xdf: {  	[sflag:s23] =	ssyncadd.s32 $0xFFFFE200;
	s11 =	sadd.s32 s17, s11  }
0xe0: {  	[hbm4b:s11+s2] =	stream.linear.scatter [tilespmem:s29], [sflag:$0x13], $0x1E00, $0x38;
	[tilespmem:$0x13E20] =	vst v63  }
0xe1: {  	_ =	swait.ge [sflag:s24], $0x1E00  }
0xe2: {  	[sflag:s24] =	ssyncset.done $0x0;
	s11 =	rddreg [dreg:$0x17]  }
0xe3: {  	[sflag:s24] =	ssyncadd.s32 $0xFFFFE200;
	s11 =	sadd.s32 s17, s11  }
0xe4: {  	[hbm4b:s11+s2] =	stream.linear.scatter [tilespmem:s0], [sflag:$0x14], $0x1E00, $0x38;
	[tilespmem:$0x13E20] =	vst v63  }
0xe5: {  	_ =	swait.ge [sflag:s25], $0x1E00  }
0xe6: {  	[sflag:s25] =	ssyncset.done $0x0;
	s11 =	rddreg [dreg:$0x16]  }
0xe7: {  	[sflag:s25] =	ssyncadd.s32 $0xFFFFE200;
	s11 =	sadd.s32 s17, s11  }
0xe8: {  	[hbm4b:s11+s2] =	stream.linear.scatter [tilespmem:s13], [sflag:$0x15], $0x1E00, $0x38;
	[tilespmem:$0x13E20] =	vst v63  }
0xe9: {  	_ =	swait.ge [sflag:s26], $0x1E00  }
0xea: {  	[sflag:s26] =	ssyncset.done $0x0;
	s11 =	rddreg [dreg:$0x15]  }
0xeb: {  	[sflag:s26] =	ssyncadd.s32 $0xFFFFE200;
	s11 =	sadd.s32 s17, s11  }
0xec: {  	[hbm4b:s11+s2] =	stream.linear.scatter [tilespmem:s7], [sflag:$0x16], $0x1E00, $0x38;
	[tilespmem:$0x13E20] =	vst v63  }
0xed: {  	_ =	swait.ge [sflag:s28], $0x1E00  }
0xee: {  	[sflag:s28] =	ssyncset.done $0x0;
	s11 =	rddreg [dreg:$0x14]  }
0xef: {  	[sflag:s28] =	ssyncadd.s32 $0xFFFFE200;
	s11 =	sadd.s32 s17, s11  }
0xf0: {  	[hbm4b:s11+s2] =	stream.linear.scatter [tilespmem:s20], [sflag:$0x17], $0x1E00, $0x38;
	[tilespmem:$0x13E20] =	vst v63  }
0xf1: {  	_ =	swait.ge [sflag:s6], $0x1E00  }
0xf2: {  	p0 =	seq.s32 s18, $0x8700;
	[sflag:s6] =	ssyncset.done $0x0;
	s11 =	rddreg [dreg:$0x13]  }
.Ltmp2:
0xf3: {  	[sflag:s6] =	ssyncadd.s32 $0xFFFFE200;
	s11 =	sadd.s32 s17, s11;
	(pc) =	sbr.rel @p0 .LBB2_4-.Ltmp2, $4  }
0xf4: {  	[hbm4b:s11+s2] =	stream.linear.scatter [tilespmem:s14], [sflag:$0x18], $0x1E00, $0x38;
	[tilespmem:$0x13E20] =	vst v63  }
0xf5: {  	_ =	swait.ge [sflag:s8], $0x1E00  }
0xf6: {  	[sflag:s8] =	ssyncset.done $0x0  }
0xf7: {  	[sflag:s8] =	ssyncadd.s32 $0xFFFFE200  }
0xf8: {  	s11 =	sadd.s32 $0x3C0, s19  }
0xf9: {  	[tilespmem:s31], [sflag:$0x1] =	stream.indirect.gather [hbm4b:s3+s15], $0x40, s11, s15, $0xb8;
	[tilespmem:$0x13E20] =	vst v63  }
0xfa: {  	_ =	swait.ge [sflag:s10], $0x1E00  }
0xfb: {  	[sflag:s10] =	ssyncset.done $0x0  }
0xfc: {  	s11 =	sadd.s32 $0x438, s19;
	[sflag:s10] =	ssyncadd.s32 $0xFFFFE200  }
0xfd: {  	[tilespmem:s12], [sflag:$0x2] =	stream.indirect.gather [hbm4b:s3+s15], $0x40, s11, s15, $0xb8;
	[tilespmem:$0x13E20] =	vst v63  }
0xfe: {  	s11 =	simm.s32 $0x13  }
0xff: {  	_ =	swait.ge [sflag:s11], $0x1E00  }
0x100: {  	[sflag:s11] =	ssyncset.done $0x0  }
0x101: {  	[sflag:s11] =	ssyncadd.s32 $0xFFFFE200;
	s11 =	sadd.s32 $0x4B0, s19  }
0x102: {  	[tilespmem:s29], [sflag:$0x3] =	stream.indirect.gather [hbm4b:s3+s15], $0x40, s11, s15, $0xb8;
	[tilespmem:$0x13E20] =	vst v63  }
0x103: {  	s11 =	simm.s32 $0x14  }
0x104: {  	_ =	swait.ge [sflag:s11], $0x1E00  }
0x105: {  	[sflag:s11] =	ssyncset.done $0x0  }
0x106: {  	[sflag:s11] =	ssyncadd.s32 $0xFFFFE200;
	s11 =	sadd.s32 $0x528, s19  }
0x107: {  	[tilespmem:s0], [sflag:$0x4] =	stream.indirect.gather [hbm4b:s3+s15], $0x40, s11, s15, $0xb8;
	[tilespmem:$0x13E20] =	vst v63  }
0x108: {  	_ =	swait.ge [sflag:s5], $0x1E00  }
0x109: {  	[sflag:s5] =	ssyncset.done $0x0  }
0x10a: {  	s11 =	sadd.s32 $0x5A0, s19;
	[sflag:s5] =	ssyncadd.s32 $0xFFFFE200  }
0x10b: {  	[tilespmem:s13], [sflag:$0x5] =	stream.indirect.gather [hbm4b:s3+s15], $0x40, s11, s15, $0xb8;
	[tilespmem:$0x13E20] =	vst v63  }
0x10c: {  	_ =	swait.ge [sflag:s1], $0x1E00  }
0x10d: {  	[sflag:s1] =	ssyncset.done $0x0  }
0x10e: {  	s11 =	sadd.s32 $0x618, s19;
	[sflag:s1] =	ssyncadd.s32 $0xFFFFE200  }
0x10f: {  	[tilespmem:s7], [sflag:$0x6] =	stream.indirect.gather [hbm4b:s3+s15], $0x40, s11, s15, $0xb8;
	[tilespmem:$0x13E20] =	vst v63  }
0x110: {  	_ =	swait.ge [sflag:s30], $0x1E00  }
0x111: {  	[sflag:s30] =	ssyncset.done $0x0  }
0x112: {  	s11 =	sadd.s32 $0x690, s19;
	[sflag:s30] =	ssyncadd.s32 $0xFFFFE200  }
0x113: {  	[tilespmem:s20], [sflag:$0x7] =	stream.indirect.gather [hbm4b:s3+s15], $0x40, s11, s15, $0xb8;
	[tilespmem:$0x13E20] =	vst v63  }
.Ltmp3:
0x114: {  	_ = 	snop;
	(pc) =	sbr.rel .LBB2_2-.Ltmp3, $4  }
0x115: {  	_ =	swait.ge [sflag:s16], $0x1E00  }
0x116: {  	s18 =	sadd.s32 $0xF00, s18;
	[sflag:s16] =	ssyncset.done $0x0  }
0x117: {  	s17 =	sadd.s32 $0x1E00, s17;
	s19 =	sadd.s32 $0x708, s19;
	[sflag:s16] =	ssyncadd.s32 $0xFFFFE200  }
0x118: {  	[tilespmem:s14], [sflag:$0x8] =	stream.indirect.gather [hbm4b:s3+s15], $0x40, s19, s15, $0xb8;
	[tilespmem:$0x13E20] =	vst v63  }
.LBB2_5:
0x119: {  	_ =	sfence.sel $0x180000  }
0x11a: {  	[bflag:$0x0] =	sbarrier.arrive $0xFFFF  }
0x11b: {  	_ =	strace $0x90000047  }
0x11c: {  	s0 =	stileid.u32;
	[bflag:$0x2] =	sbarrier.arrive $0xFFFF  }
0x11d: {  	p0 =	sne.s32 s0, $0x0;
	s0 =	rddreg [dreg:$0x2]  }
0x11e: {  	s0 =	sadd.s32 @!p0 $0x100000, s0  }
0x11f: {  	[sflag:s0] =	ssyncadd.tile.s32 @!p0 $0x1;
	_ =	shalt  }
.Lfunc_end2:
_tile_overlayer_lowered:
.L_overlay_start_2:
0x120: {  	(tag) =	ssettag $0x2  }
0x121: {  	s0 =	rddreg [dreg:$0x0];
	s2 =	stileid.u32  }
0x122: {  	s1 =	rddreg [dreg:$0x1];
	p0 =	sne.s32 s2, $0x0  }
0x123: {  	s3 =	rddreg [dreg:$0x2];
	[bflag:$0x3] =	sbarrier.arrive $0xFFFF;
	s2 =	simm.s32 @!p0 $0x1C19  }
0x124: {  	[timem:s3], [sflag:s2] =	dma.local @!p0 [hbm:s0], s1  }
0x125: {  	s0 =	simm.s32 @!p0 $0x19  }
0x126: {  	_ =	swait.ge @!p0 [sflag:s0], s1  }
0x127: {  	s1 =	ssub.s32 @!p0 $0x0, s1;
	[sflag:s0] =	ssyncset.done @!p0 $0x0  }
0x128: {  	[sflag:s0] =	ssyncadd.s32 @!p0 s1  }
0x129: {  	[bflag:$0x3] =	sbarrier.arrive $0xFFFF  }
0x12a: {  	_ =	shalt  }

</sc_bundles>
